<compile_context>
chip_gen: v7x
topology: tpu7x:2x2x1
jax: 0.10.2.dev20260603
libtpu: 0.0.44.dev20260713+nightly
codegen_flags: <defaults>
</compile_context>

<pallas_src>
import functools
import math

import jax
import jax.numpy as jnp
from jax import lax
from jax.experimental import pallas as pl
from jax.experimental.pallas import tpu as pltpu
from jax.experimental.pallas import tpu_sc as plsc

QN = 20
MC = 8
NLAYER = 4
H = 4
NA = 1000
AED = 32
F = AED + MC + 384
P = MC
DFF = 4 * F
DH = F // H

FP = 512
DHP = 128
DFFP = 1792
HLF = F // 2
HLFP = 256

BB = 2



def _sc_gather(a_emb, aidx):
    n = aidx.shape[0]
    d = a_emb.shape[1]
    info = plsc.get_sparse_core_info()
    nc, ns = info.num_cores, info.num_subcores
    nw = nc * ns
    per_w = n // nw
    mesh = plsc.VectorSubcoreMesh(core_axis_name="c", subcore_axis_name="s")

    @functools.partial(
        pl.kernel,
        mesh=mesh,
        out_type=jax.ShapeDtypeStruct((n, d), jnp.float32),
        scratch_types=[
            pltpu.VMEM((per_w,), jnp.int32),
            pltpu.VMEM((per_w, d), jnp.float32),
            pltpu.SemaphoreType.DMA,
        ],
    )
    def gather_k(at_hbm, ai_hbm, ao_hbm, ai_v, ar_v, sem_a):
        wid = lax.axis_index("s") * nc + lax.axis_index("c")
        base = wid * per_w
        pltpu.sync_copy(ai_hbm.at[pl.ds(base, per_w)], ai_v)
        pltpu.async_copy(at_hbm.at[ai_v], ar_v, sem_a).wait()
        pltpu.sync_copy(ar_v, ao_hbm.at[pl.ds(base, per_w)])

    return gather_k(a_emb, aidx)



RAW_KEYS = ("Qw", "Qb", "Kw", "Kb", "Vw", "Vb", "Ow", "Ob",
            "ff1w", "ff1b", "ff2w", "ff2b",
            "n1a", "n1b", "n2a", "n2b",
            "puw", "pub",
            "s1w", "s1b", "s2w", "s2b",
            "c1w", "c1b", "c2w", "c2b")


def _bf(x):
    return x.astype(jnp.bfloat16)


def _pad_rc(w, rows, cols):
    r, c = w.shape
    if cols > c:
        w = jnp.concatenate([w, jnp.zeros((r, cols - c), w.dtype)], axis=1)
    if rows > r:
        w = jnp.concatenate([w, jnp.zeros((rows - r, cols), w.dtype)], axis=0)
    return w


def _perm_cols(w):
    z = jnp.zeros((w.shape[0], DHP - DH), w.dtype)
    parts = []
    for h in range(H):
        parts.append(w[:, h * DH:(h + 1) * DH])
        parts.append(z)
    return jnp.concatenate(parts, axis=1)


def _perm_rows(w):
    z = jnp.zeros((DHP - DH, w.shape[1]), w.dtype)
    parts = []
    for h in range(H):
        parts.append(w[h * DH:(h + 1) * DH, :])
        parts.append(z)
    return jnp.concatenate(parts, axis=0)


def _ln(y, a, b):
    m = jnp.sum(y, axis=-1, keepdims=True) * (1.0 / F)
    ssq = jnp.sum(y * y, axis=-1, keepdims=True)
    var = (ssq - F * m * m) * (1.0 / (F - 1))
    return a * ((y - m) / (jnp.sqrt(var) + 1e-6)) + b


def _prep_scratch(raws, scratch):
    (rQw, rQb, rKw, rKb, rVw, rVb, rOw, rOb,
     rf1w, rf1b, rf2w, rf2b,
     rn1a, rn1b, rn2a, rn2b,
     rpuw, rpub,
     rs1w, rs1b, rs2w, rs2b,
     rc1w, rc1b, rc2w, rc2b) = raws
    (qkvw_s, qkvb_s, ow_s, ob_s,
     f1w_s, f1b_s, f2w_s, f2b_s,
     n1a_s, n1b_s, n2a_s, n2b_s,
     pf_s, pp_s,
     scw_s, scb_s, sc2_s) = scratch

    scale = 1.0 / math.sqrt(DH)
    if True:
        qkvw_s[...] = _bf(jnp.concatenate(
            [_pad_rc(_perm_cols(rQw[...]), FP, FP) * scale,
             _pad_rc(_perm_cols(rKw[...]), FP, FP),
             _pad_rc(_perm_cols(rVw[...]), FP, FP)], axis=1))
        qkvb_s[...] = jnp.concatenate(
            [_perm_cols(rQb[...].reshape(1, F)) * scale,
             _perm_cols(rKb[...].reshape(1, F)),
             _perm_cols(rVb[...].reshape(1, F))], axis=1)
        ow_s[...] = _bf(_pad_rc(_perm_rows(rOw[...]), FP, FP))
        ob_s[...] = _pad_rc(rOb[...].reshape(1, F), 1, FP)
        f1w_s[...] = _bf(_pad_rc(rf1w[...], FP, DFFP))
        f1b_s[...] = _pad_rc(rf1b[...].reshape(1, DFF), 1, DFFP)
        f2w_s[...] = _bf(_pad_rc(rf2w[...], DFFP, FP))
        f2b_s[...] = _pad_rc(rf2b[...].reshape(1, F), 1, FP)
        n1a_s[...] = _pad_rc(rn1a[...].reshape(1, F), 1, FP)
        n1b_s[...] = _pad_rc(rn1b[...].reshape(1, F), 1, FP)
        n2a_s[...] = _pad_rc(rn2a[...].reshape(1, F), 1, FP)
        n2b_s[...] = _pad_rc(rn2b[...].reshape(1, F), 1, FP)
        pf_s[...] = _bf(_pad_rc(rpuw[...][:F, :], FP, P))
        pp_s[...] = _bf(rpuw[...][F:, :])
        scw_s[...] = _bf(jnp.concatenate(
            [_pad_rc(rs1w[...], FP, HLFP),
             _pad_rc(rc1w[...], FP, HLFP)], axis=1))
        scb_s[...] = jnp.concatenate(
            [_pad_rc(rs1b[...].reshape(1, HLF), 1, HLFP),
             _pad_rc(rc1b[...].reshape(1, HLF), 1, HLFP)], axis=1)
        sc2_s[...] = jnp.concatenate(
            [_pad_rc(rs2w[...].reshape(1, HLF), 1, HLFP),
             _pad_rc(rc2w[...].reshape(1, HLF), 1, HLFP)], axis=1)

def _compute_layer(fx, px, qrow_ref, qcol_ref, raws, scratch, s):
    (rQw, rQb, rKw, rKb, rVw, rVb, rOw, rOb,
     rf1w, rf1b, rf2w, rf2b,
     rn1a, rn1b, rn2a, rn2b,
     rpuw, rpub,
     rs1w, rs1b, rs2w, rs2b,
     rc1w, rc1b, rc2w, rc2b) = raws
    (qkvw_s, qkvb_s, ow_s, ob_s,
     f1w_s, f1b_s, f2w_s, f2b_s,
     n1a_s, n1b_s, n2a_s, n2b_s,
     pf_s, pp_s,
     scw_s, scb_s, sc2_s) = scratch

    fxb = _bf(fx)
    qkvb16 = _bf(jnp.dot(fxb, qkvw_s[...],
                         preferred_element_type=jnp.float32)
                 + qkvb_s[...])

    ctx_rows = []
    for i in range(BB):
        rs = slice(i * s, (i + 1) * s)
        ctxs = []
        for h in range(H):
            qsl = slice(h * DHP, (h + 1) * DHP)
            ksl = slice(FP + h * DHP, FP + (h + 1) * DHP)
            vsl = slice(2 * FP + h * DHP, 2 * FP + (h + 1) * DHP)
            sc = lax.dot_general(qkvb16[rs, qsl], qkvb16[rs, ksl],
                                 (((1,), (1,)), ((), ())),
                                 preferred_element_type=jnp.float32)
            e = jnp.exp(sc)
            rinv = 1.0 / jnp.sum(e, axis=-1, keepdims=True)
            ctxs.append(jnp.dot(_bf(e), qkvb16[rs, vsl],
                                preferred_element_type=jnp.float32) * rinv)
        ctx_rows.append(jnp.concatenate(ctxs, axis=-1))
    ctx = _bf(jnp.concatenate(ctx_rows, axis=0))
    att = jnp.dot(ctx, ow_s[...], preferred_element_type=jnp.float32) + ob_s[...]

    fx1 = _ln(fx + att, n1a_s[...], n1b_s[...])

    ff = jnp.maximum(
        jnp.dot(_bf(fx1), f1w_s[...], preferred_element_type=jnp.float32)
        + f1b_s[...], 0.0)
    ff = jnp.dot(_bf(ff), f2w_s[...],
                 preferred_element_type=jnp.float32) + f2b_s[...]
    fx2 = _ln(fx1 + ff, n2a_s[...], n2b_s[...])

    fx2b = _bf(fx2)
    px_new = (jnp.dot(fx2b, pf_s[...], preferred_element_type=jnp.float32)
              + jnp.dot(_bf(px), pp_s[...], preferred_element_type=jnp.float32)
              + rpub[...].reshape(1, P))

    hc = jnp.maximum(
        jnp.dot(fx2b, scw_s[...], preferred_element_type=jnp.float32)
        + scb_s[...], 0.0)
    prod = hc * sc2_s[...]
    sim = (jnp.sum(prod[:, :HLFP], axis=-1, keepdims=True)
           + rs2b[...].reshape(1, 1))
    conf = jax.nn.sigmoid(jnp.sum(prod[:, HLFP:], axis=-1, keepdims=True)
                          + rc2b[...].reshape(1, 1))

    sm_rows = []
    for i in range(BB):
        rs = slice(i * s, (i + 1) * s)
        qrow = qrow_ref[i]
        qcol = qcol_ref[i]
        e = jnp.where(qcol == qrow, jnp.exp(sim[rs]), 1.0)
        px1 = jnp.concatenate(
            [px_new[rs], jnp.ones((s, 1), jnp.float32)], axis=1)
        t = lax.dot_general(_bf(e), _bf(px1), (((0,), (0,)), ((), ())),
                            preferred_element_type=jnp.float32)
        sm_rows.append(t[:, :P] / t[:, P:P + 1])
    smoothed = jnp.concatenate(sm_rows, axis=0)

    return fx2, conf * px_new + (1.0 - conf) * smoothed


NRAW = len(RAW_KEYS)
NSCR = 17


def _pair_body(args, first, write_fx):
    if first:
        (x_ref, ae_ref, emb_ref, qemb_ref, qrow_ref, qcol_ref) = args[:6]
        nd = 6
    else:
        (fx_ref, px_ref, qrow_ref, qcol_ref) = args[:4]
        nd = 4
    raws_a = args[nd:nd + NRAW]
    raws_b = args[nd + NRAW:nd + 2 * NRAW]
    nout = 2 if write_fx else 1
    outs = args[nd + 2 * NRAW:nd + 2 * NRAW + nout]
    scr = args[nd + 2 * NRAW + nout:]
    scr_a, scr_b = scr[:NSCR], scr[NSCR:]

    @pl.when(pl.program_id(0) == 0)
    def _prep():
        _prep_scratch(raws_a, scr_a)
        _prep_scratch(raws_b, scr_b)

    if first:
        s = x_ref.shape[1]
        x9 = x_ref[...].reshape(BB * s, MC + 1)
        px = x9[:, 1:]
        ae = ae_ref[...].reshape(BB * s, 128)[:, :AED]
        emb = emb_ref[...].reshape(BB * s, 384)
        qc = qcol_ref[...].reshape(BB * s, 1)
        oh = (qc == lax.broadcasted_iota(jnp.int32, (1, QN), 1)
              ).astype(jnp.float32)
        qe = jnp.dot(oh, qemb_ref[...], preferred_element_type=jnp.float32)
        fx = jnp.concatenate(
            [ae + qe, emb, px,
             jnp.zeros((BB * s, FP - F), jnp.float32)], axis=1)
    else:
        s = fx_ref.shape[1]
        fx = fx_ref[...].reshape(BB * s, FP)
        px = px_ref[...].reshape(BB * s, P)

    fx, px = _compute_layer(fx, px, qrow_ref, qcol_ref, raws_a, scr_a, s)
    fx, px = _compute_layer(fx, px, qrow_ref, qcol_ref, raws_b, scr_b, s)

    if write_fx:
        fx_out, px_out = outs
        fx_out[...] = fx.reshape(BB, s, FP)
    else:
        (px_out,) = outs
    px_out[...] = px.reshape(BB, s, P)


def _body_first_pair(*args):
    _pair_body(args, first=True, write_fx=True)


def _body_last_pair(*args):
    _pair_body(args, first=False, write_fx=False)


def _whole(shape):
    nd = len(shape)
    return pl.BlockSpec(shape, lambda b, _nd=nd: (0,) * _nd)


_SCRATCH = [
    pltpu.VMEM((FP, 3 * FP), jnp.bfloat16),
    pltpu.VMEM((1, 3 * FP), jnp.float32),
    pltpu.VMEM((FP, FP), jnp.bfloat16),
    pltpu.VMEM((1, FP), jnp.float32),
    pltpu.VMEM((FP, DFFP), jnp.bfloat16),
    pltpu.VMEM((1, DFFP), jnp.float32),
    pltpu.VMEM((DFFP, FP), jnp.bfloat16),
    pltpu.VMEM((1, FP), jnp.float32),
    pltpu.VMEM((1, FP), jnp.float32),
    pltpu.VMEM((1, FP), jnp.float32),
    pltpu.VMEM((1, FP), jnp.float32),
    pltpu.VMEM((1, FP), jnp.float32),
    pltpu.VMEM((FP, P), jnp.bfloat16),
    pltpu.VMEM((P, P), jnp.bfloat16),
    pltpu.VMEM((FP, 2 * HLFP), jnp.bfloat16),
    pltpu.VMEM((1, 2 * HLFP), jnp.float32),
    pltpu.VMEM((1, 2 * HLFP), jnp.float32),
]


def _pair_call(ins, qrow, qcol, wts_a, wts_b, first=False, interpret=False):
    b, _, s = qrow.shape
    if first:
        x, ae, emb, qemb = ins
        in_specs = [
            pl.BlockSpec((BB, s, MC + 1), lambda i: (i, 0, 0)),
            pl.BlockSpec((BB, s, 128), lambda i: (i, 0, 0)),
            pl.BlockSpec((BB, s, 384), lambda i: (i, 0, 0)),
            _whole(qemb.shape),
        ]
        operands = [x, ae, emb, qemb]
        body = _body_first_pair
    else:
        fx, px = ins
        in_specs = [
            pl.BlockSpec((BB, s, FP), lambda i: (i, 0, 0)),
            pl.BlockSpec((BB, s, P), lambda i: (i, 0, 0)),
        ]
        operands = [fx, px]
        body = _body_last_pair
    in_specs += [
        pl.BlockSpec((BB, 1, s), lambda i: (i, 0, 0)),
        pl.BlockSpec((BB, s, 1), lambda i: (i, 0, 0)),
    ] + [_whole(w.shape) for w in wts_a] + [_whole(w.shape) for w in wts_b]
    px_spec = pl.BlockSpec((BB, s, P), lambda i: (i, 0, 0))
    px_shape = jax.ShapeDtypeStruct((b, s, P), jnp.float32)
    if first:
        out_specs = [pl.BlockSpec((BB, s, FP), lambda i: (i, 0, 0)), px_spec]
        out_shape = [jax.ShapeDtypeStruct((b, s, FP), jnp.float32), px_shape]
    else:
        out_specs, out_shape = px_spec, px_shape
    out = pl.pallas_call(
        body,
        grid=(b // BB,),
        in_specs=in_specs,
        out_specs=out_specs,
        out_shape=out_shape,
        scratch_shapes=list(_SCRATCH) + list(_SCRATCH),
        compiler_params=pltpu.CompilerParams(
            dimension_semantics=("arbitrary",),
            vmem_limit_bytes=100 * 1024 * 1024,
        ),
        interpret=interpret,
    )(*operands, qrow, qcol, *wts_a, *wts_b)
    if first:
        return out
    return None, out



def kernel(x, annotators, questions, embeddings, params):
    b, s = annotators.shape
    qidx = questions.astype(jnp.int32)
    ann = annotators.astype(jnp.int32)
    aidx = jnp.where(ann < 0, NA, ann)

    at = jnp.pad(params["a_emb"], ((0, 0), (0, 128 - AED)))
    ae = _sc_gather(at, aidx.reshape(-1)).reshape(b, s, 128)

    qrow = qidx.reshape(b, 1, s)
    qcol = qidx.reshape(b, s, 1)

    def raw(lp):
        return [lp[k][:, 0] if k in ("s2w", "c2w") else lp[k]
                for k in RAW_KEYS]

    lps = params["layers"]
    fx, px = _pair_call((x, ae, embeddings, params["q_emb"]), qrow, qcol,
                        raw(lps[0]), raw(lps[1]), first=True)
    _, px = _pair_call((fx, px), qrow, qcol,
                       raw(lps[2]), raw(lps[3]), first=False)
    return px

# --- scband reference (transcript-rebuilt; emitter-appended) ---
"""Pipeline reference for scband-imputer-embedding-70635032150678 (READ-ONLY COPY).

The authoritative reference and input builder live on the scoring server;
editing this copy changes nothing except your own understanding.
"""

import jax, jax.numpy as jnp
import numpy as np

QN = 20; MC = 8; L = 4; H = 4; NA = 1000; AED = 32
F = AED + MC + 384; P = MC; DFF = 4 * F
B = 16; S = 512

def _lin(key, i, o):
    k1, k2 = jax.random.split(key)
    return (jax.random.normal(k1, (i, o), jnp.float32) * 0.02, jnp.zeros((o,), jnp.float32))

def setup_inputs(seed: int = 0) -> dict:
    key = jax.random.key(seed)
    ks = jax.random.split(key, 6)
    x = jax.random.uniform(ks[0], (B, S, MC + 1), jnp.float32)
    annotators = jax.random.randint(ks[1], (B, S), 0, NA).astype(jnp.int64)
    questions = jax.random.randint(ks[2], (B, S), 0, QN).astype(jnp.int64)
    embeddings = jax.random.normal(ks[3], (B, S, 384), jnp.float32)
    pk = ks[4]
    def nxt():
        nonlocal pk
        pk, k = jax.random.split(pk)
        return k
    layers = []
    for _ in range(L):
        lp = {}
        for nm, (i, o) in [("Q", (F, F)), ("K", (F, F)), ("V", (F, F)), ("O", (F, F)), ("ff1", (F, DFF)), ("ff2", (DFF, F)), ("pu", (F + P, P)), ("s1", (F, F // 2)), ("s2", (F // 2, 1)), ("c1", (F, F // 2)), ("c2", (F // 2, 1))]:
            w, b = _lin(nxt(), i, o)
            lp[nm + "w"] = w; lp[nm + "b"] = b
        lp["n1a"] = jnp.ones((F,), jnp.float32); lp["n1b"] = jnp.zeros((F,), jnp.float32)
        lp["n2a"] = jnp.ones((F,), jnp.float32); lp["n2b"] = jnp.zeros((F,), jnp.float32)
        layers.append(lp)
    params = {
        "q_emb": jax.random.normal(nxt(), (QN, AED), jnp.float32) * 0.1,
        "a_emb": jax.random.normal(nxt(), (NA + 1, AED), jnp.float32) * 0.1,
        "layers": layers,
    }
    return {"x": x, "annotators": annotators, "questions": questions, "embeddings": embeddings, "params": params}

def _norm(x, a, b, eps=1e-6):
    m = jnp.mean(x, -1, keepdims=True)
    s = jnp.std(x, -1, keepdims=True, ddof=1)
    return a * (x - m) / (s + eps) + b

def _layer(fx, px, questions, lp):
    Bz, Sz, _ = fx.shape
    dh = F // H
    q = (fx @ lp["Qw"] + lp["Qb"]).reshape(Bz, Sz, H, dh).transpose(0, 2, 1, 3)
    k = (fx @ lp["Kw"] + lp["Kb"]).reshape(Bz, Sz, H, dh).transpose(0, 2, 1, 3)
    v = (fx @ lp["Vw"] + lp["Vb"]).reshape(Bz, Sz, H, dh).transpose(0, 2, 1, 3)
    sc = jax.nn.softmax(q @ k.transpose(0, 1, 3, 2) / np.sqrt(dh), axis=-1)
    att = (sc @ v).transpose(0, 2, 1, 3).reshape(Bz, Sz, F) @ lp["Ow"] + lp["Ob"]
    fx = _norm(fx + att, lp["n1a"], lp["n1b"])
    ff = jax.nn.relu(fx @ lp["ff1w"] + lp["ff1b"]) @ lp["ff2w"] + lp["ff2b"]
    fx = _norm(fx + ff, lp["n2a"], lp["n2b"])
    px = jnp.concatenate([fx, px], -1) @ lp["puw"] + lp["pub"]
    sim = (jax.nn.relu(fx @ lp["s1w"] + lp["s1b"]) @ lp["s2w"] + lp["s2b"])[..., 0]
    conf = jax.nn.sigmoid((jax.nn.relu(fx @ lp["c1w"] + lp["c1b"]) @ lp["c2w"] + lp["c2b"])[..., 0])
    qmask = (questions[:, :, None] == questions[:, None, :]).astype(fx.dtype)
    aw = jax.nn.softmax(sim[:, :, None] * qmask, axis=-2)
    smoothed = jnp.einsum('bij,bik->bjk', aw, px)
    px = conf[..., None] * px + (1.0 - conf[..., None]) * smoothed
    return fx, px

def reference(x, annotators, questions, embeddings, params):
    qe = jnp.take(params["q_emb"], questions, axis=0)
    ann = jnp.where(annotators < 0, NA, annotators)
    ae = jnp.take(params["a_emb"], ann, axis=0)
    fx = jnp.concatenate([qe + ae, embeddings, x[:, :, 1:]], axis=-1)
    px = x[:, :, 1:]
    for lp in params["layers"]:
        fx, px = _layer(fx, px, questions, lp)
    return px

if __name__ == "__main__":
    import jax
    _d = setup_inputs()
    print(jax.jit(kernel)(*tuple(_d.values())))

</pallas_src>

<mosaic_0001>
#map = affine_map<(d0, d1) -> (0, 0)>
#map1 = affine_map<(d0, d1) -> (0)>
module attributes {stable_mosaic.version = 14 : i64} {
  func.func @gather_k(%arg0: i32, %arg1: i32, %arg2: memref<1001x128xf32, #tpu.memory_space<hbm>>, %arg3: memref<8192xi32, #tpu.memory_space<hbm>>, %arg4: memref<8192x128xf32, #tpu.memory_space<hbm>>, %arg5: memref<256xi32, #tpu.memory_space<vmem>>, %arg6: memref<256x128xf32, #tpu.memory_space<vmem>>, %arg7: memref<!tpu.dma_semaphore, #tpu.memory_space<semaphore_mem>>) attributes {dimension_semantics = [#tpu.dimension_semantics<core_parallel>, #tpu.dimension_semantics<subcore_parallel>], iteration_bounds = array<i64: 2, 16>, scalar_prefetch = 0 : i64, scratch_operands = 3 : i64, tpu.core_type = #tpu.core_type<sc_vector_subcore>, window_params = [{transform_indices = #map}, {transform_indices = #map1}, {transform_indices = #map}]} {
    %mul3A = arith.constant 2 : i32
    %mul3A_0 = arith.muli %arg1, %mul3A : i32
    %add3A = arith.addi %mul3A_0, %arg0 : i32
    %mul3A_1 = arith.constant 256 : i32
    %mul3A_2 = arith.muli %add3A, %mul3A_1 : i32
    "tpu.region"() ({
      %run_scoped3A = tpu.sem_alloc : memref<!tpu.dma_semaphore, #tpu.memory_space<semaphore_mem>>
      %dma_start3A_7 = tpu.memref_slice %arg3[%mul3A_2] : memref<8192xi32, #tpu.memory_space<hbm>> -> memref<256xi32, #tpu.memory_space<hbm>>
      %dma_start3A_8 = tpu.memref_slice %arg3[%mul3A_2] : memref<8192xi32, #tpu.memory_space<hbm>> -> memref<256xi32, #tpu.memory_space<hbm>>
      tpu.enqueue_dma source(%dma_start3A_8 : memref<256xi32, #tpu.memory_space<hbm>>) target(%arg5 : memref<256xi32, #tpu.memory_space<vmem>>) target_semaphore(%run_scoped3A : memref<!tpu.dma_semaphore, #tpu.memory_space<semaphore_mem>>)
      %dma_wait3A_9 = tpu.memref_slice %arg3[%mul3A_2] : memref<8192xi32, #tpu.memory_space<hbm>> -> memref<256xi32, #tpu.memory_space<hbm>>
      %dma_wait3A_10 = tpu.memref_slice %arg3[%mul3A_2] : memref<8192xi32, #tpu.memory_space<hbm>> -> memref<256xi32, #tpu.memory_space<hbm>>
      tpu.wait_dma2 semaphore(%run_scoped3A : memref<!tpu.dma_semaphore, #tpu.memory_space<semaphore_mem>>) src(%dma_wait3A_10 : memref<256xi32, #tpu.memory_space<hbm>>) dst(%arg5 : memref<256xi32, #tpu.memory_space<vmem>>)
      tpu.yield
    }) : () -> ()
    %dma_start3A = arith.constant 0 : i32
    %dma_start3A_3 = arith.constant 0 : i32
    %dma_start3A_4 = tpu.memref_slice %arg2[%dma_start3A, %dma_start3A_3] : memref<1001x128xf32, #tpu.memory_space<hbm>> -> memref<1001x128xf32, #tpu.memory_space<hbm>>
    tpu.enqueue_indirect_dma source(%dma_start3A_4 : memref<1001x128xf32, #tpu.memory_space<hbm>>) target(%arg6 : memref<256x128xf32, #tpu.memory_space<vmem>>) offsets(%arg5 : memref<256xi32, #tpu.memory_space<vmem>>) semaphore(%arg7 : memref<!tpu.dma_semaphore, #tpu.memory_space<semaphore_mem>>)
    %dma_wait3A = arith.constant 0 : i32
    %dma_wait3A_5 = arith.constant 0 : i32
    %dma_wait3A_6 = tpu.memref_slice %arg2[%dma_wait3A, %dma_wait3A_5] : memref<1001x128xf32, #tpu.memory_space<hbm>> -> memref<1001x128xf32, #tpu.memory_space<hbm>>
    tpu.wait_indirect_dma semaphore(%arg7 : memref<!tpu.dma_semaphore, #tpu.memory_space<semaphore_mem>>) src(%dma_wait3A_6 : memref<1001x128xf32, #tpu.memory_space<hbm>>) dst(%arg6 : memref<256x128xf32, #tpu.memory_space<vmem>>)
    "tpu.region"() ({
      %run_scoped3A = tpu.sem_alloc : memref<!tpu.dma_semaphore, #tpu.memory_space<semaphore_mem>>
      %dma_start3A_7 = arith.constant 0 : i32
      %dma_start3A_8 = tpu.memref_slice %arg4[%mul3A_2, %dma_start3A_7] : memref<8192x128xf32, #tpu.memory_space<hbm>> -> memref<256x128xf32, #tpu.memory_space<hbm>>
      %dma_start3A_9 = arith.constant 0 : i32
      %dma_start3A_10 = tpu.memref_slice %arg4[%mul3A_2, %dma_start3A_9] : memref<8192x128xf32, #tpu.memory_space<hbm>> -> memref<256x128xf32, #tpu.memory_space<hbm>>
      tpu.enqueue_dma source(%arg6 : memref<256x128xf32, #tpu.memory_space<vmem>>) target(%dma_start3A_10 : memref<256x128xf32, #tpu.memory_space<hbm>>) target_semaphore(%run_scoped3A : memref<!tpu.dma_semaphore, #tpu.memory_space<semaphore_mem>>)
      %dma_wait3A_11 = arith.constant 0 : i32
      %dma_wait3A_12 = tpu.memref_slice %arg4[%mul3A_2, %dma_wait3A_11] : memref<8192x128xf32, #tpu.memory_space<hbm>> -> memref<256x128xf32, #tpu.memory_space<hbm>>
      %dma_wait3A_13 = arith.constant 0 : i32
      %dma_wait3A_14 = tpu.memref_slice %arg4[%mul3A_2, %dma_wait3A_13] : memref<8192x128xf32, #tpu.memory_space<hbm>> -> memref<256x128xf32, #tpu.memory_space<hbm>>
      tpu.wait_dma2 semaphore(%run_scoped3A : memref<!tpu.dma_semaphore, #tpu.memory_space<semaphore_mem>>) src(%arg6 : memref<256x128xf32, #tpu.memory_space<vmem>>) dst(%dma_wait3A_14 : memref<256x128xf32, #tpu.memory_space<hbm>>)
      tpu.yield
    }) : () -> ()
    return
  }
}

module attributes {stable_mosaic.version = 14 : i64} {
  func.func @_body_first_pair(%arg0: i32, %arg1: memref<2x512x9xf32, #tpu.memory_space<vmem>>, %arg2: memref<2x512x128xf32, #tpu.memory_space<vmem>>, %arg3: memref<2x512x384xf32, #tpu.memory_space<vmem>>, %arg4: memref<20x32xf32, #tpu.memory_space<vmem>>, %arg5: memref<2x1x512xi32, #tpu.memory_space<vmem>>, %arg6: memref<2x512x1xi32, #tpu.memory_space<vmem>>, %arg7: memref<424x424xf32, #tpu.memory_space<vmem>>, %arg8: memref<424xf32, #tpu.memory_space<vmem>>, %arg9: memref<424x424xf32, #tpu.memory_space<vmem>>, %arg10: memref<424xf32, #tpu.memory_space<vmem>>, %arg11: memref<424x424xf32, #tpu.memory_space<vmem>>, %arg12: memref<424xf32, #tpu.memory_space<vmem>>, %arg13: memref<424x424xf32, #tpu.memory_space<vmem>>, %arg14: memref<424xf32, #tpu.memory_space<vmem>>, %arg15: memref<424x1696xf32, #tpu.memory_space<vmem>>, %arg16: memref<1696xf32, #tpu.memory_space<vmem>>, %arg17: memref<1696x424xf32, #tpu.memory_space<vmem>>, %arg18: memref<424xf32, #tpu.memory_space<vmem>>, %arg19: memref<424xf32, #tpu.memory_space<vmem>>, %arg20: memref<424xf32, #tpu.memory_space<vmem>>, %arg21: memref<424xf32, #tpu.memory_space<vmem>>, %arg22: memref<424xf32, #tpu.memory_space<vmem>>, %arg23: memref<432x8xf32, #tpu.memory_space<vmem>>, %arg24: memref<8xf32, #tpu.memory_space<vmem>>, %arg25: memref<424x212xf32, #tpu.memory_space<vmem>>, %arg26: memref<212xf32, #tpu.memory_space<vmem>>, %arg27: memref<212xf32, #tpu.memory_space<vmem>>, %arg28: memref<1xf32, #tpu.memory_space<vmem>>, %arg29: memref<424x212xf32, #tpu.memory_space<vmem>>, %arg30: memref<212xf32, #tpu.memory_space<vmem>>, %arg31: memref<212xf32, #tpu.memory_space<vmem>>, %arg32: memref<1xf32, #tpu.memory_space<vmem>>, %arg33: memref<424x424xf32, #tpu.memory_space<vmem>>, %arg34: memref<424xf32, #tpu.memory_space<vmem>>, %arg35: memref<424x424xf32, #tpu.memory_space<vmem>>, %arg36: memref<424xf32, #tpu.memory_space<vmem>>, %arg37: memref<424x424xf32, #tpu.memory_space<vmem>>, %arg38: memref<424xf32, #tpu.memory_space<vmem>>, %arg39: memref<424x424xf32, #tpu.memory_space<vmem>>, %arg40: memref<424xf32, #tpu.memory_space<vmem>>, %arg41: memref<424x1696xf32, #tpu.memory_space<vmem>>, %arg42: memref<1696xf32, #tpu.memory_space<vmem>>, %arg43: memref<1696x424xf32, #tpu.memory_space<vmem>>, %arg44: memref<424xf32, #tpu.memory_space<vmem>>, %arg45: memref<424xf32, #tpu.memory_space<vmem>>, %arg46: memref<424xf32, #tpu.memory_space<vmem>>, %arg47: memref<424xf32, #tpu.memory_space<vmem>>, %arg48: memref<424xf32, #tpu.memory_space<vmem>>, %arg49: memref<432x8xf32, #tpu.memory_space<vmem>>, %arg50: memref<8xf32, #tpu.memory_space<vmem>>, %arg51: memref<424x212xf32, #tpu.memory_space<vmem>>, %arg52: memref<212xf32, #tpu.memory_space<vmem>>, %arg53: memref<212xf32, #tpu.memory_space<vmem>>, %arg54: memref<1xf32, #tpu.memory_space<vmem>>, %arg55: memref<424x212xf32, #tpu.memory_space<vmem>>, %arg56: memref<212xf32, #tpu.memory_space<vmem>>, %arg57: memref<212xf32, #tpu.memory_space<vmem>>, %arg58: memref<1xf32, #tpu.memory_space<vmem>>, %arg59: memref<2x512x512xf32, #tpu.memory_space<vmem>>, %arg60: memref<2x512x8xf32, #tpu.memory_space<vmem>>, %arg61: memref<512x1536xbf16, #tpu.memory_space<vmem>>, %arg62: memref<1x1536xf32, #tpu.memory_space<vmem>>, %arg63: memref<512x512xbf16, #tpu.memory_space<vmem>>, %arg64: memref<1x512xf32, #tpu.memory_space<vmem>>, %arg65: memref<512x1792xbf16, #tpu.memory_space<vmem>>, %arg66: memref<1x1792xf32, #tpu.memory_space<vmem>>, %arg67: memref<1792x512xbf16, #tpu.memory_space<vmem>>, %arg68: memref<1x512xf32, #tpu.memory_space<vmem>>, %arg69: memref<1x512xf32, #tpu.memory_space<vmem>>, %arg70: memref<1x512xf32, #tpu.memory_space<vmem>>, %arg71: memref<1x512xf32, #tpu.memory_space<vmem>>, %arg72: memref<1x512xf32, #tpu.memory_space<vmem>>, %arg73: memref<512x8xbf16, #tpu.memory_space<vmem>>, %arg74: memref<8x8xbf16, #tpu.memory_space<vmem>>, %arg75: memref<512x512xbf16, #tpu.memory_space<vmem>>, %arg76: memref<1x512xf32, #tpu.memory_space<vmem>>, %arg77: memref<1x512xf32, #tpu.memory_space<vmem>>, %arg78: memref<512x1536xbf16, #tpu.memory_space<vmem>>, %arg79: memref<1x1536xf32, #tpu.memory_space<vmem>>, %arg80: memref<512x512xbf16, #tpu.memory_space<vmem>>, %arg81: memref<1x512xf32, #tpu.memory_space<vmem>>, %arg82: memref<512x1792xbf16, #tpu.memory_space<vmem>>, %arg83: memref<1x1792xf32, #tpu.memory_space<vmem>>, %arg84: memref<1792x512xbf16, #tpu.memory_space<vmem>>, %arg85: memref<1x512xf32, #tpu.memory_space<vmem>>, %arg86: memref<1x512xf32, #tpu.memory_space<vmem>>, %arg87: memref<1x512xf32, #tpu.memory_space<vmem>>, %arg88: memref<1x512xf32, #tpu.memory_space<vmem>>, %arg89: memref<1x512xf32, #tpu.memory_space<vmem>>, %arg90: memref<512x8xbf16, #tpu.memory_space<vmem>>, %arg91: memref<8x8xbf16, #tpu.memory_space<vmem>>, %arg92: memref<512x512xbf16, #tpu.memory_space<vmem>>, %arg93: memref<1x512xf32, #tpu.memory_space<vmem>>, %arg94: memref<1x512xf32, #tpu.memory_space<vmem>>) attributes {dimension_semantics = [#tpu.dimension_semantics<arbitrary>], iteration_bounds = array<i64: 8>, scalar_prefetch = 0 : i64, scratch_operands = 34 : i64, tpu.core_type = #tpu.core_type<tc>, window_params = [{transform_indices = @transform_0, window_bounds = array<i64: 2, 512, 9>}, {transform_indices = @transform_1, window_bounds = array<i64: 2, 512, 128>}, {transform_indices = @transform_2, window_bounds = array<i64: 2, 512, 384>}, {pipeline_mode = #tpu.pipeline_mode<synchronous>, transform_indices = @transform_3, window_bounds = array<i64: 20, 32>}, {transform_indices = @transform_4, window_bounds = array<i64: 2, 1, 512>}, {transform_indices = @transform_5, window_bounds = array<i64: 2, 512, 1>}, {pipeline_mode = #tpu.pipeline_mode<synchronous>, transform_indices = @transform_6, window_bounds = array<i64: 424, 424>}, {pipeline_mode = #tpu.pipeline_mode<synchronous>, transform_indices = @transform_7, window_bounds = array<i64: 424>}, {pipeline_mode = #tpu.pipeline_mode<synchronous>, transform_indices = @transform_8, window_bounds = array<i64: 424, 424>}, {pipeline_mode = #tpu.pipeline_mode<synchronous>, transform_indices = @transform_9, window_bounds = array<i64: 424>}, {pipeline_mode = #tpu.pipeline_mode<synchronous>, transform_indices = @transform_10, window_bounds = array<i64: 424, 424>}, {pipeline_mode = #tpu.pipeline_mode<synchronous>, transform_indices = @transform_11, window_bounds = array<i64: 424>}, {pipeline_mode = #tpu.pipeline_mode<synchronous>, transform_indices = @transform_12, window_bounds = array<i64: 424, 424>}, {pipeline_mode = #tpu.pipeline_mode<synchronous>, transform_indices = @transform_13, window_bounds = array<i64: 424>}, {pipeline_mode = #tpu.pipeline_mode<synchronous>, transform_indices = @transform_14, window_bounds = array<i64: 424, 1696>}, {pipeline_mode = #tpu.pipeline_mode<synchronous>, transform_indices = @transform_15, window_bounds = array<i64: 1696>}, {pipeline_mode = #tpu.pipeline_mode<synchronous>, transform_indices = @transform_16, window_bounds = array<i64: 1696, 424>}, {pipeline_mode = #tpu.pipeline_mode<synchronous>, transform_indices = @transform_17, window_bounds = array<i64: 424>}, {pipeline_mode = #tpu.pipeline_mode<synchronous>, transform_indices = @transform_18, window_bounds = array<i64: 424>}, {pipeline_mode = #tpu.pipeline_mode<synchronous>, transform_indices = @transform_19, window_bounds = array<i64: 424>}, {pipeline_mode = #tpu.pipeline_mode<synchronous>, transform_indices = @transform_20, window_bounds = array<i64: 424>}, {pipeline_mode = #tpu.pipeline_mode<synchronous>, transform_indices = @transform_21, window_bounds = array<i64: 424>}, {pipeline_mode = #tpu.pipeline_mode<synchronous>, transform_indices = @transform_22, window_bounds = array<i64: 432, 8>}, {pipeline_mode = #tpu.pipeline_mode<synchronous>, transform_indices = @transform_23, window_bounds = array<i64: 8>}, {pipeline_mode = #tpu.pipeline_mode<synchronous>, transform_indices = @transform_24, window_bounds = array<i64: 424, 212>}, {pipeline_mode = #tpu.pipeline_mode<synchronous>, transform_indices = @transform_25, window_bounds = array<i64: 212>}, {pipeline_mode = #tpu.pipeline_mode<synchronous>, transform_indices = @transform_26, window_bounds = array<i64: 212>}, {pipeline_mode = #tpu.pipeline_mode<synchronous>, transform_indices = @transform_27, window_bounds = array<i64: 1>}, {pipeline_mode = #tpu.pipeline_mode<synchronous>, transform_indices = @transform_28, window_bounds = array<i64: 424, 212>}, {pipeline_mode = #tpu.pipeline_mode<synchronous>, transform_indices = @transform_29, window_bounds = array<i64: 212>}, {pipeline_mode = #tpu.pipeline_mode<synchronous>, transform_indices = @transform_30, window_bounds = array<i64: 212>}, {pipeline_mode = #tpu.pipeline_mode<synchronous>, transform_indices = @transform_31, window_bounds = array<i64: 1>}, {pipeline_mode = #tpu.pipeline_mode<synchronous>, transform_indices = @transform_32, window_bounds = array<i64: 424, 424>}, {pipeline_mode = #tpu.pipeline_mode<synchronous>, transform_indices = @transform_33, window_bounds = array<i64: 424>}, {pipeline_mode = #tpu.pipeline_mode<synchronous>, transform_indices = @transform_34, window_bounds = array<i64: 424, 424>}, {pipeline_mode = #tpu.pipeline_mode<synchronous>, transform_indices = @transform_35, window_bounds = array<i64: 424>}, {pipeline_mode = #tpu.pipeline_mode<synchronous>, transform_indices = @transform_36, window_bounds = array<i64: 424, 424>}, {pipeline_mode = #tpu.pipeline_mode<synchronous>, transform_indices = @transform_37, window_bounds = array<i64: 424>}, {pipeline_mode = #tpu.pipeline_mode<synchronous>, transform_indices = @transform_38, window_bounds = array<i64: 424, 424>}, {pipeline_mode = #tpu.pipeline_mode<synchronous>, transform_indices = @transform_39, window_bounds = array<i64: 424>}, {pipeline_mode = #tpu.pipeline_mode<synchronous>, transform_indices = @transform_40, window_bounds = array<i64: 424, 1696>}, {pipeline_mode = #tpu.pipeline_mode<synchronous>, transform_indices = @transform_41, window_bounds = array<i64: 1696>}, {pipeline_mode = #tpu.pipeline_mode<synchronous>, transform_indices = @transform_42, window_bounds = array<i64: 1696, 424>}, {pipeline_mode = #tpu.pipeline_mode<synchronous>, transform_indices = @transform_43, window_bounds = array<i64: 424>}, {pipeline_mode = #tpu.pipeline_mode<synchronous>, transform_indices = @transform_44, window_bounds = array<i64: 424>}, {pipeline_mode = #tpu.pipeline_mode<synchronous>, transform_indices = @transform_45, window_bounds = array<i64: 424>}, {pipeline_mode = #tpu.pipeline_mode<synchronous>, transform_indices = @transform_46, window_bounds = array<i64: 424>}, {pipeline_mode = #tpu.pipeline_mode<synchronous>, transform_indices = @transform_47, window_bounds = array<i64: 424>}, {pipeline_mode = #tpu.pipeline_mode<synchronous>, transform_indices = @transform_48, window_bounds = array<i64: 432, 8>}, {pipeline_mode = #tpu.pipeline_mode<synchronous>, transform_indices = @transform_49, window_bounds = array<i64: 8>}, {pipeline_mode = #tpu.pipeline_mode<synchronous>, transform_indices = @transform_50, window_bounds = array<i64: 424, 212>}, {pipeline_mode = #tpu.pipeline_mode<synchronous>, transform_indices = @transform_51, window_bounds = array<i64: 212>}, {pipeline_mode = #tpu.pipeline_mode<synchronous>, transform_indices = @transform_52, window_bounds = array<i64: 212>}, {pipeline_mode = #tpu.pipeline_mode<synchronous>, transform_indices = @transform_53, window_bounds = array<i64: 1>}, {pipeline_mode = #tpu.pipeline_mode<synchronous>, transform_indices = @transform_54, window_bounds = array<i64: 424, 212>}, {pipeline_mode = #tpu.pipeline_mode<synchronous>, transform_indices = @transform_55, window_bounds = array<i64: 212>}, {pipeline_mode = #tpu.pipeline_mode<synchronous>, transform_indices = @transform_56, window_bounds = array<i64: 212>}, {pipeline_mode = #tpu.pipeline_mode<synchronous>, transform_indices = @transform_57, window_bounds = array<i64: 1>}, {transform_indices = @transform_58, window_bounds = array<i64: 2, 512, 512>}, {transform_indices = @transform_59, window_bounds = array<i64: 2, 512, 8>}]} {
    %eq3A = arith.constant 0 : i32
    %eq3A_0 = arith.cmpi eq, %arg0, %eq3A : i32
    %convert_element_type3A = arith.extui %eq3A_0 : i1 to i32
    %cond3A = arith.constant 0 : i32
    %cond3A_1 = arith.cmpi ne, %convert_element_type3A, %cond3A : i32
    scf.if %cond3A_1 {
      %get3A_818 = arith.constant 0 : index
      %get3A_819 = arith.constant 0 : index
      %get3A_820 = vector.load %arg7[%get3A_818, %get3A_819] : memref<424x424xf32, #tpu.memory_space<vmem>>, vector<424x424xf32>
      %broadcast_in_dim3A_821 = arith.constant 0.000000e+00 : f32
      %broadcast_in_dim3A_822 = vector.broadcast %broadcast_in_dim3A_821 : f32 to vector<424x22xf32>
      %slice3A_823 = vector.extract_strided_slice %get3A_820 {offsets = [0, 0], sizes = [424, 106], strides = [1, 1]} : vector<424x424xf32> to vector<424x106xf32>
      %slice3A_824 = vector.extract_strided_slice %get3A_820 {offsets = [0, 106], sizes = [424, 106], strides = [1, 1]} : vector<424x424xf32> to vector<424x106xf32>
      %slice3A_825 = vector.extract_strided_slice %get3A_820 {offsets = [0, 212], sizes = [424, 106], strides = [1, 1]} : vector<424x424xf32> to vector<424x106xf32>
      %slice3A_826 = vector.extract_strided_slice %get3A_820 {offsets = [0, 318], sizes = [424, 106], strides = [1, 1]} : vector<424x424xf32> to vector<424x106xf32>
      %concatenate3A_827 = tpu.concatenate %slice3A_823, %broadcast_in_dim3A_822, %slice3A_824, %broadcast_in_dim3A_822, %slice3A_825, %broadcast_in_dim3A_822, %slice3A_826, %broadcast_in_dim3A_822 in 1 : vector<424x106xf32>, vector<424x22xf32>, vector<424x106xf32>, vector<424x22xf32>, vector<424x106xf32>, vector<424x22xf32>, vector<424x106xf32>, vector<424x22xf32> -> vector<424x512xf32>
      %broadcast_in_dim3A_828 = arith.constant 0.000000e+00 : f32
      %broadcast_in_dim3A_829 = vector.broadcast %broadcast_in_dim3A_828 : f32 to vector<88x512xf32>
      %concatenate3A_830 = tpu.concatenate %concatenate3A_827, %broadcast_in_dim3A_829 in 0 : vector<424x512xf32>, vector<88x512xf32> -> vector<512x512xf32>
      %mul3A_831 = arith.constant 0.0971285849 : f32
      %mul3A_832 = vector.broadcast %mul3A_831 : f32 to vector<512x512xf32>
      %mul3A_833 = arith.mulf %concatenate3A_830, %mul3A_832 : vector<512x512xf32>
      %get3A_834 = arith.constant 0 : index
      %get3A_835 = arith.constant 0 : index
      %get3A_836 = vector.load %arg9[%get3A_834, %get3A_835] : memref<424x424xf32, #tpu.memory_space<vmem>>, vector<424x424xf32>
      %broadcast_in_dim3A_837 = arith.constant 0.000000e+00 : f32
      %broadcast_in_dim3A_838 = vector.broadcast %broadcast_in_dim3A_837 : f32 to vector<424x22xf32>
      %slice3A_839 = vector.extract_strided_slice %get3A_836 {offsets = [0, 0], sizes = [424, 106], strides = [1, 1]} : vector<424x424xf32> to vector<424x106xf32>
      %slice3A_840 = vector.extract_strided_slice %get3A_836 {offsets = [0, 106], sizes = [424, 106], strides = [1, 1]} : vector<424x424xf32> to vector<424x106xf32>
      %slice3A_841 = vector.extract_strided_slice %get3A_836 {offsets = [0, 212], sizes = [424, 106], strides = [1, 1]} : vector<424x424xf32> to vector<424x106xf32>
      %slice3A_842 = vector.extract_strided_slice %get3A_836 {offsets = [0, 318], sizes = [424, 106], strides = [1, 1]} : vector<424x424xf32> to vector<424x106xf32>
      %concatenate3A_843 = tpu.concatenate %slice3A_839, %broadcast_in_dim3A_838, %slice3A_840, %broadcast_in_dim3A_838, %slice3A_841, %broadcast_in_dim3A_838, %slice3A_842, %broadcast_in_dim3A_838 in 1 : vector<424x106xf32>, vector<424x22xf32>, vector<424x106xf32>, vector<424x22xf32>, vector<424x106xf32>, vector<424x22xf32>, vector<424x106xf32>, vector<424x22xf32> -> vector<424x512xf32>
      %broadcast_in_dim3A_844 = arith.constant 0.000000e+00 : f32
      %broadcast_in_dim3A_845 = vector.broadcast %broadcast_in_dim3A_844 : f32 to vector<88x512xf32>
      %concatenate3A_846 = tpu.concatenate %concatenate3A_843, %broadcast_in_dim3A_845 in 0 : vector<424x512xf32>, vector<88x512xf32> -> vector<512x512xf32>
      %get3A_847 = arith.constant 0 : index
      %get3A_848 = arith.constant 0 : index
      %get3A_849 = vector.load %arg11[%get3A_847, %get3A_848] : memref<424x424xf32, #tpu.memory_space<vmem>>, vector<424x424xf32>
      %broadcast_in_dim3A_850 = arith.constant 0.000000e+00 : f32
      %broadcast_in_dim3A_851 = vector.broadcast %broadcast_in_dim3A_850 : f32 to vector<424x22xf32>
      %slice3A_852 = vector.extract_strided_slice %get3A_849 {offsets = [0, 0], sizes = [424, 106], strides = [1, 1]} : vector<424x424xf32> to vector<424x106xf32>
      %slice3A_853 = vector.extract_strided_slice %get3A_849 {offsets = [0, 106], sizes = [424, 106], strides = [1, 1]} : vector<424x424xf32> to vector<424x106xf32>
      %slice3A_854 = vector.extract_strided_slice %get3A_849 {offsets = [0, 212], sizes = [424, 106], strides = [1, 1]} : vector<424x424xf32> to vector<424x106xf32>
      %slice3A_855 = vector.extract_strided_slice %get3A_849 {offsets = [0, 318], sizes = [424, 106], strides = [1, 1]} : vector<424x424xf32> to vector<424x106xf32>
      %concatenate3A_856 = tpu.concatenate %slice3A_852, %broadcast_in_dim3A_851, %slice3A_853, %broadcast_in_dim3A_851, %slice3A_854, %broadcast_in_dim3A_851, %slice3A_855, %broadcast_in_dim3A_851 in 1 : vector<424x106xf32>, vector<424x22xf32>, vector<424x106xf32>, vector<424x22xf32>, vector<424x106xf32>, vector<424x22xf32>, vector<424x106xf32>, vector<424x22xf32> -> vector<424x512xf32>
      %broadcast_in_dim3A_857 = arith.constant 0.000000e+00 : f32
      %broadcast_in_dim3A_858 = vector.broadcast %broadcast_in_dim3A_857 : f32 to vector<88x512xf32>
      %concatenate3A_859 = tpu.concatenate %concatenate3A_856, %broadcast_in_dim3A_858 in 0 : vector<424x512xf32>, vector<88x512xf32> -> vector<512x512xf32>
      %concatenate3A_860 = tpu.concatenate %mul3A_833, %concatenate3A_846, %concatenate3A_859 in 1 : vector<512x512xf32>, vector<512x512xf32>, vector<512x512xf32> -> vector<512x1536xf32>
      %convert_element_type3A_861 = arith.truncf %concatenate3A_860 : vector<512x1536xf32> to vector<512x1536xbf16>
      %swap3A_862 = arith.constant 0 : index
      %swap3A_863 = arith.constant 0 : index
      %swap3A_864 = vector.load %arg61[%swap3A_862, %swap3A_863] : memref<512x1536xbf16, #tpu.memory_space<vmem>>, vector<512x1536xbf16>
      tpu.vector_store %arg61[%swap3A_862, %swap3A_863], %convert_element_type3A_861 {strides = array<i32>} : memref<512x1536xbf16, #tpu.memory_space<vmem>>, vector<512x1536xbf16>,
      %get3A_865 = arith.constant 0 : index
      %get3A_866 = vector.load %arg8[%get3A_865] : memref<424xf32, #tpu.memory_space<vmem>>, vector<424xf32>
      %reshape3A_867 = vector.shape_cast %get3A_866 : vector<424xf32> to vector<1x424xf32>
      %broadcast_in_dim3A_868 = arith.constant 0.000000e+00 : f32
      %broadcast_in_dim3A_869 = vector.broadcast %broadcast_in_dim3A_868 : f32 to vector<1x22xf32>
      %slice3A_870 = vector.extract_strided_slice %reshape3A_867 {offsets = [0, 0], sizes = [1, 106], strides = [1, 1]} : vector<1x424xf32> to vector<1x106xf32>
      %slice3A_871 = vector.extract_strided_slice %reshape3A_867 {offsets = [0, 106], sizes = [1, 106], strides = [1, 1]} : vector<1x424xf32> to vector<1x106xf32>
      %slice3A_872 = vector.extract_strided_slice %reshape3A_867 {offsets = [0, 212], sizes = [1, 106], strides = [1, 1]} : vector<1x424xf32> to vector<1x106xf32>
      %slice3A_873 = vector.extract_strided_slice %reshape3A_867 {offsets = [0, 318], sizes = [1, 106], strides = [1, 1]} : vector<1x424xf32> to vector<1x106xf32>
      %concatenate3A_874 = tpu.concatenate %slice3A_870, %broadcast_in_dim3A_869, %slice3A_871, %broadcast_in_dim3A_869, %slice3A_872, %broadcast_in_dim3A_869, %slice3A_873, %broadcast_in_dim3A_869 in 1 : vector<1x106xf32>, vector<1x22xf32>, vector<1x106xf32>, vector<1x22xf32>, vector<1x106xf32>, vector<1x22xf32>, vector<1x106xf32>, vector<1x22xf32> -> vector<1x512xf32>
      %mul3A_875 = arith.constant 0.0971285849 : f32
      %mul3A_876 = vector.broadcast %mul3A_875 : f32 to vector<1x512xf32>
      %mul3A_877 = arith.mulf %concatenate3A_874, %mul3A_876 : vector<1x512xf32>
      %get3A_878 = arith.constant 0 : index
      %get3A_879 = vector.load %arg10[%get3A_878] : memref<424xf32, #tpu.memory_space<vmem>>, vector<424xf32>
      %reshape3A_880 = vector.shape_cast %get3A_879 : vector<424xf32> to vector<1x424xf32>
      %broadcast_in_dim3A_881 = arith.constant 0.000000e+00 : f32
      %broadcast_in_dim3A_882 = vector.broadcast %broadcast_in_dim3A_881 : f32 to vector<1x22xf32>
      %slice3A_883 = vector.extract_strided_slice %reshape3A_880 {offsets = [0, 0], sizes = [1, 106], strides = [1, 1]} : vector<1x424xf32> to vector<1x106xf32>
      %slice3A_884 = vector.extract_strided_slice %reshape3A_880 {offsets = [0, 106], sizes = [1, 106], strides = [1, 1]} : vector<1x424xf32> to vector<1x106xf32>
      %slice3A_885 = vector.extract_strided_slice %reshape3A_880 {offsets = [0, 212], sizes = [1, 106], strides = [1, 1]} : vector<1x424xf32> to vector<1x106xf32>
      %slice3A_886 = vector.extract_strided_slice %reshape3A_880 {offsets = [0, 318], sizes = [1, 106], strides = [1, 1]} : vector<1x424xf32> to vector<1x106xf32>
      %concatenate3A_887 = tpu.concatenate %slice3A_883, %broadcast_in_dim3A_882, %slice3A_884, %broadcast_in_dim3A_882, %slice3A_885, %broadcast_in_dim3A_882, %slice3A_886, %broadcast_in_dim3A_882 in 1 : vector<1x106xf32>, vector<1x22xf32>, vector<1x106xf32>, vector<1x22xf32>, vector<1x106xf32>, vector<1x22xf32>, vector<1x106xf32>, vector<1x22xf32> -> vector<1x512xf32>
      %get3A_888 = arith.constant 0 : index
      %get3A_889 = vector.load %arg12[%get3A_888] : memref<424xf32, #tpu.memory_space<vmem>>, vector<424xf32>
      %reshape3A_890 = vector.shape_cast %get3A_889 : vector<424xf32> to vector<1x424xf32>
      %broadcast_in_dim3A_891 = arith.constant 0.000000e+00 : f32
      %broadcast_in_dim3A_892 = vector.broadcast %broadcast_in_dim3A_891 : f32 to vector<1x22xf32>
      %slice3A_893 = vector.extract_strided_slice %reshape3A_890 {offsets = [0, 0], sizes = [1, 106], strides = [1, 1]} : vector<1x424xf32> to vector<1x106xf32>
      %slice3A_894 = vector.extract_strided_slice %reshape3A_890 {offsets = [0, 106], sizes = [1, 106], strides = [1, 1]} : vector<1x424xf32> to vector<1x106xf32>
      %slice3A_895 = vector.extract_strided_slice %reshape3A_890 {offsets = [0, 212], sizes = [1, 106], strides = [1, 1]} : vector<1x424xf32> to vector<1x106xf32>
      %slice3A_896 = vector.extract_strided_slice %reshape3A_890 {offsets = [0, 318], sizes = [1, 106], strides = [1, 1]} : vector<1x424xf32> to vector<1x106xf32>
      %concatenate3A_897 = tpu.concatenate %slice3A_893, %broadcast_in_dim3A_892, %slice3A_894, %broadcast_in_dim3A_892, %slice3A_895, %broadcast_in_dim3A_892, %slice3A_896, %broadcast_in_dim3A_892 in 1 : vector<1x106xf32>, vector<1x22xf32>, vector<1x106xf32>, vector<1x22xf32>, vector<1x106xf32>, vector<1x22xf32>, vector<1x106xf32>, vector<1x22xf32> -> vector<1x512xf32>
      %concatenate3A_898 = tpu.concatenate %mul3A_877, %concatenate3A_887, %concatenate3A_897 in 1 : vector<1x512xf32>, vector<1x512xf32>, vector<1x512xf32> -> vector<1x1536xf32>
      %swap3A_899 = arith.constant 0 : index
      %swap3A_900 = arith.constant 0 : index
      %swap3A_901 = vector.load %arg62[%swap3A_899, %swap3A_900] : memref<1x1536xf32, #tpu.memory_space<vmem>>, vector<1x1536xf32>
      tpu.vector_store %arg62[%swap3A_899, %swap3A_900], %concatenate3A_898 {strides = array<i32>} : memref<1x1536xf32, #tpu.memory_space<vmem>>, vector<1x1536xf32>,
      %get3A_902 = arith.constant 0 : index
      %get3A_903 = arith.constant 0 : index
      %get3A_904 = vector.load %arg13[%get3A_902, %get3A_903] : memref<424x424xf32, #tpu.memory_space<vmem>>, vector<424x424xf32>
      %broadcast_in_dim3A_905 = arith.constant 0.000000e+00 : f32
      %broadcast_in_dim3A_906 = vector.broadcast %broadcast_in_dim3A_905 : f32 to vector<22x424xf32>
      %slice3A_907 = vector.extract_strided_slice %get3A_904 {offsets = [0, 0], sizes = [106, 424], strides = [1, 1]} : vector<424x424xf32> to vector<106x424xf32>
      %slice3A_908 = vector.extract_strided_slice %get3A_904 {offsets = [106, 0], sizes = [106, 424], strides = [1, 1]} : vector<424x424xf32> to vector<106x424xf32>
      %slice3A_909 = vector.extract_strided_slice %get3A_904 {offsets = [212, 0], sizes = [106, 424], strides = [1, 1]} : vector<424x424xf32> to vector<106x424xf32>
      %slice3A_910 = vector.extract_strided_slice %get3A_904 {offsets = [318, 0], sizes = [106, 424], strides = [1, 1]} : vector<424x424xf32> to vector<106x424xf32>
      %concatenate3A_911 = tpu.concatenate %slice3A_907, %broadcast_in_dim3A_906, %slice3A_908, %broadcast_in_dim3A_906, %slice3A_909, %broadcast_in_dim3A_906, %slice3A_910, %broadcast_in_dim3A_906 in 0 : vector<106x424xf32>, vector<22x424xf32>, vector<106x424xf32>, vector<22x424xf32>, vector<106x424xf32>, vector<22x424xf32>, vector<106x424xf32>, vector<22x424xf32> -> vector<512x424xf32>
      %broadcast_in_dim3A_912 = arith.constant 0.000000e+00 : f32
      %broadcast_in_dim3A_913 = vector.broadcast %broadcast_in_dim3A_912 : f32 to vector<512x88xf32>
      %concatenate3A_914 = tpu.concatenate %concatenate3A_911, %broadcast_in_dim3A_913 in 1 : vector<512x424xf32>, vector<512x88xf32> -> vector<512x512xf32>
      %convert_element_type3A_915 = arith.truncf %concatenate3A_914 : vector<512x512xf32> to vector<512x512xbf16>
      %swap3A_916 = arith.constant 0 : index
      %swap3A_917 = arith.constant 0 : index
      %swap3A_918 = vector.load %arg63[%swap3A_916, %swap3A_917] : memref<512x512xbf16, #tpu.memory_space<vmem>>, vector<512x512xbf16>
      tpu.vector_store %arg63[%swap3A_916, %swap3A_917], %convert_element_type3A_915 {strides = array<i32>} : memref<512x512xbf16, #tpu.memory_space<vmem>>, vector<512x512xbf16>,
      %get3A_919 = arith.constant 0 : index
      %get3A_920 = vector.load %arg14[%get3A_919] : memref<424xf32, #tpu.memory_space<vmem>>, vector<424xf32>
      %reshape3A_921 = vector.shape_cast %get3A_920 : vector<424xf32> to vector<1x424xf32>
      %broadcast_in_dim3A_922 = arith.constant 0.000000e+00 : f32
      %broadcast_in_dim3A_923 = vector.broadcast %broadcast_in_dim3A_922 : f32 to vector<1x88xf32>
      %concatenate3A_924 = tpu.concatenate %reshape3A_921, %broadcast_in_dim3A_923 in 1 : vector<1x424xf32>, vector<1x88xf32> -> vector<1x512xf32>
      %swap3A_925 = arith.constant 0 : index
      %swap3A_926 = arith.constant 0 : index
      %swap3A_927 = vector.load %arg64[%swap3A_925, %swap3A_926] : memref<1x512xf32, #tpu.memory_space<vmem>>, vector<1x512xf32>
      tpu.vector_store %arg64[%swap3A_925, %swap3A_926], %concatenate3A_924 {strides = array<i32>} : memref<1x512xf32, #tpu.memory_space<vmem>>, vector<1x512xf32>,
      %get3A_928 = arith.constant 0 : index
      %get3A_929 = arith.constant 0 : index
      %get3A_930 = vector.load %arg15[%get3A_928, %get3A_929] : memref<424x1696xf32, #tpu.memory_space<vmem>>, vector<424x1696xf32>
      %broadcast_in_dim3A_931 = arith.constant 0.000000e+00 : f32
      %broadcast_in_dim3A_932 = vector.broadcast %broadcast_in_dim3A_931 : f32 to vector<424x96xf32>
      %concatenate3A_933 = tpu.concatenate %get3A_930, %broadcast_in_dim3A_932 in 1 : vector<424x1696xf32>, vector<424x96xf32> -> vector<424x1792xf32>
      %broadcast_in_dim3A_934 = arith.constant 0.000000e+00 : f32
      %broadcast_in_dim3A_935 = vector.broadcast %broadcast_in_dim3A_934 : f32 to vector<88x1792xf32>
      %concatenate3A_936 = tpu.concatenate %concatenate3A_933, %broadcast_in_dim3A_935 in 0 : vector<424x1792xf32>, vector<88x1792xf32> -> vector<512x1792xf32>
      %convert_element_type3A_937 = arith.truncf %concatenate3A_936 : vector<512x1792xf32> to vector<512x1792xbf16>
      %swap3A_938 = arith.constant 0 : index
      %swap3A_939 = arith.constant 0 : index
      %swap3A_940 = vector.load %arg65[%swap3A_938, %swap3A_939] : memref<512x1792xbf16, #tpu.memory_space<vmem>>, vector<512x1792xbf16>
      tpu.vector_store %arg65[%swap3A_938, %swap3A_939], %convert_element_type3A_937 {strides = array<i32>} : memref<512x1792xbf16, #tpu.memory_space<vmem>>, vector<512x1792xbf16>,
      %get3A_941 = arith.constant 0 : index
      %get3A_942 = vector.load %arg16[%get3A_941] : memref<1696xf32, #tpu.memory_space<vmem>>, vector<1696xf32>
      %reshape3A_943 = vector.shape_cast %get3A_942 : vector<1696xf32> to vector<1x1696xf32>
      %broadcast_in_dim3A_944 = arith.constant 0.000000e+00 : f32
      %broadcast_in_dim3A_945 = vector.broadcast %broadcast_in_dim3A_944 : f32 to vector<1x96xf32>
      %concatenate3A_946 = tpu.concatenate %reshape3A_943, %broadcast_in_dim3A_945 in 1 : vector<1x1696xf32>, vector<1x96xf32> -> vector<1x1792xf32>
      %swap3A_947 = arith.constant 0 : index
      %swap3A_948 = arith.constant 0 : index
      %swap3A_949 = vector.load %arg66[%swap3A_947, %swap3A_948] : memref<1x1792xf32, #tpu.memory_space<vmem>>, vector<1x1792xf32>
      tpu.vector_store %arg66[%swap3A_947, %swap3A_948], %concatenate3A_946 {strides = array<i32>} : memref<1x1792xf32, #tpu.memory_space<vmem>>, vector<1x1792xf32>,
      %get3A_950 = arith.constant 0 : index
      %get3A_951 = arith.constant 0 : index
      %get3A_952 = vector.load %arg17[%get3A_950, %get3A_951] : memref<1696x424xf32, #tpu.memory_space<vmem>>, vector<1696x424xf32>
      %broadcast_in_dim3A_953 = arith.constant 0.000000e+00 : f32
      %broadcast_in_dim3A_954 = vector.broadcast %broadcast_in_dim3A_953 : f32 to vector<1696x88xf32>
      %concatenate3A_955 = tpu.concatenate %get3A_952, %broadcast_in_dim3A_954 in 1 : vector<1696x424xf32>, vector<1696x88xf32> -> vector<1696x512xf32>
      %broadcast_in_dim3A_956 = arith.constant 0.000000e+00 : f32
      %broadcast_in_dim3A_957 = vector.broadcast %broadcast_in_dim3A_956 : f32 to vector<96x512xf32>
      %concatenate3A_958 = tpu.concatenate %concatenate3A_955, %broadcast_in_dim3A_957 in 0 : vector<1696x512xf32>, vector<96x512xf32> -> vector<1792x512xf32>
      %convert_element_type3A_959 = arith.truncf %concatenate3A_958 : vector<1792x512xf32> to vector<1792x512xbf16>
      %swap3A_960 = arith.constant 0 : index
      %swap3A_961 = arith.constant 0 : index
      %swap3A_962 = vector.load %arg67[%swap3A_960, %swap3A_961] : memref<1792x512xbf16, #tpu.memory_space<vmem>>, vector<1792x512xbf16>
      tpu.vector_store %arg67[%swap3A_960, %swap3A_961], %convert_element_type3A_959 {strides = array<i32>} : memref<1792x512xbf16, #tpu.memory_space<vmem>>, vector<1792x512xbf16>,
      %get3A_963 = arith.constant 0 : index
      %get3A_964 = vector.load %arg18[%get3A_963] : memref<424xf32, #tpu.memory_space<vmem>>, vector<424xf32>
      %reshape3A_965 = vector.shape_cast %get3A_964 : vector<424xf32> to vector<1x424xf32>
      %broadcast_in_dim3A_966 = arith.constant 0.000000e+00 : f32
      %broadcast_in_dim3A_967 = vector.broadcast %broadcast_in_dim3A_966 : f32 to vector<1x88xf32>
      %concatenate3A_968 = tpu.concatenate %reshape3A_965, %broadcast_in_dim3A_967 in 1 : vector<1x424xf32>, vector<1x88xf32> -> vector<1x512xf32>
      %swap3A_969 = arith.constant 0 : index
      %swap3A_970 = arith.constant 0 : index
      %swap3A_971 = vector.load %arg68[%swap3A_969, %swap3A_970] : memref<1x512xf32, #tpu.memory_space<vmem>>, vector<1x512xf32>
      tpu.vector_store %arg68[%swap3A_969, %swap3A_970], %concatenate3A_968 {strides = array<i32>} : memref<1x512xf32, #tpu.memory_space<vmem>>, vector<1x512xf32>,
      %get3A_972 = arith.constant 0 : index
      %get3A_973 = vector.load %arg19[%get3A_972] : memref<424xf32, #tpu.memory_space<vmem>>, vector<424xf32>
      %reshape3A_974 = vector.shape_cast %get3A_973 : vector<424xf32> to vector<1x424xf32>
      %broadcast_in_dim3A_975 = arith.constant 0.000000e+00 : f32
      %broadcast_in_dim3A_976 = vector.broadcast %broadcast_in_dim3A_975 : f32 to vector<1x88xf32>
      %concatenate3A_977 = tpu.concatenate %reshape3A_974, %broadcast_in_dim3A_976 in 1 : vector<1x424xf32>, vector<1x88xf32> -> vector<1x512xf32>
      %swap3A_978 = arith.constant 0 : index
      %swap3A_979 = arith.constant 0 : index
      %swap3A_980 = vector.load %arg69[%swap3A_978, %swap3A_979] : memref<1x512xf32, #tpu.memory_space<vmem>>, vector<1x512xf32>
      tpu.vector_store %arg69[%swap3A_978, %swap3A_979], %concatenate3A_977 {strides = array<i32>} : memref<1x512xf32, #tpu.memory_space<vmem>>, vector<1x512xf32>,
      %get3A_981 = arith.constant 0 : index
      %get3A_982 = vector.load %arg20[%get3A_981] : memref<424xf32, #tpu.memory_space<vmem>>, vector<424xf32>
      %reshape3A_983 = vector.shape_cast %get3A_982 : vector<424xf32> to vector<1x424xf32>
      %broadcast_in_dim3A_984 = arith.constant 0.000000e+00 : f32
      %broadcast_in_dim3A_985 = vector.broadcast %broadcast_in_dim3A_984 : f32 to vector<1x88xf32>
      %concatenate3A_986 = tpu.concatenate %reshape3A_983, %broadcast_in_dim3A_985 in 1 : vector<1x424xf32>, vector<1x88xf32> -> vector<1x512xf32>
      %swap3A_987 = arith.constant 0 : index
      %swap3A_988 = arith.constant 0 : index
      %swap3A_989 = vector.load %arg70[%swap3A_987, %swap3A_988] : memref<1x512xf32, #tpu.memory_space<vmem>>, vector<1x512xf32>
      tpu.vector_store %arg70[%swap3A_987, %swap3A_988], %concatenate3A_986 {strides = array<i32>} : memref<1x512xf32, #tpu.memory_space<vmem>>, vector<1x512xf32>,
      %get3A_990 = arith.constant 0 : index
      %get3A_991 = vector.load %arg21[%get3A_990] : memref<424xf32, #tpu.memory_space<vmem>>, vector<424xf32>
      %reshape3A_992 = vector.shape_cast %get3A_991 : vector<424xf32> to vector<1x424xf32>
      %broadcast_in_dim3A_993 = arith.constant 0.000000e+00 : f32
      %broadcast_in_dim3A_994 = vector.broadcast %broadcast_in_dim3A_993 : f32 to vector<1x88xf32>
      %concatenate3A_995 = tpu.concatenate %reshape3A_992, %broadcast_in_dim3A_994 in 1 : vector<1x424xf32>, vector<1x88xf32> -> vector<1x512xf32>
      %swap3A_996 = arith.constant 0 : index
      %swap3A_997 = arith.constant 0 : index
      %swap3A_998 = vector.load %arg71[%swap3A_996, %swap3A_997] : memref<1x512xf32, #tpu.memory_space<vmem>>, vector<1x512xf32>
      tpu.vector_store %arg71[%swap3A_996, %swap3A_997], %concatenate3A_995 {strides = array<i32>} : memref<1x512xf32, #tpu.memory_space<vmem>>, vector<1x512xf32>,
      %get3A_999 = arith.constant 0 : index
      %get3A_1000 = vector.load %arg22[%get3A_999] : memref<424xf32, #tpu.memory_space<vmem>>, vector<424xf32>
      %reshape3A_1001 = vector.shape_cast %get3A_1000 : vector<424xf32> to vector<1x424xf32>
      %broadcast_in_dim3A_1002 = arith.constant 0.000000e+00 : f32
      %broadcast_in_dim3A_1003 = vector.broadcast %broadcast_in_dim3A_1002 : f32 to vector<1x88xf32>
      %concatenate3A_1004 = tpu.concatenate %reshape3A_1001, %broadcast_in_dim3A_1003 in 1 : vector<1x424xf32>, vector<1x88xf32> -> vector<1x512xf32>
      %swap3A_1005 = arith.constant 0 : index
      %swap3A_1006 = arith.constant 0 : index
      %swap3A_1007 = vector.load %arg72[%swap3A_1005, %swap3A_1006] : memref<1x512xf32, #tpu.memory_space<vmem>>, vector<1x512xf32>
      tpu.vector_store %arg72[%swap3A_1005, %swap3A_1006], %concatenate3A_1004 {strides = array<i32>} : memref<1x512xf32, #tpu.memory_space<vmem>>, vector<1x512xf32>,
      %get3A_1008 = arith.constant 0 : index
      %get3A_1009 = arith.constant 0 : index
      %get3A_1010 = vector.load %arg23[%get3A_1008, %get3A_1009] : memref<432x8xf32, #tpu.memory_space<vmem>>, vector<432x8xf32>
      %slice3A_1011 = vector.extract_strided_slice %get3A_1010 {offsets = [0, 0], sizes = [424, 8], strides = [1, 1]} : vector<432x8xf32> to vector<424x8xf32>
      %broadcast_in_dim3A_1012 = arith.constant 0.000000e+00 : f32
      %broadcast_in_dim3A_1013 = vector.broadcast %broadcast_in_dim3A_1012 : f32 to vector<88x8xf32>
      %concatenate3A_1014 = tpu.concatenate %slice3A_1011, %broadcast_in_dim3A_1013 in 0 : vector<424x8xf32>, vector<88x8xf32> -> vector<512x8xf32>
      %convert_element_type3A_1015 = arith.truncf %concatenate3A_1014 : vector<512x8xf32> to vector<512x8xbf16>
      %swap3A_1016 = arith.constant 0 : index
      %swap3A_1017 = arith.constant 0 : index
      %swap3A_1018 = vector.load %arg73[%swap3A_1016, %swap3A_1017] : memref<512x8xbf16, #tpu.memory_space<vmem>>, vector<512x8xbf16>
      tpu.vector_store %arg73[%swap3A_1016, %swap3A_1017], %convert_element_type3A_1015 {strides = array<i32>} : memref<512x8xbf16, #tpu.memory_space<vmem>>, vector<512x8xbf16>,
      %get3A_1019 = arith.constant 0 : index
      %get3A_1020 = arith.constant 0 : index
      %get3A_1021 = vector.load %arg23[%get3A_1019, %get3A_1020] : memref<432x8xf32, #tpu.memory_space<vmem>>, vector<432x8xf32>
      %slice3A_1022 = vector.extract_strided_slice %get3A_1021 {offsets = [424, 0], sizes = [8, 8], strides = [1, 1]} : vector<432x8xf32> to vector<8x8xf32>
      %convert_element_type3A_1023 = arith.truncf %slice3A_1022 : vector<8x8xf32> to vector<8x8xbf16>
      %swap3A_1024 = arith.constant 0 : index
      %swap3A_1025 = arith.constant 0 : index
      %swap3A_1026 = vector.load %arg74[%swap3A_1024, %swap3A_1025] : memref<8x8xbf16, #tpu.memory_space<vmem>>, vector<8x8xbf16>
      tpu.vector_store %arg74[%swap3A_1024, %swap3A_1025], %convert_element_type3A_1023 {strides = array<i32>} : memref<8x8xbf16, #tpu.memory_space<vmem>>, vector<8x8xbf16>,
      %get3A_1027 = arith.constant 0 : index
      %get3A_1028 = arith.constant 0 : index
      %get3A_1029 = vector.load %arg25[%get3A_1027, %get3A_1028] : memref<424x212xf32, #tpu.memory_space<vmem>>, vector<424x212xf32>
      %broadcast_in_dim3A_1030 = arith.constant 0.000000e+00 : f32
      %broadcast_in_dim3A_1031 = vector.broadcast %broadcast_in_dim3A_1030 : f32 to vector<424x44xf32>
      %concatenate3A_1032 = tpu.concatenate %get3A_1029, %broadcast_in_dim3A_1031 in 1 : vector<424x212xf32>, vector<424x44xf32> -> vector<424x256xf32>
      %broadcast_in_dim3A_1033 = arith.constant 0.000000e+00 : f32
      %broadcast_in_dim3A_1034 = vector.broadcast %broadcast_in_dim3A_1033 : f32 to vector<88x256xf32>
      %concatenate3A_1035 = tpu.concatenate %concatenate3A_1032, %broadcast_in_dim3A_1034 in 0 : vector<424x256xf32>, vector<88x256xf32> -> vector<512x256xf32>
      %get3A_1036 = arith.constant 0 : index
      %get3A_1037 = arith.constant 0 : index
      %get3A_1038 = vector.load %arg29[%get3A_1036, %get3A_1037] : memref<424x212xf32, #tpu.memory_space<vmem>>, vector<424x212xf32>
      %broadcast_in_dim3A_1039 = arith.constant 0.000000e+00 : f32
      %broadcast_in_dim3A_1040 = vector.broadcast %broadcast_in_dim3A_1039 : f32 to vector<424x44xf32>
      %concatenate3A_1041 = tpu.concatenate %get3A_1038, %broadcast_in_dim3A_1040 in 1 : vector<424x212xf32>, vector<424x44xf32> -> vector<424x256xf32>
      %broadcast_in_dim3A_1042 = arith.constant 0.000000e+00 : f32
      %broadcast_in_dim3A_1043 = vector.broadcast %broadcast_in_dim3A_1042 : f32 to vector<88x256xf32>
      %concatenate3A_1044 = tpu.concatenate %concatenate3A_1041, %broadcast_in_dim3A_1043 in 0 : vector<424x256xf32>, vector<88x256xf32> -> vector<512x256xf32>
      %concatenate3A_1045 = tpu.concatenate %concatenate3A_1035, %concatenate3A_1044 in 1 : vector<512x256xf32>, vector<512x256xf32> -> vector<512x512xf32>
      %convert_element_type3A_1046 = arith.truncf %concatenate3A_1045 : vector<512x512xf32> to vector<512x512xbf16>
      %swap3A_1047 = arith.constant 0 : index
      %swap3A_1048 = arith.constant 0 : index
      %swap3A_1049 = vector.load %arg75[%swap3A_1047, %swap3A_1048] : memref<512x512xbf16, #tpu.memory_space<vmem>>, vector<512x512xbf16>
      tpu.vector_store %arg75[%swap3A_1047, %swap3A_1048], %convert_element_type3A_1046 {strides = array<i32>} : memref<512x512xbf16, #tpu.memory_space<vmem>>, vector<512x512xbf16>,
      %get3A_1050 = arith.constant 0 : index
      %get3A_1051 = vector.load %arg26[%get3A_1050] : memref<212xf32, #tpu.memory_space<vmem>>, vector<212xf32>
      %reshape3A_1052 = vector.shape_cast %get3A_1051 : vector<212xf32> to vector<1x212xf32>
      %broadcast_in_dim3A_1053 = arith.constant 0.000000e+00 : f32
      %broadcast_in_dim3A_1054 = vector.broadcast %broadcast_in_dim3A_1053 : f32 to vector<1x44xf32>
      %concatenate3A_1055 = tpu.concatenate %reshape3A_1052, %broadcast_in_dim3A_1054 in 1 : vector<1x212xf32>, vector<1x44xf32> -> vector<1x256xf32>
      %get3A_1056 = arith.constant 0 : index
      %get3A_1057 = vector.load %arg30[%get3A_1056] : memref<212xf32, #tpu.memory_space<vmem>>, vector<212xf32>
      %reshape3A_1058 = vector.shape_cast %get3A_1057 : vector<212xf32> to vector<1x212xf32>
      %broadcast_in_dim3A_1059 = arith.constant 0.000000e+00 : f32
      %broadcast_in_dim3A_1060 = vector.broadcast %broadcast_in_dim3A_1059 : f32 to vector<1x44xf32>
      %concatenate3A_1061 = tpu.concatenate %reshape3A_1058, %broadcast_in_dim3A_1060 in 1 : vector<1x212xf32>, vector<1x44xf32> -> vector<1x256xf32>
      %concatenate3A_1062 = tpu.concatenate %concatenate3A_1055, %concatenate3A_1061 in 1 : vector<1x256xf32>, vector<1x256xf32> -> vector<1x512xf32>
      %swap3A_1063 = arith.constant 0 : index
      %swap3A_1064 = arith.constant 0 : index
      %swap3A_1065 = vector.load %arg76[%swap3A_1063, %swap3A_1064] : memref<1x512xf32, #tpu.memory_space<vmem>>, vector<1x512xf32>
      tpu.vector_store %arg76[%swap3A_1063, %swap3A_1064], %concatenate3A_1062 {strides = array<i32>} : memref<1x512xf32, #tpu.memory_space<vmem>>, vector<1x512xf32>,
      %get3A_1066 = arith.constant 0 : index
      %get3A_1067 = vector.load %arg27[%get3A_1066] : memref<212xf32, #tpu.memory_space<vmem>>, vector<212xf32>
      %reshape3A_1068 = vector.shape_cast %get3A_1067 : vector<212xf32> to vector<1x212xf32>
      %broadcast_in_dim3A_1069 = arith.constant 0.000000e+00 : f32
      %broadcast_in_dim3A_1070 = vector.broadcast %broadcast_in_dim3A_1069 : f32 to vector<1x44xf32>
      %concatenate3A_1071 = tpu.concatenate %reshape3A_1068, %broadcast_in_dim3A_1070 in 1 : vector<1x212xf32>, vector<1x44xf32> -> vector<1x256xf32>
      %get3A_1072 = arith.constant 0 : index
      %get3A_1073 = vector.load %arg31[%get3A_1072] : memref<212xf32, #tpu.memory_space<vmem>>, vector<212xf32>
      %reshape3A_1074 = vector.shape_cast %get3A_1073 : vector<212xf32> to vector<1x212xf32>
      %broadcast_in_dim3A_1075 = arith.constant 0.000000e+00 : f32
      %broadcast_in_dim3A_1076 = vector.broadcast %broadcast_in_dim3A_1075 : f32 to vector<1x44xf32>
      %concatenate3A_1077 = tpu.concatenate %reshape3A_1074, %broadcast_in_dim3A_1076 in 1 : vector<1x212xf32>, vector<1x44xf32> -> vector<1x256xf32>
      %concatenate3A_1078 = tpu.concatenate %concatenate3A_1071, %concatenate3A_1077 in 1 : vector<1x256xf32>, vector<1x256xf32> -> vector<1x512xf32>
      %swap3A_1079 = arith.constant 0 : index
      %swap3A_1080 = arith.constant 0 : index
      %swap3A_1081 = vector.load %arg77[%swap3A_1079, %swap3A_1080] : memref<1x512xf32, #tpu.memory_space<vmem>>, vector<1x512xf32>
      tpu.vector_store %arg77[%swap3A_1079, %swap3A_1080], %concatenate3A_1078 {strides = array<i32>} : memref<1x512xf32, #tpu.memory_space<vmem>>, vector<1x512xf32>,
      %get3A_1082 = arith.constant 0 : index
      %get3A_1083 = arith.constant 0 : index
      %get3A_1084 = vector.load %arg33[%get3A_1082, %get3A_1083] : memref<424x424xf32, #tpu.memory_space<vmem>>, vector<424x424xf32>
      %broadcast_in_dim3A_1085 = arith.constant 0.000000e+00 : f32
      %broadcast_in_dim3A_1086 = vector.broadcast %broadcast_in_dim3A_1085 : f32 to vector<424x22xf32>
      %slice3A_1087 = vector.extract_strided_slice %get3A_1084 {offsets = [0, 0], sizes = [424, 106], strides = [1, 1]} : vector<424x424xf32> to vector<424x106xf32>
      %slice3A_1088 = vector.extract_strided_slice %get3A_1084 {offsets = [0, 106], sizes = [424, 106], strides = [1, 1]} : vector<424x424xf32> to vector<424x106xf32>
      %slice3A_1089 = vector.extract_strided_slice %get3A_1084 {offsets = [0, 212], sizes = [424, 106], strides = [1, 1]} : vector<424x424xf32> to vector<424x106xf32>
      %slice3A_1090 = vector.extract_strided_slice %get3A_1084 {offsets = [0, 318], sizes = [424, 106], strides = [1, 1]} : vector<424x424xf32> to vector<424x106xf32>
      %concatenate3A_1091 = tpu.concatenate %slice3A_1087, %broadcast_in_dim3A_1086, %slice3A_1088, %broadcast_in_dim3A_1086, %slice3A_1089, %broadcast_in_dim3A_1086, %slice3A_1090, %broadcast_in_dim3A_1086 in 1 : vector<424x106xf32>, vector<424x22xf32>, vector<424x106xf32>, vector<424x22xf32>, vector<424x106xf32>, vector<424x22xf32>, vector<424x106xf32>, vector<424x22xf32> -> vector<424x512xf32>
      %broadcast_in_dim3A_1092 = arith.constant 0.000000e+00 : f32
      %broadcast_in_dim3A_1093 = vector.broadcast %broadcast_in_dim3A_1092 : f32 to vector<88x512xf32>
      %concatenate3A_1094 = tpu.concatenate %concatenate3A_1091, %broadcast_in_dim3A_1093 in 0 : vector<424x512xf32>, vector<88x512xf32> -> vector<512x512xf32>
      %mul3A_1095 = arith.constant 0.0971285849 : f32
      %mul3A_1096 = vector.broadcast %mul3A_1095 : f32 to vector<512x512xf32>
      %mul3A_1097 = arith.mulf %concatenate3A_1094, %mul3A_1096 : vector<512x512xf32>
      %get3A_1098 = arith.constant 0 : index
      %get3A_1099 = arith.constant 0 : index
      %get3A_1100 = vector.load %arg35[%get3A_1098, %get3A_1099] : memref<424x424xf32, #tpu.memory_space<vmem>>, vector<424x424xf32>
      %broadcast_in_dim3A_1101 = arith.constant 0.000000e+00 : f32
      %broadcast_in_dim3A_1102 = vector.broadcast %broadcast_in_dim3A_1101 : f32 to vector<424x22xf32>
      %slice3A_1103 = vector.extract_strided_slice %get3A_1100 {offsets = [0, 0], sizes = [424, 106], strides = [1, 1]} : vector<424x424xf32> to vector<424x106xf32>
      %slice3A_1104 = vector.extract_strided_slice %get3A_1100 {offsets = [0, 106], sizes = [424, 106], strides = [1, 1]} : vector<424x424xf32> to vector<424x106xf32>
      %slice3A_1105 = vector.extract_strided_slice %get3A_1100 {offsets = [0, 212], sizes = [424, 106], strides = [1, 1]} : vector<424x424xf32> to vector<424x106xf32>
      %slice3A_1106 = vector.extract_strided_slice %get3A_1100 {offsets = [0, 318], sizes = [424, 106], strides = [1, 1]} : vector<424x424xf32> to vector<424x106xf32>
      %concatenate3A_1107 = tpu.concatenate %slice3A_1103, %broadcast_in_dim3A_1102, %slice3A_1104, %broadcast_in_dim3A_1102, %slice3A_1105, %broadcast_in_dim3A_1102, %slice3A_1106, %broadcast_in_dim3A_1102 in 1 : vector<424x106xf32>, vector<424x22xf32>, vector<424x106xf32>, vector<424x22xf32>, vector<424x106xf32>, vector<424x22xf32>, vector<424x106xf32>, vector<424x22xf32> -> vector<424x512xf32>
      %broadcast_in_dim3A_1108 = arith.constant 0.000000e+00 : f32
      %broadcast_in_dim3A_1109 = vector.broadcast %broadcast_in_dim3A_1108 : f32 to vector<88x512xf32>
      %concatenate3A_1110 = tpu.concatenate %concatenate3A_1107, %broadcast_in_dim3A_1109 in 0 : vector<424x512xf32>, vector<88x512xf32> -> vector<512x512xf32>
      %get3A_1111 = arith.constant 0 : index
      %get3A_1112 = arith.constant 0 : index
      %get3A_1113 = vector.load %arg37[%get3A_1111, %get3A_1112] : memref<424x424xf32, #tpu.memory_space<vmem>>, vector<424x424xf32>
      %broadcast_in_dim3A_1114 = arith.constant 0.000000e+00 : f32
      %broadcast_in_dim3A_1115 = vector.broadcast %broadcast_in_dim3A_1114 : f32 to vector<424x22xf32>
      %slice3A_1116 = vector.extract_strided_slice %get3A_1113 {offsets = [0, 0], sizes = [424, 106], strides = [1, 1]} : vector<424x424xf32> to vector<424x106xf32>
      %slice3A_1117 = vector.extract_strided_slice %get3A_1113 {offsets = [0, 106], sizes = [424, 106], strides = [1, 1]} : vector<424x424xf32> to vector<424x106xf32>
      %slice3A_1118 = vector.extract_strided_slice %get3A_1113 {offsets = [0, 212], sizes = [424, 106], strides = [1, 1]} : vector<424x424xf32> to vector<424x106xf32>
      %slice3A_1119 = vector.extract_strided_slice %get3A_1113 {offsets = [0, 318], sizes = [424, 106], strides = [1, 1]} : vector<424x424xf32> to vector<424x106xf32>
      %concatenate3A_1120 = tpu.concatenate %slice3A_1116, %broadcast_in_dim3A_1115, %slice3A_1117, %broadcast_in_dim3A_1115, %slice3A_1118, %broadcast_in_dim3A_1115, %slice3A_1119, %broadcast_in_dim3A_1115 in 1 : vector<424x106xf32>, vector<424x22xf32>, vector<424x106xf32>, vector<424x22xf32>, vector<424x106xf32>, vector<424x22xf32>, vector<424x106xf32>, vector<424x22xf32> -> vector<424x512xf32>
      %broadcast_in_dim3A_1121 = arith.constant 0.000000e+00 : f32
      %broadcast_in_dim3A_1122 = vector.broadcast %broadcast_in_dim3A_1121 : f32 to vector<88x512xf32>
      %concatenate3A_1123 = tpu.concatenate %concatenate3A_1120, %broadcast_in_dim3A_1122 in 0 : vector<424x512xf32>, vector<88x512xf32> -> vector<512x512xf32>
      %concatenate3A_1124 = tpu.concatenate %mul3A_1097, %concatenate3A_1110, %concatenate3A_1123 in 1 : vector<512x512xf32>, vector<512x512xf32>, vector<512x512xf32> -> vector<512x1536xf32>
      %convert_element_type3A_1125 = arith.truncf %concatenate3A_1124 : vector<512x1536xf32> to vector<512x1536xbf16>
      %swap3A_1126 = arith.constant 0 : index
      %swap3A_1127 = arith.constant 0 : index
      %swap3A_1128 = vector.load %arg78[%swap3A_1126, %swap3A_1127] : memref<512x1536xbf16, #tpu.memory_space<vmem>>, vector<512x1536xbf16>
      tpu.vector_store %arg78[%swap3A_1126, %swap3A_1127], %convert_element_type3A_1125 {strides = array<i32>} : memref<512x1536xbf16, #tpu.memory_space<vmem>>, vector<512x1536xbf16>,
      %get3A_1129 = arith.constant 0 : index
      %get3A_1130 = vector.load %arg34[%get3A_1129] : memref<424xf32, #tpu.memory_space<vmem>>, vector<424xf32>
      %reshape3A_1131 = vector.shape_cast %get3A_1130 : vector<424xf32> to vector<1x424xf32>
      %broadcast_in_dim3A_1132 = arith.constant 0.000000e+00 : f32
      %broadcast_in_dim3A_1133 = vector.broadcast %broadcast_in_dim3A_1132 : f32 to vector<1x22xf32>
      %slice3A_1134 = vector.extract_strided_slice %reshape3A_1131 {offsets = [0, 0], sizes = [1, 106], strides = [1, 1]} : vector<1x424xf32> to vector<1x106xf32>
      %slice3A_1135 = vector.extract_strided_slice %reshape3A_1131 {offsets = [0, 106], sizes = [1, 106], strides = [1, 1]} : vector<1x424xf32> to vector<1x106xf32>
      %slice3A_1136 = vector.extract_strided_slice %reshape3A_1131 {offsets = [0, 212], sizes = [1, 106], strides = [1, 1]} : vector<1x424xf32> to vector<1x106xf32>
      %slice3A_1137 = vector.extract_strided_slice %reshape3A_1131 {offsets = [0, 318], sizes = [1, 106], strides = [1, 1]} : vector<1x424xf32> to vector<1x106xf32>
      %concatenate3A_1138 = tpu.concatenate %slice3A_1134, %broadcast_in_dim3A_1133, %slice3A_1135, %broadcast_in_dim3A_1133, %slice3A_1136, %broadcast_in_dim3A_1133, %slice3A_1137, %broadcast_in_dim3A_1133 in 1 : vector<1x106xf32>, vector<1x22xf32>, vector<1x106xf32>, vector<1x22xf32>, vector<1x106xf32>, vector<1x22xf32>, vector<1x106xf32>, vector<1x22xf32> -> vector<1x512xf32>
      %mul3A_1139 = arith.constant 0.0971285849 : f32
      %mul3A_1140 = vector.broadcast %mul3A_1139 : f32 to vector<1x512xf32>
      %mul3A_1141 = arith.mulf %concatenate3A_1138, %mul3A_1140 : vector<1x512xf32>
      %get3A_1142 = arith.constant 0 : index
      %get3A_1143 = vector.load %arg36[%get3A_1142] : memref<424xf32, #tpu.memory_space<vmem>>, vector<424xf32>
      %reshape3A_1144 = vector.shape_cast %get3A_1143 : vector<424xf32> to vector<1x424xf32>
      %broadcast_in_dim3A_1145 = arith.constant 0.000000e+00 : f32
      %broadcast_in_dim3A_1146 = vector.broadcast %broadcast_in_dim3A_1145 : f32 to vector<1x22xf32>
      %slice3A_1147 = vector.extract_strided_slice %reshape3A_1144 {offsets = [0, 0], sizes = [1, 106], strides = [1, 1]} : vector<1x424xf32> to vector<1x106xf32>
      %slice3A_1148 = vector.extract_strided_slice %reshape3A_1144 {offsets = [0, 106], sizes = [1, 106], strides = [1, 1]} : vector<1x424xf32> to vector<1x106xf32>
      %slice3A_1149 = vector.extract_strided_slice %reshape3A_1144 {offsets = [0, 212], sizes = [1, 106], strides = [1, 1]} : vector<1x424xf32> to vector<1x106xf32>
      %slice3A_1150 = vector.extract_strided_slice %reshape3A_1144 {offsets = [0, 318], sizes = [1, 106], strides = [1, 1]} : vector<1x424xf32> to vector<1x106xf32>
      %concatenate3A_1151 = tpu.concatenate %slice3A_1147, %broadcast_in_dim3A_1146, %slice3A_1148, %broadcast_in_dim3A_1146, %slice3A_1149, %broadcast_in_dim3A_1146, %slice3A_1150, %broadcast_in_dim3A_1146 in 1 : vector<1x106xf32>, vector<1x22xf32>, vector<1x106xf32>, vector<1x22xf32>, vector<1x106xf32>, vector<1x22xf32>, vector<1x106xf32>, vector<1x22xf32> -> vector<1x512xf32>
      %get3A_1152 = arith.constant 0 : index
      %get3A_1153 = vector.load %arg38[%get3A_1152] : memref<424xf32, #tpu.memory_space<vmem>>, vector<424xf32>
      %reshape3A_1154 = vector.shape_cast %get3A_1153 : vector<424xf32> to vector<1x424xf32>
      %broadcast_in_dim3A_1155 = arith.constant 0.000000e+00 : f32
      %broadcast_in_dim3A_1156 = vector.broadcast %broadcast_in_dim3A_1155 : f32 to vector<1x22xf32>
      %slice3A_1157 = vector.extract_strided_slice %reshape3A_1154 {offsets = [0, 0], sizes = [1, 106], strides = [1, 1]} : vector<1x424xf32> to vector<1x106xf32>
      %slice3A_1158 = vector.extract_strided_slice %reshape3A_1154 {offsets = [0, 106], sizes = [1, 106], strides = [1, 1]} : vector<1x424xf32> to vector<1x106xf32>
      %slice3A_1159 = vector.extract_strided_slice %reshape3A_1154 {offsets = [0, 212], sizes = [1, 106], strides = [1, 1]} : vector<1x424xf32> to vector<1x106xf32>
      %slice3A_1160 = vector.extract_strided_slice %reshape3A_1154 {offsets = [0, 318], sizes = [1, 106], strides = [1, 1]} : vector<1x424xf32> to vector<1x106xf32>
      %concatenate3A_1161 = tpu.concatenate %slice3A_1157, %broadcast_in_dim3A_1156, %slice3A_1158, %broadcast_in_dim3A_1156, %slice3A_1159, %broadcast_in_dim3A_1156, %slice3A_1160, %broadcast_in_dim3A_1156 in 1 : vector<1x106xf32>, vector<1x22xf32>, vector<1x106xf32>, vector<1x22xf32>, vector<1x106xf32>, vector<1x22xf32>, vector<1x106xf32>, vector<1x22xf32> -> vector<1x512xf32>
      %concatenate3A_1162 = tpu.concatenate %mul3A_1141, %concatenate3A_1151, %concatenate3A_1161 in 1 : vector<1x512xf32>, vector<1x512xf32>, vector<1x512xf32> -> vector<1x1536xf32>
      %swap3A_1163 = arith.constant 0 : index
      %swap3A_1164 = arith.constant 0 : index
      %swap3A_1165 = vector.load %arg79[%swap3A_1163, %swap3A_1164] : memref<1x1536xf32, #tpu.memory_space<vmem>>, vector<1x1536xf32>
      tpu.vector_store %arg79[%swap3A_1163, %swap3A_1164], %concatenate3A_1162 {strides = array<i32>} : memref<1x1536xf32, #tpu.memory_space<vmem>>, vector<1x1536xf32>,
      %get3A_1166 = arith.constant 0 : index
      %get3A_1167 = arith.constant 0 : index
      %get3A_1168 = vector.load %arg39[%get3A_1166, %get3A_1167] : memref<424x424xf32, #tpu.memory_space<vmem>>, vector<424x424xf32>
      %broadcast_in_dim3A_1169 = arith.constant 0.000000e+00 : f32
      %broadcast_in_dim3A_1170 = vector.broadcast %broadcast_in_dim3A_1169 : f32 to vector<22x424xf32>
      %slice3A_1171 = vector.extract_strided_slice %get3A_1168 {offsets = [0, 0], sizes = [106, 424], strides = [1, 1]} : vector<424x424xf32> to vector<106x424xf32>
      %slice3A_1172 = vector.extract_strided_slice %get3A_1168 {offsets = [106, 0], sizes = [106, 424], strides = [1, 1]} : vector<424x424xf32> to vector<106x424xf32>
      %slice3A_1173 = vector.extract_strided_slice %get3A_1168 {offsets = [212, 0], sizes = [106, 424], strides = [1, 1]} : vector<424x424xf32> to vector<106x424xf32>
      %slice3A_1174 = vector.extract_strided_slice %get3A_1168 {offsets = [318, 0], sizes = [106, 424], strides = [1, 1]} : vector<424x424xf32> to vector<106x424xf32>
      %concatenate3A_1175 = tpu.concatenate %slice3A_1171, %broadcast_in_dim3A_1170, %slice3A_1172, %broadcast_in_dim3A_1170, %slice3A_1173, %broadcast_in_dim3A_1170, %slice3A_1174, %broadcast_in_dim3A_1170 in 0 : vector<106x424xf32>, vector<22x424xf32>, vector<106x424xf32>, vector<22x424xf32>, vector<106x424xf32>, vector<22x424xf32>, vector<106x424xf32>, vector<22x424xf32> -> vector<512x424xf32>
      %broadcast_in_dim3A_1176 = arith.constant 0.000000e+00 : f32
      %broadcast_in_dim3A_1177 = vector.broadcast %broadcast_in_dim3A_1176 : f32 to vector<512x88xf32>
      %concatenate3A_1178 = tpu.concatenate %concatenate3A_1175, %broadcast_in_dim3A_1177 in 1 : vector<512x424xf32>, vector<512x88xf32> -> vector<512x512xf32>
      %convert_element_type3A_1179 = arith.truncf %concatenate3A_1178 : vector<512x512xf32> to vector<512x512xbf16>
      %swap3A_1180 = arith.constant 0 : index
      %swap3A_1181 = arith.constant 0 : index
      %swap3A_1182 = vector.load %arg80[%swap3A_1180, %swap3A_1181] : memref<512x512xbf16, #tpu.memory_space<vmem>>, vector<512x512xbf16>
      tpu.vector_store %arg80[%swap3A_1180, %swap3A_1181], %convert_element_type3A_1179 {strides = array<i32>} : memref<512x512xbf16, #tpu.memory_space<vmem>>, vector<512x512xbf16>,
      %get3A_1183 = arith.constant 0 : index
      %get3A_1184 = vector.load %arg40[%get3A_1183] : memref<424xf32, #tpu.memory_space<vmem>>, vector<424xf32>
      %reshape3A_1185 = vector.shape_cast %get3A_1184 : vector<424xf32> to vector<1x424xf32>
      %broadcast_in_dim3A_1186 = arith.constant 0.000000e+00 : f32
      %broadcast_in_dim3A_1187 = vector.broadcast %broadcast_in_dim3A_1186 : f32 to vector<1x88xf32>
      %concatenate3A_1188 = tpu.concatenate %reshape3A_1185, %broadcast_in_dim3A_1187 in 1 : vector<1x424xf32>, vector<1x88xf32> -> vector<1x512xf32>
      %swap3A_1189 = arith.constant 0 : index
      %swap3A_1190 = arith.constant 0 : index
      %swap3A_1191 = vector.load %arg81[%swap3A_1189, %swap3A_1190] : memref<1x512xf32, #tpu.memory_space<vmem>>, vector<1x512xf32>
      tpu.vector_store %arg81[%swap3A_1189, %swap3A_1190], %concatenate3A_1188 {strides = array<i32>} : memref<1x512xf32, #tpu.memory_space<vmem>>, vector<1x512xf32>,
      %get3A_1192 = arith.constant 0 : index
      %get3A_1193 = arith.constant 0 : index
      %get3A_1194 = vector.load %arg41[%get3A_1192, %get3A_1193] : memref<424x1696xf32, #tpu.memory_space<vmem>>, vector<424x1696xf32>
      %broadcast_in_dim3A_1195 = arith.constant 0.000000e+00 : f32
      %broadcast_in_dim3A_1196 = vector.broadcast %broadcast_in_dim3A_1195 : f32 to vector<424x96xf32>
      %concatenate3A_1197 = tpu.concatenate %get3A_1194, %broadcast_in_dim3A_1196 in 1 : vector<424x1696xf32>, vector<424x96xf32> -> vector<424x1792xf32>
      %broadcast_in_dim3A_1198 = arith.constant 0.000000e+00 : f32
      %broadcast_in_dim3A_1199 = vector.broadcast %broadcast_in_dim3A_1198 : f32 to vector<88x1792xf32>
      %concatenate3A_1200 = tpu.concatenate %concatenate3A_1197, %broadcast_in_dim3A_1199 in 0 : vector<424x1792xf32>, vector<88x1792xf32> -> vector<512x1792xf32>
      %convert_element_type3A_1201 = arith.truncf %concatenate3A_1200 : vector<512x1792xf32> to vector<512x1792xbf16>
      %swap3A_1202 = arith.constant 0 : index
      %swap3A_1203 = arith.constant 0 : index
      %swap3A_1204 = vector.load %arg82[%swap3A_1202, %swap3A_1203] : memref<512x1792xbf16, #tpu.memory_space<vmem>>, vector<512x1792xbf16>
      tpu.vector_store %arg82[%swap3A_1202, %swap3A_1203], %convert_element_type3A_1201 {strides = array<i32>} : memref<512x1792xbf16, #tpu.memory_space<vmem>>, vector<512x1792xbf16>,
      %get3A_1205 = arith.constant 0 : index
      %get3A_1206 = vector.load %arg42[%get3A_1205] : memref<1696xf32, #tpu.memory_space<vmem>>, vector<1696xf32>
      %reshape3A_1207 = vector.shape_cast %get3A_1206 : vector<1696xf32> to vector<1x1696xf32>
      %broadcast_in_dim3A_1208 = arith.constant 0.000000e+00 : f32
      %broadcast_in_dim3A_1209 = vector.broadcast %broadcast_in_dim3A_1208 : f32 to vector<1x96xf32>
      %concatenate3A_1210 = tpu.concatenate %reshape3A_1207, %broadcast_in_dim3A_1209 in 1 : vector<1x1696xf32>, vector<1x96xf32> -> vector<1x1792xf32>
      %swap3A_1211 = arith.constant 0 : index
      %swap3A_1212 = arith.constant 0 : index
      %swap3A_1213 = vector.load %arg83[%swap3A_1211, %swap3A_1212] : memref<1x1792xf32, #tpu.memory_space<vmem>>, vector<1x1792xf32>
      tpu.vector_store %arg83[%swap3A_1211, %swap3A_1212], %concatenate3A_1210 {strides = array<i32>} : memref<1x1792xf32, #tpu.memory_space<vmem>>, vector<1x1792xf32>,
      %get3A_1214 = arith.constant 0 : index
      %get3A_1215 = arith.constant 0 : index
      %get3A_1216 = vector.load %arg43[%get3A_1214, %get3A_1215] : memref<1696x424xf32, #tpu.memory_space<vmem>>, vector<1696x424xf32>
      %broadcast_in_dim3A_1217 = arith.constant 0.000000e+00 : f32
      %broadcast_in_dim3A_1218 = vector.broadcast %broadcast_in_dim3A_1217 : f32 to vector<1696x88xf32>
      %concatenate3A_1219 = tpu.concatenate %get3A_1216, %broadcast_in_dim3A_1218 in 1 : vector<1696x424xf32>, vector<1696x88xf32> -> vector<1696x512xf32>
      %broadcast_in_dim3A_1220 = arith.constant 0.000000e+00 : f32
      %broadcast_in_dim3A_1221 = vector.broadcast %broadcast_in_dim3A_1220 : f32 to vector<96x512xf32>
      %concatenate3A_1222 = tpu.concatenate %concatenate3A_1219, %broadcast_in_dim3A_1221 in 0 : vector<1696x512xf32>, vector<96x512xf32> -> vector<1792x512xf32>
      %convert_element_type3A_1223 = arith.truncf %concatenate3A_1222 : vector<1792x512xf32> to vector<1792x512xbf16>
      %swap3A_1224 = arith.constant 0 : index
      %swap3A_1225 = arith.constant 0 : index
      %swap3A_1226 = vector.load %arg84[%swap3A_1224, %swap3A_1225] : memref<1792x512xbf16, #tpu.memory_space<vmem>>, vector<1792x512xbf16>
      tpu.vector_store %arg84[%swap3A_1224, %swap3A_1225], %convert_element_type3A_1223 {strides = array<i32>} : memref<1792x512xbf16, #tpu.memory_space<vmem>>, vector<1792x512xbf16>,
      %get3A_1227 = arith.constant 0 : index
      %get3A_1228 = vector.load %arg44[%get3A_1227] : memref<424xf32, #tpu.memory_space<vmem>>, vector<424xf32>
      %reshape3A_1229 = vector.shape_cast %get3A_1228 : vector<424xf32> to vector<1x424xf32>
      %broadcast_in_dim3A_1230 = arith.constant 0.000000e+00 : f32
      %broadcast_in_dim3A_1231 = vector.broadcast %broadcast_in_dim3A_1230 : f32 to vector<1x88xf32>
      %concatenate3A_1232 = tpu.concatenate %reshape3A_1229, %broadcast_in_dim3A_1231 in 1 : vector<1x424xf32>, vector<1x88xf32> -> vector<1x512xf32>
      %swap3A_1233 = arith.constant 0 : index
      %swap3A_1234 = arith.constant 0 : index
      %swap3A_1235 = vector.load %arg85[%swap3A_1233, %swap3A_1234] : memref<1x512xf32, #tpu.memory_space<vmem>>, vector<1x512xf32>
      tpu.vector_store %arg85[%swap3A_1233, %swap3A_1234], %concatenate3A_1232 {strides = array<i32>} : memref<1x512xf32, #tpu.memory_space<vmem>>, vector<1x512xf32>,
      %get3A_1236 = arith.constant 0 : index
      %get3A_1237 = vector.load %arg45[%get3A_1236] : memref<424xf32, #tpu.memory_space<vmem>>, vector<424xf32>
      %reshape3A_1238 = vector.shape_cast %get3A_1237 : vector<424xf32> to vector<1x424xf32>
      %broadcast_in_dim3A_1239 = arith.constant 0.000000e+00 : f32
      %broadcast_in_dim3A_1240 = vector.broadcast %broadcast_in_dim3A_1239 : f32 to vector<1x88xf32>
      %concatenate3A_1241 = tpu.concatenate %reshape3A_1238, %broadcast_in_dim3A_1240 in 1 : vector<1x424xf32>, vector<1x88xf32> -> vector<1x512xf32>
      %swap3A_1242 = arith.constant 0 : index
      %swap3A_1243 = arith.constant 0 : index
      %swap3A_1244 = vector.load %arg86[%swap3A_1242, %swap3A_1243] : memref<1x512xf32, #tpu.memory_space<vmem>>, vector<1x512xf32>
      tpu.vector_store %arg86[%swap3A_1242, %swap3A_1243], %concatenate3A_1241 {strides = array<i32>} : memref<1x512xf32, #tpu.memory_space<vmem>>, vector<1x512xf32>,
      %get3A_1245 = arith.constant 0 : index
      %get3A_1246 = vector.load %arg46[%get3A_1245] : memref<424xf32, #tpu.memory_space<vmem>>, vector<424xf32>
      %reshape3A_1247 = vector.shape_cast %get3A_1246 : vector<424xf32> to vector<1x424xf32>
      %broadcast_in_dim3A_1248 = arith.constant 0.000000e+00 : f32
      %broadcast_in_dim3A_1249 = vector.broadcast %broadcast_in_dim3A_1248 : f32 to vector<1x88xf32>
      %concatenate3A_1250 = tpu.concatenate %reshape3A_1247, %broadcast_in_dim3A_1249 in 1 : vector<1x424xf32>, vector<1x88xf32> -> vector<1x512xf32>
      %swap3A_1251 = arith.constant 0 : index
      %swap3A_1252 = arith.constant 0 : index
      %swap3A_1253 = vector.load %arg87[%swap3A_1251, %swap3A_1252] : memref<1x512xf32, #tpu.memory_space<vmem>>, vector<1x512xf32>
      tpu.vector_store %arg87[%swap3A_1251, %swap3A_1252], %concatenate3A_1250 {strides = array<i32>} : memref<1x512xf32, #tpu.memory_space<vmem>>, vector<1x512xf32>,
      %get3A_1254 = arith.constant 0 : index
      %get3A_1255 = vector.load %arg47[%get3A_1254] : memref<424xf32, #tpu.memory_space<vmem>>, vector<424xf32>
      %reshape3A_1256 = vector.shape_cast %get3A_1255 : vector<424xf32> to vector<1x424xf32>
      %broadcast_in_dim3A_1257 = arith.constant 0.000000e+00 : f32
      %broadcast_in_dim3A_1258 = vector.broadcast %broadcast_in_dim3A_1257 : f32 to vector<1x88xf32>
      %concatenate3A_1259 = tpu.concatenate %reshape3A_1256, %broadcast_in_dim3A_1258 in 1 : vector<1x424xf32>, vector<1x88xf32> -> vector<1x512xf32>
      %swap3A_1260 = arith.constant 0 : index
      %swap3A_1261 = arith.constant 0 : index
      %swap3A_1262 = vector.load %arg88[%swap3A_1260, %swap3A_1261] : memref<1x512xf32, #tpu.memory_space<vmem>>, vector<1x512xf32>
      tpu.vector_store %arg88[%swap3A_1260, %swap3A_1261], %concatenate3A_1259 {strides = array<i32>} : memref<1x512xf32, #tpu.memory_space<vmem>>, vector<1x512xf32>,
      %get3A_1263 = arith.constant 0 : index
      %get3A_1264 = vector.load %arg48[%get3A_1263] : memref<424xf32, #tpu.memory_space<vmem>>, vector<424xf32>
      %reshape3A_1265 = vector.shape_cast %get3A_1264 : vector<424xf32> to vector<1x424xf32>
      %broadcast_in_dim3A_1266 = arith.constant 0.000000e+00 : f32
      %broadcast_in_dim3A_1267 = vector.broadcast %broadcast_in_dim3A_1266 : f32 to vector<1x88xf32>
      %concatenate3A_1268 = tpu.concatenate %reshape3A_1265, %broadcast_in_dim3A_1267 in 1 : vector<1x424xf32>, vector<1x88xf32> -> vector<1x512xf32>
      %swap3A_1269 = arith.constant 0 : index
      %swap3A_1270 = arith.constant 0 : index
      %swap3A_1271 = vector.load %arg89[%swap3A_1269, %swap3A_1270] : memref<1x512xf32, #tpu.memory_space<vmem>>, vector<1x512xf32>
      tpu.vector_store %arg89[%swap3A_1269, %swap3A_1270], %concatenate3A_1268 {strides = array<i32>} : memref<1x512xf32, #tpu.memory_space<vmem>>, vector<1x512xf32>,
      %get3A_1272 = arith.constant 0 : index
      %get3A_1273 = arith.constant 0 : index
      %get3A_1274 = vector.load %arg49[%get3A_1272, %get3A_1273] : memref<432x8xf32, #tpu.memory_space<vmem>>, vector<432x8xf32>
      %slice3A_1275 = vector.extract_strided_slice %get3A_1274 {offsets = [0, 0], sizes = [424, 8], strides = [1, 1]} : vector<432x8xf32> to vector<424x8xf32>
      %broadcast_in_dim3A_1276 = arith.constant 0.000000e+00 : f32
      %broadcast_in_dim3A_1277 = vector.broadcast %broadcast_in_dim3A_1276 : f32 to vector<88x8xf32>
      %concatenate3A_1278 = tpu.concatenate %slice3A_1275, %broadcast_in_dim3A_1277 in 0 : vector<424x8xf32>, vector<88x8xf32> -> vector<512x8xf32>
      %convert_element_type3A_1279 = arith.truncf %concatenate3A_1278 : vector<512x8xf32> to vector<512x8xbf16>
      %swap3A_1280 = arith.constant 0 : index
      %swap3A_1281 = arith.constant 0 : index
      %swap3A_1282 = vector.load %arg90[%swap3A_1280, %swap3A_1281] : memref<512x8xbf16, #tpu.memory_space<vmem>>, vector<512x8xbf16>
      tpu.vector_store %arg90[%swap3A_1280, %swap3A_1281], %convert_element_type3A_1279 {strides = array<i32>} : memref<512x8xbf16, #tpu.memory_space<vmem>>, vector<512x8xbf16>,
      %get3A_1283 = arith.constant 0 : index
      %get3A_1284 = arith.constant 0 : index
      %get3A_1285 = vector.load %arg49[%get3A_1283, %get3A_1284] : memref<432x8xf32, #tpu.memory_space<vmem>>, vector<432x8xf32>
      %slice3A_1286 = vector.extract_strided_slice %get3A_1285 {offsets = [424, 0], sizes = [8, 8], strides = [1, 1]} : vector<432x8xf32> to vector<8x8xf32>
      %convert_element_type3A_1287 = arith.truncf %slice3A_1286 : vector<8x8xf32> to vector<8x8xbf16>
      %swap3A_1288 = arith.constant 0 : index
      %swap3A_1289 = arith.constant 0 : index
      %swap3A_1290 = vector.load %arg91[%swap3A_1288, %swap3A_1289] : memref<8x8xbf16, #tpu.memory_space<vmem>>, vector<8x8xbf16>
      tpu.vector_store %arg91[%swap3A_1288, %swap3A_1289], %convert_element_type3A_1287 {strides = array<i32>} : memref<8x8xbf16, #tpu.memory_space<vmem>>, vector<8x8xbf16>,
      %get3A_1291 = arith.constant 0 : index
      %get3A_1292 = arith.constant 0 : index
      %get3A_1293 = vector.load %arg51[%get3A_1291, %get3A_1292] : memref<424x212xf32, #tpu.memory_space<vmem>>, vector<424x212xf32>
      %broadcast_in_dim3A_1294 = arith.constant 0.000000e+00 : f32
      %broadcast_in_dim3A_1295 = vector.broadcast %broadcast_in_dim3A_1294 : f32 to vector<424x44xf32>
      %concatenate3A_1296 = tpu.concatenate %get3A_1293, %broadcast_in_dim3A_1295 in 1 : vector<424x212xf32>, vector<424x44xf32> -> vector<424x256xf32>
      %broadcast_in_dim3A_1297 = arith.constant 0.000000e+00 : f32
      %broadcast_in_dim3A_1298 = vector.broadcast %broadcast_in_dim3A_1297 : f32 to vector<88x256xf32>
      %concatenate3A_1299 = tpu.concatenate %concatenate3A_1296, %broadcast_in_dim3A_1298 in 0 : vector<424x256xf32>, vector<88x256xf32> -> vector<512x256xf32>
      %get3A_1300 = arith.constant 0 : index
      %get3A_1301 = arith.constant 0 : index
      %get3A_1302 = vector.load %arg55[%get3A_1300, %get3A_1301] : memref<424x212xf32, #tpu.memory_space<vmem>>, vector<424x212xf32>
      %broadcast_in_dim3A_1303 = arith.constant 0.000000e+00 : f32
      %broadcast_in_dim3A_1304 = vector.broadcast %broadcast_in_dim3A_1303 : f32 to vector<424x44xf32>
      %concatenate3A_1305 = tpu.concatenate %get3A_1302, %broadcast_in_dim3A_1304 in 1 : vector<424x212xf32>, vector<424x44xf32> -> vector<424x256xf32>
      %broadcast_in_dim3A_1306 = arith.constant 0.000000e+00 : f32
      %broadcast_in_dim3A_1307 = vector.broadcast %broadcast_in_dim3A_1306 : f32 to vector<88x256xf32>
      %concatenate3A_1308 = tpu.concatenate %concatenate3A_1305, %broadcast_in_dim3A_1307 in 0 : vector<424x256xf32>, vector<88x256xf32> -> vector<512x256xf32>
      %concatenate3A_1309 = tpu.concatenate %concatenate3A_1299, %concatenate3A_1308 in 1 : vector<512x256xf32>, vector<512x256xf32> -> vector<512x512xf32>
      %convert_element_type3A_1310 = arith.truncf %concatenate3A_1309 : vector<512x512xf32> to vector<512x512xbf16>
      %swap3A_1311 = arith.constant 0 : index
      %swap3A_1312 = arith.constant 0 : index
      %swap3A_1313 = vector.load %arg92[%swap3A_1311, %swap3A_1312] : memref<512x512xbf16, #tpu.memory_space<vmem>>, vector<512x512xbf16>
      tpu.vector_store %arg92[%swap3A_1311, %swap3A_1312], %convert_element_type3A_1310 {strides = array<i32>} : memref<512x512xbf16, #tpu.memory_space<vmem>>, vector<512x512xbf16>,
      %get3A_1314 = arith.constant 0 : index
      %get3A_1315 = vector.load %arg52[%get3A_1314] : memref<212xf32, #tpu.memory_space<vmem>>, vector<212xf32>
      %reshape3A_1316 = vector.shape_cast %get3A_1315 : vector<212xf32> to vector<1x212xf32>
      %broadcast_in_dim3A_1317 = arith.constant 0.000000e+00 : f32
      %broadcast_in_dim3A_1318 = vector.broadcast %broadcast_in_dim3A_1317 : f32 to vector<1x44xf32>
      %concatenate3A_1319 = tpu.concatenate %reshape3A_1316, %broadcast_in_dim3A_1318 in 1 : vector<1x212xf32>, vector<1x44xf32> -> vector<1x256xf32>
      %get3A_1320 = arith.constant 0 : index
      %get3A_1321 = vector.load %arg56[%get3A_1320] : memref<212xf32, #tpu.memory_space<vmem>>, vector<212xf32>
      %reshape3A_1322 = vector.shape_cast %get3A_1321 : vector<212xf32> to vector<1x212xf32>
      %broadcast_in_dim3A_1323 = arith.constant 0.000000e+00 : f32
      %broadcast_in_dim3A_1324 = vector.broadcast %broadcast_in_dim3A_1323 : f32 to vector<1x44xf32>
      %concatenate3A_1325 = tpu.concatenate %reshape3A_1322, %broadcast_in_dim3A_1324 in 1 : vector<1x212xf32>, vector<1x44xf32> -> vector<1x256xf32>
      %concatenate3A_1326 = tpu.concatenate %concatenate3A_1319, %concatenate3A_1325 in 1 : vector<1x256xf32>, vector<1x256xf32> -> vector<1x512xf32>
      %swap3A_1327 = arith.constant 0 : index
      %swap3A_1328 = arith.constant 0 : index
      %swap3A_1329 = vector.load %arg93[%swap3A_1327, %swap3A_1328] : memref<1x512xf32, #tpu.memory_space<vmem>>, vector<1x512xf32>
      tpu.vector_store %arg93[%swap3A_1327, %swap3A_1328], %concatenate3A_1326 {strides = array<i32>} : memref<1x512xf32, #tpu.memory_space<vmem>>, vector<1x512xf32>,
      %get3A_1330 = arith.constant 0 : index
      %get3A_1331 = vector.load %arg53[%get3A_1330] : memref<212xf32, #tpu.memory_space<vmem>>, vector<212xf32>
      %reshape3A_1332 = vector.shape_cast %get3A_1331 : vector<212xf32> to vector<1x212xf32>
      %broadcast_in_dim3A_1333 = arith.constant 0.000000e+00 : f32
      %broadcast_in_dim3A_1334 = vector.broadcast %broadcast_in_dim3A_1333 : f32 to vector<1x44xf32>
      %concatenate3A_1335 = tpu.concatenate %reshape3A_1332, %broadcast_in_dim3A_1334 in 1 : vector<1x212xf32>, vector<1x44xf32> -> vector<1x256xf32>
      %get3A_1336 = arith.constant 0 : index
      %get3A_1337 = vector.load %arg57[%get3A_1336] : memref<212xf32, #tpu.memory_space<vmem>>, vector<212xf32>
      %reshape3A_1338 = vector.shape_cast %get3A_1337 : vector<212xf32> to vector<1x212xf32>
      %broadcast_in_dim3A_1339 = arith.constant 0.000000e+00 : f32
      %broadcast_in_dim3A_1340 = vector.broadcast %broadcast_in_dim3A_1339 : f32 to vector<1x44xf32>
      %concatenate3A_1341 = tpu.concatenate %reshape3A_1338, %broadcast_in_dim3A_1340 in 1 : vector<1x212xf32>, vector<1x44xf32> -> vector<1x256xf32>
      %concatenate3A_1342 = tpu.concatenate %concatenate3A_1335, %concatenate3A_1341 in 1 : vector<1x256xf32>, vector<1x256xf32> -> vector<1x512xf32>
      %swap3A_1343 = arith.constant 0 : index
      %swap3A_1344 = arith.constant 0 : index
      %swap3A_1345 = vector.load %arg94[%swap3A_1343, %swap3A_1344] : memref<1x512xf32, #tpu.memory_space<vmem>>, vector<1x512xf32>
      tpu.vector_store %arg94[%swap3A_1343, %swap3A_1344], %concatenate3A_1342 {strides = array<i32>} : memref<1x512xf32, #tpu.memory_space<vmem>>, vector<1x512xf32>,
    } else {
    }
    %get3A = arith.constant 0 : index
    %get3A_2 = arith.constant 0 : index
    %get3A_3 = arith.constant 0 : index
    %get3A_4 = vector.load %arg1[%get3A, %get3A_2, %get3A_3] : memref<2x512x9xf32, #tpu.memory_space<vmem>>, vector<2x512x9xf32>
    %reshape3A = vector.shape_cast %get3A_4 : vector<2x512x9xf32> to vector<1024x9xf32>
    %slice3A = vector.extract_strided_slice %reshape3A {offsets = [0, 1], sizes = [1024, 8], strides = [1, 1]} : vector<1024x9xf32> to vector<1024x8xf32>
    %get3A_5 = arith.constant 0 : index
    %get3A_6 = arith.constant 0 : index
    %get3A_7 = arith.constant 0 : index
    %get3A_8 = vector.load %arg2[%get3A_5, %get3A_6, %get3A_7] : memref<2x512x128xf32, #tpu.memory_space<vmem>>, vector<2x512x128xf32>
    %reshape3A_9 = vector.shape_cast %get3A_8 : vector<2x512x128xf32> to vector<1024x128xf32>
    %slice3A_10 = vector.extract_strided_slice %reshape3A_9 {offsets = [0, 0], sizes = [1024, 32], strides = [1, 1]} : vector<1024x128xf32> to vector<1024x32xf32>
    %get3A_11 = arith.constant 0 : index
    %get3A_12 = arith.constant 0 : index
    %get3A_13 = arith.constant 0 : index
    %get3A_14 = vector.load %arg3[%get3A_11, %get3A_12, %get3A_13] : memref<2x512x384xf32, #tpu.memory_space<vmem>>, vector<2x512x384xf32>
    %reshape3A_15 = vector.shape_cast %get3A_14 : vector<2x512x384xf32> to vector<1024x384xf32>
    %get3A_16 = arith.constant 0 : index
    %get3A_17 = arith.constant 0 : index
    %get3A_18 = arith.constant 0 : index
    %get3A_19 = vector.load %arg6[%get3A_16, %get3A_17, %get3A_18] : memref<2x512x1xi32, #tpu.memory_space<vmem>>, vector<2x512x1xi32>
    %reshape3A_20 = vector.shape_cast %get3A_19 : vector<2x512x1xi32> to vector<1024x1xi32>
    %iota3A = tpu.iota {dimensions = array<i32: 1>} : vector<1x20xi32>
    %eq3A_21 = vector.broadcast %reshape3A_20 : vector<1024x1xi32> to vector<1024x20xi32>
    %eq3A_22 = vector.broadcast %iota3A : vector<1x20xi32> to vector<1024x20xi32>
    %eq3A_23 = arith.cmpi eq, %eq3A_21, %eq3A_22 : vector<1024x20xi32>
    %convert_element_type3A_24 = arith.extui %eq3A_23 : vector<1024x20xi1> to vector<1024x20xi32>
    %convert_element_type3A_25 = arith.sitofp %convert_element_type3A_24 : vector<1024x20xi32> to vector<1024x20xf32>
    %get3A_26 = arith.constant 0 : index
    %get3A_27 = arith.constant 0 : index
    %get3A_28 = vector.load %arg4[%get3A_26, %get3A_27] : memref<20x32xf32, #tpu.memory_space<vmem>>, vector<20x32xf32>
    %dot_general3A = arith.constant dense<0.000000e+00> : vector<1024x32xf32>
    %dot_general3A_29 = tpu.matmul %convert_element_type3A_25, %get3A_28, %dot_general3A {dimension_numbers = #tpu.dot_dimension_numbers<[1], [0], [0], [1], [0, 0, 1, 1], [], []>, transpose_lhs_hint = false} : vector<1024x20xf32>, vector<20x32xf32>, vector<1024x32xf32> -> vector<1024x32xf32>
    %add3A = arith.addf %slice3A_10, %dot_general3A_29 : vector<1024x32xf32>
    %broadcast_in_dim3A = arith.constant 0.000000e+00 : f32
    %broadcast_in_dim3A_30 = vector.broadcast %broadcast_in_dim3A : f32 to vector<1024x88xf32>
    %concatenate3A = tpu.concatenate %add3A, %reshape3A_15, %slice3A, %broadcast_in_dim3A_30 in 1 : vector<1024x32xf32>, vector<1024x384xf32>, vector<1024x8xf32>, vector<1024x88xf32> -> vector<1024x512xf32>
    %convert_element_type3A_31 = arith.truncf %concatenate3A : vector<1024x512xf32> to vector<1024x512xbf16>
    %get3A_32 = arith.constant 0 : index
    %get3A_33 = arith.constant 0 : index
    %get3A_34 = vector.load %arg61[%get3A_32, %get3A_33] : memref<512x1536xbf16, #tpu.memory_space<vmem>>, vector<512x1536xbf16>
    %dot_general3A_35 = arith.constant dense<0.000000e+00> : vector<1024x1536xf32>
    %dot_general3A_36 = tpu.matmul %convert_element_type3A_31, %get3A_34, %dot_general3A_35 {dimension_numbers = #tpu.dot_dimension_numbers<[1], [0], [0], [1], [0, 0, 1, 1], [], []>, transpose_lhs_hint = false} : vector<1024x512xbf16>, vector<512x1536xbf16>, vector<1024x1536xf32> -> vector<1024x1536xf32>
    %get3A_37 = arith.constant 0 : index
    %get3A_38 = arith.constant 0 : index
    %get3A_39 = vector.load %arg62[%get3A_37, %get3A_38] : memref<1x1536xf32, #tpu.memory_space<vmem>>, vector<1x1536xf32>
    %add3A_40 = vector.broadcast %get3A_39 : vector<1x1536xf32> to vector<1024x1536xf32>
    %add3A_41 = arith.addf %dot_general3A_36, %add3A_40 : vector<1024x1536xf32>
    %convert_element_type3A_42 = arith.truncf %add3A_41 : vector<1024x1536xf32> to vector<1024x1536xbf16>
    %slice3A_43 = vector.extract_strided_slice %convert_element_type3A_42 {offsets = [0, 0], sizes = [512, 128], strides = [1, 1]} : vector<1024x1536xbf16> to vector<512x128xbf16>
    %slice3A_44 = vector.extract_strided_slice %convert_element_type3A_42 {offsets = [0, 512], sizes = [512, 128], strides = [1, 1]} : vector<1024x1536xbf16> to vector<512x128xbf16>
    %dot_general3A_45 = arith.constant dense<0.000000e+00> : vector<512x512xf32>
    %dot_general3A_46 = tpu.matmul %slice3A_43, %slice3A_44, %dot_general3A_45 {dimension_numbers = #tpu.dot_dimension_numbers<[1], [1], [0], [0], [0, 0, 1, 0], [], []>, transpose_lhs_hint = false} : vector<512x128xbf16>, vector<512x128xbf16>, vector<512x512xf32> -> vector<512x512xf32>
    %exp3A = math.exp %dot_general3A_46 : vector<512x512xf32>
    %reduce_sum3A = arith.constant dense<0.000000e+00> : vector<512xf32>
    %reduce_sum3A_47 = vector.multi_reduction <add>, %exp3A, %reduce_sum3A [1] : vector<512x512xf32> to vector<512xf32>
    %broadcast_in_dim3A_48 = vector.shape_cast %reduce_sum3A_47 : vector<512xf32> to vector<512x1xf32>
    %div3A = arith.constant 1.000000e+00 : f32
    %div3A_49 = vector.broadcast %div3A : f32 to vector<512x1xf32>
    %div3A_50 = arith.divf %div3A_49, %broadcast_in_dim3A_48 : vector<512x1xf32>
    %convert_element_type3A_51 = arith.truncf %exp3A : vector<512x512xf32> to vector<512x512xbf16>
    %slice3A_52 = vector.extract_strided_slice %convert_element_type3A_42 {offsets = [0, 1024], sizes = [512, 128], strides = [1, 1]} : vector<1024x1536xbf16> to vector<512x128xbf16>
    %dot_general3A_53 = arith.constant dense<0.000000e+00> : vector<512x128xf32>
    %dot_general3A_54 = tpu.matmul %convert_element_type3A_51, %slice3A_52, %dot_general3A_53 {dimension_numbers = #tpu.dot_dimension_numbers<[1], [0], [0], [1], [0, 0, 1, 1], [], []>, transpose_lhs_hint = false} : vector<512x512xbf16>, vector<512x128xbf16>, vector<512x128xf32> -> vector<512x128xf32>
    %mul3A = vector.broadcast %div3A_50 : vector<512x1xf32> to vector<512x128xf32>
    %mul3A_55 = arith.mulf %dot_general3A_54, %mul3A : vector<512x128xf32>
    %slice3A_56 = vector.extract_strided_slice %convert_element_type3A_42 {offsets = [0, 128], sizes = [512, 128], strides = [1, 1]} : vector<1024x1536xbf16> to vector<512x128xbf16>
    %slice3A_57 = vector.extract_strided_slice %convert_element_type3A_42 {offsets = [0, 640], sizes = [512, 128], strides = [1, 1]} : vector<1024x1536xbf16> to vector<512x128xbf16>
    %dot_general3A_58 = arith.constant dense<0.000000e+00> : vector<512x512xf32>
    %dot_general3A_59 = tpu.matmul %slice3A_56, %slice3A_57, %dot_general3A_58 {dimension_numbers = #tpu.dot_dimension_numbers<[1], [1], [0], [0], [0, 0, 1, 0], [], []>, transpose_lhs_hint = false} : vector<512x128xbf16>, vector<512x128xbf16>, vector<512x512xf32> -> vector<512x512xf32>
    %exp3A_60 = math.exp %dot_general3A_59 : vector<512x512xf32>
    %reduce_sum3A_61 = arith.constant dense<0.000000e+00> : vector<512xf32>
    %reduce_sum3A_62 = vector.multi_reduction <add>, %exp3A_60, %reduce_sum3A_61 [1] : vector<512x512xf32> to vector<512xf32>
    %broadcast_in_dim3A_63 = vector.shape_cast %reduce_sum3A_62 : vector<512xf32> to vector<512x1xf32>
    %div3A_64 = arith.constant 1.000000e+00 : f32
    %div3A_65 = vector.broadcast %div3A_64 : f32 to vector<512x1xf32>
    %div3A_66 = arith.divf %div3A_65, %broadcast_in_dim3A_63 : vector<512x1xf32>
    %convert_element_type3A_67 = arith.truncf %exp3A_60 : vector<512x512xf32> to vector<512x512xbf16>
    %slice3A_68 = vector.extract_strided_slice %convert_element_type3A_42 {offsets = [0, 1152], sizes = [512, 128], strides = [1, 1]} : vector<1024x1536xbf16> to vector<512x128xbf16>
    %dot_general3A_69 = arith.constant dense<0.000000e+00> : vector<512x128xf32>
    %dot_general3A_70 = tpu.matmul %convert_element_type3A_67, %slice3A_68, %dot_general3A_69 {dimension_numbers = #tpu.dot_dimension_numbers<[1], [0], [0], [1], [0, 0, 1, 1], [], []>, transpose_lhs_hint = false} : vector<512x512xbf16>, vector<512x128xbf16>, vector<512x128xf32> -> vector<512x128xf32>
    %mul3A_71 = vector.broadcast %div3A_66 : vector<512x1xf32> to vector<512x128xf32>
    %mul3A_72 = arith.mulf %dot_general3A_70, %mul3A_71 : vector<512x128xf32>
    %slice3A_73 = vector.extract_strided_slice %convert_element_type3A_42 {offsets = [0, 256], sizes = [512, 128], strides = [1, 1]} : vector<1024x1536xbf16> to vector<512x128xbf16>
    %slice3A_74 = vector.extract_strided_slice %convert_element_type3A_42 {offsets = [0, 768], sizes = [512, 128], strides = [1, 1]} : vector<1024x1536xbf16> to vector<512x128xbf16>
    %dot_general3A_75 = arith.constant dense<0.000000e+00> : vector<512x512xf32>
    %dot_general3A_76 = tpu.matmul %slice3A_73, %slice3A_74, %dot_general3A_75 {dimension_numbers = #tpu.dot_dimension_numbers<[1], [1], [0], [0], [0, 0, 1, 0], [], []>, transpose_lhs_hint = false} : vector<512x128xbf16>, vector<512x128xbf16>, vector<512x512xf32> -> vector<512x512xf32>
    %exp3A_77 = math.exp %dot_general3A_76 : vector<512x512xf32>
    %reduce_sum3A_78 = arith.constant dense<0.000000e+00> : vector<512xf32>
    %reduce_sum3A_79 = vector.multi_reduction <add>, %exp3A_77, %reduce_sum3A_78 [1] : vector<512x512xf32> to vector<512xf32>
    %broadcast_in_dim3A_80 = vector.shape_cast %reduce_sum3A_79 : vector<512xf32> to vector<512x1xf32>
    %div3A_81 = arith.constant 1.000000e+00 : f32
    %div3A_82 = vector.broadcast %div3A_81 : f32 to vector<512x1xf32>
    %div3A_83 = arith.divf %div3A_82, %broadcast_in_dim3A_80 : vector<512x1xf32>
    %convert_element_type3A_84 = arith.truncf %exp3A_77 : vector<512x512xf32> to vector<512x512xbf16>
    %slice3A_85 = vector.extract_strided_slice %convert_element_type3A_42 {offsets = [0, 1280], sizes = [512, 128], strides = [1, 1]} : vector<1024x1536xbf16> to vector<512x128xbf16>
    %dot_general3A_86 = arith.constant dense<0.000000e+00> : vector<512x128xf32>
    %dot_general3A_87 = tpu.matmul %convert_element_type3A_84, %slice3A_85, %dot_general3A_86 {dimension_numbers = #tpu.dot_dimension_numbers<[1], [0], [0], [1], [0, 0, 1, 1], [], []>, transpose_lhs_hint = false} : vector<512x512xbf16>, vector<512x128xbf16>, vector<512x128xf32> -> vector<512x128xf32>
    %mul3A_88 = vector.broadcast %div3A_83 : vector<512x1xf32> to vector<512x128xf32>
    %mul3A_89 = arith.mulf %dot_general3A_87, %mul3A_88 : vector<512x128xf32>
    %slice3A_90 = vector.extract_strided_slice %convert_element_type3A_42 {offsets = [0, 384], sizes = [512, 128], strides = [1, 1]} : vector<1024x1536xbf16> to vector<512x128xbf16>
    %slice3A_91 = vector.extract_strided_slice %convert_element_type3A_42 {offsets = [0, 896], sizes = [512, 128], strides = [1, 1]} : vector<1024x1536xbf16> to vector<512x128xbf16>
    %dot_general3A_92 = arith.constant dense<0.000000e+00> : vector<512x512xf32>
    %dot_general3A_93 = tpu.matmul %slice3A_90, %slice3A_91, %dot_general3A_92 {dimension_numbers = #tpu.dot_dimension_numbers<[1], [1], [0], [0], [0, 0, 1, 0], [], []>, transpose_lhs_hint = false} : vector<512x128xbf16>, vector<512x128xbf16>, vector<512x512xf32> -> vector<512x512xf32>
    %exp3A_94 = math.exp %dot_general3A_93 : vector<512x512xf32>
    %reduce_sum3A_95 = arith.constant dense<0.000000e+00> : vector<512xf32>
    %reduce_sum3A_96 = vector.multi_reduction <add>, %exp3A_94, %reduce_sum3A_95 [1] : vector<512x512xf32> to vector<512xf32>
    %broadcast_in_dim3A_97 = vector.shape_cast %reduce_sum3A_96 : vector<512xf32> to vector<512x1xf32>
    %div3A_98 = arith.constant 1.000000e+00 : f32
    %div3A_99 = vector.broadcast %div3A_98 : f32 to vector<512x1xf32>
    %div3A_100 = arith.divf %div3A_99, %broadcast_in_dim3A_97 : vector<512x1xf32>
    %convert_element_type3A_101 = arith.truncf %exp3A_94 : vector<512x512xf32> to vector<512x512xbf16>
    %slice3A_102 = vector.extract_strided_slice %convert_element_type3A_42 {offsets = [0, 1408], sizes = [512, 128], strides = [1, 1]} : vector<1024x1536xbf16> to vector<512x128xbf16>
    %dot_general3A_103 = arith.constant dense<0.000000e+00> : vector<512x128xf32>
    %dot_general3A_104 = tpu.matmul %convert_element_type3A_101, %slice3A_102, %dot_general3A_103 {dimension_numbers = #tpu.dot_dimension_numbers<[1], [0], [0], [1], [0, 0, 1, 1], [], []>, transpose_lhs_hint = false} : vector<512x512xbf16>, vector<512x128xbf16>, vector<512x128xf32> -> vector<512x128xf32>
    %mul3A_105 = vector.broadcast %div3A_100 : vector<512x1xf32> to vector<512x128xf32>
    %mul3A_106 = arith.mulf %dot_general3A_104, %mul3A_105 : vector<512x128xf32>
    %concatenate3A_107 = tpu.concatenate %mul3A_55, %mul3A_72, %mul3A_89, %mul3A_106 in 1 : vector<512x128xf32>, vector<512x128xf32>, vector<512x128xf32>, vector<512x128xf32> -> vector<512x512xf32>
    %slice3A_108 = vector.extract_strided_slice %convert_element_type3A_42 {offsets = [512, 0], sizes = [512, 128], strides = [1, 1]} : vector<1024x1536xbf16> to vector<512x128xbf16>
    %slice3A_109 = vector.extract_strided_slice %convert_element_type3A_42 {offsets = [512, 512], sizes = [512, 128], strides = [1, 1]} : vector<1024x1536xbf16> to vector<512x128xbf16>
    %dot_general3A_110 = arith.constant dense<0.000000e+00> : vector<512x512xf32>
    %dot_general3A_111 = tpu.matmul %slice3A_108, %slice3A_109, %dot_general3A_110 {dimension_numbers = #tpu.dot_dimension_numbers<[1], [1], [0], [0], [0, 0, 1, 0], [], []>, transpose_lhs_hint = false} : vector<512x128xbf16>, vector<512x128xbf16>, vector<512x512xf32> -> vector<512x512xf32>
    %exp3A_112 = math.exp %dot_general3A_111 : vector<512x512xf32>
    %reduce_sum3A_113 = arith.constant dense<0.000000e+00> : vector<512xf32>
    %reduce_sum3A_114 = vector.multi_reduction <add>, %exp3A_112, %reduce_sum3A_113 [1] : vector<512x512xf32> to vector<512xf32>
    %broadcast_in_dim3A_115 = vector.shape_cast %reduce_sum3A_114 : vector<512xf32> to vector<512x1xf32>
    %div3A_116 = arith.constant 1.000000e+00 : f32
    %div3A_117 = vector.broadcast %div3A_116 : f32 to vector<512x1xf32>
    %div3A_118 = arith.divf %div3A_117, %broadcast_in_dim3A_115 : vector<512x1xf32>
    %convert_element_type3A_119 = arith.truncf %exp3A_112 : vector<512x512xf32> to vector<512x512xbf16>
    %slice3A_120 = vector.extract_strided_slice %convert_element_type3A_42 {offsets = [512, 1024], sizes = [512, 128], strides = [1, 1]} : vector<1024x1536xbf16> to vector<512x128xbf16>
    %dot_general3A_121 = arith.constant dense<0.000000e+00> : vector<512x128xf32>
    %dot_general3A_122 = tpu.matmul %convert_element_type3A_119, %slice3A_120, %dot_general3A_121 {dimension_numbers = #tpu.dot_dimension_numbers<[1], [0], [0], [1], [0, 0, 1, 1], [], []>, transpose_lhs_hint = false} : vector<512x512xbf16>, vector<512x128xbf16>, vector<512x128xf32> -> vector<512x128xf32>
    %mul3A_123 = vector.broadcast %div3A_118 : vector<512x1xf32> to vector<512x128xf32>
    %mul3A_124 = arith.mulf %dot_general3A_122, %mul3A_123 : vector<512x128xf32>
    %slice3A_125 = vector.extract_strided_slice %convert_element_type3A_42 {offsets = [512, 128], sizes = [512, 128], strides = [1, 1]} : vector<1024x1536xbf16> to vector<512x128xbf16>
    %slice3A_126 = vector.extract_strided_slice %convert_element_type3A_42 {offsets = [512, 640], sizes = [512, 128], strides = [1, 1]} : vector<1024x1536xbf16> to vector<512x128xbf16>
    %dot_general3A_127 = arith.constant dense<0.000000e+00> : vector<512x512xf32>
    %dot_general3A_128 = tpu.matmul %slice3A_125, %slice3A_126, %dot_general3A_127 {dimension_numbers = #tpu.dot_dimension_numbers<[1], [1], [0], [0], [0, 0, 1, 0], [], []>, transpose_lhs_hint = false} : vector<512x128xbf16>, vector<512x128xbf16>, vector<512x512xf32> -> vector<512x512xf32>
    %exp3A_129 = math.exp %dot_general3A_128 : vector<512x512xf32>
    %reduce_sum3A_130 = arith.constant dense<0.000000e+00> : vector<512xf32>
    %reduce_sum3A_131 = vector.multi_reduction <add>, %exp3A_129, %reduce_sum3A_130 [1] : vector<512x512xf32> to vector<512xf32>
    %broadcast_in_dim3A_132 = vector.shape_cast %reduce_sum3A_131 : vector<512xf32> to vector<512x1xf32>
    %div3A_133 = arith.constant 1.000000e+00 : f32
    %div3A_134 = vector.broadcast %div3A_133 : f32 to vector<512x1xf32>
    %div3A_135 = arith.divf %div3A_134, %broadcast_in_dim3A_132 : vector<512x1xf32>
    %convert_element_type3A_136 = arith.truncf %exp3A_129 : vector<512x512xf32> to vector<512x512xbf16>
    %slice3A_137 = vector.extract_strided_slice %convert_element_type3A_42 {offsets = [512, 1152], sizes = [512, 128], strides = [1, 1]} : vector<1024x1536xbf16> to vector<512x128xbf16>
    %dot_general3A_138 = arith.constant dense<0.000000e+00> : vector<512x128xf32>
    %dot_general3A_139 = tpu.matmul %convert_element_type3A_136, %slice3A_137, %dot_general3A_138 {dimension_numbers = #tpu.dot_dimension_numbers<[1], [0], [0], [1], [0, 0, 1, 1], [], []>, transpose_lhs_hint = false} : vector<512x512xbf16>, vector<512x128xbf16>, vector<512x128xf32> -> vector<512x128xf32>
    %mul3A_140 = vector.broadcast %div3A_135 : vector<512x1xf32> to vector<512x128xf32>
    %mul3A_141 = arith.mulf %dot_general3A_139, %mul3A_140 : vector<512x128xf32>
    %slice3A_142 = vector.extract_strided_slice %convert_element_type3A_42 {offsets = [512, 256], sizes = [512, 128], strides = [1, 1]} : vector<1024x1536xbf16> to vector<512x128xbf16>
    %slice3A_143 = vector.extract_strided_slice %convert_element_type3A_42 {offsets = [512, 768], sizes = [512, 128], strides = [1, 1]} : vector<1024x1536xbf16> to vector<512x128xbf16>
    %dot_general3A_144 = arith.constant dense<0.000000e+00> : vector<512x512xf32>
    %dot_general3A_145 = tpu.matmul %slice3A_142, %slice3A_143, %dot_general3A_144 {dimension_numbers = #tpu.dot_dimension_numbers<[1], [1], [0], [0], [0, 0, 1, 0], [], []>, transpose_lhs_hint = false} : vector<512x128xbf16>, vector<512x128xbf16>, vector<512x512xf32> -> vector<512x512xf32>
    %exp3A_146 = math.exp %dot_general3A_145 : vector<512x512xf32>
    %reduce_sum3A_147 = arith.constant dense<0.000000e+00> : vector<512xf32>
    %reduce_sum3A_148 = vector.multi_reduction <add>, %exp3A_146, %reduce_sum3A_147 [1] : vector<512x512xf32> to vector<512xf32>
    %broadcast_in_dim3A_149 = vector.shape_cast %reduce_sum3A_148 : vector<512xf32> to vector<512x1xf32>
    %div3A_150 = arith.constant 1.000000e+00 : f32
    %div3A_151 = vector.broadcast %div3A_150 : f32 to vector<512x1xf32>
    %div3A_152 = arith.divf %div3A_151, %broadcast_in_dim3A_149 : vector<512x1xf32>
    %convert_element_type3A_153 = arith.truncf %exp3A_146 : vector<512x512xf32> to vector<512x512xbf16>
    %slice3A_154 = vector.extract_strided_slice %convert_element_type3A_42 {offsets = [512, 1280], sizes = [512, 128], strides = [1, 1]} : vector<1024x1536xbf16> to vector<512x128xbf16>
    %dot_general3A_155 = arith.constant dense<0.000000e+00> : vector<512x128xf32>
    %dot_general3A_156 = tpu.matmul %convert_element_type3A_153, %slice3A_154, %dot_general3A_155 {dimension_numbers = #tpu.dot_dimension_numbers<[1], [0], [0], [1], [0, 0, 1, 1], [], []>, transpose_lhs_hint = false} : vector<512x512xbf16>, vector<512x128xbf16>, vector<512x128xf32> -> vector<512x128xf32>
    %mul3A_157 = vector.broadcast %div3A_152 : vector<512x1xf32> to vector<512x128xf32>
    %mul3A_158 = arith.mulf %dot_general3A_156, %mul3A_157 : vector<512x128xf32>
    %slice3A_159 = vector.extract_strided_slice %convert_element_type3A_42 {offsets = [512, 384], sizes = [512, 128], strides = [1, 1]} : vector<1024x1536xbf16> to vector<512x128xbf16>
    %slice3A_160 = vector.extract_strided_slice %convert_element_type3A_42 {offsets = [512, 896], sizes = [512, 128], strides = [1, 1]} : vector<1024x1536xbf16> to vector<512x128xbf16>
    %dot_general3A_161 = arith.constant dense<0.000000e+00> : vector<512x512xf32>
    %dot_general3A_162 = tpu.matmul %slice3A_159, %slice3A_160, %dot_general3A_161 {dimension_numbers = #tpu.dot_dimension_numbers<[1], [1], [0], [0], [0, 0, 1, 0], [], []>, transpose_lhs_hint = false} : vector<512x128xbf16>, vector<512x128xbf16>, vector<512x512xf32> -> vector<512x512xf32>
    %exp3A_163 = math.exp %dot_general3A_162 : vector<512x512xf32>
    %reduce_sum3A_164 = arith.constant dense<0.000000e+00> : vector<512xf32>
    %reduce_sum3A_165 = vector.multi_reduction <add>, %exp3A_163, %reduce_sum3A_164 [1] : vector<512x512xf32> to vector<512xf32>
    %broadcast_in_dim3A_166 = vector.shape_cast %reduce_sum3A_165 : vector<512xf32> to vector<512x1xf32>
    %div3A_167 = arith.constant 1.000000e+00 : f32
    %div3A_168 = vector.broadcast %div3A_167 : f32 to vector<512x1xf32>
    %div3A_169 = arith.divf %div3A_168, %broadcast_in_dim3A_166 : vector<512x1xf32>
    %convert_element_type3A_170 = arith.truncf %exp3A_163 : vector<512x512xf32> to vector<512x512xbf16>
    %slice3A_171 = vector.extract_strided_slice %convert_element_type3A_42 {offsets = [512, 1408], sizes = [512, 128], strides = [1, 1]} : vector<1024x1536xbf16> to vector<512x128xbf16>
    %dot_general3A_172 = arith.constant dense<0.000000e+00> : vector<512x128xf32>
    %dot_general3A_173 = tpu.matmul %convert_element_type3A_170, %slice3A_171, %dot_general3A_172 {dimension_numbers = #tpu.dot_dimension_numbers<[1], [0], [0], [1], [0, 0, 1, 1], [], []>, transpose_lhs_hint = false} : vector<512x512xbf16>, vector<512x128xbf16>, vector<512x128xf32> -> vector<512x128xf32>
    %mul3A_174 = vector.broadcast %div3A_169 : vector<512x1xf32> to vector<512x128xf32>
    %mul3A_175 = arith.mulf %dot_general3A_173, %mul3A_174 : vector<512x128xf32>
    %concatenate3A_176 = tpu.concatenate %mul3A_124, %mul3A_141, %mul3A_158, %mul3A_175 in 1 : vector<512x128xf32>, vector<512x128xf32>, vector<512x128xf32>, vector<512x128xf32> -> vector<512x512xf32>
    %concatenate3A_177 = tpu.concatenate %concatenate3A_107, %concatenate3A_176 in 0 : vector<512x512xf32>, vector<512x512xf32> -> vector<1024x512xf32>
    %convert_element_type3A_178 = arith.truncf %concatenate3A_177 : vector<1024x512xf32> to vector<1024x512xbf16>
    %get3A_179 = arith.constant 0 : index
    %get3A_180 = arith.constant 0 : index
    %get3A_181 = vector.load %arg63[%get3A_179, %get3A_180] : memref<512x512xbf16, #tpu.memory_space<vmem>>, vector<512x512xbf16>
    %dot_general3A_182 = arith.constant dense<0.000000e+00> : vector<1024x512xf32>
    %dot_general3A_183 = tpu.matmul %convert_element_type3A_178, %get3A_181, %dot_general3A_182 {dimension_numbers = #tpu.dot_dimension_numbers<[1], [0], [0], [1], [0, 0, 1, 1], [], []>, transpose_lhs_hint = false} : vector<1024x512xbf16>, vector<512x512xbf16>, vector<1024x512xf32> -> vector<1024x512xf32>
    %get3A_184 = arith.constant 0 : index
    %get3A_185 = arith.constant 0 : index
    %get3A_186 = vector.load %arg64[%get3A_184, %get3A_185] : memref<1x512xf32, #tpu.memory_space<vmem>>, vector<1x512xf32>
    %add3A_187 = vector.broadcast %get3A_186 : vector<1x512xf32> to vector<1024x512xf32>
    %add3A_188 = arith.addf %dot_general3A_183, %add3A_187 : vector<1024x512xf32>
    %add3A_189 = arith.addf %concatenate3A, %add3A_188 : vector<1024x512xf32>
    %get3A_190 = arith.constant 0 : index
    %get3A_191 = arith.constant 0 : index
    %get3A_192 = vector.load %arg69[%get3A_190, %get3A_191] : memref<1x512xf32, #tpu.memory_space<vmem>>, vector<1x512xf32>
    %get3A_193 = arith.constant 0 : index
    %get3A_194 = arith.constant 0 : index
    %get3A_195 = vector.load %arg70[%get3A_193, %get3A_194] : memref<1x512xf32, #tpu.memory_space<vmem>>, vector<1x512xf32>
    %reduce_sum3A_196 = arith.constant dense<0.000000e+00> : vector<1024xf32>
    %reduce_sum3A_197 = vector.multi_reduction <add>, %add3A_189, %reduce_sum3A_196 [1] : vector<1024x512xf32> to vector<1024xf32>
    %broadcast_in_dim3A_198 = vector.shape_cast %reduce_sum3A_197 : vector<1024xf32> to vector<1024x1xf32>
    %mul3A_199 = arith.constant 0.0023584906 : f32
    %mul3A_200 = vector.broadcast %mul3A_199 : f32 to vector<1024x1xf32>
    %mul3A_201 = arith.mulf %broadcast_in_dim3A_198, %mul3A_200 : vector<1024x1xf32>
    %mul3A_202 = arith.mulf %add3A_189, %add3A_189 : vector<1024x512xf32>
    %reduce_sum3A_203 = arith.constant dense<0.000000e+00> : vector<1024xf32>
    %reduce_sum3A_204 = vector.multi_reduction <add>, %mul3A_202, %reduce_sum3A_203 [1] : vector<1024x512xf32> to vector<1024xf32>
    %broadcast_in_dim3A_205 = vector.shape_cast %reduce_sum3A_204 : vector<1024xf32> to vector<1024x1xf32>
    %mul3A_206 = arith.constant 4.240000e+02 : f32
    %mul3A_207 = vector.broadcast %mul3A_206 : f32 to vector<1024x1xf32>
    %mul3A_208 = arith.mulf %mul3A_207, %mul3A_201 : vector<1024x1xf32>
    %mul3A_209 = arith.mulf %mul3A_208, %mul3A_201 : vector<1024x1xf32>
    %sub3A = arith.subf %broadcast_in_dim3A_205, %mul3A_209 : vector<1024x1xf32>
    %mul3A_210 = arith.constant 0.0023640662 : f32
    %mul3A_211 = vector.broadcast %mul3A_210 : f32 to vector<1024x1xf32>
    %mul3A_212 = arith.mulf %sub3A, %mul3A_211 : vector<1024x1xf32>
    %sub3A_213 = vector.broadcast %mul3A_201 : vector<1024x1xf32> to vector<1024x512xf32>
    %sub3A_214 = arith.subf %add3A_189, %sub3A_213 : vector<1024x512xf32>
    %sqrt3A = math.sqrt %mul3A_212 : vector<1024x1xf32>
    %add3A_215 = arith.constant 9.99999997E-7 : f32
    %add3A_216 = vector.broadcast %add3A_215 : f32 to vector<1024x1xf32>
    %add3A_217 = arith.addf %sqrt3A, %add3A_216 : vector<1024x1xf32>
    %div3A_218 = vector.broadcast %add3A_217 : vector<1024x1xf32> to vector<1024x512xf32>
    %div3A_219 = arith.divf %sub3A_214, %div3A_218 : vector<1024x512xf32>
    %mul3A_220 = vector.broadcast %get3A_192 : vector<1x512xf32> to vector<1024x512xf32>
    %mul3A_221 = arith.mulf %mul3A_220, %div3A_219 : vector<1024x512xf32>
    %add3A_222 = vector.broadcast %get3A_195 : vector<1x512xf32> to vector<1024x512xf32>
    %add3A_223 = arith.addf %mul3A_221, %add3A_222 : vector<1024x512xf32>
    %convert_element_type3A_224 = arith.truncf %add3A_223 : vector<1024x512xf32> to vector<1024x512xbf16>
    %get3A_225 = arith.constant 0 : index
    %get3A_226 = arith.constant 0 : index
    %get3A_227 = vector.load %arg65[%get3A_225, %get3A_226] : memref<512x1792xbf16, #tpu.memory_space<vmem>>, vector<512x1792xbf16>
    %dot_general3A_228 = arith.constant dense<0.000000e+00> : vector<1024x1792xf32>
    %dot_general3A_229 = tpu.matmul %convert_element_type3A_224, %get3A_227, %dot_general3A_228 {dimension_numbers = #tpu.dot_dimension_numbers<[1], [0], [0], [1], [0, 0, 1, 1], [], []>, transpose_lhs_hint = false} : vector<1024x512xbf16>, vector<512x1792xbf16>, vector<1024x1792xf32> -> vector<1024x1792xf32>
    %get3A_230 = arith.constant 0 : index
    %get3A_231 = arith.constant 0 : index
    %get3A_232 = vector.load %arg66[%get3A_230, %get3A_231] : memref<1x1792xf32, #tpu.memory_space<vmem>>, vector<1x1792xf32>
    %add3A_233 = vector.broadcast %get3A_232 : vector<1x1792xf32> to vector<1024x1792xf32>
    %add3A_234 = arith.addf %dot_general3A_229, %add3A_233 : vector<1024x1792xf32>
    %max3A = arith.constant 0.000000e+00 : f32
    %max3A_235 = vector.broadcast %max3A : f32 to vector<1024x1792xf32>
    %max3A_236 = arith.maximumf %add3A_234, %max3A_235 : vector<1024x1792xf32>
    %convert_element_type3A_237 = arith.truncf %max3A_236 : vector<1024x1792xf32> to vector<1024x1792xbf16>
    %get3A_238 = arith.constant 0 : index
    %get3A_239 = arith.constant 0 : index
    %get3A_240 = vector.load %arg67[%get3A_238, %get3A_239] : memref<1792x512xbf16, #tpu.memory_space<vmem>>, vector<1792x512xbf16>
    %dot_general3A_241 = arith.constant dense<0.000000e+00> : vector<1024x512xf32>
    %dot_general3A_242 = tpu.matmul %convert_element_type3A_237, %get3A_240, %dot_general3A_241 {dimension_numbers = #tpu.dot_dimension_numbers<[1], [0], [0], [1], [0, 0, 1, 1], [], []>, transpose_lhs_hint = false} : vector<1024x1792xbf16>, vector<1792x512xbf16>, vector<1024x512xf32> -> vector<1024x512xf32>
    %get3A_243 = arith.constant 0 : index
    %get3A_244 = arith.constant 0 : index
    %get3A_245 = vector.load %arg68[%get3A_243, %get3A_244] : memref<1x512xf32, #tpu.memory_space<vmem>>, vector<1x512xf32>
    %add3A_246 = vector.broadcast %get3A_245 : vector<1x512xf32> to vector<1024x512xf32>
    %add3A_247 = arith.addf %dot_general3A_242, %add3A_246 : vector<1024x512xf32>
    %add3A_248 = arith.addf %add3A_223, %add3A_247 : vector<1024x512xf32>
    %get3A_249 = arith.constant 0 : index
    %get3A_250 = arith.constant 0 : index
    %get3A_251 = vector.load %arg71[%get3A_249, %get3A_250] : memref<1x512xf32, #tpu.memory_space<vmem>>, vector<1x512xf32>
    %get3A_252 = arith.constant 0 : index
    %get3A_253 = arith.constant 0 : index
    %get3A_254 = vector.load %arg72[%get3A_252, %get3A_253] : memref<1x512xf32, #tpu.memory_space<vmem>>, vector<1x512xf32>
    %reduce_sum3A_255 = arith.constant dense<0.000000e+00> : vector<1024xf32>
    %reduce_sum3A_256 = vector.multi_reduction <add>, %add3A_248, %reduce_sum3A_255 [1] : vector<1024x512xf32> to vector<1024xf32>
    %broadcast_in_dim3A_257 = vector.shape_cast %reduce_sum3A_256 : vector<1024xf32> to vector<1024x1xf32>
    %mul3A_258 = arith.constant 0.0023584906 : f32
    %mul3A_259 = vector.broadcast %mul3A_258 : f32 to vector<1024x1xf32>
    %mul3A_260 = arith.mulf %broadcast_in_dim3A_257, %mul3A_259 : vector<1024x1xf32>
    %mul3A_261 = arith.mulf %add3A_248, %add3A_248 : vector<1024x512xf32>
    %reduce_sum3A_262 = arith.constant dense<0.000000e+00> : vector<1024xf32>
    %reduce_sum3A_263 = vector.multi_reduction <add>, %mul3A_261, %reduce_sum3A_262 [1] : vector<1024x512xf32> to vector<1024xf32>
    %broadcast_in_dim3A_264 = vector.shape_cast %reduce_sum3A_263 : vector<1024xf32> to vector<1024x1xf32>
    %mul3A_265 = arith.constant 4.240000e+02 : f32
    %mul3A_266 = vector.broadcast %mul3A_265 : f32 to vector<1024x1xf32>
    %mul3A_267 = arith.mulf %mul3A_266, %mul3A_260 : vector<1024x1xf32>
    %mul3A_268 = arith.mulf %mul3A_267, %mul3A_260 : vector<1024x1xf32>
    %sub3A_269 = arith.subf %broadcast_in_dim3A_264, %mul3A_268 : vector<1024x1xf32>
    %mul3A_270 = arith.constant 0.0023640662 : f32
    %mul3A_271 = vector.broadcast %mul3A_270 : f32 to vector<1024x1xf32>
    %mul3A_272 = arith.mulf %sub3A_269, %mul3A_271 : vector<1024x1xf32>
    %sub3A_273 = vector.broadcast %mul3A_260 : vector<1024x1xf32> to vector<1024x512xf32>
    %sub3A_274 = arith.subf %add3A_248, %sub3A_273 : vector<1024x512xf32>
    %sqrt3A_275 = math.sqrt %mul3A_272 : vector<1024x1xf32>
    %add3A_276 = arith.constant 9.99999997E-7 : f32
    %add3A_277 = vector.broadcast %add3A_276 : f32 to vector<1024x1xf32>
    %add3A_278 = arith.addf %sqrt3A_275, %add3A_277 : vector<1024x1xf32>
    %div3A_279 = vector.broadcast %add3A_278 : vector<1024x1xf32> to vector<1024x512xf32>
    %div3A_280 = arith.divf %sub3A_274, %div3A_279 : vector<1024x512xf32>
    %mul3A_281 = vector.broadcast %get3A_251 : vector<1x512xf32> to vector<1024x512xf32>
    %mul3A_282 = arith.mulf %mul3A_281, %div3A_280 : vector<1024x512xf32>
    %add3A_283 = vector.broadcast %get3A_254 : vector<1x512xf32> to vector<1024x512xf32>
    %add3A_284 = arith.addf %mul3A_282, %add3A_283 : vector<1024x512xf32>
    %convert_element_type3A_285 = arith.truncf %add3A_284 : vector<1024x512xf32> to vector<1024x512xbf16>
    %get3A_286 = arith.constant 0 : index
    %get3A_287 = arith.constant 0 : index
    %get3A_288 = vector.load %arg73[%get3A_286, %get3A_287] : memref<512x8xbf16, #tpu.memory_space<vmem>>, vector<512x8xbf16>
    %dot_general3A_289 = arith.constant dense<0.000000e+00> : vector<1024x8xf32>
    %dot_general3A_290 = tpu.matmul %convert_element_type3A_285, %get3A_288, %dot_general3A_289 {dimension_numbers = #tpu.dot_dimension_numbers<[1], [0], [0], [1], [0, 0, 1, 1], [], []>, transpose_lhs_hint = false} : vector<1024x512xbf16>, vector<512x8xbf16>, vector<1024x8xf32> -> vector<1024x8xf32>
    %convert_element_type3A_291 = arith.truncf %slice3A : vector<1024x8xf32> to vector<1024x8xbf16>
    %get3A_292 = arith.constant 0 : index
    %get3A_293 = arith.constant 0 : index
    %get3A_294 = vector.load %arg74[%get3A_292, %get3A_293] : memref<8x8xbf16, #tpu.memory_space<vmem>>, vector<8x8xbf16>
    %dot_general3A_295 = arith.constant dense<0.000000e+00> : vector<1024x8xf32>
    %dot_general3A_296 = tpu.matmul %convert_element_type3A_291, %get3A_294, %dot_general3A_295 {dimension_numbers = #tpu.dot_dimension_numbers<[1], [0], [0], [1], [0, 0, 1, 1], [], []>, transpose_lhs_hint = false} : vector<1024x8xbf16>, vector<8x8xbf16>, vector<1024x8xf32> -> vector<1024x8xf32>
    %add3A_297 = arith.addf %dot_general3A_290, %dot_general3A_296 : vector<1024x8xf32>
    %get3A_298 = arith.constant 0 : index
    %get3A_299 = vector.load %arg24[%get3A_298] : memref<8xf32, #tpu.memory_space<vmem>>, vector<8xf32>
    %reshape3A_300 = vector.shape_cast %get3A_299 : vector<8xf32> to vector<1x8xf32>
    %add3A_301 = vector.broadcast %reshape3A_300 : vector<1x8xf32> to vector<1024x8xf32>
    %add3A_302 = arith.addf %add3A_297, %add3A_301 : vector<1024x8xf32>
    %get3A_303 = arith.constant 0 : index
    %get3A_304 = arith.constant 0 : index
    %get3A_305 = vector.load %arg75[%get3A_303, %get3A_304] : memref<512x512xbf16, #tpu.memory_space<vmem>>, vector<512x512xbf16>
    %dot_general3A_306 = arith.constant dense<0.000000e+00> : vector<1024x512xf32>
    %dot_general3A_307 = tpu.matmul %convert_element_type3A_285, %get3A_305, %dot_general3A_306 {dimension_numbers = #tpu.dot_dimension_numbers<[1], [0], [0], [1], [0, 0, 1, 1], [], []>, transpose_lhs_hint = false} : vector<1024x512xbf16>, vector<512x512xbf16>, vector<1024x512xf32> -> vector<1024x512xf32>
    %get3A_308 = arith.constant 0 : index
    %get3A_309 = arith.constant 0 : index
    %get3A_310 = vector.load %arg76[%get3A_308, %get3A_309] : memref<1x512xf32, #tpu.memory_space<vmem>>, vector<1x512xf32>
    %add3A_311 = vector.broadcast %get3A_310 : vector<1x512xf32> to vector<1024x512xf32>
    %add3A_312 = arith.addf %dot_general3A_307, %add3A_311 : vector<1024x512xf32>
    %max3A_313 = arith.constant 0.000000e+00 : f32
    %max3A_314 = vector.broadcast %max3A_313 : f32 to vector<1024x512xf32>
    %max3A_315 = arith.maximumf %add3A_312, %max3A_314 : vector<1024x512xf32>
    %get3A_316 = arith.constant 0 : index
    %get3A_317 = arith.constant 0 : index
    %get3A_318 = vector.load %arg77[%get3A_316, %get3A_317] : memref<1x512xf32, #tpu.memory_space<vmem>>, vector<1x512xf32>
    %mul3A_319 = vector.broadcast %get3A_318 : vector<1x512xf32> to vector<1024x512xf32>
    %mul3A_320 = arith.mulf %max3A_315, %mul3A_319 : vector<1024x512xf32>
    %slice3A_321 = vector.extract_strided_slice %mul3A_320 {offsets = [0, 0], sizes = [1024, 256], strides = [1, 1]} : vector<1024x512xf32> to vector<1024x256xf32>
    %reduce_sum3A_322 = arith.constant dense<0.000000e+00> : vector<1024xf32>
    %reduce_sum3A_323 = vector.multi_reduction <add>, %slice3A_321, %reduce_sum3A_322 [1] : vector<1024x256xf32> to vector<1024xf32>
    %broadcast_in_dim3A_324 = vector.shape_cast %reduce_sum3A_323 : vector<1024xf32> to vector<1024x1xf32>
    %get3A_325 = arith.constant 0 : index
    %get3A_326 = vector.load %arg28[%get3A_325] : memref<1xf32, #tpu.memory_space<vmem>>, vector<1xf32>
    %reshape3A_327 = vector.shape_cast %get3A_326 : vector<1xf32> to vector<1x1xf32>
    %add3A_328 = vector.broadcast %reshape3A_327 : vector<1x1xf32> to vector<1024x1xf32>
    %add3A_329 = arith.addf %broadcast_in_dim3A_324, %add3A_328 : vector<1024x1xf32>
    %slice3A_330 = vector.extract_strided_slice %mul3A_320 {offsets = [0, 256], sizes = [1024, 256], strides = [1, 1]} : vector<1024x512xf32> to vector<1024x256xf32>
    %reduce_sum3A_331 = arith.constant dense<0.000000e+00> : vector<1024xf32>
    %reduce_sum3A_332 = vector.multi_reduction <add>, %slice3A_330, %reduce_sum3A_331 [1] : vector<1024x256xf32> to vector<1024xf32>
    %broadcast_in_dim3A_333 = vector.shape_cast %reduce_sum3A_332 : vector<1024xf32> to vector<1024x1xf32>
    %get3A_334 = arith.constant 0 : index
    %get3A_335 = vector.load %arg32[%get3A_334] : memref<1xf32, #tpu.memory_space<vmem>>, vector<1xf32>
    %reshape3A_336 = vector.shape_cast %get3A_335 : vector<1xf32> to vector<1x1xf32>
    %add3A_337 = vector.broadcast %reshape3A_336 : vector<1x1xf32> to vector<1024x1xf32>
    %add3A_338 = arith.addf %broadcast_in_dim3A_333, %add3A_337 : vector<1024x1xf32>
    %logistic3A = arith.negf %add3A_338 : vector<1024x1xf32>
    %logistic3A_339 = math.exp %logistic3A : vector<1024x1xf32>
    %logistic3A_340 = arith.constant 1.000000e+00 : f32
    %logistic3A_341 = vector.broadcast %logistic3A_340 : f32 to vector<1024x1xf32>
    %logistic3A_342 = arith.addf %logistic3A_341, %logistic3A_339 : vector<1024x1xf32>
    %logistic3A_343 = arith.divf %logistic3A_341, %logistic3A_342 : vector<1024x1xf32>
    %get3A_344 = arith.constant 0 : index
    %get3A_345 = arith.constant 0 : index
    %get3A_346 = arith.constant 0 : index
    %get3A_347 = vector.load %arg5[%get3A_344, %get3A_345, %get3A_346] : memref<2x1x512xi32, #tpu.memory_space<vmem>>, vector<1x1x512xi32>
    %get3A_348 = vector.shape_cast %get3A_347 : vector<1x1x512xi32> to vector<1x512xi32>
    %get3A_349 = arith.constant 0 : index
    %get3A_350 = arith.constant 0 : index
    %get3A_351 = arith.constant 0 : index
    %get3A_352 = vector.load %arg6[%get3A_349, %get3A_350, %get3A_351] : memref<2x512x1xi32, #tpu.memory_space<vmem>>, vector<1x512x1xi32>
    %get3A_353 = vector.shape_cast %get3A_352 : vector<1x512x1xi32> to vector<512x1xi32>
    %eq3A_354 = vector.broadcast %get3A_353 : vector<512x1xi32> to vector<512x512xi32>
    %eq3A_355 = vector.broadcast %get3A_348 : vector<1x512xi32> to vector<512x512xi32>
    %eq3A_356 = arith.cmpi eq, %eq3A_354, %eq3A_355 : vector<512x512xi32>
    %slice3A_357 = vector.extract_strided_slice %add3A_329 {offsets = [0, 0], sizes = [512, 1], strides = [1, 1]} : vector<1024x1xf32> to vector<512x1xf32>
    %exp3A_358 = math.exp %slice3A_357 : vector<512x1xf32>
    %jit3A = arith.constant 1.000000e+00 : f32
    %broadcast_in_dim3A_359 = vector.shape_cast %exp3A_358 : vector<512x1xf32> to vector<512x1xf32>
    %broadcast_in_dim3A_360 = vector.broadcast %broadcast_in_dim3A_359 : vector<512x1xf32> to vector<512x512xf32>
    %broadcast_in_dim3A_361 = vector.broadcast %jit3A : f32 to vector<512x512xf32>
    %select_n3A = arith.select %eq3A_356, %broadcast_in_dim3A_360, %broadcast_in_dim3A_361 : vector<512x512xi1>, vector<512x512xf32>
    %slice3A_362 = vector.extract_strided_slice %add3A_302 {offsets = [0, 0], sizes = [512, 8], strides = [1, 1]} : vector<1024x8xf32> to vector<512x8xf32>
    %broadcast_in_dim3A_363 = arith.constant 1.000000e+00 : f32
    %broadcast_in_dim3A_364 = vector.broadcast %broadcast_in_dim3A_363 : f32 to vector<512x1xf32>
    %concatenate3A_365 = tpu.concatenate %slice3A_362, %broadcast_in_dim3A_364 in 1 : vector<512x8xf32>, vector<512x1xf32> -> vector<512x9xf32>
    %convert_element_type3A_366 = arith.truncf %select_n3A : vector<512x512xf32> to vector<512x512xbf16>
    %convert_element_type3A_367 = arith.truncf %concatenate3A_365 : vector<512x9xf32> to vector<512x9xbf16>
    %dot_general3A_368 = arith.constant dense<0.000000e+00> : vector<512x9xf32>
    %dot_general3A_369 = tpu.matmul %convert_element_type3A_366, %convert_element_type3A_367, %dot_general3A_368 {dimension_numbers = #tpu.dot_dimension_numbers<[0], [0], [1], [1], [0, 1, 1, 1], [], []>, transpose_lhs_hint = false} : vector<512x512xbf16>, vector<512x9xbf16>, vector<512x9xf32> -> vector<512x9xf32>
    %slice3A_370 = vector.extract_strided_slice %dot_general3A_369 {offsets = [0, 0], sizes = [512, 8], strides = [1, 1]} : vector<512x9xf32> to vector<512x8xf32>
    %slice3A_371 = vector.extract_strided_slice %dot_general3A_369 {offsets = [0, 8], sizes = [512, 1], strides = [1, 1]} : vector<512x9xf32> to vector<512x1xf32>
    %div3A_372 = vector.broadcast %slice3A_371 : vector<512x1xf32> to vector<512x8xf32>
    %div3A_373 = arith.divf %slice3A_370, %div3A_372 : vector<512x8xf32>
    %get3A_374 = arith.constant 1 : index
    %get3A_375 = arith.constant 0 : index
    %get3A_376 = arith.constant 0 : index
    %get3A_377 = vector.load %arg5[%get3A_374, %get3A_375, %get3A_376] : memref<2x1x512xi32, #tpu.memory_space<vmem>>, vector<1x1x512xi32>
    %get3A_378 = vector.shape_cast %get3A_377 : vector<1x1x512xi32> to vector<1x512xi32>
    %get3A_379 = arith.constant 1 : index
    %get3A_380 = arith.constant 0 : index
    %get3A_381 = arith.constant 0 : index
    %get3A_382 = vector.load %arg6[%get3A_379, %get3A_380, %get3A_381] : memref<2x512x1xi32, #tpu.memory_space<vmem>>, vector<1x512x1xi32>
    %get3A_383 = vector.shape_cast %get3A_382 : vector<1x512x1xi32> to vector<512x1xi32>
    %eq3A_384 = vector.broadcast %get3A_383 : vector<512x1xi32> to vector<512x512xi32>
    %eq3A_385 = vector.broadcast %get3A_378 : vector<1x512xi32> to vector<512x512xi32>
    %eq3A_386 = arith.cmpi eq, %eq3A_384, %eq3A_385 : vector<512x512xi32>
    %slice3A_387 = vector.extract_strided_slice %add3A_329 {offsets = [512, 0], sizes = [512, 1], strides = [1, 1]} : vector<1024x1xf32> to vector<512x1xf32>
    %exp3A_388 = math.exp %slice3A_387 : vector<512x1xf32>
    %jit3A_389 = arith.constant 1.000000e+00 : f32
    %broadcast_in_dim3A_390 = vector.shape_cast %exp3A_388 : vector<512x1xf32> to vector<512x1xf32>
    %broadcast_in_dim3A_391 = vector.broadcast %broadcast_in_dim3A_390 : vector<512x1xf32> to vector<512x512xf32>
    %broadcast_in_dim3A_392 = vector.broadcast %jit3A_389 : f32 to vector<512x512xf32>
    %select_n3A_393 = arith.select %eq3A_386, %broadcast_in_dim3A_391, %broadcast_in_dim3A_392 : vector<512x512xi1>, vector<512x512xf32>
    %slice3A_394 = vector.extract_strided_slice %add3A_302 {offsets = [512, 0], sizes = [512, 8], strides = [1, 1]} : vector<1024x8xf32> to vector<512x8xf32>
    %broadcast_in_dim3A_395 = arith.constant 1.000000e+00 : f32
    %broadcast_in_dim3A_396 = vector.broadcast %broadcast_in_dim3A_395 : f32 to vector<512x1xf32>
    %concatenate3A_397 = tpu.concatenate %slice3A_394, %broadcast_in_dim3A_396 in 1 : vector<512x8xf32>, vector<512x1xf32> -> vector<512x9xf32>
    %convert_element_type3A_398 = arith.truncf %select_n3A_393 : vector<512x512xf32> to vector<512x512xbf16>
    %convert_element_type3A_399 = arith.truncf %concatenate3A_397 : vector<512x9xf32> to vector<512x9xbf16>
    %dot_general3A_400 = arith.constant dense<0.000000e+00> : vector<512x9xf32>
    %dot_general3A_401 = tpu.matmul %convert_element_type3A_398, %convert_element_type3A_399, %dot_general3A_400 {dimension_numbers = #tpu.dot_dimension_numbers<[0], [0], [1], [1], [0, 1, 1, 1], [], []>, transpose_lhs_hint = false} : vector<512x512xbf16>, vector<512x9xbf16>, vector<512x9xf32> -> vector<512x9xf32>
    %slice3A_402 = vector.extract_strided_slice %dot_general3A_401 {offsets = [0, 0], sizes = [512, 8], strides = [1, 1]} : vector<512x9xf32> to vector<512x8xf32>
    %slice3A_403 = vector.extract_strided_slice %dot_general3A_401 {offsets = [0, 8], sizes = [512, 1], strides = [1, 1]} : vector<512x9xf32> to vector<512x1xf32>
    %div3A_404 = vector.broadcast %slice3A_403 : vector<512x1xf32> to vector<512x8xf32>
    %div3A_405 = arith.divf %slice3A_402, %div3A_404 : vector<512x8xf32>
    %concatenate3A_406 = tpu.concatenate %div3A_373, %div3A_405 in 0 : vector<512x8xf32>, vector<512x8xf32> -> vector<1024x8xf32>
    %mul3A_407 = vector.broadcast %logistic3A_343 : vector<1024x1xf32> to vector<1024x8xf32>
    %mul3A_408 = arith.mulf %mul3A_407, %add3A_302 : vector<1024x8xf32>
    %sub3A_409 = arith.constant 1.000000e+00 : f32
    %sub3A_410 = vector.broadcast %sub3A_409 : f32 to vector<1024x1xf32>
    %sub3A_411 = arith.subf %sub3A_410, %logistic3A_343 : vector<1024x1xf32>
    %mul3A_412 = vector.broadcast %sub3A_411 : vector<1024x1xf32> to vector<1024x8xf32>
    %mul3A_413 = arith.mulf %mul3A_412, %concatenate3A_406 : vector<1024x8xf32>
    %add3A_414 = arith.addf %mul3A_408, %mul3A_413 : vector<1024x8xf32>
    %convert_element_type3A_415 = arith.truncf %add3A_284 : vector<1024x512xf32> to vector<1024x512xbf16>
    %get3A_416 = arith.constant 0 : index
    %get3A_417 = arith.constant 0 : index
    %get3A_418 = vector.load %arg78[%get3A_416, %get3A_417] : memref<512x1536xbf16, #tpu.memory_space<vmem>>, vector<512x1536xbf16>
    %dot_general3A_419 = arith.constant dense<0.000000e+00> : vector<1024x1536xf32>
    %dot_general3A_420 = tpu.matmul %convert_element_type3A_415, %get3A_418, %dot_general3A_419 {dimension_numbers = #tpu.dot_dimension_numbers<[1], [0], [0], [1], [0, 0, 1, 1], [], []>, transpose_lhs_hint = false} : vector<1024x512xbf16>, vector<512x1536xbf16>, vector<1024x1536xf32> -> vector<1024x1536xf32>
    %get3A_421 = arith.constant 0 : index
    %get3A_422 = arith.constant 0 : index
    %get3A_423 = vector.load %arg79[%get3A_421, %get3A_422] : memref<1x1536xf32, #tpu.memory_space<vmem>>, vector<1x1536xf32>
    %add3A_424 = vector.broadcast %get3A_423 : vector<1x1536xf32> to vector<1024x1536xf32>
    %add3A_425 = arith.addf %dot_general3A_420, %add3A_424 : vector<1024x1536xf32>
    %convert_element_type3A_426 = arith.truncf %add3A_425 : vector<1024x1536xf32> to vector<1024x1536xbf16>
    %slice3A_427 = vector.extract_strided_slice %convert_element_type3A_426 {offsets = [0, 0], sizes = [512, 128], strides = [1, 1]} : vector<1024x1536xbf16> to vector<512x128xbf16>
    %slice3A_428 = vector.extract_strided_slice %convert_element_type3A_426 {offsets = [0, 512], sizes = [512, 128], strides = [1, 1]} : vector<1024x1536xbf16> to vector<512x128xbf16>
    %dot_general3A_429 = arith.constant dense<0.000000e+00> : vector<512x512xf32>
    %dot_general3A_430 = tpu.matmul %slice3A_427, %slice3A_428, %dot_general3A_429 {dimension_numbers = #tpu.dot_dimension_numbers<[1], [1], [0], [0], [0, 0, 1, 0], [], []>, transpose_lhs_hint = false} : vector<512x128xbf16>, vector<512x128xbf16>, vector<512x512xf32> -> vector<512x512xf32>
    %exp3A_431 = math.exp %dot_general3A_430 : vector<512x512xf32>
    %reduce_sum3A_432 = arith.constant dense<0.000000e+00> : vector<512xf32>
    %reduce_sum3A_433 = vector.multi_reduction <add>, %exp3A_431, %reduce_sum3A_432 [1] : vector<512x512xf32> to vector<512xf32>
    %broadcast_in_dim3A_434 = vector.shape_cast %reduce_sum3A_433 : vector<512xf32> to vector<512x1xf32>
    %div3A_435 = arith.constant 1.000000e+00 : f32
    %div3A_436 = vector.broadcast %div3A_435 : f32 to vector<512x1xf32>
    %div3A_437 = arith.divf %div3A_436, %broadcast_in_dim3A_434 : vector<512x1xf32>
    %convert_element_type3A_438 = arith.truncf %exp3A_431 : vector<512x512xf32> to vector<512x512xbf16>
    %slice3A_439 = vector.extract_strided_slice %convert_element_type3A_426 {offsets = [0, 1024], sizes = [512, 128], strides = [1, 1]} : vector<1024x1536xbf16> to vector<512x128xbf16>
    %dot_general3A_440 = arith.constant dense<0.000000e+00> : vector<512x128xf32>
    %dot_general3A_441 = tpu.matmul %convert_element_type3A_438, %slice3A_439, %dot_general3A_440 {dimension_numbers = #tpu.dot_dimension_numbers<[1], [0], [0], [1], [0, 0, 1, 1], [], []>, transpose_lhs_hint = false} : vector<512x512xbf16>, vector<512x128xbf16>, vector<512x128xf32> -> vector<512x128xf32>
    %mul3A_442 = vector.broadcast %div3A_437 : vector<512x1xf32> to vector<512x128xf32>
    %mul3A_443 = arith.mulf %dot_general3A_441, %mul3A_442 : vector<512x128xf32>
    %slice3A_444 = vector.extract_strided_slice %convert_element_type3A_426 {offsets = [0, 128], sizes = [512, 128], strides = [1, 1]} : vector<1024x1536xbf16> to vector<512x128xbf16>
    %slice3A_445 = vector.extract_strided_slice %convert_element_type3A_426 {offsets = [0, 640], sizes = [512, 128], strides = [1, 1]} : vector<1024x1536xbf16> to vector<512x128xbf16>
    %dot_general3A_446 = arith.constant dense<0.000000e+00> : vector<512x512xf32>
    %dot_general3A_447 = tpu.matmul %slice3A_444, %slice3A_445, %dot_general3A_446 {dimension_numbers = #tpu.dot_dimension_numbers<[1], [1], [0], [0], [0, 0, 1, 0], [], []>, transpose_lhs_hint = false} : vector<512x128xbf16>, vector<512x128xbf16>, vector<512x512xf32> -> vector<512x512xf32>
    %exp3A_448 = math.exp %dot_general3A_447 : vector<512x512xf32>
    %reduce_sum3A_449 = arith.constant dense<0.000000e+00> : vector<512xf32>
    %reduce_sum3A_450 = vector.multi_reduction <add>, %exp3A_448, %reduce_sum3A_449 [1] : vector<512x512xf32> to vector<512xf32>
    %broadcast_in_dim3A_451 = vector.shape_cast %reduce_sum3A_450 : vector<512xf32> to vector<512x1xf32>
    %div3A_452 = arith.constant 1.000000e+00 : f32
    %div3A_453 = vector.broadcast %div3A_452 : f32 to vector<512x1xf32>
    %div3A_454 = arith.divf %div3A_453, %broadcast_in_dim3A_451 : vector<512x1xf32>
    %convert_element_type3A_455 = arith.truncf %exp3A_448 : vector<512x512xf32> to vector<512x512xbf16>
    %slice3A_456 = vector.extract_strided_slice %convert_element_type3A_426 {offsets = [0, 1152], sizes = [512, 128], strides = [1, 1]} : vector<1024x1536xbf16> to vector<512x128xbf16>
    %dot_general3A_457 = arith.constant dense<0.000000e+00> : vector<512x128xf32>
    %dot_general3A_458 = tpu.matmul %convert_element_type3A_455, %slice3A_456, %dot_general3A_457 {dimension_numbers = #tpu.dot_dimension_numbers<[1], [0], [0], [1], [0, 0, 1, 1], [], []>, transpose_lhs_hint = false} : vector<512x512xbf16>, vector<512x128xbf16>, vector<512x128xf32> -> vector<512x128xf32>
    %mul3A_459 = vector.broadcast %div3A_454 : vector<512x1xf32> to vector<512x128xf32>
    %mul3A_460 = arith.mulf %dot_general3A_458, %mul3A_459 : vector<512x128xf32>
    %slice3A_461 = vector.extract_strided_slice %convert_element_type3A_426 {offsets = [0, 256], sizes = [512, 128], strides = [1, 1]} : vector<1024x1536xbf16> to vector<512x128xbf16>
    %slice3A_462 = vector.extract_strided_slice %convert_element_type3A_426 {offsets = [0, 768], sizes = [512, 128], strides = [1, 1]} : vector<1024x1536xbf16> to vector<512x128xbf16>
    %dot_general3A_463 = arith.constant dense<0.000000e+00> : vector<512x512xf32>
    %dot_general3A_464 = tpu.matmul %slice3A_461, %slice3A_462, %dot_general3A_463 {dimension_numbers = #tpu.dot_dimension_numbers<[1], [1], [0], [0], [0, 0, 1, 0], [], []>, transpose_lhs_hint = false} : vector<512x128xbf16>, vector<512x128xbf16>, vector<512x512xf32> -> vector<512x512xf32>
    %exp3A_465 = math.exp %dot_general3A_464 : vector<512x512xf32>
    %reduce_sum3A_466 = arith.constant dense<0.000000e+00> : vector<512xf32>
    %reduce_sum3A_467 = vector.multi_reduction <add>, %exp3A_465, %reduce_sum3A_466 [1] : vector<512x512xf32> to vector<512xf32>
    %broadcast_in_dim3A_468 = vector.shape_cast %reduce_sum3A_467 : vector<512xf32> to vector<512x1xf32>
    %div3A_469 = arith.constant 1.000000e+00 : f32
    %div3A_470 = vector.broadcast %div3A_469 : f32 to vector<512x1xf32>
    %div3A_471 = arith.divf %div3A_470, %broadcast_in_dim3A_468 : vector<512x1xf32>
    %convert_element_type3A_472 = arith.truncf %exp3A_465 : vector<512x512xf32> to vector<512x512xbf16>
    %slice3A_473 = vector.extract_strided_slice %convert_element_type3A_426 {offsets = [0, 1280], sizes = [512, 128], strides = [1, 1]} : vector<1024x1536xbf16> to vector<512x128xbf16>
    %dot_general3A_474 = arith.constant dense<0.000000e+00> : vector<512x128xf32>
    %dot_general3A_475 = tpu.matmul %convert_element_type3A_472, %slice3A_473, %dot_general3A_474 {dimension_numbers = #tpu.dot_dimension_numbers<[1], [0], [0], [1], [0, 0, 1, 1], [], []>, transpose_lhs_hint = false} : vector<512x512xbf16>, vector<512x128xbf16>, vector<512x128xf32> -> vector<512x128xf32>
    %mul3A_476 = vector.broadcast %div3A_471 : vector<512x1xf32> to vector<512x128xf32>
    %mul3A_477 = arith.mulf %dot_general3A_475, %mul3A_476 : vector<512x128xf32>
    %slice3A_478 = vector.extract_strided_slice %convert_element_type3A_426 {offsets = [0, 384], sizes = [512, 128], strides = [1, 1]} : vector<1024x1536xbf16> to vector<512x128xbf16>
    %slice3A_479 = vector.extract_strided_slice %convert_element_type3A_426 {offsets = [0, 896], sizes = [512, 128], strides = [1, 1]} : vector<1024x1536xbf16> to vector<512x128xbf16>
    %dot_general3A_480 = arith.constant dense<0.000000e+00> : vector<512x512xf32>
    %dot_general3A_481 = tpu.matmul %slice3A_478, %slice3A_479, %dot_general3A_480 {dimension_numbers = #tpu.dot_dimension_numbers<[1], [1], [0], [0], [0, 0, 1, 0], [], []>, transpose_lhs_hint = false} : vector<512x128xbf16>, vector<512x128xbf16>, vector<512x512xf32> -> vector<512x512xf32>
    %exp3A_482 = math.exp %dot_general3A_481 : vector<512x512xf32>
    %reduce_sum3A_483 = arith.constant dense<0.000000e+00> : vector<512xf32>
    %reduce_sum3A_484 = vector.multi_reduction <add>, %exp3A_482, %reduce_sum3A_483 [1] : vector<512x512xf32> to vector<512xf32>
    %broadcast_in_dim3A_485 = vector.shape_cast %reduce_sum3A_484 : vector<512xf32> to vector<512x1xf32>
    %div3A_486 = arith.constant 1.000000e+00 : f32
    %div3A_487 = vector.broadcast %div3A_486 : f32 to vector<512x1xf32>
    %div3A_488 = arith.divf %div3A_487, %broadcast_in_dim3A_485 : vector<512x1xf32>
    %convert_element_type3A_489 = arith.truncf %exp3A_482 : vector<512x512xf32> to vector<512x512xbf16>
    %slice3A_490 = vector.extract_strided_slice %convert_element_type3A_426 {offsets = [0, 1408], sizes = [512, 128], strides = [1, 1]} : vector<1024x1536xbf16> to vector<512x128xbf16>
    %dot_general3A_491 = arith.constant dense<0.000000e+00> : vector<512x128xf32>
    %dot_general3A_492 = tpu.matmul %convert_element_type3A_489, %slice3A_490, %dot_general3A_491 {dimension_numbers = #tpu.dot_dimension_numbers<[1], [0], [0], [1], [0, 0, 1, 1], [], []>, transpose_lhs_hint = false} : vector<512x512xbf16>, vector<512x128xbf16>, vector<512x128xf32> -> vector<512x128xf32>
    %mul3A_493 = vector.broadcast %div3A_488 : vector<512x1xf32> to vector<512x128xf32>
    %mul3A_494 = arith.mulf %dot_general3A_492, %mul3A_493 : vector<512x128xf32>
    %concatenate3A_495 = tpu.concatenate %mul3A_443, %mul3A_460, %mul3A_477, %mul3A_494 in 1 : vector<512x128xf32>, vector<512x128xf32>, vector<512x128xf32>, vector<512x128xf32> -> vector<512x512xf32>
    %slice3A_496 = vector.extract_strided_slice %convert_element_type3A_426 {offsets = [512, 0], sizes = [512, 128], strides = [1, 1]} : vector<1024x1536xbf16> to vector<512x128xbf16>
    %slice3A_497 = vector.extract_strided_slice %convert_element_type3A_426 {offsets = [512, 512], sizes = [512, 128], strides = [1, 1]} : vector<1024x1536xbf16> to vector<512x128xbf16>
    %dot_general3A_498 = arith.constant dense<0.000000e+00> : vector<512x512xf32>
    %dot_general3A_499 = tpu.matmul %slice3A_496, %slice3A_497, %dot_general3A_498 {dimension_numbers = #tpu.dot_dimension_numbers<[1], [1], [0], [0], [0, 0, 1, 0], [], []>, transpose_lhs_hint = false} : vector<512x128xbf16>, vector<512x128xbf16>, vector<512x512xf32> -> vector<512x512xf32>
    %exp3A_500 = math.exp %dot_general3A_499 : vector<512x512xf32>
    %reduce_sum3A_501 = arith.constant dense<0.000000e+00> : vector<512xf32>
    %reduce_sum3A_502 = vector.multi_reduction <add>, %exp3A_500, %reduce_sum3A_501 [1] : vector<512x512xf32> to vector<512xf32>
    %broadcast_in_dim3A_503 = vector.shape_cast %reduce_sum3A_502 : vector<512xf32> to vector<512x1xf32>
    %div3A_504 = arith.constant 1.000000e+00 : f32
    %div3A_505 = vector.broadcast %div3A_504 : f32 to vector<512x1xf32>
    %div3A_506 = arith.divf %div3A_505, %broadcast_in_dim3A_503 : vector<512x1xf32>
    %convert_element_type3A_507 = arith.truncf %exp3A_500 : vector<512x512xf32> to vector<512x512xbf16>
    %slice3A_508 = vector.extract_strided_slice %convert_element_type3A_426 {offsets = [512, 1024], sizes = [512, 128], strides = [1, 1]} : vector<1024x1536xbf16> to vector<512x128xbf16>
    %dot_general3A_509 = arith.constant dense<0.000000e+00> : vector<512x128xf32>
    %dot_general3A_510 = tpu.matmul %convert_element_type3A_507, %slice3A_508, %dot_general3A_509 {dimension_numbers = #tpu.dot_dimension_numbers<[1], [0], [0], [1], [0, 0, 1, 1], [], []>, transpose_lhs_hint = false} : vector<512x512xbf16>, vector<512x128xbf16>, vector<512x128xf32> -> vector<512x128xf32>
    %mul3A_511 = vector.broadcast %div3A_506 : vector<512x1xf32> to vector<512x128xf32>
    %mul3A_512 = arith.mulf %dot_general3A_510, %mul3A_511 : vector<512x128xf32>
    %slice3A_513 = vector.extract_strided_slice %convert_element_type3A_426 {offsets = [512, 128], sizes = [512, 128], strides = [1, 1]} : vector<1024x1536xbf16> to vector<512x128xbf16>
    %slice3A_514 = vector.extract_strided_slice %convert_element_type3A_426 {offsets = [512, 640], sizes = [512, 128], strides = [1, 1]} : vector<1024x1536xbf16> to vector<512x128xbf16>
    %dot_general3A_515 = arith.constant dense<0.000000e+00> : vector<512x512xf32>
    %dot_general3A_516 = tpu.matmul %slice3A_513, %slice3A_514, %dot_general3A_515 {dimension_numbers = #tpu.dot_dimension_numbers<[1], [1], [0], [0], [0, 0, 1, 0], [], []>, transpose_lhs_hint = false} : vector<512x128xbf16>, vector<512x128xbf16>, vector<512x512xf32> -> vector<512x512xf32>
    %exp3A_517 = math.exp %dot_general3A_516 : vector<512x512xf32>
    %reduce_sum3A_518 = arith.constant dense<0.000000e+00> : vector<512xf32>
    %reduce_sum3A_519 = vector.multi_reduction <add>, %exp3A_517, %reduce_sum3A_518 [1] : vector<512x512xf32> to vector<512xf32>
    %broadcast_in_dim3A_520 = vector.shape_cast %reduce_sum3A_519 : vector<512xf32> to vector<512x1xf32>
    %div3A_521 = arith.constant 1.000000e+00 : f32
    %div3A_522 = vector.broadcast %div3A_521 : f32 to vector<512x1xf32>
    %div3A_523 = arith.divf %div3A_522, %broadcast_in_dim3A_520 : vector<512x1xf32>
    %convert_element_type3A_524 = arith.truncf %exp3A_517 : vector<512x512xf32> to vector<512x512xbf16>
    %slice3A_525 = vector.extract_strided_slice %convert_element_type3A_426 {offsets = [512, 1152], sizes = [512, 128], strides = [1, 1]} : vector<1024x1536xbf16> to vector<512x128xbf16>
    %dot_general3A_526 = arith.constant dense<0.000000e+00> : vector<512x128xf32>
    %dot_general3A_527 = tpu.matmul %convert_element_type3A_524, %slice3A_525, %dot_general3A_526 {dimension_numbers = #tpu.dot_dimension_numbers<[1], [0], [0], [1], [0, 0, 1, 1], [], []>, transpose_lhs_hint = false} : vector<512x512xbf16>, vector<512x128xbf16>, vector<512x128xf32> -> vector<512x128xf32>
    %mul3A_528 = vector.broadcast %div3A_523 : vector<512x1xf32> to vector<512x128xf32>
    %mul3A_529 = arith.mulf %dot_general3A_527, %mul3A_528 : vector<512x128xf32>
    %slice3A_530 = vector.extract_strided_slice %convert_element_type3A_426 {offsets = [512, 256], sizes = [512, 128], strides = [1, 1]} : vector<1024x1536xbf16> to vector<512x128xbf16>
    %slice3A_531 = vector.extract_strided_slice %convert_element_type3A_426 {offsets = [512, 768], sizes = [512, 128], strides = [1, 1]} : vector<1024x1536xbf16> to vector<512x128xbf16>
    %dot_general3A_532 = arith.constant dense<0.000000e+00> : vector<512x512xf32>
    %dot_general3A_533 = tpu.matmul %slice3A_530, %slice3A_531, %dot_general3A_532 {dimension_numbers = #tpu.dot_dimension_numbers<[1], [1], [0], [0], [0, 0, 1, 0], [], []>, transpose_lhs_hint = false} : vector<512x128xbf16>, vector<512x128xbf16>, vector<512x512xf32> -> vector<512x512xf32>
    %exp3A_534 = math.exp %dot_general3A_533 : vector<512x512xf32>
    %reduce_sum3A_535 = arith.constant dense<0.000000e+00> : vector<512xf32>
    %reduce_sum3A_536 = vector.multi_reduction <add>, %exp3A_534, %reduce_sum3A_535 [1] : vector<512x512xf32> to vector<512xf32>
    %broadcast_in_dim3A_537 = vector.shape_cast %reduce_sum3A_536 : vector<512xf32> to vector<512x1xf32>
    %div3A_538 = arith.constant 1.000000e+00 : f32
    %div3A_539 = vector.broadcast %div3A_538 : f32 to vector<512x1xf32>
    %div3A_540 = arith.divf %div3A_539, %broadcast_in_dim3A_537 : vector<512x1xf32>
    %convert_element_type3A_541 = arith.truncf %exp3A_534 : vector<512x512xf32> to vector<512x512xbf16>
    %slice3A_542 = vector.extract_strided_slice %convert_element_type3A_426 {offsets = [512, 1280], sizes = [512, 128], strides = [1, 1]} : vector<1024x1536xbf16> to vector<512x128xbf16>
    %dot_general3A_543 = arith.constant dense<0.000000e+00> : vector<512x128xf32>
    %dot_general3A_544 = tpu.matmul %convert_element_type3A_541, %slice3A_542, %dot_general3A_543 {dimension_numbers = #tpu.dot_dimension_numbers<[1], [0], [0], [1], [0, 0, 1, 1], [], []>, transpose_lhs_hint = false} : vector<512x512xbf16>, vector<512x128xbf16>, vector<512x128xf32> -> vector<512x128xf32>
    %mul3A_545 = vector.broadcast %div3A_540 : vector<512x1xf32> to vector<512x128xf32>
    %mul3A_546 = arith.mulf %dot_general3A_544, %mul3A_545 : vector<512x128xf32>
    %slice3A_547 = vector.extract_strided_slice %convert_element_type3A_426 {offsets = [512, 384], sizes = [512, 128], strides = [1, 1]} : vector<1024x1536xbf16> to vector<512x128xbf16>
    %slice3A_548 = vector.extract_strided_slice %convert_element_type3A_426 {offsets = [512, 896], sizes = [512, 128], strides = [1, 1]} : vector<1024x1536xbf16> to vector<512x128xbf16>
    %dot_general3A_549 = arith.constant dense<0.000000e+00> : vector<512x512xf32>
    %dot_general3A_550 = tpu.matmul %slice3A_547, %slice3A_548, %dot_general3A_549 {dimension_numbers = #tpu.dot_dimension_numbers<[1], [1], [0], [0], [0, 0, 1, 0], [], []>, transpose_lhs_hint = false} : vector<512x128xbf16>, vector<512x128xbf16>, vector<512x512xf32> -> vector<512x512xf32>
    %exp3A_551 = math.exp %dot_general3A_550 : vector<512x512xf32>
    %reduce_sum3A_552 = arith.constant dense<0.000000e+00> : vector<512xf32>
    %reduce_sum3A_553 = vector.multi_reduction <add>, %exp3A_551, %reduce_sum3A_552 [1] : vector<512x512xf32> to vector<512xf32>
    %broadcast_in_dim3A_554 = vector.shape_cast %reduce_sum3A_553 : vector<512xf32> to vector<512x1xf32>
    %div3A_555 = arith.constant 1.000000e+00 : f32
    %div3A_556 = vector.broadcast %div3A_555 : f32 to vector<512x1xf32>
    %div3A_557 = arith.divf %div3A_556, %broadcast_in_dim3A_554 : vector<512x1xf32>
    %convert_element_type3A_558 = arith.truncf %exp3A_551 : vector<512x512xf32> to vector<512x512xbf16>
    %slice3A_559 = vector.extract_strided_slice %convert_element_type3A_426 {offsets = [512, 1408], sizes = [512, 128], strides = [1, 1]} : vector<1024x1536xbf16> to vector<512x128xbf16>
    %dot_general3A_560 = arith.constant dense<0.000000e+00> : vector<512x128xf32>
    %dot_general3A_561 = tpu.matmul %convert_element_type3A_558, %slice3A_559, %dot_general3A_560 {dimension_numbers = #tpu.dot_dimension_numbers<[1], [0], [0], [1], [0, 0, 1, 1], [], []>, transpose_lhs_hint = false} : vector<512x512xbf16>, vector<512x128xbf16>, vector<512x128xf32> -> vector<512x128xf32>
    %mul3A_562 = vector.broadcast %div3A_557 : vector<512x1xf32> to vector<512x128xf32>
    %mul3A_563 = arith.mulf %dot_general3A_561, %mul3A_562 : vector<512x128xf32>
    %concatenate3A_564 = tpu.concatenate %mul3A_512, %mul3A_529, %mul3A_546, %mul3A_563 in 1 : vector<512x128xf32>, vector<512x128xf32>, vector<512x128xf32>, vector<512x128xf32> -> vector<512x512xf32>
    %concatenate3A_565 = tpu.concatenate %concatenate3A_495, %concatenate3A_564 in 0 : vector<512x512xf32>, vector<512x512xf32> -> vector<1024x512xf32>
    %convert_element_type3A_566 = arith.truncf %concatenate3A_565 : vector<1024x512xf32> to vector<1024x512xbf16>
    %get3A_567 = arith.constant 0 : index
    %get3A_568 = arith.constant 0 : index
    %get3A_569 = vector.load %arg80[%get3A_567, %get3A_568] : memref<512x512xbf16, #tpu.memory_space<vmem>>, vector<512x512xbf16>
    %dot_general3A_570 = arith.constant dense<0.000000e+00> : vector<1024x512xf32>
    %dot_general3A_571 = tpu.matmul %convert_element_type3A_566, %get3A_569, %dot_general3A_570 {dimension_numbers = #tpu.dot_dimension_numbers<[1], [0], [0], [1], [0, 0, 1, 1], [], []>, transpose_lhs_hint = false} : vector<1024x512xbf16>, vector<512x512xbf16>, vector<1024x512xf32> -> vector<1024x512xf32>
    %get3A_572 = arith.constant 0 : index
    %get3A_573 = arith.constant 0 : index
    %get3A_574 = vector.load %arg81[%get3A_572, %get3A_573] : memref<1x512xf32, #tpu.memory_space<vmem>>, vector<1x512xf32>
    %add3A_575 = vector.broadcast %get3A_574 : vector<1x512xf32> to vector<1024x512xf32>
    %add3A_576 = arith.addf %dot_general3A_571, %add3A_575 : vector<1024x512xf32>
    %add3A_577 = arith.addf %add3A_284, %add3A_576 : vector<1024x512xf32>
    %get3A_578 = arith.constant 0 : index
    %get3A_579 = arith.constant 0 : index
    %get3A_580 = vector.load %arg86[%get3A_578, %get3A_579] : memref<1x512xf32, #tpu.memory_space<vmem>>, vector<1x512xf32>
    %get3A_581 = arith.constant 0 : index
    %get3A_582 = arith.constant 0 : index
    %get3A_583 = vector.load %arg87[%get3A_581, %get3A_582] : memref<1x512xf32, #tpu.memory_space<vmem>>, vector<1x512xf32>
    %reduce_sum3A_584 = arith.constant dense<0.000000e+00> : vector<1024xf32>
    %reduce_sum3A_585 = vector.multi_reduction <add>, %add3A_577, %reduce_sum3A_584 [1] : vector<1024x512xf32> to vector<1024xf32>
    %broadcast_in_dim3A_586 = vector.shape_cast %reduce_sum3A_585 : vector<1024xf32> to vector<1024x1xf32>
    %mul3A_587 = arith.constant 0.0023584906 : f32
    %mul3A_588 = vector.broadcast %mul3A_587 : f32 to vector<1024x1xf32>
    %mul3A_589 = arith.mulf %broadcast_in_dim3A_586, %mul3A_588 : vector<1024x1xf32>
    %mul3A_590 = arith.mulf %add3A_577, %add3A_577 : vector<1024x512xf32>
    %reduce_sum3A_591 = arith.constant dense<0.000000e+00> : vector<1024xf32>
    %reduce_sum3A_592 = vector.multi_reduction <add>, %mul3A_590, %reduce_sum3A_591 [1] : vector<1024x512xf32> to vector<1024xf32>
    %broadcast_in_dim3A_593 = vector.shape_cast %reduce_sum3A_592 : vector<1024xf32> to vector<1024x1xf32>
    %mul3A_594 = arith.constant 4.240000e+02 : f32
    %mul3A_595 = vector.broadcast %mul3A_594 : f32 to vector<1024x1xf32>
    %mul3A_596 = arith.mulf %mul3A_595, %mul3A_589 : vector<1024x1xf32>
    %mul3A_597 = arith.mulf %mul3A_596, %mul3A_589 : vector<1024x1xf32>
    %sub3A_598 = arith.subf %broadcast_in_dim3A_593, %mul3A_597 : vector<1024x1xf32>
    %mul3A_599 = arith.constant 0.0023640662 : f32
    %mul3A_600 = vector.broadcast %mul3A_599 : f32 to vector<1024x1xf32>
    %mul3A_601 = arith.mulf %sub3A_598, %mul3A_600 : vector<1024x1xf32>
    %sub3A_602 = vector.broadcast %mul3A_589 : vector<1024x1xf32> to vector<1024x512xf32>
    %sub3A_603 = arith.subf %add3A_577, %sub3A_602 : vector<1024x512xf32>
    %sqrt3A_604 = math.sqrt %mul3A_601 : vector<1024x1xf32>
    %add3A_605 = arith.constant 9.99999997E-7 : f32
    %add3A_606 = vector.broadcast %add3A_605 : f32 to vector<1024x1xf32>
    %add3A_607 = arith.addf %sqrt3A_604, %add3A_606 : vector<1024x1xf32>
    %div3A_608 = vector.broadcast %add3A_607 : vector<1024x1xf32> to vector<1024x512xf32>
    %div3A_609 = arith.divf %sub3A_603, %div3A_608 : vector<1024x512xf32>
    %mul3A_610 = vector.broadcast %get3A_580 : vector<1x512xf32> to vector<1024x512xf32>
    %mul3A_611 = arith.mulf %mul3A_610, %div3A_609 : vector<1024x512xf32>
    %add3A_612 = vector.broadcast %get3A_583 : vector<1x512xf32> to vector<1024x512xf32>
    %add3A_613 = arith.addf %mul3A_611, %add3A_612 : vector<1024x512xf32>
    %convert_element_type3A_614 = arith.truncf %add3A_613 : vector<1024x512xf32> to vector<1024x512xbf16>
    %get3A_615 = arith.constant 0 : index
    %get3A_616 = arith.constant 0 : index
    %get3A_617 = vector.load %arg82[%get3A_615, %get3A_616] : memref<512x1792xbf16, #tpu.memory_space<vmem>>, vector<512x1792xbf16>
    %dot_general3A_618 = arith.constant dense<0.000000e+00> : vector<1024x1792xf32>
    %dot_general3A_619 = tpu.matmul %convert_element_type3A_614, %get3A_617, %dot_general3A_618 {dimension_numbers = #tpu.dot_dimension_numbers<[1], [0], [0], [1], [0, 0, 1, 1], [], []>, transpose_lhs_hint = false} : vector<1024x512xbf16>, vector<512x1792xbf16>, vector<1024x1792xf32> -> vector<1024x1792xf32>
    %get3A_620 = arith.constant 0 : index
    %get3A_621 = arith.constant 0 : index
    %get3A_622 = vector.load %arg83[%get3A_620, %get3A_621] : memref<1x1792xf32, #tpu.memory_space<vmem>>, vector<1x1792xf32>
    %add3A_623 = vector.broadcast %get3A_622 : vector<1x1792xf32> to vector<1024x1792xf32>
    %add3A_624 = arith.addf %dot_general3A_619, %add3A_623 : vector<1024x1792xf32>
    %max3A_625 = arith.constant 0.000000e+00 : f32
    %max3A_626 = vector.broadcast %max3A_625 : f32 to vector<1024x1792xf32>
    %max3A_627 = arith.maximumf %add3A_624, %max3A_626 : vector<1024x1792xf32>
    %convert_element_type3A_628 = arith.truncf %max3A_627 : vector<1024x1792xf32> to vector<1024x1792xbf16>
    %get3A_629 = arith.constant 0 : index
    %get3A_630 = arith.constant 0 : index
    %get3A_631 = vector.load %arg84[%get3A_629, %get3A_630] : memref<1792x512xbf16, #tpu.memory_space<vmem>>, vector<1792x512xbf16>
    %dot_general3A_632 = arith.constant dense<0.000000e+00> : vector<1024x512xf32>
    %dot_general3A_633 = tpu.matmul %convert_element_type3A_628, %get3A_631, %dot_general3A_632 {dimension_numbers = #tpu.dot_dimension_numbers<[1], [0], [0], [1], [0, 0, 1, 1], [], []>, transpose_lhs_hint = false} : vector<1024x1792xbf16>, vector<1792x512xbf16>, vector<1024x512xf32> -> vector<1024x512xf32>
    %get3A_634 = arith.constant 0 : index
    %get3A_635 = arith.constant 0 : index
    %get3A_636 = vector.load %arg85[%get3A_634, %get3A_635] : memref<1x512xf32, #tpu.memory_space<vmem>>, vector<1x512xf32>
    %add3A_637 = vector.broadcast %get3A_636 : vector<1x512xf32> to vector<1024x512xf32>
    %add3A_638 = arith.addf %dot_general3A_633, %add3A_637 : vector<1024x512xf32>
    %add3A_639 = arith.addf %add3A_613, %add3A_638 : vector<1024x512xf32>
    %get3A_640 = arith.constant 0 : index
    %get3A_641 = arith.constant 0 : index
    %get3A_642 = vector.load %arg88[%get3A_640, %get3A_641] : memref<1x512xf32, #tpu.memory_space<vmem>>, vector<1x512xf32>
    %get3A_643 = arith.constant 0 : index
    %get3A_644 = arith.constant 0 : index
    %get3A_645 = vector.load %arg89[%get3A_643, %get3A_644] : memref<1x512xf32, #tpu.memory_space<vmem>>, vector<1x512xf32>
    %reduce_sum3A_646 = arith.constant dense<0.000000e+00> : vector<1024xf32>
    %reduce_sum3A_647 = vector.multi_reduction <add>, %add3A_639, %reduce_sum3A_646 [1] : vector<1024x512xf32> to vector<1024xf32>
    %broadcast_in_dim3A_648 = vector.shape_cast %reduce_sum3A_647 : vector<1024xf32> to vector<1024x1xf32>
    %mul3A_649 = arith.constant 0.0023584906 : f32
    %mul3A_650 = vector.broadcast %mul3A_649 : f32 to vector<1024x1xf32>
    %mul3A_651 = arith.mulf %broadcast_in_dim3A_648, %mul3A_650 : vector<1024x1xf32>
    %mul3A_652 = arith.mulf %add3A_639, %add3A_639 : vector<1024x512xf32>
    %reduce_sum3A_653 = arith.constant dense<0.000000e+00> : vector<1024xf32>
    %reduce_sum3A_654 = vector.multi_reduction <add>, %mul3A_652, %reduce_sum3A_653 [1] : vector<1024x512xf32> to vector<1024xf32>
    %broadcast_in_dim3A_655 = vector.shape_cast %reduce_sum3A_654 : vector<1024xf32> to vector<1024x1xf32>
    %mul3A_656 = arith.constant 4.240000e+02 : f32
    %mul3A_657 = vector.broadcast %mul3A_656 : f32 to vector<1024x1xf32>
    %mul3A_658 = arith.mulf %mul3A_657, %mul3A_651 : vector<1024x1xf32>
    %mul3A_659 = arith.mulf %mul3A_658, %mul3A_651 : vector<1024x1xf32>
    %sub3A_660 = arith.subf %broadcast_in_dim3A_655, %mul3A_659 : vector<1024x1xf32>
    %mul3A_661 = arith.constant 0.0023640662 : f32
    %mul3A_662 = vector.broadcast %mul3A_661 : f32 to vector<1024x1xf32>
    %mul3A_663 = arith.mulf %sub3A_660, %mul3A_662 : vector<1024x1xf32>
    %sub3A_664 = vector.broadcast %mul3A_651 : vector<1024x1xf32> to vector<1024x512xf32>
    %sub3A_665 = arith.subf %add3A_639, %sub3A_664 : vector<1024x512xf32>
    %sqrt3A_666 = math.sqrt %mul3A_663 : vector<1024x1xf32>
    %add3A_667 = arith.constant 9.99999997E-7 : f32
    %add3A_668 = vector.broadcast %add3A_667 : f32 to vector<1024x1xf32>
    %add3A_669 = arith.addf %sqrt3A_666, %add3A_668 : vector<1024x1xf32>
    %div3A_670 = vector.broadcast %add3A_669 : vector<1024x1xf32> to vector<1024x512xf32>
    %div3A_671 = arith.divf %sub3A_665, %div3A_670 : vector<1024x512xf32>
    %mul3A_672 = vector.broadcast %get3A_642 : vector<1x512xf32> to vector<1024x512xf32>
    %mul3A_673 = arith.mulf %mul3A_672, %div3A_671 : vector<1024x512xf32>
    %add3A_674 = vector.broadcast %get3A_645 : vector<1x512xf32> to vector<1024x512xf32>
    %add3A_675 = arith.addf %mul3A_673, %add3A_674 : vector<1024x512xf32>
    %convert_element_type3A_676 = arith.truncf %add3A_675 : vector<1024x512xf32> to vector<1024x512xbf16>
    %get3A_677 = arith.constant 0 : index
    %get3A_678 = arith.constant 0 : index
    %get3A_679 = vector.load %arg90[%get3A_677, %get3A_678] : memref<512x8xbf16, #tpu.memory_space<vmem>>, vector<512x8xbf16>
    %dot_general3A_680 = arith.constant dense<0.000000e+00> : vector<1024x8xf32>
    %dot_general3A_681 = tpu.matmul %convert_element_type3A_676, %get3A_679, %dot_general3A_680 {dimension_numbers = #tpu.dot_dimension_numbers<[1], [0], [0], [1], [0, 0, 1, 1], [], []>, transpose_lhs_hint = false} : vector<1024x512xbf16>, vector<512x8xbf16>, vector<1024x8xf32> -> vector<1024x8xf32>
    %convert_element_type3A_682 = arith.truncf %add3A_414 : vector<1024x8xf32> to vector<1024x8xbf16>
    %get3A_683 = arith.constant 0 : index
    %get3A_684 = arith.constant 0 : index
    %get3A_685 = vector.load %arg91[%get3A_683, %get3A_684] : memref<8x8xbf16, #tpu.memory_space<vmem>>, vector<8x8xbf16>
    %dot_general3A_686 = arith.constant dense<0.000000e+00> : vector<1024x8xf32>
    %dot_general3A_687 = tpu.matmul %convert_element_type3A_682, %get3A_685, %dot_general3A_686 {dimension_numbers = #tpu.dot_dimension_numbers<[1], [0], [0], [1], [0, 0, 1, 1], [], []>, transpose_lhs_hint = false} : vector<1024x8xbf16>, vector<8x8xbf16>, vector<1024x8xf32> -> vector<1024x8xf32>
    %add3A_688 = arith.addf %dot_general3A_681, %dot_general3A_687 : vector<1024x8xf32>
    %get3A_689 = arith.constant 0 : index
    %get3A_690 = vector.load %arg50[%get3A_689] : memref<8xf32, #tpu.memory_space<vmem>>, vector<8xf32>
    %reshape3A_691 = vector.shape_cast %get3A_690 : vector<8xf32> to vector<1x8xf32>
    %add3A_692 = vector.broadcast %reshape3A_691 : vector<1x8xf32> to vector<1024x8xf32>
    %add3A_693 = arith.addf %add3A_688, %add3A_692 : vector<1024x8xf32>
    %get3A_694 = arith.constant 0 : index
    %get3A_695 = arith.constant 0 : index
    %get3A_696 = vector.load %arg92[%get3A_694, %get3A_695] : memref<512x512xbf16, #tpu.memory_space<vmem>>, vector<512x512xbf16>
    %dot_general3A_697 = arith.constant dense<0.000000e+00> : vector<1024x512xf32>
    %dot_general3A_698 = tpu.matmul %convert_element_type3A_676, %get3A_696, %dot_general3A_697 {dimension_numbers = #tpu.dot_dimension_numbers<[1], [0], [0], [1], [0, 0, 1, 1], [], []>, transpose_lhs_hint = false} : vector<1024x512xbf16>, vector<512x512xbf16>, vector<1024x512xf32> -> vector<1024x512xf32>
    %get3A_699 = arith.constant 0 : index
    %get3A_700 = arith.constant 0 : index
    %get3A_701 = vector.load %arg93[%get3A_699, %get3A_700] : memref<1x512xf32, #tpu.memory_space<vmem>>, vector<1x512xf32>
    %add3A_702 = vector.broadcast %get3A_701 : vector<1x512xf32> to vector<1024x512xf32>
    %add3A_703 = arith.addf %dot_general3A_698, %add3A_702 : vector<1024x512xf32>
    %max3A_704 = arith.constant 0.000000e+00 : f32
    %max3A_705 = vector.broadcast %max3A_704 : f32 to vector<1024x512xf32>
    %max3A_706 = arith.maximumf %add3A_703, %max3A_705 : vector<1024x512xf32>
    %get3A_707 = arith.constant 0 : index
    %get3A_708 = arith.constant 0 : index
    %get3A_709 = vector.load %arg94[%get3A_707, %get3A_708] : memref<1x512xf32, #tpu.memory_space<vmem>>, vector<1x512xf32>
    %mul3A_710 = vector.broadcast %get3A_709 : vector<1x512xf32> to vector<1024x512xf32>
    %mul3A_711 = arith.mulf %max3A_706, %mul3A_710 : vector<1024x512xf32>
    %slice3A_712 = vector.extract_strided_slice %mul3A_711 {offsets = [0, 0], sizes = [1024, 256], strides = [1, 1]} : vector<1024x512xf32> to vector<1024x256xf32>
    %reduce_sum3A_713 = arith.constant dense<0.000000e+00> : vector<1024xf32>
    %reduce_sum3A_714 = vector.multi_reduction <add>, %slice3A_712, %reduce_sum3A_713 [1] : vector<1024x256xf32> to vector<1024xf32>
    %broadcast_in_dim3A_715 = vector.shape_cast %reduce_sum3A_714 : vector<1024xf32> to vector<1024x1xf32>
    %get3A_716 = arith.constant 0 : index
    %get3A_717 = vector.load %arg54[%get3A_716] : memref<1xf32, #tpu.memory_space<vmem>>, vector<1xf32>
    %reshape3A_718 = vector.shape_cast %get3A_717 : vector<1xf32> to vector<1x1xf32>
    %add3A_719 = vector.broadcast %reshape3A_718 : vector<1x1xf32> to vector<1024x1xf32>
    %add3A_720 = arith.addf %broadcast_in_dim3A_715, %add3A_719 : vector<1024x1xf32>
    %slice3A_721 = vector.extract_strided_slice %mul3A_711 {offsets = [0, 256], sizes = [1024, 256], strides = [1, 1]} : vector<1024x512xf32> to vector<1024x256xf32>
    %reduce_sum3A_722 = arith.constant dense<0.000000e+00> : vector<1024xf32>
    %reduce_sum3A_723 = vector.multi_reduction <add>, %slice3A_721, %reduce_sum3A_722 [1] : vector<1024x256xf32> to vector<1024xf32>
    %broadcast_in_dim3A_724 = vector.shape_cast %reduce_sum3A_723 : vector<1024xf32> to vector<1024x1xf32>
    %get3A_725 = arith.constant 0 : index
    %get3A_726 = vector.load %arg58[%get3A_725] : memref<1xf32, #tpu.memory_space<vmem>>, vector<1xf32>
    %reshape3A_727 = vector.shape_cast %get3A_726 : vector<1xf32> to vector<1x1xf32>
    %add3A_728 = vector.broadcast %reshape3A_727 : vector<1x1xf32> to vector<1024x1xf32>
    %add3A_729 = arith.addf %broadcast_in_dim3A_724, %add3A_728 : vector<1024x1xf32>
    %logistic3A_730 = arith.negf %add3A_729 : vector<1024x1xf32>
    %logistic3A_731 = math.exp %logistic3A_730 : vector<1024x1xf32>
    %logistic3A_732 = arith.constant 1.000000e+00 : f32
    %logistic3A_733 = vector.broadcast %logistic3A_732 : f32 to vector<1024x1xf32>
    %logistic3A_734 = arith.addf %logistic3A_733, %logistic3A_731 : vector<1024x1xf32>
    %logistic3A_735 = arith.divf %logistic3A_733, %logistic3A_734 : vector<1024x1xf32>
    %get3A_736 = arith.constant 0 : index
    %get3A_737 = arith.constant 0 : index
    %get3A_738 = arith.constant 0 : index
    %get3A_739 = vector.load %arg5[%get3A_736, %get3A_737, %get3A_738] : memref<2x1x512xi32, #tpu.memory_space<vmem>>, vector<1x1x512xi32>
    %get3A_740 = vector.shape_cast %get3A_739 : vector<1x1x512xi32> to vector<1x512xi32>
    %get3A_741 = arith.constant 0 : index
    %get3A_742 = arith.constant 0 : index
    %get3A_743 = arith.constant 0 : index
    %get3A_744 = vector.load %arg6[%get3A_741, %get3A_742, %get3A_743] : memref<2x512x1xi32, #tpu.memory_space<vmem>>, vector<1x512x1xi32>
    %get3A_745 = vector.shape_cast %get3A_744 : vector<1x512x1xi32> to vector<512x1xi32>
    %eq3A_746 = vector.broadcast %get3A_745 : vector<512x1xi32> to vector<512x512xi32>
    %eq3A_747 = vector.broadcast %get3A_740 : vector<1x512xi32> to vector<512x512xi32>
    %eq3A_748 = arith.cmpi eq, %eq3A_746, %eq3A_747 : vector<512x512xi32>
    %slice3A_749 = vector.extract_strided_slice %add3A_720 {offsets = [0, 0], sizes = [512, 1], strides = [1, 1]} : vector<1024x1xf32> to vector<512x1xf32>
    %exp3A_750 = math.exp %slice3A_749 : vector<512x1xf32>
    %jit3A_751 = arith.constant 1.000000e+00 : f32
    %broadcast_in_dim3A_752 = vector.shape_cast %exp3A_750 : vector<512x1xf32> to vector<512x1xf32>
    %broadcast_in_dim3A_753 = vector.broadcast %broadcast_in_dim3A_752 : vector<512x1xf32> to vector<512x512xf32>
    %broadcast_in_dim3A_754 = vector.broadcast %jit3A_751 : f32 to vector<512x512xf32>
    %select_n3A_755 = arith.select %eq3A_748, %broadcast_in_dim3A_753, %broadcast_in_dim3A_754 : vector<512x512xi1>, vector<512x512xf32>
    %slice3A_756 = vector.extract_strided_slice %add3A_693 {offsets = [0, 0], sizes = [512, 8], strides = [1, 1]} : vector<1024x8xf32> to vector<512x8xf32>
    %broadcast_in_dim3A_757 = arith.constant 1.000000e+00 : f32
    %broadcast_in_dim3A_758 = vector.broadcast %broadcast_in_dim3A_757 : f32 to vector<512x1xf32>
    %concatenate3A_759 = tpu.concatenate %slice3A_756, %broadcast_in_dim3A_758 in 1 : vector<512x8xf32>, vector<512x1xf32> -> vector<512x9xf32>
    %convert_element_type3A_760 = arith.truncf %select_n3A_755 : vector<512x512xf32> to vector<512x512xbf16>
    %convert_element_type3A_761 = arith.truncf %concatenate3A_759 : vector<512x9xf32> to vector<512x9xbf16>
    %dot_general3A_762 = arith.constant dense<0.000000e+00> : vector<512x9xf32>
    %dot_general3A_763 = tpu.matmul %convert_element_type3A_760, %convert_element_type3A_761, %dot_general3A_762 {dimension_numbers = #tpu.dot_dimension_numbers<[0], [0], [1], [1], [0, 1, 1, 1], [], []>, transpose_lhs_hint = false} : vector<512x512xbf16>, vector<512x9xbf16>, vector<512x9xf32> -> vector<512x9xf32>
    %slice3A_764 = vector.extract_strided_slice %dot_general3A_763 {offsets = [0, 0], sizes = [512, 8], strides = [1, 1]} : vector<512x9xf32> to vector<512x8xf32>
    %slice3A_765 = vector.extract_strided_slice %dot_general3A_763 {offsets = [0, 8], sizes = [512, 1], strides = [1, 1]} : vector<512x9xf32> to vector<512x1xf32>
    %div3A_766 = vector.broadcast %slice3A_765 : vector<512x1xf32> to vector<512x8xf32>
    %div3A_767 = arith.divf %slice3A_764, %div3A_766 : vector<512x8xf32>
    %get3A_768 = arith.constant 1 : index
    %get3A_769 = arith.constant 0 : index
    %get3A_770 = arith.constant 0 : index
    %get3A_771 = vector.load %arg5[%get3A_768, %get3A_769, %get3A_770] : memref<2x1x512xi32, #tpu.memory_space<vmem>>, vector<1x1x512xi32>
    %get3A_772 = vector.shape_cast %get3A_771 : vector<1x1x512xi32> to vector<1x512xi32>
    %get3A_773 = arith.constant 1 : index
    %get3A_774 = arith.constant 0 : index
    %get3A_775 = arith.constant 0 : index
    %get3A_776 = vector.load %arg6[%get3A_773, %get3A_774, %get3A_775] : memref<2x512x1xi32, #tpu.memory_space<vmem>>, vector<1x512x1xi32>
    %get3A_777 = vector.shape_cast %get3A_776 : vector<1x512x1xi32> to vector<512x1xi32>
    %eq3A_778 = vector.broadcast %get3A_777 : vector<512x1xi32> to vector<512x512xi32>
    %eq3A_779 = vector.broadcast %get3A_772 : vector<1x512xi32> to vector<512x512xi32>
    %eq3A_780 = arith.cmpi eq, %eq3A_778, %eq3A_779 : vector<512x512xi32>
    %slice3A_781 = vector.extract_strided_slice %add3A_720 {offsets = [512, 0], sizes = [512, 1], strides = [1, 1]} : vector<1024x1xf32> to vector<512x1xf32>
    %exp3A_782 = math.exp %slice3A_781 : vector<512x1xf32>
    %jit3A_783 = arith.constant 1.000000e+00 : f32
    %broadcast_in_dim3A_784 = vector.shape_cast %exp3A_782 : vector<512x1xf32> to vector<512x1xf32>
    %broadcast_in_dim3A_785 = vector.broadcast %broadcast_in_dim3A_784 : vector<512x1xf32> to vector<512x512xf32>
    %broadcast_in_dim3A_786 = vector.broadcast %jit3A_783 : f32 to vector<512x512xf32>
    %select_n3A_787 = arith.select %eq3A_780, %broadcast_in_dim3A_785, %broadcast_in_dim3A_786 : vector<512x512xi1>, vector<512x512xf32>
    %slice3A_788 = vector.extract_strided_slice %add3A_693 {offsets = [512, 0], sizes = [512, 8], strides = [1, 1]} : vector<1024x8xf32> to vector<512x8xf32>
    %broadcast_in_dim3A_789 = arith.constant 1.000000e+00 : f32
    %broadcast_in_dim3A_790 = vector.broadcast %broadcast_in_dim3A_789 : f32 to vector<512x1xf32>
    %concatenate3A_791 = tpu.concatenate %slice3A_788, %broadcast_in_dim3A_790 in 1 : vector<512x8xf32>, vector<512x1xf32> -> vector<512x9xf32>
    %convert_element_type3A_792 = arith.truncf %select_n3A_787 : vector<512x512xf32> to vector<512x512xbf16>
    %convert_element_type3A_793 = arith.truncf %concatenate3A_791 : vector<512x9xf32> to vector<512x9xbf16>
    %dot_general3A_794 = arith.constant dense<0.000000e+00> : vector<512x9xf32>
    %dot_general3A_795 = tpu.matmul %convert_element_type3A_792, %convert_element_type3A_793, %dot_general3A_794 {dimension_numbers = #tpu.dot_dimension_numbers<[0], [0], [1], [1], [0, 1, 1, 1], [], []>, transpose_lhs_hint = false} : vector<512x512xbf16>, vector<512x9xbf16>, vector<512x9xf32> -> vector<512x9xf32>
    %slice3A_796 = vector.extract_strided_slice %dot_general3A_795 {offsets = [0, 0], sizes = [512, 8], strides = [1, 1]} : vector<512x9xf32> to vector<512x8xf32>
    %slice3A_797 = vector.extract_strided_slice %dot_general3A_795 {offsets = [0, 8], sizes = [512, 1], strides = [1, 1]} : vector<512x9xf32> to vector<512x1xf32>
    %div3A_798 = vector.broadcast %slice3A_797 : vector<512x1xf32> to vector<512x8xf32>
    %div3A_799 = arith.divf %slice3A_796, %div3A_798 : vector<512x8xf32>
    %concatenate3A_800 = tpu.concatenate %div3A_767, %div3A_799 in 0 : vector<512x8xf32>, vector<512x8xf32> -> vector<1024x8xf32>
    %mul3A_801 = vector.broadcast %logistic3A_735 : vector<1024x1xf32> to vector<1024x8xf32>
    %mul3A_802 = arith.mulf %mul3A_801, %add3A_693 : vector<1024x8xf32>
    %sub3A_803 = arith.constant 1.000000e+00 : f32
    %sub3A_804 = vector.broadcast %sub3A_803 : f32 to vector<1024x1xf32>
    %sub3A_805 = arith.subf %sub3A_804, %logistic3A_735 : vector<1024x1xf32>
    %mul3A_806 = vector.broadcast %sub3A_805 : vector<1024x1xf32> to vector<1024x8xf32>
    %mul3A_807 = arith.mulf %mul3A_806, %concatenate3A_800 : vector<1024x8xf32>
    %add3A_808 = arith.addf %mul3A_802, %mul3A_807 : vector<1024x8xf32>
    %reshape3A_809 = vector.shape_cast %add3A_675 : vector<1024x512xf32> to vector<2x512x512xf32>
    %swap3A = arith.constant 0 : index
    %swap3A_810 = arith.constant 0 : index
    %swap3A_811 = arith.constant 0 : index
    %swap3A_812 = vector.load %arg59[%swap3A, %swap3A_810, %swap3A_811] : memref<2x512x512xf32, #tpu.memory_space<vmem>>, vector<2x512x512xf32>
    tpu.vector_store %arg59[%swap3A, %swap3A_810, %swap3A_811], %reshape3A_809 {strides = array<i32>} : memref<2x512x512xf32, #tpu.memory_space<vmem>>, vector<2x512x512xf32>,
    %reshape3A_813 = vector.shape_cast %add3A_808 : vector<1024x8xf32> to vector<2x512x8xf32>
    %swap3A_814 = arith.constant 0 : index
    %swap3A_815 = arith.constant 0 : index
    %swap3A_816 = arith.constant 0 : index
    %swap3A_817 = vector.load %arg60[%swap3A_814, %swap3A_815, %swap3A_816] : memref<2x512x8xf32, #tpu.memory_space<vmem>>, vector<2x512x8xf32>
    tpu.vector_store %arg60[%swap3A_814, %swap3A_815, %swap3A_816], %reshape3A_813 {strides = array<i32>} : memref<2x512x8xf32, #tpu.memory_space<vmem>>, vector<2x512x8xf32>,
    return
  }
  func.func @transform_0(%arg0: i32) -> (i32, i32, i32) {
    %c0_i32 = arith.constant 0 : i32
    %c0_i32_0 = arith.constant 0 : i32
    %c0_i32_1 = arith.constant 0 : i32
    return %arg0, %c0_i32, %c0_i32_0 : i32, i32, i32
  }
  func.func @transform_1(%arg0: i32) -> (i32, i32, i32) {
    %c0_i32 = arith.constant 0 : i32
    %c0_i32_0 = arith.constant 0 : i32
    %c0_i32_1 = arith.constant 0 : i32
    return %arg0, %c0_i32, %c0_i32_0 : i32, i32, i32
  }
  func.func @transform_2(%arg0: i32) -> (i32, i32, i32) {
    %c0_i32 = arith.constant 0 : i32
    %c0_i32_0 = arith.constant 0 : i32
    %c0_i32_1 = arith.constant 0 : i32
    return %arg0, %c0_i32, %c0_i32_0 : i32, i32, i32
  }
  func.func @transform_3(%arg0: i32) -> (i32, i32) {
    %c0_i32 = arith.constant 0 : i32
    %c0_i32_0 = arith.constant 0 : i32
    %c0_i32_1 = arith.constant 0 : i32
    return %c0_i32, %c0_i32_0 : i32, i32
  }
  func.func @transform_4(%arg0: i32) -> (i32, i32, i32) {
    %c0_i32 = arith.constant 0 : i32
    %c0_i32_0 = arith.constant 0 : i32
    %c0_i32_1 = arith.constant 0 : i32
    return %arg0, %c0_i32, %c0_i32_0 : i32, i32, i32
  }
  func.func @transform_5(%arg0: i32) -> (i32, i32, i32) {
    %c0_i32 = arith.constant 0 : i32
    %c0_i32_0 = arith.constant 0 : i32
    %c0_i32_1 = arith.constant 0 : i32
    return %arg0, %c0_i32, %c0_i32_0 : i32, i32, i32
  }
  func.func @transform_6(%arg0: i32) -> (i32, i32) {
    %c0_i32 = arith.constant 0 : i32
    %c0_i32_0 = arith.constant 0 : i32
    %c0_i32_1 = arith.constant 0 : i32
    return %c0_i32, %c0_i32_0 : i32, i32
  }
  func.func @transform_7(%arg0: i32) -> i32 {
    %c0_i32 = arith.constant 0 : i32
    %c0_i32_0 = arith.constant 0 : i32
    return %c0_i32 : i32
  }
  func.func @transform_8(%arg0: i32) -> (i32, i32) {
    %c0_i32 = arith.constant 0 : i32
    %c0_i32_0 = arith.constant 0 : i32
    %c0_i32_1 = arith.constant 0 : i32
    return %c0_i32, %c0_i32_0 : i32, i32
  }
  func.func @transform_9(%arg0: i32) -> i32 {
    %c0_i32 = arith.constant 0 : i32
    %c0_i32_0 = arith.constant 0 : i32
    return %c0_i32 : i32
  }
  func.func @transform_10(%arg0: i32) -> (i32, i32) {
    %c0_i32 = arith.constant 0 : i32
    %c0_i32_0 = arith.constant 0 : i32
    %c0_i32_1 = arith.constant 0 : i32
    return %c0_i32, %c0_i32_0 : i32, i32
  }
  func.func @transform_11(%arg0: i32) -> i32 {
    %c0_i32 = arith.constant 0 : i32
    %c0_i32_0 = arith.constant 0 : i32
    return %c0_i32 : i32
  }
  func.func @transform_12(%arg0: i32) -> (i32, i32) {
    %c0_i32 = arith.constant 0 : i32
    %c0_i32_0 = arith.constant 0 : i32
    %c0_i32_1 = arith.constant 0 : i32
    return %c0_i32, %c0_i32_0 : i32, i32
  }
  func.func @transform_13(%arg0: i32) -> i32 {
    %c0_i32 = arith.constant 0 : i32
    %c0_i32_0 = arith.constant 0 : i32
    return %c0_i32 : i32
  }
  func.func @transform_14(%arg0: i32) -> (i32, i32) {
    %c0_i32 = arith.constant 0 : i32
    %c0_i32_0 = arith.constant 0 : i32
    %c0_i32_1 = arith.constant 0 : i32
    return %c0_i32, %c0_i32_0 : i32, i32
  }
  func.func @transform_15(%arg0: i32) -> i32 {
    %c0_i32 = arith.constant 0 : i32
    %c0_i32_0 = arith.constant 0 : i32
    return %c0_i32 : i32
  }
  func.func @transform_16(%arg0: i32) -> (i32, i32) {
    %c0_i32 = arith.constant 0 : i32
    %c0_i32_0 = arith.constant 0 : i32
    %c0_i32_1 = arith.constant 0 : i32
    return %c0_i32, %c0_i32_0 : i32, i32
  }
  func.func @transform_17(%arg0: i32) -> i32 {
    %c0_i32 = arith.constant 0 : i32
    %c0_i32_0 = arith.constant 0 : i32
    return %c0_i32 : i32
  }
  func.func @transform_18(%arg0: i32) -> i32 {
    %c0_i32 = arith.constant 0 : i32
    %c0_i32_0 = arith.constant 0 : i32
    return %c0_i32 : i32
  }
  func.func @transform_19(%arg0: i32) -> i32 {
    %c0_i32 = arith.constant 0 : i32
    %c0_i32_0 = arith.constant 0 : i32
    return %c0_i32 : i32
  }
  func.func @transform_20(%arg0: i32) -> i32 {
    %c0_i32 = arith.constant 0 : i32
    %c0_i32_0 = arith.constant 0 : i32
    return %c0_i32 : i32
  }
  func.func @transform_21(%arg0: i32) -> i32 {
    %c0_i32 = arith.constant 0 : i32
    %c0_i32_0 = arith.constant 0 : i32
    return %c0_i32 : i32
  }
  func.func @transform_22(%arg0: i32) -> (i32, i32) {
    %c0_i32 = arith.constant 0 : i32
    %c0_i32_0 = arith.constant 0 : i32
    %c0_i32_1 = arith.constant 0 : i32
    return %c0_i32, %c0_i32_0 : i32, i32
  }
  func.func @transform_23(%arg0: i32) -> i32 {
    %c0_i32 = arith.constant 0 : i32
    %c0_i32_0 = arith.constant 0 : i32
    return %c0_i32 : i32
  }
  func.func @transform_24(%arg0: i32) -> (i32, i32) {
    %c0_i32 = arith.constant 0 : i32
    %c0_i32_0 = arith.constant 0 : i32
    %c0_i32_1 = arith.constant 0 : i32
    return %c0_i32, %c0_i32_0 : i32, i32
  }
  func.func @transform_25(%arg0: i32) -> i32 {
    %c0_i32 = arith.constant 0 : i32
    %c0_i32_0 = arith.constant 0 : i32
    return %c0_i32 : i32
  }
  func.func @transform_26(%arg0: i32) -> i32 {
    %c0_i32 = arith.constant 0 : i32
    %c0_i32_0 = arith.constant 0 : i32
    return %c0_i32 : i32
  }
  func.func @transform_27(%arg0: i32) -> i32 {
    %c0_i32 = arith.constant 0 : i32
    %c0_i32_0 = arith.constant 0 : i32
    return %c0_i32 : i32
  }
  func.func @transform_28(%arg0: i32) -> (i32, i32) {
    %c0_i32 = arith.constant 0 : i32
    %c0_i32_0 = arith.constant 0 : i32
    %c0_i32_1 = arith.constant 0 : i32
    return %c0_i32, %c0_i32_0 : i32, i32
  }
  func.func @transform_29(%arg0: i32) -> i32 {
    %c0_i32 = arith.constant 0 : i32
    %c0_i32_0 = arith.constant 0 : i32
    return %c0_i32 : i32
  }
  func.func @transform_30(%arg0: i32) -> i32 {
    %c0_i32 = arith.constant 0 : i32
    %c0_i32_0 = arith.constant 0 : i32
    return %c0_i32 : i32
  }
  func.func @transform_31(%arg0: i32) -> i32 {
    %c0_i32 = arith.constant 0 : i32
    %c0_i32_0 = arith.constant 0 : i32
    return %c0_i32 : i32
  }
  func.func @transform_32(%arg0: i32) -> (i32, i32) {
    %c0_i32 = arith.constant 0 : i32
    %c0_i32_0 = arith.constant 0 : i32
    %c0_i32_1 = arith.constant 0 : i32
    return %c0_i32, %c0_i32_0 : i32, i32
  }
  func.func @transform_33(%arg0: i32) -> i32 {
    %c0_i32 = arith.constant 0 : i32
    %c0_i32_0 = arith.constant 0 : i32
    return %c0_i32 : i32
  }
  func.func @transform_34(%arg0: i32) -> (i32, i32) {
    %c0_i32 = arith.constant 0 : i32
    %c0_i32_0 = arith.constant 0 : i32
    %c0_i32_1 = arith.constant 0 : i32
    return %c0_i32, %c0_i32_0 : i32, i32
  }
  func.func @transform_35(%arg0: i32) -> i32 {
    %c0_i32 = arith.constant 0 : i32
    %c0_i32_0 = arith.constant 0 : i32
    return %c0_i32 : i32
  }
  func.func @transform_36(%arg0: i32) -> (i32, i32) {
    %c0_i32 = arith.constant 0 : i32
    %c0_i32_0 = arith.constant 0 : i32
    %c0_i32_1 = arith.constant 0 : i32
    return %c0_i32, %c0_i32_0 : i32, i32
  }
  func.func @transform_37(%arg0: i32) -> i32 {
    %c0_i32 = arith.constant 0 : i32
    %c0_i32_0 = arith.constant 0 : i32
    return %c0_i32 : i32
  }
  func.func @transform_38(%arg0: i32) -> (i32, i32) {
    %c0_i32 = arith.constant 0 : i32
    %c0_i32_0 = arith.constant 0 : i32
    %c0_i32_1 = arith.constant 0 : i32
    return %c0_i32, %c0_i32_0 : i32, i32
  }
  func.func @transform_39(%arg0: i32) -> i32 {
    %c0_i32 = arith.constant 0 : i32
    %c0_i32_0 = arith.constant 0 : i32
    return %c0_i32 : i32
  }
  func.func @transform_40(%arg0: i32) -> (i32, i32) {
    %c0_i32 = arith.constant 0 : i32
    %c0_i32_0 = arith.constant 0 : i32
    %c0_i32_1 = arith.constant 0 : i32
    return %c0_i32, %c0_i32_0 : i32, i32
  }
  func.func @transform_41(%arg0: i32) -> i32 {
    %c0_i32 = arith.constant 0 : i32
    %c0_i32_0 = arith.constant 0 : i32
    return %c0_i32 : i32
  }
  func.func @transform_42(%arg0: i32) -> (i32, i32) {
    %c0_i32 = arith.constant 0 : i32
    %c0_i32_0 = arith.constant 0 : i32
    %c0_i32_1 = arith.constant 0 : i32
    return %c0_i32, %c0_i32_0 : i32, i32
  }
  func.func @transform_43(%arg0: i32) -> i32 {
    %c0_i32 = arith.constant 0 : i32
    %c0_i32_0 = arith.constant 0 : i32
    return %c0_i32 : i32
  }
  func.func @transform_44(%arg0: i32) -> i32 {
    %c0_i32 = arith.constant 0 : i32
    %c0_i32_0 = arith.constant 0 : i32
    return %c0_i32 : i32
  }
  func.func @transform_45(%arg0: i32) -> i32 {
    %c0_i32 = arith.constant 0 : i32
    %c0_i32_0 = arith.constant 0 : i32
    return %c0_i32 : i32
  }
  func.func @transform_46(%arg0: i32) -> i32 {
    %c0_i32 = arith.constant 0 : i32
    %c0_i32_0 = arith.constant 0 : i32
    return %c0_i32 : i32
  }
  func.func @transform_47(%arg0: i32) -> i32 {
    %c0_i32 = arith.constant 0 : i32
    %c0_i32_0 = arith.constant 0 : i32
    return %c0_i32 : i32
  }
  func.func @transform_48(%arg0: i32) -> (i32, i32) {
    %c0_i32 = arith.constant 0 : i32
    %c0_i32_0 = arith.constant 0 : i32
    %c0_i32_1 = arith.constant 0 : i32
    return %c0_i32, %c0_i32_0 : i32, i32
  }
  func.func @transform_49(%arg0: i32) -> i32 {
    %c0_i32 = arith.constant 0 : i32
    %c0_i32_0 = arith.constant 0 : i32
    return %c0_i32 : i32
  }
  func.func @transform_50(%arg0: i32) -> (i32, i32) {
    %c0_i32 = arith.constant 0 : i32
    %c0_i32_0 = arith.constant 0 : i32
    %c0_i32_1 = arith.constant 0 : i32
    return %c0_i32, %c0_i32_0 : i32, i32
  }
  func.func @transform_51(%arg0: i32) -> i32 {
    %c0_i32 = arith.constant 0 : i32
    %c0_i32_0 = arith.constant 0 : i32
    return %c0_i32 : i32
  }
  func.func @transform_52(%arg0: i32) -> i32 {
    %c0_i32 = arith.constant 0 : i32
    %c0_i32_0 = arith.constant 0 : i32
    return %c0_i32 : i32
  }
  func.func @transform_53(%arg0: i32) -> i32 {
    %c0_i32 = arith.constant 0 : i32
    %c0_i32_0 = arith.constant 0 : i32
    return %c0_i32 : i32
  }
  func.func @transform_54(%arg0: i32) -> (i32, i32) {
    %c0_i32 = arith.constant 0 : i32
    %c0_i32_0 = arith.constant 0 : i32
    %c0_i32_1 = arith.constant 0 : i32
    return %c0_i32, %c0_i32_0 : i32, i32
  }
  func.func @transform_55(%arg0: i32) -> i32 {
    %c0_i32 = arith.constant 0 : i32
    %c0_i32_0 = arith.constant 0 : i32
    return %c0_i32 : i32
  }
  func.func @transform_56(%arg0: i32) -> i32 {
    %c0_i32 = arith.constant 0 : i32
    %c0_i32_0 = arith.constant 0 : i32
    return %c0_i32 : i32
  }
  func.func @transform_57(%arg0: i32) -> i32 {
    %c0_i32 = arith.constant 0 : i32
    %c0_i32_0 = arith.constant 0 : i32
    return %c0_i32 : i32
  }
  func.func @transform_58(%arg0: i32) -> (i32, i32, i32) {
    %c0_i32 = arith.constant 0 : i32
    %c0_i32_0 = arith.constant 0 : i32
    %c0_i32_1 = arith.constant 0 : i32
    return %arg0, %c0_i32, %c0_i32_0 : i32, i32, i32
  }
  func.func @transform_59(%arg0: i32) -> (i32, i32, i32) {
    %c0_i32 = arith.constant 0 : i32
    %c0_i32_0 = arith.constant 0 : i32
    %c0_i32_1 = arith.constant 0 : i32
    return %arg0, %c0_i32, %c0_i32_0 : i32, i32, i32
  }
}

module attributes {stable_mosaic.version = 14 : i64} {
  func.func @_body_last_pair(%arg0: i32, %arg1: memref<2x512x512xf32, #tpu.memory_space<vmem>>, %arg2: memref<2x512x8xf32, #tpu.memory_space<vmem>>, %arg3: memref<2x1x512xi32, #tpu.memory_space<vmem>>, %arg4: memref<2x512x1xi32, #tpu.memory_space<vmem>>, %arg5: memref<424x424xf32, #tpu.memory_space<vmem>>, %arg6: memref<424xf32, #tpu.memory_space<vmem>>, %arg7: memref<424x424xf32, #tpu.memory_space<vmem>>, %arg8: memref<424xf32, #tpu.memory_space<vmem>>, %arg9: memref<424x424xf32, #tpu.memory_space<vmem>>, %arg10: memref<424xf32, #tpu.memory_space<vmem>>, %arg11: memref<424x424xf32, #tpu.memory_space<vmem>>, %arg12: memref<424xf32, #tpu.memory_space<vmem>>, %arg13: memref<424x1696xf32, #tpu.memory_space<vmem>>, %arg14: memref<1696xf32, #tpu.memory_space<vmem>>, %arg15: memref<1696x424xf32, #tpu.memory_space<vmem>>, %arg16: memref<424xf32, #tpu.memory_space<vmem>>, %arg17: memref<424xf32, #tpu.memory_space<vmem>>, %arg18: memref<424xf32, #tpu.memory_space<vmem>>, %arg19: memref<424xf32, #tpu.memory_space<vmem>>, %arg20: memref<424xf32, #tpu.memory_space<vmem>>, %arg21: memref<432x8xf32, #tpu.memory_space<vmem>>, %arg22: memref<8xf32, #tpu.memory_space<vmem>>, %arg23: memref<424x212xf32, #tpu.memory_space<vmem>>, %arg24: memref<212xf32, #tpu.memory_space<vmem>>, %arg25: memref<212xf32, #tpu.memory_space<vmem>>, %arg26: memref<1xf32, #tpu.memory_space<vmem>>, %arg27: memref<424x212xf32, #tpu.memory_space<vmem>>, %arg28: memref<212xf32, #tpu.memory_space<vmem>>, %arg29: memref<212xf32, #tpu.memory_space<vmem>>, %arg30: memref<1xf32, #tpu.memory_space<vmem>>, %arg31: memref<424x424xf32, #tpu.memory_space<vmem>>, %arg32: memref<424xf32, #tpu.memory_space<vmem>>, %arg33: memref<424x424xf32, #tpu.memory_space<vmem>>, %arg34: memref<424xf32, #tpu.memory_space<vmem>>, %arg35: memref<424x424xf32, #tpu.memory_space<vmem>>, %arg36: memref<424xf32, #tpu.memory_space<vmem>>, %arg37: memref<424x424xf32, #tpu.memory_space<vmem>>, %arg38: memref<424xf32, #tpu.memory_space<vmem>>, %arg39: memref<424x1696xf32, #tpu.memory_space<vmem>>, %arg40: memref<1696xf32, #tpu.memory_space<vmem>>, %arg41: memref<1696x424xf32, #tpu.memory_space<vmem>>, %arg42: memref<424xf32, #tpu.memory_space<vmem>>, %arg43: memref<424xf32, #tpu.memory_space<vmem>>, %arg44: memref<424xf32, #tpu.memory_space<vmem>>, %arg45: memref<424xf32, #tpu.memory_space<vmem>>, %arg46: memref<424xf32, #tpu.memory_space<vmem>>, %arg47: memref<432x8xf32, #tpu.memory_space<vmem>>, %arg48: memref<8xf32, #tpu.memory_space<vmem>>, %arg49: memref<424x212xf32, #tpu.memory_space<vmem>>, %arg50: memref<212xf32, #tpu.memory_space<vmem>>, %arg51: memref<212xf32, #tpu.memory_space<vmem>>, %arg52: memref<1xf32, #tpu.memory_space<vmem>>, %arg53: memref<424x212xf32, #tpu.memory_space<vmem>>, %arg54: memref<212xf32, #tpu.memory_space<vmem>>, %arg55: memref<212xf32, #tpu.memory_space<vmem>>, %arg56: memref<1xf32, #tpu.memory_space<vmem>>, %arg57: memref<2x512x8xf32, #tpu.memory_space<vmem>>, %arg58: memref<512x1536xbf16, #tpu.memory_space<vmem>>, %arg59: memref<1x1536xf32, #tpu.memory_space<vmem>>, %arg60: memref<512x512xbf16, #tpu.memory_space<vmem>>, %arg61: memref<1x512xf32, #tpu.memory_space<vmem>>, %arg62: memref<512x1792xbf16, #tpu.memory_space<vmem>>, %arg63: memref<1x1792xf32, #tpu.memory_space<vmem>>, %arg64: memref<1792x512xbf16, #tpu.memory_space<vmem>>, %arg65: memref<1x512xf32, #tpu.memory_space<vmem>>, %arg66: memref<1x512xf32, #tpu.memory_space<vmem>>, %arg67: memref<1x512xf32, #tpu.memory_space<vmem>>, %arg68: memref<1x512xf32, #tpu.memory_space<vmem>>, %arg69: memref<1x512xf32, #tpu.memory_space<vmem>>, %arg70: memref<512x8xbf16, #tpu.memory_space<vmem>>, %arg71: memref<8x8xbf16, #tpu.memory_space<vmem>>, %arg72: memref<512x512xbf16, #tpu.memory_space<vmem>>, %arg73: memref<1x512xf32, #tpu.memory_space<vmem>>, %arg74: memref<1x512xf32, #tpu.memory_space<vmem>>, %arg75: memref<512x1536xbf16, #tpu.memory_space<vmem>>, %arg76: memref<1x1536xf32, #tpu.memory_space<vmem>>, %arg77: memref<512x512xbf16, #tpu.memory_space<vmem>>, %arg78: memref<1x512xf32, #tpu.memory_space<vmem>>, %arg79: memref<512x1792xbf16, #tpu.memory_space<vmem>>, %arg80: memref<1x1792xf32, #tpu.memory_space<vmem>>, %arg81: memref<1792x512xbf16, #tpu.memory_space<vmem>>, %arg82: memref<1x512xf32, #tpu.memory_space<vmem>>, %arg83: memref<1x512xf32, #tpu.memory_space<vmem>>, %arg84: memref<1x512xf32, #tpu.memory_space<vmem>>, %arg85: memref<1x512xf32, #tpu.memory_space<vmem>>, %arg86: memref<1x512xf32, #tpu.memory_space<vmem>>, %arg87: memref<512x8xbf16, #tpu.memory_space<vmem>>, %arg88: memref<8x8xbf16, #tpu.memory_space<vmem>>, %arg89: memref<512x512xbf16, #tpu.memory_space<vmem>>, %arg90: memref<1x512xf32, #tpu.memory_space<vmem>>, %arg91: memref<1x512xf32, #tpu.memory_space<vmem>>) attributes {dimension_semantics = [#tpu.dimension_semantics<arbitrary>], iteration_bounds = array<i64: 8>, scalar_prefetch = 0 : i64, scratch_operands = 34 : i64, tpu.core_type = #tpu.core_type<tc>, window_params = [{transform_indices = @transform_0, window_bounds = array<i64: 2, 512, 512>}, {transform_indices = @transform_1, window_bounds = array<i64: 2, 512, 8>}, {transform_indices = @transform_2, window_bounds = array<i64: 2, 1, 512>}, {transform_indices = @transform_3, window_bounds = array<i64: 2, 512, 1>}, {pipeline_mode = #tpu.pipeline_mode<synchronous>, transform_indices = @transform_4, window_bounds = array<i64: 424, 424>}, {pipeline_mode = #tpu.pipeline_mode<synchronous>, transform_indices = @transform_5, window_bounds = array<i64: 424>}, {pipeline_mode = #tpu.pipeline_mode<synchronous>, transform_indices = @transform_6, window_bounds = array<i64: 424, 424>}, {pipeline_mode = #tpu.pipeline_mode<synchronous>, transform_indices = @transform_7, window_bounds = array<i64: 424>}, {pipeline_mode = #tpu.pipeline_mode<synchronous>, transform_indices = @transform_8, window_bounds = array<i64: 424, 424>}, {pipeline_mode = #tpu.pipeline_mode<synchronous>, transform_indices = @transform_9, window_bounds = array<i64: 424>}, {pipeline_mode = #tpu.pipeline_mode<synchronous>, transform_indices = @transform_10, window_bounds = array<i64: 424, 424>}, {pipeline_mode = #tpu.pipeline_mode<synchronous>, transform_indices = @transform_11, window_bounds = array<i64: 424>}, {pipeline_mode = #tpu.pipeline_mode<synchronous>, transform_indices = @transform_12, window_bounds = array<i64: 424, 1696>}, {pipeline_mode = #tpu.pipeline_mode<synchronous>, transform_indices = @transform_13, window_bounds = array<i64: 1696>}, {pipeline_mode = #tpu.pipeline_mode<synchronous>, transform_indices = @transform_14, window_bounds = array<i64: 1696, 424>}, {pipeline_mode = #tpu.pipeline_mode<synchronous>, transform_indices = @transform_15, window_bounds = array<i64: 424>}, {pipeline_mode = #tpu.pipeline_mode<synchronous>, transform_indices = @transform_16, window_bounds = array<i64: 424>}, {pipeline_mode = #tpu.pipeline_mode<synchronous>, transform_indices = @transform_17, window_bounds = array<i64: 424>}, {pipeline_mode = #tpu.pipeline_mode<synchronous>, transform_indices = @transform_18, window_bounds = array<i64: 424>}, {pipeline_mode = #tpu.pipeline_mode<synchronous>, transform_indices = @transform_19, window_bounds = array<i64: 424>}, {pipeline_mode = #tpu.pipeline_mode<synchronous>, transform_indices = @transform_20, window_bounds = array<i64: 432, 8>}, {pipeline_mode = #tpu.pipeline_mode<synchronous>, transform_indices = @transform_21, window_bounds = array<i64: 8>}, {pipeline_mode = #tpu.pipeline_mode<synchronous>, transform_indices = @transform_22, window_bounds = array<i64: 424, 212>}, {pipeline_mode = #tpu.pipeline_mode<synchronous>, transform_indices = @transform_23, window_bounds = array<i64: 212>}, {pipeline_mode = #tpu.pipeline_mode<synchronous>, transform_indices = @transform_24, window_bounds = array<i64: 212>}, {pipeline_mode = #tpu.pipeline_mode<synchronous>, transform_indices = @transform_25, window_bounds = array<i64: 1>}, {pipeline_mode = #tpu.pipeline_mode<synchronous>, transform_indices = @transform_26, window_bounds = array<i64: 424, 212>}, {pipeline_mode = #tpu.pipeline_mode<synchronous>, transform_indices = @transform_27, window_bounds = array<i64: 212>}, {pipeline_mode = #tpu.pipeline_mode<synchronous>, transform_indices = @transform_28, window_bounds = array<i64: 212>}, {pipeline_mode = #tpu.pipeline_mode<synchronous>, transform_indices = @transform_29, window_bounds = array<i64: 1>}, {pipeline_mode = #tpu.pipeline_mode<synchronous>, transform_indices = @transform_30, window_bounds = array<i64: 424, 424>}, {pipeline_mode = #tpu.pipeline_mode<synchronous>, transform_indices = @transform_31, window_bounds = array<i64: 424>}, {pipeline_mode = #tpu.pipeline_mode<synchronous>, transform_indices = @transform_32, window_bounds = array<i64: 424, 424>}, {pipeline_mode = #tpu.pipeline_mode<synchronous>, transform_indices = @transform_33, window_bounds = array<i64: 424>}, {pipeline_mode = #tpu.pipeline_mode<synchronous>, transform_indices = @transform_34, window_bounds = array<i64: 424, 424>}, {pipeline_mode = #tpu.pipeline_mode<synchronous>, transform_indices = @transform_35, window_bounds = array<i64: 424>}, {pipeline_mode = #tpu.pipeline_mode<synchronous>, transform_indices = @transform_36, window_bounds = array<i64: 424, 424>}, {pipeline_mode = #tpu.pipeline_mode<synchronous>, transform_indices = @transform_37, window_bounds = array<i64: 424>}, {pipeline_mode = #tpu.pipeline_mode<synchronous>, transform_indices = @transform_38, window_bounds = array<i64: 424, 1696>}, {pipeline_mode = #tpu.pipeline_mode<synchronous>, transform_indices = @transform_39, window_bounds = array<i64: 1696>}, {pipeline_mode = #tpu.pipeline_mode<synchronous>, transform_indices = @transform_40, window_bounds = array<i64: 1696, 424>}, {pipeline_mode = #tpu.pipeline_mode<synchronous>, transform_indices = @transform_41, window_bounds = array<i64: 424>}, {pipeline_mode = #tpu.pipeline_mode<synchronous>, transform_indices = @transform_42, window_bounds = array<i64: 424>}, {pipeline_mode = #tpu.pipeline_mode<synchronous>, transform_indices = @transform_43, window_bounds = array<i64: 424>}, {pipeline_mode = #tpu.pipeline_mode<synchronous>, transform_indices = @transform_44, window_bounds = array<i64: 424>}, {pipeline_mode = #tpu.pipeline_mode<synchronous>, transform_indices = @transform_45, window_bounds = array<i64: 424>}, {pipeline_mode = #tpu.pipeline_mode<synchronous>, transform_indices = @transform_46, window_bounds = array<i64: 432, 8>}, {pipeline_mode = #tpu.pipeline_mode<synchronous>, transform_indices = @transform_47, window_bounds = array<i64: 8>}, {pipeline_mode = #tpu.pipeline_mode<synchronous>, transform_indices = @transform_48, window_bounds = array<i64: 424, 212>}, {pipeline_mode = #tpu.pipeline_mode<synchronous>, transform_indices = @transform_49, window_bounds = array<i64: 212>}, {pipeline_mode = #tpu.pipeline_mode<synchronous>, transform_indices = @transform_50, window_bounds = array<i64: 212>}, {pipeline_mode = #tpu.pipeline_mode<synchronous>, transform_indices = @transform_51, window_bounds = array<i64: 1>}, {pipeline_mode = #tpu.pipeline_mode<synchronous>, transform_indices = @transform_52, window_bounds = array<i64: 424, 212>}, {pipeline_mode = #tpu.pipeline_mode<synchronous>, transform_indices = @transform_53, window_bounds = array<i64: 212>}, {pipeline_mode = #tpu.pipeline_mode<synchronous>, transform_indices = @transform_54, window_bounds = array<i64: 212>}, {pipeline_mode = #tpu.pipeline_mode<synchronous>, transform_indices = @transform_55, window_bounds = array<i64: 1>}, {transform_indices = @transform_56, window_bounds = array<i64: 2, 512, 8>}]} {
    %eq3A = arith.constant 0 : i32
    %eq3A_0 = arith.cmpi eq, %arg0, %eq3A : i32
    %convert_element_type3A = arith.extui %eq3A_0 : i1 to i32
    %cond3A = arith.constant 0 : i32
    %cond3A_1 = arith.cmpi ne, %convert_element_type3A, %cond3A : i32
    scf.if %cond3A_1 {
      %get3A_787 = arith.constant 0 : index
      %get3A_788 = arith.constant 0 : index
      %get3A_789 = vector.load %arg5[%get3A_787, %get3A_788] : memref<424x424xf32, #tpu.memory_space<vmem>>, vector<424x424xf32>
      %broadcast_in_dim3A_790 = arith.constant 0.000000e+00 : f32
      %broadcast_in_dim3A_791 = vector.broadcast %broadcast_in_dim3A_790 : f32 to vector<424x22xf32>
      %slice3A_792 = vector.extract_strided_slice %get3A_789 {offsets = [0, 0], sizes = [424, 106], strides = [1, 1]} : vector<424x424xf32> to vector<424x106xf32>
      %slice3A_793 = vector.extract_strided_slice %get3A_789 {offsets = [0, 106], sizes = [424, 106], strides = [1, 1]} : vector<424x424xf32> to vector<424x106xf32>
      %slice3A_794 = vector.extract_strided_slice %get3A_789 {offsets = [0, 212], sizes = [424, 106], strides = [1, 1]} : vector<424x424xf32> to vector<424x106xf32>
      %slice3A_795 = vector.extract_strided_slice %get3A_789 {offsets = [0, 318], sizes = [424, 106], strides = [1, 1]} : vector<424x424xf32> to vector<424x106xf32>
      %concatenate3A_796 = tpu.concatenate %slice3A_792, %broadcast_in_dim3A_791, %slice3A_793, %broadcast_in_dim3A_791, %slice3A_794, %broadcast_in_dim3A_791, %slice3A_795, %broadcast_in_dim3A_791 in 1 : vector<424x106xf32>, vector<424x22xf32>, vector<424x106xf32>, vector<424x22xf32>, vector<424x106xf32>, vector<424x22xf32>, vector<424x106xf32>, vector<424x22xf32> -> vector<424x512xf32>
      %broadcast_in_dim3A_797 = arith.constant 0.000000e+00 : f32
      %broadcast_in_dim3A_798 = vector.broadcast %broadcast_in_dim3A_797 : f32 to vector<88x512xf32>
      %concatenate3A_799 = tpu.concatenate %concatenate3A_796, %broadcast_in_dim3A_798 in 0 : vector<424x512xf32>, vector<88x512xf32> -> vector<512x512xf32>
      %mul3A_800 = arith.constant 0.0971285849 : f32
      %mul3A_801 = vector.broadcast %mul3A_800 : f32 to vector<512x512xf32>
      %mul3A_802 = arith.mulf %concatenate3A_799, %mul3A_801 : vector<512x512xf32>
      %get3A_803 = arith.constant 0 : index
      %get3A_804 = arith.constant 0 : index
      %get3A_805 = vector.load %arg7[%get3A_803, %get3A_804] : memref<424x424xf32, #tpu.memory_space<vmem>>, vector<424x424xf32>
      %broadcast_in_dim3A_806 = arith.constant 0.000000e+00 : f32
      %broadcast_in_dim3A_807 = vector.broadcast %broadcast_in_dim3A_806 : f32 to vector<424x22xf32>
      %slice3A_808 = vector.extract_strided_slice %get3A_805 {offsets = [0, 0], sizes = [424, 106], strides = [1, 1]} : vector<424x424xf32> to vector<424x106xf32>
      %slice3A_809 = vector.extract_strided_slice %get3A_805 {offsets = [0, 106], sizes = [424, 106], strides = [1, 1]} : vector<424x424xf32> to vector<424x106xf32>
      %slice3A_810 = vector.extract_strided_slice %get3A_805 {offsets = [0, 212], sizes = [424, 106], strides = [1, 1]} : vector<424x424xf32> to vector<424x106xf32>
      %slice3A_811 = vector.extract_strided_slice %get3A_805 {offsets = [0, 318], sizes = [424, 106], strides = [1, 1]} : vector<424x424xf32> to vector<424x106xf32>
      %concatenate3A_812 = tpu.concatenate %slice3A_808, %broadcast_in_dim3A_807, %slice3A_809, %broadcast_in_dim3A_807, %slice3A_810, %broadcast_in_dim3A_807, %slice3A_811, %broadcast_in_dim3A_807 in 1 : vector<424x106xf32>, vector<424x22xf32>, vector<424x106xf32>, vector<424x22xf32>, vector<424x106xf32>, vector<424x22xf32>, vector<424x106xf32>, vector<424x22xf32> -> vector<424x512xf32>
      %broadcast_in_dim3A_813 = arith.constant 0.000000e+00 : f32
      %broadcast_in_dim3A_814 = vector.broadcast %broadcast_in_dim3A_813 : f32 to vector<88x512xf32>
      %concatenate3A_815 = tpu.concatenate %concatenate3A_812, %broadcast_in_dim3A_814 in 0 : vector<424x512xf32>, vector<88x512xf32> -> vector<512x512xf32>
      %get3A_816 = arith.constant 0 : index
      %get3A_817 = arith.constant 0 : index
      %get3A_818 = vector.load %arg9[%get3A_816, %get3A_817] : memref<424x424xf32, #tpu.memory_space<vmem>>, vector<424x424xf32>
      %broadcast_in_dim3A_819 = arith.constant 0.000000e+00 : f32
      %broadcast_in_dim3A_820 = vector.broadcast %broadcast_in_dim3A_819 : f32 to vector<424x22xf32>
      %slice3A_821 = vector.extract_strided_slice %get3A_818 {offsets = [0, 0], sizes = [424, 106], strides = [1, 1]} : vector<424x424xf32> to vector<424x106xf32>
      %slice3A_822 = vector.extract_strided_slice %get3A_818 {offsets = [0, 106], sizes = [424, 106], strides = [1, 1]} : vector<424x424xf32> to vector<424x106xf32>
      %slice3A_823 = vector.extract_strided_slice %get3A_818 {offsets = [0, 212], sizes = [424, 106], strides = [1, 1]} : vector<424x424xf32> to vector<424x106xf32>
      %slice3A_824 = vector.extract_strided_slice %get3A_818 {offsets = [0, 318], sizes = [424, 106], strides = [1, 1]} : vector<424x424xf32> to vector<424x106xf32>
      %concatenate3A_825 = tpu.concatenate %slice3A_821, %broadcast_in_dim3A_820, %slice3A_822, %broadcast_in_dim3A_820, %slice3A_823, %broadcast_in_dim3A_820, %slice3A_824, %broadcast_in_dim3A_820 in 1 : vector<424x106xf32>, vector<424x22xf32>, vector<424x106xf32>, vector<424x22xf32>, vector<424x106xf32>, vector<424x22xf32>, vector<424x106xf32>, vector<424x22xf32> -> vector<424x512xf32>
      %broadcast_in_dim3A_826 = arith.constant 0.000000e+00 : f32
      %broadcast_in_dim3A_827 = vector.broadcast %broadcast_in_dim3A_826 : f32 to vector<88x512xf32>
      %concatenate3A_828 = tpu.concatenate %concatenate3A_825, %broadcast_in_dim3A_827 in 0 : vector<424x512xf32>, vector<88x512xf32> -> vector<512x512xf32>
      %concatenate3A_829 = tpu.concatenate %mul3A_802, %concatenate3A_815, %concatenate3A_828 in 1 : vector<512x512xf32>, vector<512x512xf32>, vector<512x512xf32> -> vector<512x1536xf32>
      %convert_element_type3A_830 = arith.truncf %concatenate3A_829 : vector<512x1536xf32> to vector<512x1536xbf16>
      %swap3A_831 = arith.constant 0 : index
      %swap3A_832 = arith.constant 0 : index
      %swap3A_833 = vector.load %arg58[%swap3A_831, %swap3A_832] : memref<512x1536xbf16, #tpu.memory_space<vmem>>, vector<512x1536xbf16>
      tpu.vector_store %arg58[%swap3A_831, %swap3A_832], %convert_element_type3A_830 {strides = array<i32>} : memref<512x1536xbf16, #tpu.memory_space<vmem>>, vector<512x1536xbf16>,
      %get3A_834 = arith.constant 0 : index
      %get3A_835 = vector.load %arg6[%get3A_834] : memref<424xf32, #tpu.memory_space<vmem>>, vector<424xf32>
      %reshape3A_836 = vector.shape_cast %get3A_835 : vector<424xf32> to vector<1x424xf32>
      %broadcast_in_dim3A_837 = arith.constant 0.000000e+00 : f32
      %broadcast_in_dim3A_838 = vector.broadcast %broadcast_in_dim3A_837 : f32 to vector<1x22xf32>
      %slice3A_839 = vector.extract_strided_slice %reshape3A_836 {offsets = [0, 0], sizes = [1, 106], strides = [1, 1]} : vector<1x424xf32> to vector<1x106xf32>
      %slice3A_840 = vector.extract_strided_slice %reshape3A_836 {offsets = [0, 106], sizes = [1, 106], strides = [1, 1]} : vector<1x424xf32> to vector<1x106xf32>
      %slice3A_841 = vector.extract_strided_slice %reshape3A_836 {offsets = [0, 212], sizes = [1, 106], strides = [1, 1]} : vector<1x424xf32> to vector<1x106xf32>
      %slice3A_842 = vector.extract_strided_slice %reshape3A_836 {offsets = [0, 318], sizes = [1, 106], strides = [1, 1]} : vector<1x424xf32> to vector<1x106xf32>
      %concatenate3A_843 = tpu.concatenate %slice3A_839, %broadcast_in_dim3A_838, %slice3A_840, %broadcast_in_dim3A_838, %slice3A_841, %broadcast_in_dim3A_838, %slice3A_842, %broadcast_in_dim3A_838 in 1 : vector<1x106xf32>, vector<1x22xf32>, vector<1x106xf32>, vector<1x22xf32>, vector<1x106xf32>, vector<1x22xf32>, vector<1x106xf32>, vector<1x22xf32> -> vector<1x512xf32>
      %mul3A_844 = arith.constant 0.0971285849 : f32
      %mul3A_845 = vector.broadcast %mul3A_844 : f32 to vector<1x512xf32>
      %mul3A_846 = arith.mulf %concatenate3A_843, %mul3A_845 : vector<1x512xf32>
      %get3A_847 = arith.constant 0 : index
      %get3A_848 = vector.load %arg8[%get3A_847] : memref<424xf32, #tpu.memory_space<vmem>>, vector<424xf32>
      %reshape3A_849 = vector.shape_cast %get3A_848 : vector<424xf32> to vector<1x424xf32>
      %broadcast_in_dim3A_850 = arith.constant 0.000000e+00 : f32
      %broadcast_in_dim3A_851 = vector.broadcast %broadcast_in_dim3A_850 : f32 to vector<1x22xf32>
      %slice3A_852 = vector.extract_strided_slice %reshape3A_849 {offsets = [0, 0], sizes = [1, 106], strides = [1, 1]} : vector<1x424xf32> to vector<1x106xf32>
      %slice3A_853 = vector.extract_strided_slice %reshape3A_849 {offsets = [0, 106], sizes = [1, 106], strides = [1, 1]} : vector<1x424xf32> to vector<1x106xf32>
      %slice3A_854 = vector.extract_strided_slice %reshape3A_849 {offsets = [0, 212], sizes = [1, 106], strides = [1, 1]} : vector<1x424xf32> to vector<1x106xf32>
      %slice3A_855 = vector.extract_strided_slice %reshape3A_849 {offsets = [0, 318], sizes = [1, 106], strides = [1, 1]} : vector<1x424xf32> to vector<1x106xf32>
      %concatenate3A_856 = tpu.concatenate %slice3A_852, %broadcast_in_dim3A_851, %slice3A_853, %broadcast_in_dim3A_851, %slice3A_854, %broadcast_in_dim3A_851, %slice3A_855, %broadcast_in_dim3A_851 in 1 : vector<1x106xf32>, vector<1x22xf32>, vector<1x106xf32>, vector<1x22xf32>, vector<1x106xf32>, vector<1x22xf32>, vector<1x106xf32>, vector<1x22xf32> -> vector<1x512xf32>
      %get3A_857 = arith.constant 0 : index
      %get3A_858 = vector.load %arg10[%get3A_857] : memref<424xf32, #tpu.memory_space<vmem>>, vector<424xf32>
      %reshape3A_859 = vector.shape_cast %get3A_858 : vector<424xf32> to vector<1x424xf32>
      %broadcast_in_dim3A_860 = arith.constant 0.000000e+00 : f32
      %broadcast_in_dim3A_861 = vector.broadcast %broadcast_in_dim3A_860 : f32 to vector<1x22xf32>
      %slice3A_862 = vector.extract_strided_slice %reshape3A_859 {offsets = [0, 0], sizes = [1, 106], strides = [1, 1]} : vector<1x424xf32> to vector<1x106xf32>
      %slice3A_863 = vector.extract_strided_slice %reshape3A_859 {offsets = [0, 106], sizes = [1, 106], strides = [1, 1]} : vector<1x424xf32> to vector<1x106xf32>
      %slice3A_864 = vector.extract_strided_slice %reshape3A_859 {offsets = [0, 212], sizes = [1, 106], strides = [1, 1]} : vector<1x424xf32> to vector<1x106xf32>
      %slice3A_865 = vector.extract_strided_slice %reshape3A_859 {offsets = [0, 318], sizes = [1, 106], strides = [1, 1]} : vector<1x424xf32> to vector<1x106xf32>
      %concatenate3A_866 = tpu.concatenate %slice3A_862, %broadcast_in_dim3A_861, %slice3A_863, %broadcast_in_dim3A_861, %slice3A_864, %broadcast_in_dim3A_861, %slice3A_865, %broadcast_in_dim3A_861 in 1 : vector<1x106xf32>, vector<1x22xf32>, vector<1x106xf32>, vector<1x22xf32>, vector<1x106xf32>, vector<1x22xf32>, vector<1x106xf32>, vector<1x22xf32> -> vector<1x512xf32>
      %concatenate3A_867 = tpu.concatenate %mul3A_846, %concatenate3A_856, %concatenate3A_866 in 1 : vector<1x512xf32>, vector<1x512xf32>, vector<1x512xf32> -> vector<1x1536xf32>
      %swap3A_868 = arith.constant 0 : index
      %swap3A_869 = arith.constant 0 : index
      %swap3A_870 = vector.load %arg59[%swap3A_868, %swap3A_869] : memref<1x1536xf32, #tpu.memory_space<vmem>>, vector<1x1536xf32>
      tpu.vector_store %arg59[%swap3A_868, %swap3A_869], %concatenate3A_867 {strides = array<i32>} : memref<1x1536xf32, #tpu.memory_space<vmem>>, vector<1x1536xf32>,
      %get3A_871 = arith.constant 0 : index
      %get3A_872 = arith.constant 0 : index
      %get3A_873 = vector.load %arg11[%get3A_871, %get3A_872] : memref<424x424xf32, #tpu.memory_space<vmem>>, vector<424x424xf32>
      %broadcast_in_dim3A_874 = arith.constant 0.000000e+00 : f32
      %broadcast_in_dim3A_875 = vector.broadcast %broadcast_in_dim3A_874 : f32 to vector<22x424xf32>
      %slice3A_876 = vector.extract_strided_slice %get3A_873 {offsets = [0, 0], sizes = [106, 424], strides = [1, 1]} : vector<424x424xf32> to vector<106x424xf32>
      %slice3A_877 = vector.extract_strided_slice %get3A_873 {offsets = [106, 0], sizes = [106, 424], strides = [1, 1]} : vector<424x424xf32> to vector<106x424xf32>
      %slice3A_878 = vector.extract_strided_slice %get3A_873 {offsets = [212, 0], sizes = [106, 424], strides = [1, 1]} : vector<424x424xf32> to vector<106x424xf32>
      %slice3A_879 = vector.extract_strided_slice %get3A_873 {offsets = [318, 0], sizes = [106, 424], strides = [1, 1]} : vector<424x424xf32> to vector<106x424xf32>
      %concatenate3A_880 = tpu.concatenate %slice3A_876, %broadcast_in_dim3A_875, %slice3A_877, %broadcast_in_dim3A_875, %slice3A_878, %broadcast_in_dim3A_875, %slice3A_879, %broadcast_in_dim3A_875 in 0 : vector<106x424xf32>, vector<22x424xf32>, vector<106x424xf32>, vector<22x424xf32>, vector<106x424xf32>, vector<22x424xf32>, vector<106x424xf32>, vector<22x424xf32> -> vector<512x424xf32>
      %broadcast_in_dim3A_881 = arith.constant 0.000000e+00 : f32
      %broadcast_in_dim3A_882 = vector.broadcast %broadcast_in_dim3A_881 : f32 to vector<512x88xf32>
      %concatenate3A_883 = tpu.concatenate %concatenate3A_880, %broadcast_in_dim3A_882 in 1 : vector<512x424xf32>, vector<512x88xf32> -> vector<512x512xf32>
      %convert_element_type3A_884 = arith.truncf %concatenate3A_883 : vector<512x512xf32> to vector<512x512xbf16>
      %swap3A_885 = arith.constant 0 : index
      %swap3A_886 = arith.constant 0 : index
      %swap3A_887 = vector.load %arg60[%swap3A_885, %swap3A_886] : memref<512x512xbf16, #tpu.memory_space<vmem>>, vector<512x512xbf16>
      tpu.vector_store %arg60[%swap3A_885, %swap3A_886], %convert_element_type3A_884 {strides = array<i32>} : memref<512x512xbf16, #tpu.memory_space<vmem>>, vector<512x512xbf16>,
      %get3A_888 = arith.constant 0 : index
      %get3A_889 = vector.load %arg12[%get3A_888] : memref<424xf32, #tpu.memory_space<vmem>>, vector<424xf32>
      %reshape3A_890 = vector.shape_cast %get3A_889 : vector<424xf32> to vector<1x424xf32>
      %broadcast_in_dim3A_891 = arith.constant 0.000000e+00 : f32
      %broadcast_in_dim3A_892 = vector.broadcast %broadcast_in_dim3A_891 : f32 to vector<1x88xf32>
      %concatenate3A_893 = tpu.concatenate %reshape3A_890, %broadcast_in_dim3A_892 in 1 : vector<1x424xf32>, vector<1x88xf32> -> vector<1x512xf32>
      %swap3A_894 = arith.constant 0 : index
      %swap3A_895 = arith.constant 0 : index
      %swap3A_896 = vector.load %arg61[%swap3A_894, %swap3A_895] : memref<1x512xf32, #tpu.memory_space<vmem>>, vector<1x512xf32>
      tpu.vector_store %arg61[%swap3A_894, %swap3A_895], %concatenate3A_893 {strides = array<i32>} : memref<1x512xf32, #tpu.memory_space<vmem>>, vector<1x512xf32>,
      %get3A_897 = arith.constant 0 : index
      %get3A_898 = arith.constant 0 : index
      %get3A_899 = vector.load %arg13[%get3A_897, %get3A_898] : memref<424x1696xf32, #tpu.memory_space<vmem>>, vector<424x1696xf32>
      %broadcast_in_dim3A_900 = arith.constant 0.000000e+00 : f32
      %broadcast_in_dim3A_901 = vector.broadcast %broadcast_in_dim3A_900 : f32 to vector<424x96xf32>
      %concatenate3A_902 = tpu.concatenate %get3A_899, %broadcast_in_dim3A_901 in 1 : vector<424x1696xf32>, vector<424x96xf32> -> vector<424x1792xf32>
      %broadcast_in_dim3A_903 = arith.constant 0.000000e+00 : f32
      %broadcast_in_dim3A_904 = vector.broadcast %broadcast_in_dim3A_903 : f32 to vector<88x1792xf32>
      %concatenate3A_905 = tpu.concatenate %concatenate3A_902, %broadcast_in_dim3A_904 in 0 : vector<424x1792xf32>, vector<88x1792xf32> -> vector<512x1792xf32>
      %convert_element_type3A_906 = arith.truncf %concatenate3A_905 : vector<512x1792xf32> to vector<512x1792xbf16>
      %swap3A_907 = arith.constant 0 : index
      %swap3A_908 = arith.constant 0 : index
      %swap3A_909 = vector.load %arg62[%swap3A_907, %swap3A_908] : memref<512x1792xbf16, #tpu.memory_space<vmem>>, vector<512x1792xbf16>
      tpu.vector_store %arg62[%swap3A_907, %swap3A_908], %convert_element_type3A_906 {strides = array<i32>} : memref<512x1792xbf16, #tpu.memory_space<vmem>>, vector<512x1792xbf16>,
      %get3A_910 = arith.constant 0 : index
      %get3A_911 = vector.load %arg14[%get3A_910] : memref<1696xf32, #tpu.memory_space<vmem>>, vector<1696xf32>
      %reshape3A_912 = vector.shape_cast %get3A_911 : vector<1696xf32> to vector<1x1696xf32>
      %broadcast_in_dim3A_913 = arith.constant 0.000000e+00 : f32
      %broadcast_in_dim3A_914 = vector.broadcast %broadcast_in_dim3A_913 : f32 to vector<1x96xf32>
      %concatenate3A_915 = tpu.concatenate %reshape3A_912, %broadcast_in_dim3A_914 in 1 : vector<1x1696xf32>, vector<1x96xf32> -> vector<1x1792xf32>
      %swap3A_916 = arith.constant 0 : index
      %swap3A_917 = arith.constant 0 : index
      %swap3A_918 = vector.load %arg63[%swap3A_916, %swap3A_917] : memref<1x1792xf32, #tpu.memory_space<vmem>>, vector<1x1792xf32>
      tpu.vector_store %arg63[%swap3A_916, %swap3A_917], %concatenate3A_915 {strides = array<i32>} : memref<1x1792xf32, #tpu.memory_space<vmem>>, vector<1x1792xf32>,
      %get3A_919 = arith.constant 0 : index
      %get3A_920 = arith.constant 0 : index
      %get3A_921 = vector.load %arg15[%get3A_919, %get3A_920] : memref<1696x424xf32, #tpu.memory_space<vmem>>, vector<1696x424xf32>
      %broadcast_in_dim3A_922 = arith.constant 0.000000e+00 : f32
      %broadcast_in_dim3A_923 = vector.broadcast %broadcast_in_dim3A_922 : f32 to vector<1696x88xf32>
      %concatenate3A_924 = tpu.concatenate %get3A_921, %broadcast_in_dim3A_923 in 1 : vector<1696x424xf32>, vector<1696x88xf32> -> vector<1696x512xf32>
      %broadcast_in_dim3A_925 = arith.constant 0.000000e+00 : f32
      %broadcast_in_dim3A_926 = vector.broadcast %broadcast_in_dim3A_925 : f32 to vector<96x512xf32>
      %concatenate3A_927 = tpu.concatenate %concatenate3A_924, %broadcast_in_dim3A_926 in 0 : vector<1696x512xf32>, vector<96x512xf32> -> vector<1792x512xf32>
      %convert_element_type3A_928 = arith.truncf %concatenate3A_927 : vector<1792x512xf32> to vector<1792x512xbf16>
      %swap3A_929 = arith.constant 0 : index
      %swap3A_930 = arith.constant 0 : index
      %swap3A_931 = vector.load %arg64[%swap3A_929, %swap3A_930] : memref<1792x512xbf16, #tpu.memory_space<vmem>>, vector<1792x512xbf16>
      tpu.vector_store %arg64[%swap3A_929, %swap3A_930], %convert_element_type3A_928 {strides = array<i32>} : memref<1792x512xbf16, #tpu.memory_space<vmem>>, vector<1792x512xbf16>,
      %get3A_932 = arith.constant 0 : index
      %get3A_933 = vector.load %arg16[%get3A_932] : memref<424xf32, #tpu.memory_space<vmem>>, vector<424xf32>
      %reshape3A_934 = vector.shape_cast %get3A_933 : vector<424xf32> to vector<1x424xf32>
      %broadcast_in_dim3A_935 = arith.constant 0.000000e+00 : f32
      %broadcast_in_dim3A_936 = vector.broadcast %broadcast_in_dim3A_935 : f32 to vector<1x88xf32>
      %concatenate3A_937 = tpu.concatenate %reshape3A_934, %broadcast_in_dim3A_936 in 1 : vector<1x424xf32>, vector<1x88xf32> -> vector<1x512xf32>
      %swap3A_938 = arith.constant 0 : index
      %swap3A_939 = arith.constant 0 : index
      %swap3A_940 = vector.load %arg65[%swap3A_938, %swap3A_939] : memref<1x512xf32, #tpu.memory_space<vmem>>, vector<1x512xf32>
      tpu.vector_store %arg65[%swap3A_938, %swap3A_939], %concatenate3A_937 {strides = array<i32>} : memref<1x512xf32, #tpu.memory_space<vmem>>, vector<1x512xf32>,
      %get3A_941 = arith.constant 0 : index
      %get3A_942 = vector.load %arg17[%get3A_941] : memref<424xf32, #tpu.memory_space<vmem>>, vector<424xf32>
      %reshape3A_943 = vector.shape_cast %get3A_942 : vector<424xf32> to vector<1x424xf32>
      %broadcast_in_dim3A_944 = arith.constant 0.000000e+00 : f32
      %broadcast_in_dim3A_945 = vector.broadcast %broadcast_in_dim3A_944 : f32 to vector<1x88xf32>
      %concatenate3A_946 = tpu.concatenate %reshape3A_943, %broadcast_in_dim3A_945 in 1 : vector<1x424xf32>, vector<1x88xf32> -> vector<1x512xf32>
      %swap3A_947 = arith.constant 0 : index
      %swap3A_948 = arith.constant 0 : index
      %swap3A_949 = vector.load %arg66[%swap3A_947, %swap3A_948] : memref<1x512xf32, #tpu.memory_space<vmem>>, vector<1x512xf32>
      tpu.vector_store %arg66[%swap3A_947, %swap3A_948], %concatenate3A_946 {strides = array<i32>} : memref<1x512xf32, #tpu.memory_space<vmem>>, vector<1x512xf32>,
      %get3A_950 = arith.constant 0 : index
      %get3A_951 = vector.load %arg18[%get3A_950] : memref<424xf32, #tpu.memory_space<vmem>>, vector<424xf32>
      %reshape3A_952 = vector.shape_cast %get3A_951 : vector<424xf32> to vector<1x424xf32>
      %broadcast_in_dim3A_953 = arith.constant 0.000000e+00 : f32
      %broadcast_in_dim3A_954 = vector.broadcast %broadcast_in_dim3A_953 : f32 to vector<1x88xf32>
      %concatenate3A_955 = tpu.concatenate %reshape3A_952, %broadcast_in_dim3A_954 in 1 : vector<1x424xf32>, vector<1x88xf32> -> vector<1x512xf32>
      %swap3A_956 = arith.constant 0 : index
      %swap3A_957 = arith.constant 0 : index
      %swap3A_958 = vector.load %arg67[%swap3A_956, %swap3A_957] : memref<1x512xf32, #tpu.memory_space<vmem>>, vector<1x512xf32>
      tpu.vector_store %arg67[%swap3A_956, %swap3A_957], %concatenate3A_955 {strides = array<i32>} : memref<1x512xf32, #tpu.memory_space<vmem>>, vector<1x512xf32>,
      %get3A_959 = arith.constant 0 : index
      %get3A_960 = vector.load %arg19[%get3A_959] : memref<424xf32, #tpu.memory_space<vmem>>, vector<424xf32>
      %reshape3A_961 = vector.shape_cast %get3A_960 : vector<424xf32> to vector<1x424xf32>
      %broadcast_in_dim3A_962 = arith.constant 0.000000e+00 : f32
      %broadcast_in_dim3A_963 = vector.broadcast %broadcast_in_dim3A_962 : f32 to vector<1x88xf32>
      %concatenate3A_964 = tpu.concatenate %reshape3A_961, %broadcast_in_dim3A_963 in 1 : vector<1x424xf32>, vector<1x88xf32> -> vector<1x512xf32>
      %swap3A_965 = arith.constant 0 : index
      %swap3A_966 = arith.constant 0 : index
      %swap3A_967 = vector.load %arg68[%swap3A_965, %swap3A_966] : memref<1x512xf32, #tpu.memory_space<vmem>>, vector<1x512xf32>
      tpu.vector_store %arg68[%swap3A_965, %swap3A_966], %concatenate3A_964 {strides = array<i32>} : memref<1x512xf32, #tpu.memory_space<vmem>>, vector<1x512xf32>,
      %get3A_968 = arith.constant 0 : index
      %get3A_969 = vector.load %arg20[%get3A_968] : memref<424xf32, #tpu.memory_space<vmem>>, vector<424xf32>
      %reshape3A_970 = vector.shape_cast %get3A_969 : vector<424xf32> to vector<1x424xf32>
      %broadcast_in_dim3A_971 = arith.constant 0.000000e+00 : f32
      %broadcast_in_dim3A_972 = vector.broadcast %broadcast_in_dim3A_971 : f32 to vector<1x88xf32>
      %concatenate3A_973 = tpu.concatenate %reshape3A_970, %broadcast_in_dim3A_972 in 1 : vector<1x424xf32>, vector<1x88xf32> -> vector<1x512xf32>
      %swap3A_974 = arith.constant 0 : index
      %swap3A_975 = arith.constant 0 : index
      %swap3A_976 = vector.load %arg69[%swap3A_974, %swap3A_975] : memref<1x512xf32, #tpu.memory_space<vmem>>, vector<1x512xf32>
      tpu.vector_store %arg69[%swap3A_974, %swap3A_975], %concatenate3A_973 {strides = array<i32>} : memref<1x512xf32, #tpu.memory_space<vmem>>, vector<1x512xf32>,
      %get3A_977 = arith.constant 0 : index
      %get3A_978 = arith.constant 0 : index
      %get3A_979 = vector.load %arg21[%get3A_977, %get3A_978] : memref<432x8xf32, #tpu.memory_space<vmem>>, vector<432x8xf32>
      %slice3A_980 = vector.extract_strided_slice %get3A_979 {offsets = [0, 0], sizes = [424, 8], strides = [1, 1]} : vector<432x8xf32> to vector<424x8xf32>
      %broadcast_in_dim3A_981 = arith.constant 0.000000e+00 : f32
      %broadcast_in_dim3A_982 = vector.broadcast %broadcast_in_dim3A_981 : f32 to vector<88x8xf32>
      %concatenate3A_983 = tpu.concatenate %slice3A_980, %broadcast_in_dim3A_982 in 0 : vector<424x8xf32>, vector<88x8xf32> -> vector<512x8xf32>
      %convert_element_type3A_984 = arith.truncf %concatenate3A_983 : vector<512x8xf32> to vector<512x8xbf16>
      %swap3A_985 = arith.constant 0 : index
      %swap3A_986 = arith.constant 0 : index
      %swap3A_987 = vector.load %arg70[%swap3A_985, %swap3A_986] : memref<512x8xbf16, #tpu.memory_space<vmem>>, vector<512x8xbf16>
      tpu.vector_store %arg70[%swap3A_985, %swap3A_986], %convert_element_type3A_984 {strides = array<i32>} : memref<512x8xbf16, #tpu.memory_space<vmem>>, vector<512x8xbf16>,
      %get3A_988 = arith.constant 0 : index
      %get3A_989 = arith.constant 0 : index
      %get3A_990 = vector.load %arg21[%get3A_988, %get3A_989] : memref<432x8xf32, #tpu.memory_space<vmem>>, vector<432x8xf32>
      %slice3A_991 = vector.extract_strided_slice %get3A_990 {offsets = [424, 0], sizes = [8, 8], strides = [1, 1]} : vector<432x8xf32> to vector<8x8xf32>
      %convert_element_type3A_992 = arith.truncf %slice3A_991 : vector<8x8xf32> to vector<8x8xbf16>
      %swap3A_993 = arith.constant 0 : index
      %swap3A_994 = arith.constant 0 : index
      %swap3A_995 = vector.load %arg71[%swap3A_993, %swap3A_994] : memref<8x8xbf16, #tpu.memory_space<vmem>>, vector<8x8xbf16>
      tpu.vector_store %arg71[%swap3A_993, %swap3A_994], %convert_element_type3A_992 {strides = array<i32>} : memref<8x8xbf16, #tpu.memory_space<vmem>>, vector<8x8xbf16>,
      %get3A_996 = arith.constant 0 : index
      %get3A_997 = arith.constant 0 : index
      %get3A_998 = vector.load %arg23[%get3A_996, %get3A_997] : memref<424x212xf32, #tpu.memory_space<vmem>>, vector<424x212xf32>
      %broadcast_in_dim3A_999 = arith.constant 0.000000e+00 : f32
      %broadcast_in_dim3A_1000 = vector.broadcast %broadcast_in_dim3A_999 : f32 to vector<424x44xf32>
      %concatenate3A_1001 = tpu.concatenate %get3A_998, %broadcast_in_dim3A_1000 in 1 : vector<424x212xf32>, vector<424x44xf32> -> vector<424x256xf32>
      %broadcast_in_dim3A_1002 = arith.constant 0.000000e+00 : f32
      %broadcast_in_dim3A_1003 = vector.broadcast %broadcast_in_dim3A_1002 : f32 to vector<88x256xf32>
      %concatenate3A_1004 = tpu.concatenate %concatenate3A_1001, %broadcast_in_dim3A_1003 in 0 : vector<424x256xf32>, vector<88x256xf32> -> vector<512x256xf32>
      %get3A_1005 = arith.constant 0 : index
      %get3A_1006 = arith.constant 0 : index
      %get3A_1007 = vector.load %arg27[%get3A_1005, %get3A_1006] : memref<424x212xf32, #tpu.memory_space<vmem>>, vector<424x212xf32>
      %broadcast_in_dim3A_1008 = arith.constant 0.000000e+00 : f32
      %broadcast_in_dim3A_1009 = vector.broadcast %broadcast_in_dim3A_1008 : f32 to vector<424x44xf32>
      %concatenate3A_1010 = tpu.concatenate %get3A_1007, %broadcast_in_dim3A_1009 in 1 : vector<424x212xf32>, vector<424x44xf32> -> vector<424x256xf32>
      %broadcast_in_dim3A_1011 = arith.constant 0.000000e+00 : f32
      %broadcast_in_dim3A_1012 = vector.broadcast %broadcast_in_dim3A_1011 : f32 to vector<88x256xf32>
      %concatenate3A_1013 = tpu.concatenate %concatenate3A_1010, %broadcast_in_dim3A_1012 in 0 : vector<424x256xf32>, vector<88x256xf32> -> vector<512x256xf32>
      %concatenate3A_1014 = tpu.concatenate %concatenate3A_1004, %concatenate3A_1013 in 1 : vector<512x256xf32>, vector<512x256xf32> -> vector<512x512xf32>
      %convert_element_type3A_1015 = arith.truncf %concatenate3A_1014 : vector<512x512xf32> to vector<512x512xbf16>
      %swap3A_1016 = arith.constant 0 : index
      %swap3A_1017 = arith.constant 0 : index
      %swap3A_1018 = vector.load %arg72[%swap3A_1016, %swap3A_1017] : memref<512x512xbf16, #tpu.memory_space<vmem>>, vector<512x512xbf16>
      tpu.vector_store %arg72[%swap3A_1016, %swap3A_1017], %convert_element_type3A_1015 {strides = array<i32>} : memref<512x512xbf16, #tpu.memory_space<vmem>>, vector<512x512xbf16>,
      %get3A_1019 = arith.constant 0 : index
      %get3A_1020 = vector.load %arg24[%get3A_1019] : memref<212xf32, #tpu.memory_space<vmem>>, vector<212xf32>
      %reshape3A_1021 = vector.shape_cast %get3A_1020 : vector<212xf32> to vector<1x212xf32>
      %broadcast_in_dim3A_1022 = arith.constant 0.000000e+00 : f32
      %broadcast_in_dim3A_1023 = vector.broadcast %broadcast_in_dim3A_1022 : f32 to vector<1x44xf32>
      %concatenate3A_1024 = tpu.concatenate %reshape3A_1021, %broadcast_in_dim3A_1023 in 1 : vector<1x212xf32>, vector<1x44xf32> -> vector<1x256xf32>
      %get3A_1025 = arith.constant 0 : index
      %get3A_1026 = vector.load %arg28[%get3A_1025] : memref<212xf32, #tpu.memory_space<vmem>>, vector<212xf32>
      %reshape3A_1027 = vector.shape_cast %get3A_1026 : vector<212xf32> to vector<1x212xf32>
      %broadcast_in_dim3A_1028 = arith.constant 0.000000e+00 : f32
      %broadcast_in_dim3A_1029 = vector.broadcast %broadcast_in_dim3A_1028 : f32 to vector<1x44xf32>
      %concatenate3A_1030 = tpu.concatenate %reshape3A_1027, %broadcast_in_dim3A_1029 in 1 : vector<1x212xf32>, vector<1x44xf32> -> vector<1x256xf32>
      %concatenate3A_1031 = tpu.concatenate %concatenate3A_1024, %concatenate3A_1030 in 1 : vector<1x256xf32>, vector<1x256xf32> -> vector<1x512xf32>
      %swap3A_1032 = arith.constant 0 : index
      %swap3A_1033 = arith.constant 0 : index
      %swap3A_1034 = vector.load %arg73[%swap3A_1032, %swap3A_1033] : memref<1x512xf32, #tpu.memory_space<vmem>>, vector<1x512xf32>
      tpu.vector_store %arg73[%swap3A_1032, %swap3A_1033], %concatenate3A_1031 {strides = array<i32>} : memref<1x512xf32, #tpu.memory_space<vmem>>, vector<1x512xf32>,
      %get3A_1035 = arith.constant 0 : index
      %get3A_1036 = vector.load %arg25[%get3A_1035] : memref<212xf32, #tpu.memory_space<vmem>>, vector<212xf32>
      %reshape3A_1037 = vector.shape_cast %get3A_1036 : vector<212xf32> to vector<1x212xf32>
      %broadcast_in_dim3A_1038 = arith.constant 0.000000e+00 : f32
      %broadcast_in_dim3A_1039 = vector.broadcast %broadcast_in_dim3A_1038 : f32 to vector<1x44xf32>
      %concatenate3A_1040 = tpu.concatenate %reshape3A_1037, %broadcast_in_dim3A_1039 in 1 : vector<1x212xf32>, vector<1x44xf32> -> vector<1x256xf32>
      %get3A_1041 = arith.constant 0 : index
      %get3A_1042 = vector.load %arg29[%get3A_1041] : memref<212xf32, #tpu.memory_space<vmem>>, vector<212xf32>
      %reshape3A_1043 = vector.shape_cast %get3A_1042 : vector<212xf32> to vector<1x212xf32>
      %broadcast_in_dim3A_1044 = arith.constant 0.000000e+00 : f32
      %broadcast_in_dim3A_1045 = vector.broadcast %broadcast_in_dim3A_1044 : f32 to vector<1x44xf32>
      %concatenate3A_1046 = tpu.concatenate %reshape3A_1043, %broadcast_in_dim3A_1045 in 1 : vector<1x212xf32>, vector<1x44xf32> -> vector<1x256xf32>
      %concatenate3A_1047 = tpu.concatenate %concatenate3A_1040, %concatenate3A_1046 in 1 : vector<1x256xf32>, vector<1x256xf32> -> vector<1x512xf32>
      %swap3A_1048 = arith.constant 0 : index
      %swap3A_1049 = arith.constant 0 : index
      %swap3A_1050 = vector.load %arg74[%swap3A_1048, %swap3A_1049] : memref<1x512xf32, #tpu.memory_space<vmem>>, vector<1x512xf32>
      tpu.vector_store %arg74[%swap3A_1048, %swap3A_1049], %concatenate3A_1047 {strides = array<i32>} : memref<1x512xf32, #tpu.memory_space<vmem>>, vector<1x512xf32>,
      %get3A_1051 = arith.constant 0 : index
      %get3A_1052 = arith.constant 0 : index
      %get3A_1053 = vector.load %arg31[%get3A_1051, %get3A_1052] : memref<424x424xf32, #tpu.memory_space<vmem>>, vector<424x424xf32>
      %broadcast_in_dim3A_1054 = arith.constant 0.000000e+00 : f32
      %broadcast_in_dim3A_1055 = vector.broadcast %broadcast_in_dim3A_1054 : f32 to vector<424x22xf32>
      %slice3A_1056 = vector.extract_strided_slice %get3A_1053 {offsets = [0, 0], sizes = [424, 106], strides = [1, 1]} : vector<424x424xf32> to vector<424x106xf32>
      %slice3A_1057 = vector.extract_strided_slice %get3A_1053 {offsets = [0, 106], sizes = [424, 106], strides = [1, 1]} : vector<424x424xf32> to vector<424x106xf32>
      %slice3A_1058 = vector.extract_strided_slice %get3A_1053 {offsets = [0, 212], sizes = [424, 106], strides = [1, 1]} : vector<424x424xf32> to vector<424x106xf32>
      %slice3A_1059 = vector.extract_strided_slice %get3A_1053 {offsets = [0, 318], sizes = [424, 106], strides = [1, 1]} : vector<424x424xf32> to vector<424x106xf32>
      %concatenate3A_1060 = tpu.concatenate %slice3A_1056, %broadcast_in_dim3A_1055, %slice3A_1057, %broadcast_in_dim3A_1055, %slice3A_1058, %broadcast_in_dim3A_1055, %slice3A_1059, %broadcast_in_dim3A_1055 in 1 : vector<424x106xf32>, vector<424x22xf32>, vector<424x106xf32>, vector<424x22xf32>, vector<424x106xf32>, vector<424x22xf32>, vector<424x106xf32>, vector<424x22xf32> -> vector<424x512xf32>
      %broadcast_in_dim3A_1061 = arith.constant 0.000000e+00 : f32
      %broadcast_in_dim3A_1062 = vector.broadcast %broadcast_in_dim3A_1061 : f32 to vector<88x512xf32>
      %concatenate3A_1063 = tpu.concatenate %concatenate3A_1060, %broadcast_in_dim3A_1062 in 0 : vector<424x512xf32>, vector<88x512xf32> -> vector<512x512xf32>
      %mul3A_1064 = arith.constant 0.0971285849 : f32
      %mul3A_1065 = vector.broadcast %mul3A_1064 : f32 to vector<512x512xf32>
      %mul3A_1066 = arith.mulf %concatenate3A_1063, %mul3A_1065 : vector<512x512xf32>
      %get3A_1067 = arith.constant 0 : index
      %get3A_1068 = arith.constant 0 : index
      %get3A_1069 = vector.load %arg33[%get3A_1067, %get3A_1068] : memref<424x424xf32, #tpu.memory_space<vmem>>, vector<424x424xf32>
      %broadcast_in_dim3A_1070 = arith.constant 0.000000e+00 : f32
      %broadcast_in_dim3A_1071 = vector.broadcast %broadcast_in_dim3A_1070 : f32 to vector<424x22xf32>
      %slice3A_1072 = vector.extract_strided_slice %get3A_1069 {offsets = [0, 0], sizes = [424, 106], strides = [1, 1]} : vector<424x424xf32> to vector<424x106xf32>
      %slice3A_1073 = vector.extract_strided_slice %get3A_1069 {offsets = [0, 106], sizes = [424, 106], strides = [1, 1]} : vector<424x424xf32> to vector<424x106xf32>
      %slice3A_1074 = vector.extract_strided_slice %get3A_1069 {offsets = [0, 212], sizes = [424, 106], strides = [1, 1]} : vector<424x424xf32> to vector<424x106xf32>
      %slice3A_1075 = vector.extract_strided_slice %get3A_1069 {offsets = [0, 318], sizes = [424, 106], strides = [1, 1]} : vector<424x424xf32> to vector<424x106xf32>
      %concatenate3A_1076 = tpu.concatenate %slice3A_1072, %broadcast_in_dim3A_1071, %slice3A_1073, %broadcast_in_dim3A_1071, %slice3A_1074, %broadcast_in_dim3A_1071, %slice3A_1075, %broadcast_in_dim3A_1071 in 1 : vector<424x106xf32>, vector<424x22xf32>, vector<424x106xf32>, vector<424x22xf32>, vector<424x106xf32>, vector<424x22xf32>, vector<424x106xf32>, vector<424x22xf32> -> vector<424x512xf32>
      %broadcast_in_dim3A_1077 = arith.constant 0.000000e+00 : f32
      %broadcast_in_dim3A_1078 = vector.broadcast %broadcast_in_dim3A_1077 : f32 to vector<88x512xf32>
      %concatenate3A_1079 = tpu.concatenate %concatenate3A_1076, %broadcast_in_dim3A_1078 in 0 : vector<424x512xf32>, vector<88x512xf32> -> vector<512x512xf32>
      %get3A_1080 = arith.constant 0 : index
      %get3A_1081 = arith.constant 0 : index
      %get3A_1082 = vector.load %arg35[%get3A_1080, %get3A_1081] : memref<424x424xf32, #tpu.memory_space<vmem>>, vector<424x424xf32>
      %broadcast_in_dim3A_1083 = arith.constant 0.000000e+00 : f32
      %broadcast_in_dim3A_1084 = vector.broadcast %broadcast_in_dim3A_1083 : f32 to vector<424x22xf32>
      %slice3A_1085 = vector.extract_strided_slice %get3A_1082 {offsets = [0, 0], sizes = [424, 106], strides = [1, 1]} : vector<424x424xf32> to vector<424x106xf32>
      %slice3A_1086 = vector.extract_strided_slice %get3A_1082 {offsets = [0, 106], sizes = [424, 106], strides = [1, 1]} : vector<424x424xf32> to vector<424x106xf32>
      %slice3A_1087 = vector.extract_strided_slice %get3A_1082 {offsets = [0, 212], sizes = [424, 106], strides = [1, 1]} : vector<424x424xf32> to vector<424x106xf32>
      %slice3A_1088 = vector.extract_strided_slice %get3A_1082 {offsets = [0, 318], sizes = [424, 106], strides = [1, 1]} : vector<424x424xf32> to vector<424x106xf32>
      %concatenate3A_1089 = tpu.concatenate %slice3A_1085, %broadcast_in_dim3A_1084, %slice3A_1086, %broadcast_in_dim3A_1084, %slice3A_1087, %broadcast_in_dim3A_1084, %slice3A_1088, %broadcast_in_dim3A_1084 in 1 : vector<424x106xf32>, vector<424x22xf32>, vector<424x106xf32>, vector<424x22xf32>, vector<424x106xf32>, vector<424x22xf32>, vector<424x106xf32>, vector<424x22xf32> -> vector<424x512xf32>
      %broadcast_in_dim3A_1090 = arith.constant 0.000000e+00 : f32
      %broadcast_in_dim3A_1091 = vector.broadcast %broadcast_in_dim3A_1090 : f32 to vector<88x512xf32>
      %concatenate3A_1092 = tpu.concatenate %concatenate3A_1089, %broadcast_in_dim3A_1091 in 0 : vector<424x512xf32>, vector<88x512xf32> -> vector<512x512xf32>
      %concatenate3A_1093 = tpu.concatenate %mul3A_1066, %concatenate3A_1079, %concatenate3A_1092 in 1 : vector<512x512xf32>, vector<512x512xf32>, vector<512x512xf32> -> vector<512x1536xf32>
      %convert_element_type3A_1094 = arith.truncf %concatenate3A_1093 : vector<512x1536xf32> to vector<512x1536xbf16>
      %swap3A_1095 = arith.constant 0 : index
      %swap3A_1096 = arith.constant 0 : index
      %swap3A_1097 = vector.load %arg75[%swap3A_1095, %swap3A_1096] : memref<512x1536xbf16, #tpu.memory_space<vmem>>, vector<512x1536xbf16>
      tpu.vector_store %arg75[%swap3A_1095, %swap3A_1096], %convert_element_type3A_1094 {strides = array<i32>} : memref<512x1536xbf16, #tpu.memory_space<vmem>>, vector<512x1536xbf16>,
      %get3A_1098 = arith.constant 0 : index
      %get3A_1099 = vector.load %arg32[%get3A_1098] : memref<424xf32, #tpu.memory_space<vmem>>, vector<424xf32>
      %reshape3A_1100 = vector.shape_cast %get3A_1099 : vector<424xf32> to vector<1x424xf32>
      %broadcast_in_dim3A_1101 = arith.constant 0.000000e+00 : f32
      %broadcast_in_dim3A_1102 = vector.broadcast %broadcast_in_dim3A_1101 : f32 to vector<1x22xf32>
      %slice3A_1103 = vector.extract_strided_slice %reshape3A_1100 {offsets = [0, 0], sizes = [1, 106], strides = [1, 1]} : vector<1x424xf32> to vector<1x106xf32>
      %slice3A_1104 = vector.extract_strided_slice %reshape3A_1100 {offsets = [0, 106], sizes = [1, 106], strides = [1, 1]} : vector<1x424xf32> to vector<1x106xf32>
      %slice3A_1105 = vector.extract_strided_slice %reshape3A_1100 {offsets = [0, 212], sizes = [1, 106], strides = [1, 1]} : vector<1x424xf32> to vector<1x106xf32>
      %slice3A_1106 = vector.extract_strided_slice %reshape3A_1100 {offsets = [0, 318], sizes = [1, 106], strides = [1, 1]} : vector<1x424xf32> to vector<1x106xf32>
      %concatenate3A_1107 = tpu.concatenate %slice3A_1103, %broadcast_in_dim3A_1102, %slice3A_1104, %broadcast_in_dim3A_1102, %slice3A_1105, %broadcast_in_dim3A_1102, %slice3A_1106, %broadcast_in_dim3A_1102 in 1 : vector<1x106xf32>, vector<1x22xf32>, vector<1x106xf32>, vector<1x22xf32>, vector<1x106xf32>, vector<1x22xf32>, vector<1x106xf32>, vector<1x22xf32> -> vector<1x512xf32>
      %mul3A_1108 = arith.constant 0.0971285849 : f32
      %mul3A_1109 = vector.broadcast %mul3A_1108 : f32 to vector<1x512xf32>
      %mul3A_1110 = arith.mulf %concatenate3A_1107, %mul3A_1109 : vector<1x512xf32>
      %get3A_1111 = arith.constant 0 : index
      %get3A_1112 = vector.load %arg34[%get3A_1111] : memref<424xf32, #tpu.memory_space<vmem>>, vector<424xf32>
      %reshape3A_1113 = vector.shape_cast %get3A_1112 : vector<424xf32> to vector<1x424xf32>
      %broadcast_in_dim3A_1114 = arith.constant 0.000000e+00 : f32
      %broadcast_in_dim3A_1115 = vector.broadcast %broadcast_in_dim3A_1114 : f32 to vector<1x22xf32>
      %slice3A_1116 = vector.extract_strided_slice %reshape3A_1113 {offsets = [0, 0], sizes = [1, 106], strides = [1, 1]} : vector<1x424xf32> to vector<1x106xf32>
      %slice3A_1117 = vector.extract_strided_slice %reshape3A_1113 {offsets = [0, 106], sizes = [1, 106], strides = [1, 1]} : vector<1x424xf32> to vector<1x106xf32>
      %slice3A_1118 = vector.extract_strided_slice %reshape3A_1113 {offsets = [0, 212], sizes = [1, 106], strides = [1, 1]} : vector<1x424xf32> to vector<1x106xf32>
      %slice3A_1119 = vector.extract_strided_slice %reshape3A_1113 {offsets = [0, 318], sizes = [1, 106], strides = [1, 1]} : vector<1x424xf32> to vector<1x106xf32>
      %concatenate3A_1120 = tpu.concatenate %slice3A_1116, %broadcast_in_dim3A_1115, %slice3A_1117, %broadcast_in_dim3A_1115, %slice3A_1118, %broadcast_in_dim3A_1115, %slice3A_1119, %broadcast_in_dim3A_1115 in 1 : vector<1x106xf32>, vector<1x22xf32>, vector<1x106xf32>, vector<1x22xf32>, vector<1x106xf32>, vector<1x22xf32>, vector<1x106xf32>, vector<1x22xf32> -> vector<1x512xf32>
      %get3A_1121 = arith.constant 0 : index
      %get3A_1122 = vector.load %arg36[%get3A_1121] : memref<424xf32, #tpu.memory_space<vmem>>, vector<424xf32>
      %reshape3A_1123 = vector.shape_cast %get3A_1122 : vector<424xf32> to vector<1x424xf32>
      %broadcast_in_dim3A_1124 = arith.constant 0.000000e+00 : f32
      %broadcast_in_dim3A_1125 = vector.broadcast %broadcast_in_dim3A_1124 : f32 to vector<1x22xf32>
      %slice3A_1126 = vector.extract_strided_slice %reshape3A_1123 {offsets = [0, 0], sizes = [1, 106], strides = [1, 1]} : vector<1x424xf32> to vector<1x106xf32>
      %slice3A_1127 = vector.extract_strided_slice %reshape3A_1123 {offsets = [0, 106], sizes = [1, 106], strides = [1, 1]} : vector<1x424xf32> to vector<1x106xf32>
      %slice3A_1128 = vector.extract_strided_slice %reshape3A_1123 {offsets = [0, 212], sizes = [1, 106], strides = [1, 1]} : vector<1x424xf32> to vector<1x106xf32>
      %slice3A_1129 = vector.extract_strided_slice %reshape3A_1123 {offsets = [0, 318], sizes = [1, 106], strides = [1, 1]} : vector<1x424xf32> to vector<1x106xf32>
      %concatenate3A_1130 = tpu.concatenate %slice3A_1126, %broadcast_in_dim3A_1125, %slice3A_1127, %broadcast_in_dim3A_1125, %slice3A_1128, %broadcast_in_dim3A_1125, %slice3A_1129, %broadcast_in_dim3A_1125 in 1 : vector<1x106xf32>, vector<1x22xf32>, vector<1x106xf32>, vector<1x22xf32>, vector<1x106xf32>, vector<1x22xf32>, vector<1x106xf32>, vector<1x22xf32> -> vector<1x512xf32>
      %concatenate3A_1131 = tpu.concatenate %mul3A_1110, %concatenate3A_1120, %concatenate3A_1130 in 1 : vector<1x512xf32>, vector<1x512xf32>, vector<1x512xf32> -> vector<1x1536xf32>
      %swap3A_1132 = arith.constant 0 : index
      %swap3A_1133 = arith.constant 0 : index
      %swap3A_1134 = vector.load %arg76[%swap3A_1132, %swap3A_1133] : memref<1x1536xf32, #tpu.memory_space<vmem>>, vector<1x1536xf32>
      tpu.vector_store %arg76[%swap3A_1132, %swap3A_1133], %concatenate3A_1131 {strides = array<i32>} : memref<1x1536xf32, #tpu.memory_space<vmem>>, vector<1x1536xf32>,
      %get3A_1135 = arith.constant 0 : index
      %get3A_1136 = arith.constant 0 : index
      %get3A_1137 = vector.load %arg37[%get3A_1135, %get3A_1136] : memref<424x424xf32, #tpu.memory_space<vmem>>, vector<424x424xf32>
      %broadcast_in_dim3A_1138 = arith.constant 0.000000e+00 : f32
      %broadcast_in_dim3A_1139 = vector.broadcast %broadcast_in_dim3A_1138 : f32 to vector<22x424xf32>
      %slice3A_1140 = vector.extract_strided_slice %get3A_1137 {offsets = [0, 0], sizes = [106, 424], strides = [1, 1]} : vector<424x424xf32> to vector<106x424xf32>
      %slice3A_1141 = vector.extract_strided_slice %get3A_1137 {offsets = [106, 0], sizes = [106, 424], strides = [1, 1]} : vector<424x424xf32> to vector<106x424xf32>
      %slice3A_1142 = vector.extract_strided_slice %get3A_1137 {offsets = [212, 0], sizes = [106, 424], strides = [1, 1]} : vector<424x424xf32> to vector<106x424xf32>
      %slice3A_1143 = vector.extract_strided_slice %get3A_1137 {offsets = [318, 0], sizes = [106, 424], strides = [1, 1]} : vector<424x424xf32> to vector<106x424xf32>
      %concatenate3A_1144 = tpu.concatenate %slice3A_1140, %broadcast_in_dim3A_1139, %slice3A_1141, %broadcast_in_dim3A_1139, %slice3A_1142, %broadcast_in_dim3A_1139, %slice3A_1143, %broadcast_in_dim3A_1139 in 0 : vector<106x424xf32>, vector<22x424xf32>, vector<106x424xf32>, vector<22x424xf32>, vector<106x424xf32>, vector<22x424xf32>, vector<106x424xf32>, vector<22x424xf32> -> vector<512x424xf32>
      %broadcast_in_dim3A_1145 = arith.constant 0.000000e+00 : f32
      %broadcast_in_dim3A_1146 = vector.broadcast %broadcast_in_dim3A_1145 : f32 to vector<512x88xf32>
      %concatenate3A_1147 = tpu.concatenate %concatenate3A_1144, %broadcast_in_dim3A_1146 in 1 : vector<512x424xf32>, vector<512x88xf32> -> vector<512x512xf32>
      %convert_element_type3A_1148 = arith.truncf %concatenate3A_1147 : vector<512x512xf32> to vector<512x512xbf16>
      %swap3A_1149 = arith.constant 0 : index
      %swap3A_1150 = arith.constant 0 : index
      %swap3A_1151 = vector.load %arg77[%swap3A_1149, %swap3A_1150] : memref<512x512xbf16, #tpu.memory_space<vmem>>, vector<512x512xbf16>
      tpu.vector_store %arg77[%swap3A_1149, %swap3A_1150], %convert_element_type3A_1148 {strides = array<i32>} : memref<512x512xbf16, #tpu.memory_space<vmem>>, vector<512x512xbf16>,
      %get3A_1152 = arith.constant 0 : index
      %get3A_1153 = vector.load %arg38[%get3A_1152] : memref<424xf32, #tpu.memory_space<vmem>>, vector<424xf32>
      %reshape3A_1154 = vector.shape_cast %get3A_1153 : vector<424xf32> to vector<1x424xf32>
      %broadcast_in_dim3A_1155 = arith.constant 0.000000e+00 : f32
      %broadcast_in_dim3A_1156 = vector.broadcast %broadcast_in_dim3A_1155 : f32 to vector<1x88xf32>
      %concatenate3A_1157 = tpu.concatenate %reshape3A_1154, %broadcast_in_dim3A_1156 in 1 : vector<1x424xf32>, vector<1x88xf32> -> vector<1x512xf32>
      %swap3A_1158 = arith.constant 0 : index
      %swap3A_1159 = arith.constant 0 : index
      %swap3A_1160 = vector.load %arg78[%swap3A_1158, %swap3A_1159] : memref<1x512xf32, #tpu.memory_space<vmem>>, vector<1x512xf32>
      tpu.vector_store %arg78[%swap3A_1158, %swap3A_1159], %concatenate3A_1157 {strides = array<i32>} : memref<1x512xf32, #tpu.memory_space<vmem>>, vector<1x512xf32>,
      %get3A_1161 = arith.constant 0 : index
      %get3A_1162 = arith.constant 0 : index
      %get3A_1163 = vector.load %arg39[%get3A_1161, %get3A_1162] : memref<424x1696xf32, #tpu.memory_space<vmem>>, vector<424x1696xf32>
      %broadcast_in_dim3A_1164 = arith.constant 0.000000e+00 : f32
      %broadcast_in_dim3A_1165 = vector.broadcast %broadcast_in_dim3A_1164 : f32 to vector<424x96xf32>
      %concatenate3A_1166 = tpu.concatenate %get3A_1163, %broadcast_in_dim3A_1165 in 1 : vector<424x1696xf32>, vector<424x96xf32> -> vector<424x1792xf32>
      %broadcast_in_dim3A_1167 = arith.constant 0.000000e+00 : f32
      %broadcast_in_dim3A_1168 = vector.broadcast %broadcast_in_dim3A_1167 : f32 to vector<88x1792xf32>
      %concatenate3A_1169 = tpu.concatenate %concatenate3A_1166, %broadcast_in_dim3A_1168 in 0 : vector<424x1792xf32>, vector<88x1792xf32> -> vector<512x1792xf32>
      %convert_element_type3A_1170 = arith.truncf %concatenate3A_1169 : vector<512x1792xf32> to vector<512x1792xbf16>
      %swap3A_1171 = arith.constant 0 : index
      %swap3A_1172 = arith.constant 0 : index
      %swap3A_1173 = vector.load %arg79[%swap3A_1171, %swap3A_1172] : memref<512x1792xbf16, #tpu.memory_space<vmem>>, vector<512x1792xbf16>
      tpu.vector_store %arg79[%swap3A_1171, %swap3A_1172], %convert_element_type3A_1170 {strides = array<i32>} : memref<512x1792xbf16, #tpu.memory_space<vmem>>, vector<512x1792xbf16>,
      %get3A_1174 = arith.constant 0 : index
      %get3A_1175 = vector.load %arg40[%get3A_1174] : memref<1696xf32, #tpu.memory_space<vmem>>, vector<1696xf32>
      %reshape3A_1176 = vector.shape_cast %get3A_1175 : vector<1696xf32> to vector<1x1696xf32>
      %broadcast_in_dim3A_1177 = arith.constant 0.000000e+00 : f32
      %broadcast_in_dim3A_1178 = vector.broadcast %broadcast_in_dim3A_1177 : f32 to vector<1x96xf32>
      %concatenate3A_1179 = tpu.concatenate %reshape3A_1176, %broadcast_in_dim3A_1178 in 1 : vector<1x1696xf32>, vector<1x96xf32> -> vector<1x1792xf32>
      %swap3A_1180 = arith.constant 0 : index
      %swap3A_1181 = arith.constant 0 : index
      %swap3A_1182 = vector.load %arg80[%swap3A_1180, %swap3A_1181] : memref<1x1792xf32, #tpu.memory_space<vmem>>, vector<1x1792xf32>
      tpu.vector_store %arg80[%swap3A_1180, %swap3A_1181], %concatenate3A_1179 {strides = array<i32>} : memref<1x1792xf32, #tpu.memory_space<vmem>>, vector<1x1792xf32>,
      %get3A_1183 = arith.constant 0 : index
      %get3A_1184 = arith.constant 0 : index
      %get3A_1185 = vector.load %arg41[%get3A_1183, %get3A_1184] : memref<1696x424xf32, #tpu.memory_space<vmem>>, vector<1696x424xf32>
      %broadcast_in_dim3A_1186 = arith.constant 0.000000e+00 : f32
      %broadcast_in_dim3A_1187 = vector.broadcast %broadcast_in_dim3A_1186 : f32 to vector<1696x88xf32>
      %concatenate3A_1188 = tpu.concatenate %get3A_1185, %broadcast_in_dim3A_1187 in 1 : vector<1696x424xf32>, vector<1696x88xf32> -> vector<1696x512xf32>
      %broadcast_in_dim3A_1189 = arith.constant 0.000000e+00 : f32
      %broadcast_in_dim3A_1190 = vector.broadcast %broadcast_in_dim3A_1189 : f32 to vector<96x512xf32>
      %concatenate3A_1191 = tpu.concatenate %concatenate3A_1188, %broadcast_in_dim3A_1190 in 0 : vector<1696x512xf32>, vector<96x512xf32> -> vector<1792x512xf32>
      %convert_element_type3A_1192 = arith.truncf %concatenate3A_1191 : vector<1792x512xf32> to vector<1792x512xbf16>
      %swap3A_1193 = arith.constant 0 : index
      %swap3A_1194 = arith.constant 0 : index
      %swap3A_1195 = vector.load %arg81[%swap3A_1193, %swap3A_1194] : memref<1792x512xbf16, #tpu.memory_space<vmem>>, vector<1792x512xbf16>
      tpu.vector_store %arg81[%swap3A_1193, %swap3A_1194], %convert_element_type3A_1192 {strides = array<i32>} : memref<1792x512xbf16, #tpu.memory_space<vmem>>, vector<1792x512xbf16>,
      %get3A_1196 = arith.constant 0 : index
      %get3A_1197 = vector.load %arg42[%get3A_1196] : memref<424xf32, #tpu.memory_space<vmem>>, vector<424xf32>
      %reshape3A_1198 = vector.shape_cast %get3A_1197 : vector<424xf32> to vector<1x424xf32>
      %broadcast_in_dim3A_1199 = arith.constant 0.000000e+00 : f32
      %broadcast_in_dim3A_1200 = vector.broadcast %broadcast_in_dim3A_1199 : f32 to vector<1x88xf32>
      %concatenate3A_1201 = tpu.concatenate %reshape3A_1198, %broadcast_in_dim3A_1200 in 1 : vector<1x424xf32>, vector<1x88xf32> -> vector<1x512xf32>
      %swap3A_1202 = arith.constant 0 : index
      %swap3A_1203 = arith.constant 0 : index
      %swap3A_1204 = vector.load %arg82[%swap3A_1202, %swap3A_1203] : memref<1x512xf32, #tpu.memory_space<vmem>>, vector<1x512xf32>
      tpu.vector_store %arg82[%swap3A_1202, %swap3A_1203], %concatenate3A_1201 {strides = array<i32>} : memref<1x512xf32, #tpu.memory_space<vmem>>, vector<1x512xf32>,
      %get3A_1205 = arith.constant 0 : index
      %get3A_1206 = vector.load %arg43[%get3A_1205] : memref<424xf32, #tpu.memory_space<vmem>>, vector<424xf32>
      %reshape3A_1207 = vector.shape_cast %get3A_1206 : vector<424xf32> to vector<1x424xf32>
      %broadcast_in_dim3A_1208 = arith.constant 0.000000e+00 : f32
      %broadcast_in_dim3A_1209 = vector.broadcast %broadcast_in_dim3A_1208 : f32 to vector<1x88xf32>
      %concatenate3A_1210 = tpu.concatenate %reshape3A_1207, %broadcast_in_dim3A_1209 in 1 : vector<1x424xf32>, vector<1x88xf32> -> vector<1x512xf32>
      %swap3A_1211 = arith.constant 0 : index
      %swap3A_1212 = arith.constant 0 : index
      %swap3A_1213 = vector.load %arg83[%swap3A_1211, %swap3A_1212] : memref<1x512xf32, #tpu.memory_space<vmem>>, vector<1x512xf32>
      tpu.vector_store %arg83[%swap3A_1211, %swap3A_1212], %concatenate3A_1210 {strides = array<i32>} : memref<1x512xf32, #tpu.memory_space<vmem>>, vector<1x512xf32>,
      %get3A_1214 = arith.constant 0 : index
      %get3A_1215 = vector.load %arg44[%get3A_1214] : memref<424xf32, #tpu.memory_space<vmem>>, vector<424xf32>
      %reshape3A_1216 = vector.shape_cast %get3A_1215 : vector<424xf32> to vector<1x424xf32>
      %broadcast_in_dim3A_1217 = arith.constant 0.000000e+00 : f32
      %broadcast_in_dim3A_1218 = vector.broadcast %broadcast_in_dim3A_1217 : f32 to vector<1x88xf32>
      %concatenate3A_1219 = tpu.concatenate %reshape3A_1216, %broadcast_in_dim3A_1218 in 1 : vector<1x424xf32>, vector<1x88xf32> -> vector<1x512xf32>
      %swap3A_1220 = arith.constant 0 : index
      %swap3A_1221 = arith.constant 0 : index
      %swap3A_1222 = vector.load %arg84[%swap3A_1220, %swap3A_1221] : memref<1x512xf32, #tpu.memory_space<vmem>>, vector<1x512xf32>
      tpu.vector_store %arg84[%swap3A_1220, %swap3A_1221], %concatenate3A_1219 {strides = array<i32>} : memref<1x512xf32, #tpu.memory_space<vmem>>, vector<1x512xf32>,
      %get3A_1223 = arith.constant 0 : index
      %get3A_1224 = vector.load %arg45[%get3A_1223] : memref<424xf32, #tpu.memory_space<vmem>>, vector<424xf32>
      %reshape3A_1225 = vector.shape_cast %get3A_1224 : vector<424xf32> to vector<1x424xf32>
      %broadcast_in_dim3A_1226 = arith.constant 0.000000e+00 : f32
      %broadcast_in_dim3A_1227 = vector.broadcast %broadcast_in_dim3A_1226 : f32 to vector<1x88xf32>
      %concatenate3A_1228 = tpu.concatenate %reshape3A_1225, %broadcast_in_dim3A_1227 in 1 : vector<1x424xf32>, vector<1x88xf32> -> vector<1x512xf32>
      %swap3A_1229 = arith.constant 0 : index
      %swap3A_1230 = arith.constant 0 : index
      %swap3A_1231 = vector.load %arg85[%swap3A_1229, %swap3A_1230] : memref<1x512xf32, #tpu.memory_space<vmem>>, vector<1x512xf32>
      tpu.vector_store %arg85[%swap3A_1229, %swap3A_1230], %concatenate3A_1228 {strides = array<i32>} : memref<1x512xf32, #tpu.memory_space<vmem>>, vector<1x512xf32>,
      %get3A_1232 = arith.constant 0 : index
      %get3A_1233 = vector.load %arg46[%get3A_1232] : memref<424xf32, #tpu.memory_space<vmem>>, vector<424xf32>
      %reshape3A_1234 = vector.shape_cast %get3A_1233 : vector<424xf32> to vector<1x424xf32>
      %broadcast_in_dim3A_1235 = arith.constant 0.000000e+00 : f32
      %broadcast_in_dim3A_1236 = vector.broadcast %broadcast_in_dim3A_1235 : f32 to vector<1x88xf32>
      %concatenate3A_1237 = tpu.concatenate %reshape3A_1234, %broadcast_in_dim3A_1236 in 1 : vector<1x424xf32>, vector<1x88xf32> -> vector<1x512xf32>
      %swap3A_1238 = arith.constant 0 : index
      %swap3A_1239 = arith.constant 0 : index
      %swap3A_1240 = vector.load %arg86[%swap3A_1238, %swap3A_1239] : memref<1x512xf32, #tpu.memory_space<vmem>>, vector<1x512xf32>
      tpu.vector_store %arg86[%swap3A_1238, %swap3A_1239], %concatenate3A_1237 {strides = array<i32>} : memref<1x512xf32, #tpu.memory_space<vmem>>, vector<1x512xf32>,
      %get3A_1241 = arith.constant 0 : index
      %get3A_1242 = arith.constant 0 : index
      %get3A_1243 = vector.load %arg47[%get3A_1241, %get3A_1242] : memref<432x8xf32, #tpu.memory_space<vmem>>, vector<432x8xf32>
      %slice3A_1244 = vector.extract_strided_slice %get3A_1243 {offsets = [0, 0], sizes = [424, 8], strides = [1, 1]} : vector<432x8xf32> to vector<424x8xf32>
      %broadcast_in_dim3A_1245 = arith.constant 0.000000e+00 : f32
      %broadcast_in_dim3A_1246 = vector.broadcast %broadcast_in_dim3A_1245 : f32 to vector<88x8xf32>
      %concatenate3A_1247 = tpu.concatenate %slice3A_1244, %broadcast_in_dim3A_1246 in 0 : vector<424x8xf32>, vector<88x8xf32> -> vector<512x8xf32>
      %convert_element_type3A_1248 = arith.truncf %concatenate3A_1247 : vector<512x8xf32> to vector<512x8xbf16>
      %swap3A_1249 = arith.constant 0 : index
      %swap3A_1250 = arith.constant 0 : index
      %swap3A_1251 = vector.load %arg87[%swap3A_1249, %swap3A_1250] : memref<512x8xbf16, #tpu.memory_space<vmem>>, vector<512x8xbf16>
      tpu.vector_store %arg87[%swap3A_1249, %swap3A_1250], %convert_element_type3A_1248 {strides = array<i32>} : memref<512x8xbf16, #tpu.memory_space<vmem>>, vector<512x8xbf16>,
      %get3A_1252 = arith.constant 0 : index
      %get3A_1253 = arith.constant 0 : index
      %get3A_1254 = vector.load %arg47[%get3A_1252, %get3A_1253] : memref<432x8xf32, #tpu.memory_space<vmem>>, vector<432x8xf32>
      %slice3A_1255 = vector.extract_strided_slice %get3A_1254 {offsets = [424, 0], sizes = [8, 8], strides = [1, 1]} : vector<432x8xf32> to vector<8x8xf32>
      %convert_element_type3A_1256 = arith.truncf %slice3A_1255 : vector<8x8xf32> to vector<8x8xbf16>
      %swap3A_1257 = arith.constant 0 : index
      %swap3A_1258 = arith.constant 0 : index
      %swap3A_1259 = vector.load %arg88[%swap3A_1257, %swap3A_1258] : memref<8x8xbf16, #tpu.memory_space<vmem>>, vector<8x8xbf16>
      tpu.vector_store %arg88[%swap3A_1257, %swap3A_1258], %convert_element_type3A_1256 {strides = array<i32>} : memref<8x8xbf16, #tpu.memory_space<vmem>>, vector<8x8xbf16>,
      %get3A_1260 = arith.constant 0 : index
      %get3A_1261 = arith.constant 0 : index
      %get3A_1262 = vector.load %arg49[%get3A_1260, %get3A_1261] : memref<424x212xf32, #tpu.memory_space<vmem>>, vector<424x212xf32>
      %broadcast_in_dim3A_1263 = arith.constant 0.000000e+00 : f32
      %broadcast_in_dim3A_1264 = vector.broadcast %broadcast_in_dim3A_1263 : f32 to vector<424x44xf32>
      %concatenate3A_1265 = tpu.concatenate %get3A_1262, %broadcast_in_dim3A_1264 in 1 : vector<424x212xf32>, vector<424x44xf32> -> vector<424x256xf32>
      %broadcast_in_dim3A_1266 = arith.constant 0.000000e+00 : f32
      %broadcast_in_dim3A_1267 = vector.broadcast %broadcast_in_dim3A_1266 : f32 to vector<88x256xf32>
      %concatenate3A_1268 = tpu.concatenate %concatenate3A_1265, %broadcast_in_dim3A_1267 in 0 : vector<424x256xf32>, vector<88x256xf32> -> vector<512x256xf32>
      %get3A_1269 = arith.constant 0 : index
      %get3A_1270 = arith.constant 0 : index
      %get3A_1271 = vector.load %arg53[%get3A_1269, %get3A_1270] : memref<424x212xf32, #tpu.memory_space<vmem>>, vector<424x212xf32>
      %broadcast_in_dim3A_1272 = arith.constant 0.000000e+00 : f32
      %broadcast_in_dim3A_1273 = vector.broadcast %broadcast_in_dim3A_1272 : f32 to vector<424x44xf32>
      %concatenate3A_1274 = tpu.concatenate %get3A_1271, %broadcast_in_dim3A_1273 in 1 : vector<424x212xf32>, vector<424x44xf32> -> vector<424x256xf32>
      %broadcast_in_dim3A_1275 = arith.constant 0.000000e+00 : f32
      %broadcast_in_dim3A_1276 = vector.broadcast %broadcast_in_dim3A_1275 : f32 to vector<88x256xf32>
      %concatenate3A_1277 = tpu.concatenate %concatenate3A_1274, %broadcast_in_dim3A_1276 in 0 : vector<424x256xf32>, vector<88x256xf32> -> vector<512x256xf32>
      %concatenate3A_1278 = tpu.concatenate %concatenate3A_1268, %concatenate3A_1277 in 1 : vector<512x256xf32>, vector<512x256xf32> -> vector<512x512xf32>
      %convert_element_type3A_1279 = arith.truncf %concatenate3A_1278 : vector<512x512xf32> to vector<512x512xbf16>
      %swap3A_1280 = arith.constant 0 : index
      %swap3A_1281 = arith.constant 0 : index
      %swap3A_1282 = vector.load %arg89[%swap3A_1280, %swap3A_1281] : memref<512x512xbf16, #tpu.memory_space<vmem>>, vector<512x512xbf16>
      tpu.vector_store %arg89[%swap3A_1280, %swap3A_1281], %convert_element_type3A_1279 {strides = array<i32>} : memref<512x512xbf16, #tpu.memory_space<vmem>>, vector<512x512xbf16>,
      %get3A_1283 = arith.constant 0 : index
      %get3A_1284 = vector.load %arg50[%get3A_1283] : memref<212xf32, #tpu.memory_space<vmem>>, vector<212xf32>
      %reshape3A_1285 = vector.shape_cast %get3A_1284 : vector<212xf32> to vector<1x212xf32>
      %broadcast_in_dim3A_1286 = arith.constant 0.000000e+00 : f32
      %broadcast_in_dim3A_1287 = vector.broadcast %broadcast_in_dim3A_1286 : f32 to vector<1x44xf32>
      %concatenate3A_1288 = tpu.concatenate %reshape3A_1285, %broadcast_in_dim3A_1287 in 1 : vector<1x212xf32>, vector<1x44xf32> -> vector<1x256xf32>
      %get3A_1289 = arith.constant 0 : index
      %get3A_1290 = vector.load %arg54[%get3A_1289] : memref<212xf32, #tpu.memory_space<vmem>>, vector<212xf32>
      %reshape3A_1291 = vector.shape_cast %get3A_1290 : vector<212xf32> to vector<1x212xf32>
      %broadcast_in_dim3A_1292 = arith.constant 0.000000e+00 : f32
      %broadcast_in_dim3A_1293 = vector.broadcast %broadcast_in_dim3A_1292 : f32 to vector<1x44xf32>
      %concatenate3A_1294 = tpu.concatenate %reshape3A_1291, %broadcast_in_dim3A_1293 in 1 : vector<1x212xf32>, vector<1x44xf32> -> vector<1x256xf32>
      %concatenate3A_1295 = tpu.concatenate %concatenate3A_1288, %concatenate3A_1294 in 1 : vector<1x256xf32>, vector<1x256xf32> -> vector<1x512xf32>
      %swap3A_1296 = arith.constant 0 : index
      %swap3A_1297 = arith.constant 0 : index
      %swap3A_1298 = vector.load %arg90[%swap3A_1296, %swap3A_1297] : memref<1x512xf32, #tpu.memory_space<vmem>>, vector<1x512xf32>
      tpu.vector_store %arg90[%swap3A_1296, %swap3A_1297], %concatenate3A_1295 {strides = array<i32>} : memref<1x512xf32, #tpu.memory_space<vmem>>, vector<1x512xf32>,
      %get3A_1299 = arith.constant 0 : index
      %get3A_1300 = vector.load %arg51[%get3A_1299] : memref<212xf32, #tpu.memory_space<vmem>>, vector<212xf32>
      %reshape3A_1301 = vector.shape_cast %get3A_1300 : vector<212xf32> to vector<1x212xf32>
      %broadcast_in_dim3A_1302 = arith.constant 0.000000e+00 : f32
      %broadcast_in_dim3A_1303 = vector.broadcast %broadcast_in_dim3A_1302 : f32 to vector<1x44xf32>
      %concatenate3A_1304 = tpu.concatenate %reshape3A_1301, %broadcast_in_dim3A_1303 in 1 : vector<1x212xf32>, vector<1x44xf32> -> vector<1x256xf32>
      %get3A_1305 = arith.constant 0 : index
      %get3A_1306 = vector.load %arg55[%get3A_1305] : memref<212xf32, #tpu.memory_space<vmem>>, vector<212xf32>
      %reshape3A_1307 = vector.shape_cast %get3A_1306 : vector<212xf32> to vector<1x212xf32>
      %broadcast_in_dim3A_1308 = arith.constant 0.000000e+00 : f32
      %broadcast_in_dim3A_1309 = vector.broadcast %broadcast_in_dim3A_1308 : f32 to vector<1x44xf32>
      %concatenate3A_1310 = tpu.concatenate %reshape3A_1307, %broadcast_in_dim3A_1309 in 1 : vector<1x212xf32>, vector<1x44xf32> -> vector<1x256xf32>
      %concatenate3A_1311 = tpu.concatenate %concatenate3A_1304, %concatenate3A_1310 in 1 : vector<1x256xf32>, vector<1x256xf32> -> vector<1x512xf32>
      %swap3A_1312 = arith.constant 0 : index
      %swap3A_1313 = arith.constant 0 : index
      %swap3A_1314 = vector.load %arg91[%swap3A_1312, %swap3A_1313] : memref<1x512xf32, #tpu.memory_space<vmem>>, vector<1x512xf32>
      tpu.vector_store %arg91[%swap3A_1312, %swap3A_1313], %concatenate3A_1311 {strides = array<i32>} : memref<1x512xf32, #tpu.memory_space<vmem>>, vector<1x512xf32>,
    } else {
    }
    %get3A = arith.constant 0 : index
    %get3A_2 = arith.constant 0 : index
    %get3A_3 = arith.constant 0 : index
    %get3A_4 = vector.load %arg1[%get3A, %get3A_2, %get3A_3] : memref<2x512x512xf32, #tpu.memory_space<vmem>>, vector<2x512x512xf32>
    %reshape3A = vector.shape_cast %get3A_4 : vector<2x512x512xf32> to vector<1024x512xf32>
    %get3A_5 = arith.constant 0 : index
    %get3A_6 = arith.constant 0 : index
    %get3A_7 = arith.constant 0 : index
    %get3A_8 = vector.load %arg2[%get3A_5, %get3A_6, %get3A_7] : memref<2x512x8xf32, #tpu.memory_space<vmem>>, vector<2x512x8xf32>
    %reshape3A_9 = vector.shape_cast %get3A_8 : vector<2x512x8xf32> to vector<1024x8xf32>
    %convert_element_type3A_10 = arith.truncf %reshape3A : vector<1024x512xf32> to vector<1024x512xbf16>
    %get3A_11 = arith.constant 0 : index
    %get3A_12 = arith.constant 0 : index
    %get3A_13 = vector.load %arg58[%get3A_11, %get3A_12] : memref<512x1536xbf16, #tpu.memory_space<vmem>>, vector<512x1536xbf16>
    %dot_general3A = arith.constant dense<0.000000e+00> : vector<1024x1536xf32>
    %dot_general3A_14 = tpu.matmul %convert_element_type3A_10, %get3A_13, %dot_general3A {dimension_numbers = #tpu.dot_dimension_numbers<[1], [0], [0], [1], [0, 0, 1, 1], [], []>, transpose_lhs_hint = false} : vector<1024x512xbf16>, vector<512x1536xbf16>, vector<1024x1536xf32> -> vector<1024x1536xf32>
    %get3A_15 = arith.constant 0 : index
    %get3A_16 = arith.constant 0 : index
    %get3A_17 = vector.load %arg59[%get3A_15, %get3A_16] : memref<1x1536xf32, #tpu.memory_space<vmem>>, vector<1x1536xf32>
    %add3A = vector.broadcast %get3A_17 : vector<1x1536xf32> to vector<1024x1536xf32>
    %add3A_18 = arith.addf %dot_general3A_14, %add3A : vector<1024x1536xf32>
    %convert_element_type3A_19 = arith.truncf %add3A_18 : vector<1024x1536xf32> to vector<1024x1536xbf16>
    %slice3A = vector.extract_strided_slice %convert_element_type3A_19 {offsets = [0, 0], sizes = [512, 128], strides = [1, 1]} : vector<1024x1536xbf16> to vector<512x128xbf16>
    %slice3A_20 = vector.extract_strided_slice %convert_element_type3A_19 {offsets = [0, 512], sizes = [512, 128], strides = [1, 1]} : vector<1024x1536xbf16> to vector<512x128xbf16>
    %dot_general3A_21 = arith.constant dense<0.000000e+00> : vector<512x512xf32>
    %dot_general3A_22 = tpu.matmul %slice3A, %slice3A_20, %dot_general3A_21 {dimension_numbers = #tpu.dot_dimension_numbers<[1], [1], [0], [0], [0, 0, 1, 0], [], []>, transpose_lhs_hint = false} : vector<512x128xbf16>, vector<512x128xbf16>, vector<512x512xf32> -> vector<512x512xf32>
    %exp3A = math.exp %dot_general3A_22 : vector<512x512xf32>
    %reduce_sum3A = arith.constant dense<0.000000e+00> : vector<512xf32>
    %reduce_sum3A_23 = vector.multi_reduction <add>, %exp3A, %reduce_sum3A [1] : vector<512x512xf32> to vector<512xf32>
    %broadcast_in_dim3A = vector.shape_cast %reduce_sum3A_23 : vector<512xf32> to vector<512x1xf32>
    %div3A = arith.constant 1.000000e+00 : f32
    %div3A_24 = vector.broadcast %div3A : f32 to vector<512x1xf32>
    %div3A_25 = arith.divf %div3A_24, %broadcast_in_dim3A : vector<512x1xf32>
    %convert_element_type3A_26 = arith.truncf %exp3A : vector<512x512xf32> to vector<512x512xbf16>
    %slice3A_27 = vector.extract_strided_slice %convert_element_type3A_19 {offsets = [0, 1024], sizes = [512, 128], strides = [1, 1]} : vector<1024x1536xbf16> to vector<512x128xbf16>
    %dot_general3A_28 = arith.constant dense<0.000000e+00> : vector<512x128xf32>
    %dot_general3A_29 = tpu.matmul %convert_element_type3A_26, %slice3A_27, %dot_general3A_28 {dimension_numbers = #tpu.dot_dimension_numbers<[1], [0], [0], [1], [0, 0, 1, 1], [], []>, transpose_lhs_hint = false} : vector<512x512xbf16>, vector<512x128xbf16>, vector<512x128xf32> -> vector<512x128xf32>
    %mul3A = vector.broadcast %div3A_25 : vector<512x1xf32> to vector<512x128xf32>
    %mul3A_30 = arith.mulf %dot_general3A_29, %mul3A : vector<512x128xf32>
    %slice3A_31 = vector.extract_strided_slice %convert_element_type3A_19 {offsets = [0, 128], sizes = [512, 128], strides = [1, 1]} : vector<1024x1536xbf16> to vector<512x128xbf16>
    %slice3A_32 = vector.extract_strided_slice %convert_element_type3A_19 {offsets = [0, 640], sizes = [512, 128], strides = [1, 1]} : vector<1024x1536xbf16> to vector<512x128xbf16>
    %dot_general3A_33 = arith.constant dense<0.000000e+00> : vector<512x512xf32>
    %dot_general3A_34 = tpu.matmul %slice3A_31, %slice3A_32, %dot_general3A_33 {dimension_numbers = #tpu.dot_dimension_numbers<[1], [1], [0], [0], [0, 0, 1, 0], [], []>, transpose_lhs_hint = false} : vector<512x128xbf16>, vector<512x128xbf16>, vector<512x512xf32> -> vector<512x512xf32>
    %exp3A_35 = math.exp %dot_general3A_34 : vector<512x512xf32>
    %reduce_sum3A_36 = arith.constant dense<0.000000e+00> : vector<512xf32>
    %reduce_sum3A_37 = vector.multi_reduction <add>, %exp3A_35, %reduce_sum3A_36 [1] : vector<512x512xf32> to vector<512xf32>
    %broadcast_in_dim3A_38 = vector.shape_cast %reduce_sum3A_37 : vector<512xf32> to vector<512x1xf32>
    %div3A_39 = arith.constant 1.000000e+00 : f32
    %div3A_40 = vector.broadcast %div3A_39 : f32 to vector<512x1xf32>
    %div3A_41 = arith.divf %div3A_40, %broadcast_in_dim3A_38 : vector<512x1xf32>
    %convert_element_type3A_42 = arith.truncf %exp3A_35 : vector<512x512xf32> to vector<512x512xbf16>
    %slice3A_43 = vector.extract_strided_slice %convert_element_type3A_19 {offsets = [0, 1152], sizes = [512, 128], strides = [1, 1]} : vector<1024x1536xbf16> to vector<512x128xbf16>
    %dot_general3A_44 = arith.constant dense<0.000000e+00> : vector<512x128xf32>
    %dot_general3A_45 = tpu.matmul %convert_element_type3A_42, %slice3A_43, %dot_general3A_44 {dimension_numbers = #tpu.dot_dimension_numbers<[1], [0], [0], [1], [0, 0, 1, 1], [], []>, transpose_lhs_hint = false} : vector<512x512xbf16>, vector<512x128xbf16>, vector<512x128xf32> -> vector<512x128xf32>
    %mul3A_46 = vector.broadcast %div3A_41 : vector<512x1xf32> to vector<512x128xf32>
    %mul3A_47 = arith.mulf %dot_general3A_45, %mul3A_46 : vector<512x128xf32>
    %slice3A_48 = vector.extract_strided_slice %convert_element_type3A_19 {offsets = [0, 256], sizes = [512, 128], strides = [1, 1]} : vector<1024x1536xbf16> to vector<512x128xbf16>
    %slice3A_49 = vector.extract_strided_slice %convert_element_type3A_19 {offsets = [0, 768], sizes = [512, 128], strides = [1, 1]} : vector<1024x1536xbf16> to vector<512x128xbf16>
    %dot_general3A_50 = arith.constant dense<0.000000e+00> : vector<512x512xf32>
    %dot_general3A_51 = tpu.matmul %slice3A_48, %slice3A_49, %dot_general3A_50 {dimension_numbers = #tpu.dot_dimension_numbers<[1], [1], [0], [0], [0, 0, 1, 0], [], []>, transpose_lhs_hint = false} : vector<512x128xbf16>, vector<512x128xbf16>, vector<512x512xf32> -> vector<512x512xf32>
    %exp3A_52 = math.exp %dot_general3A_51 : vector<512x512xf32>
    %reduce_sum3A_53 = arith.constant dense<0.000000e+00> : vector<512xf32>
    %reduce_sum3A_54 = vector.multi_reduction <add>, %exp3A_52, %reduce_sum3A_53 [1] : vector<512x512xf32> to vector<512xf32>
    %broadcast_in_dim3A_55 = vector.shape_cast %reduce_sum3A_54 : vector<512xf32> to vector<512x1xf32>
    %div3A_56 = arith.constant 1.000000e+00 : f32
    %div3A_57 = vector.broadcast %div3A_56 : f32 to vector<512x1xf32>
    %div3A_58 = arith.divf %div3A_57, %broadcast_in_dim3A_55 : vector<512x1xf32>
    %convert_element_type3A_59 = arith.truncf %exp3A_52 : vector<512x512xf32> to vector<512x512xbf16>
    %slice3A_60 = vector.extract_strided_slice %convert_element_type3A_19 {offsets = [0, 1280], sizes = [512, 128], strides = [1, 1]} : vector<1024x1536xbf16> to vector<512x128xbf16>
    %dot_general3A_61 = arith.constant dense<0.000000e+00> : vector<512x128xf32>
    %dot_general3A_62 = tpu.matmul %convert_element_type3A_59, %slice3A_60, %dot_general3A_61 {dimension_numbers = #tpu.dot_dimension_numbers<[1], [0], [0], [1], [0, 0, 1, 1], [], []>, transpose_lhs_hint = false} : vector<512x512xbf16>, vector<512x128xbf16>, vector<512x128xf32> -> vector<512x128xf32>
    %mul3A_63 = vector.broadcast %div3A_58 : vector<512x1xf32> to vector<512x128xf32>
    %mul3A_64 = arith.mulf %dot_general3A_62, %mul3A_63 : vector<512x128xf32>
    %slice3A_65 = vector.extract_strided_slice %convert_element_type3A_19 {offsets = [0, 384], sizes = [512, 128], strides = [1, 1]} : vector<1024x1536xbf16> to vector<512x128xbf16>
    %slice3A_66 = vector.extract_strided_slice %convert_element_type3A_19 {offsets = [0, 896], sizes = [512, 128], strides = [1, 1]} : vector<1024x1536xbf16> to vector<512x128xbf16>
    %dot_general3A_67 = arith.constant dense<0.000000e+00> : vector<512x512xf32>
    %dot_general3A_68 = tpu.matmul %slice3A_65, %slice3A_66, %dot_general3A_67 {dimension_numbers = #tpu.dot_dimension_numbers<[1], [1], [0], [0], [0, 0, 1, 0], [], []>, transpose_lhs_hint = false} : vector<512x128xbf16>, vector<512x128xbf16>, vector<512x512xf32> -> vector<512x512xf32>
    %exp3A_69 = math.exp %dot_general3A_68 : vector<512x512xf32>
    %reduce_sum3A_70 = arith.constant dense<0.000000e+00> : vector<512xf32>
    %reduce_sum3A_71 = vector.multi_reduction <add>, %exp3A_69, %reduce_sum3A_70 [1] : vector<512x512xf32> to vector<512xf32>
    %broadcast_in_dim3A_72 = vector.shape_cast %reduce_sum3A_71 : vector<512xf32> to vector<512x1xf32>
    %div3A_73 = arith.constant 1.000000e+00 : f32
    %div3A_74 = vector.broadcast %div3A_73 : f32 to vector<512x1xf32>
    %div3A_75 = arith.divf %div3A_74, %broadcast_in_dim3A_72 : vector<512x1xf32>
    %convert_element_type3A_76 = arith.truncf %exp3A_69 : vector<512x512xf32> to vector<512x512xbf16>
    %slice3A_77 = vector.extract_strided_slice %convert_element_type3A_19 {offsets = [0, 1408], sizes = [512, 128], strides = [1, 1]} : vector<1024x1536xbf16> to vector<512x128xbf16>
    %dot_general3A_78 = arith.constant dense<0.000000e+00> : vector<512x128xf32>
    %dot_general3A_79 = tpu.matmul %convert_element_type3A_76, %slice3A_77, %dot_general3A_78 {dimension_numbers = #tpu.dot_dimension_numbers<[1], [0], [0], [1], [0, 0, 1, 1], [], []>, transpose_lhs_hint = false} : vector<512x512xbf16>, vector<512x128xbf16>, vector<512x128xf32> -> vector<512x128xf32>
    %mul3A_80 = vector.broadcast %div3A_75 : vector<512x1xf32> to vector<512x128xf32>
    %mul3A_81 = arith.mulf %dot_general3A_79, %mul3A_80 : vector<512x128xf32>
    %concatenate3A = tpu.concatenate %mul3A_30, %mul3A_47, %mul3A_64, %mul3A_81 in 1 : vector<512x128xf32>, vector<512x128xf32>, vector<512x128xf32>, vector<512x128xf32> -> vector<512x512xf32>
    %slice3A_82 = vector.extract_strided_slice %convert_element_type3A_19 {offsets = [512, 0], sizes = [512, 128], strides = [1, 1]} : vector<1024x1536xbf16> to vector<512x128xbf16>
    %slice3A_83 = vector.extract_strided_slice %convert_element_type3A_19 {offsets = [512, 512], sizes = [512, 128], strides = [1, 1]} : vector<1024x1536xbf16> to vector<512x128xbf16>
    %dot_general3A_84 = arith.constant dense<0.000000e+00> : vector<512x512xf32>
    %dot_general3A_85 = tpu.matmul %slice3A_82, %slice3A_83, %dot_general3A_84 {dimension_numbers = #tpu.dot_dimension_numbers<[1], [1], [0], [0], [0, 0, 1, 0], [], []>, transpose_lhs_hint = false} : vector<512x128xbf16>, vector<512x128xbf16>, vector<512x512xf32> -> vector<512x512xf32>
    %exp3A_86 = math.exp %dot_general3A_85 : vector<512x512xf32>
    %reduce_sum3A_87 = arith.constant dense<0.000000e+00> : vector<512xf32>
    %reduce_sum3A_88 = vector.multi_reduction <add>, %exp3A_86, %reduce_sum3A_87 [1] : vector<512x512xf32> to vector<512xf32>
    %broadcast_in_dim3A_89 = vector.shape_cast %reduce_sum3A_88 : vector<512xf32> to vector<512x1xf32>
    %div3A_90 = arith.constant 1.000000e+00 : f32
    %div3A_91 = vector.broadcast %div3A_90 : f32 to vector<512x1xf32>
    %div3A_92 = arith.divf %div3A_91, %broadcast_in_dim3A_89 : vector<512x1xf32>
    %convert_element_type3A_93 = arith.truncf %exp3A_86 : vector<512x512xf32> to vector<512x512xbf16>
    %slice3A_94 = vector.extract_strided_slice %convert_element_type3A_19 {offsets = [512, 1024], sizes = [512, 128], strides = [1, 1]} : vector<1024x1536xbf16> to vector<512x128xbf16>
    %dot_general3A_95 = arith.constant dense<0.000000e+00> : vector<512x128xf32>
    %dot_general3A_96 = tpu.matmul %convert_element_type3A_93, %slice3A_94, %dot_general3A_95 {dimension_numbers = #tpu.dot_dimension_numbers<[1], [0], [0], [1], [0, 0, 1, 1], [], []>, transpose_lhs_hint = false} : vector<512x512xbf16>, vector<512x128xbf16>, vector<512x128xf32> -> vector<512x128xf32>
    %mul3A_97 = vector.broadcast %div3A_92 : vector<512x1xf32> to vector<512x128xf32>
    %mul3A_98 = arith.mulf %dot_general3A_96, %mul3A_97 : vector<512x128xf32>
    %slice3A_99 = vector.extract_strided_slice %convert_element_type3A_19 {offsets = [512, 128], sizes = [512, 128], strides = [1, 1]} : vector<1024x1536xbf16> to vector<512x128xbf16>
    %slice3A_100 = vector.extract_strided_slice %convert_element_type3A_19 {offsets = [512, 640], sizes = [512, 128], strides = [1, 1]} : vector<1024x1536xbf16> to vector<512x128xbf16>
    %dot_general3A_101 = arith.constant dense<0.000000e+00> : vector<512x512xf32>
    %dot_general3A_102 = tpu.matmul %slice3A_99, %slice3A_100, %dot_general3A_101 {dimension_numbers = #tpu.dot_dimension_numbers<[1], [1], [0], [0], [0, 0, 1, 0], [], []>, transpose_lhs_hint = false} : vector<512x128xbf16>, vector<512x128xbf16>, vector<512x512xf32> -> vector<512x512xf32>
    %exp3A_103 = math.exp %dot_general3A_102 : vector<512x512xf32>
    %reduce_sum3A_104 = arith.constant dense<0.000000e+00> : vector<512xf32>
    %reduce_sum3A_105 = vector.multi_reduction <add>, %exp3A_103, %reduce_sum3A_104 [1] : vector<512x512xf32> to vector<512xf32>
    %broadcast_in_dim3A_106 = vector.shape_cast %reduce_sum3A_105 : vector<512xf32> to vector<512x1xf32>
    %div3A_107 = arith.constant 1.000000e+00 : f32
    %div3A_108 = vector.broadcast %div3A_107 : f32 to vector<512x1xf32>
    %div3A_109 = arith.divf %div3A_108, %broadcast_in_dim3A_106 : vector<512x1xf32>
    %convert_element_type3A_110 = arith.truncf %exp3A_103 : vector<512x512xf32> to vector<512x512xbf16>
    %slice3A_111 = vector.extract_strided_slice %convert_element_type3A_19 {offsets = [512, 1152], sizes = [512, 128], strides = [1, 1]} : vector<1024x1536xbf16> to vector<512x128xbf16>
    %dot_general3A_112 = arith.constant dense<0.000000e+00> : vector<512x128xf32>
    %dot_general3A_113 = tpu.matmul %convert_element_type3A_110, %slice3A_111, %dot_general3A_112 {dimension_numbers = #tpu.dot_dimension_numbers<[1], [0], [0], [1], [0, 0, 1, 1], [], []>, transpose_lhs_hint = false} : vector<512x512xbf16>, vector<512x128xbf16>, vector<512x128xf32> -> vector<512x128xf32>
    %mul3A_114 = vector.broadcast %div3A_109 : vector<512x1xf32> to vector<512x128xf32>
    %mul3A_115 = arith.mulf %dot_general3A_113, %mul3A_114 : vector<512x128xf32>
    %slice3A_116 = vector.extract_strided_slice %convert_element_type3A_19 {offsets = [512, 256], sizes = [512, 128], strides = [1, 1]} : vector<1024x1536xbf16> to vector<512x128xbf16>
    %slice3A_117 = vector.extract_strided_slice %convert_element_type3A_19 {offsets = [512, 768], sizes = [512, 128], strides = [1, 1]} : vector<1024x1536xbf16> to vector<512x128xbf16>
    %dot_general3A_118 = arith.constant dense<0.000000e+00> : vector<512x512xf32>
    %dot_general3A_119 = tpu.matmul %slice3A_116, %slice3A_117, %dot_general3A_118 {dimension_numbers = #tpu.dot_dimension_numbers<[1], [1], [0], [0], [0, 0, 1, 0], [], []>, transpose_lhs_hint = false} : vector<512x128xbf16>, vector<512x128xbf16>, vector<512x512xf32> -> vector<512x512xf32>
    %exp3A_120 = math.exp %dot_general3A_119 : vector<512x512xf32>
    %reduce_sum3A_121 = arith.constant dense<0.000000e+00> : vector<512xf32>
    %reduce_sum3A_122 = vector.multi_reduction <add>, %exp3A_120, %reduce_sum3A_121 [1] : vector<512x512xf32> to vector<512xf32>
    %broadcast_in_dim3A_123 = vector.shape_cast %reduce_sum3A_122 : vector<512xf32> to vector<512x1xf32>
    %div3A_124 = arith.constant 1.000000e+00 : f32
    %div3A_125 = vector.broadcast %div3A_124 : f32 to vector<512x1xf32>
    %div3A_126 = arith.divf %div3A_125, %broadcast_in_dim3A_123 : vector<512x1xf32>
    %convert_element_type3A_127 = arith.truncf %exp3A_120 : vector<512x512xf32> to vector<512x512xbf16>
    %slice3A_128 = vector.extract_strided_slice %convert_element_type3A_19 {offsets = [512, 1280], sizes = [512, 128], strides = [1, 1]} : vector<1024x1536xbf16> to vector<512x128xbf16>
    %dot_general3A_129 = arith.constant dense<0.000000e+00> : vector<512x128xf32>
    %dot_general3A_130 = tpu.matmul %convert_element_type3A_127, %slice3A_128, %dot_general3A_129 {dimension_numbers = #tpu.dot_dimension_numbers<[1], [0], [0], [1], [0, 0, 1, 1], [], []>, transpose_lhs_hint = false} : vector<512x512xbf16>, vector<512x128xbf16>, vector<512x128xf32> -> vector<512x128xf32>
    %mul3A_131 = vector.broadcast %div3A_126 : vector<512x1xf32> to vector<512x128xf32>
    %mul3A_132 = arith.mulf %dot_general3A_130, %mul3A_131 : vector<512x128xf32>
    %slice3A_133 = vector.extract_strided_slice %convert_element_type3A_19 {offsets = [512, 384], sizes = [512, 128], strides = [1, 1]} : vector<1024x1536xbf16> to vector<512x128xbf16>
    %slice3A_134 = vector.extract_strided_slice %convert_element_type3A_19 {offsets = [512, 896], sizes = [512, 128], strides = [1, 1]} : vector<1024x1536xbf16> to vector<512x128xbf16>
    %dot_general3A_135 = arith.constant dense<0.000000e+00> : vector<512x512xf32>
    %dot_general3A_136 = tpu.matmul %slice3A_133, %slice3A_134, %dot_general3A_135 {dimension_numbers = #tpu.dot_dimension_numbers<[1], [1], [0], [0], [0, 0, 1, 0], [], []>, transpose_lhs_hint = false} : vector<512x128xbf16>, vector<512x128xbf16>, vector<512x512xf32> -> vector<512x512xf32>
    %exp3A_137 = math.exp %dot_general3A_136 : vector<512x512xf32>
    %reduce_sum3A_138 = arith.constant dense<0.000000e+00> : vector<512xf32>
    %reduce_sum3A_139 = vector.multi_reduction <add>, %exp3A_137, %reduce_sum3A_138 [1] : vector<512x512xf32> to vector<512xf32>
    %broadcast_in_dim3A_140 = vector.shape_cast %reduce_sum3A_139 : vector<512xf32> to vector<512x1xf32>
    %div3A_141 = arith.constant 1.000000e+00 : f32
    %div3A_142 = vector.broadcast %div3A_141 : f32 to vector<512x1xf32>
    %div3A_143 = arith.divf %div3A_142, %broadcast_in_dim3A_140 : vector<512x1xf32>
    %convert_element_type3A_144 = arith.truncf %exp3A_137 : vector<512x512xf32> to vector<512x512xbf16>
    %slice3A_145 = vector.extract_strided_slice %convert_element_type3A_19 {offsets = [512, 1408], sizes = [512, 128], strides = [1, 1]} : vector<1024x1536xbf16> to vector<512x128xbf16>
    %dot_general3A_146 = arith.constant dense<0.000000e+00> : vector<512x128xf32>
    %dot_general3A_147 = tpu.matmul %convert_element_type3A_144, %slice3A_145, %dot_general3A_146 {dimension_numbers = #tpu.dot_dimension_numbers<[1], [0], [0], [1], [0, 0, 1, 1], [], []>, transpose_lhs_hint = false} : vector<512x512xbf16>, vector<512x128xbf16>, vector<512x128xf32> -> vector<512x128xf32>
    %mul3A_148 = vector.broadcast %div3A_143 : vector<512x1xf32> to vector<512x128xf32>
    %mul3A_149 = arith.mulf %dot_general3A_147, %mul3A_148 : vector<512x128xf32>
    %concatenate3A_150 = tpu.concatenate %mul3A_98, %mul3A_115, %mul3A_132, %mul3A_149 in 1 : vector<512x128xf32>, vector<512x128xf32>, vector<512x128xf32>, vector<512x128xf32> -> vector<512x512xf32>
    %concatenate3A_151 = tpu.concatenate %concatenate3A, %concatenate3A_150 in 0 : vector<512x512xf32>, vector<512x512xf32> -> vector<1024x512xf32>
    %convert_element_type3A_152 = arith.truncf %concatenate3A_151 : vector<1024x512xf32> to vector<1024x512xbf16>
    %get3A_153 = arith.constant 0 : index
    %get3A_154 = arith.constant 0 : index
    %get3A_155 = vector.load %arg60[%get3A_153, %get3A_154] : memref<512x512xbf16, #tpu.memory_space<vmem>>, vector<512x512xbf16>
    %dot_general3A_156 = arith.constant dense<0.000000e+00> : vector<1024x512xf32>
    %dot_general3A_157 = tpu.matmul %convert_element_type3A_152, %get3A_155, %dot_general3A_156 {dimension_numbers = #tpu.dot_dimension_numbers<[1], [0], [0], [1], [0, 0, 1, 1], [], []>, transpose_lhs_hint = false} : vector<1024x512xbf16>, vector<512x512xbf16>, vector<1024x512xf32> -> vector<1024x512xf32>
    %get3A_158 = arith.constant 0 : index
    %get3A_159 = arith.constant 0 : index
    %get3A_160 = vector.load %arg61[%get3A_158, %get3A_159] : memref<1x512xf32, #tpu.memory_space<vmem>>, vector<1x512xf32>
    %add3A_161 = vector.broadcast %get3A_160 : vector<1x512xf32> to vector<1024x512xf32>
    %add3A_162 = arith.addf %dot_general3A_157, %add3A_161 : vector<1024x512xf32>
    %add3A_163 = arith.addf %reshape3A, %add3A_162 : vector<1024x512xf32>
    %get3A_164 = arith.constant 0 : index
    %get3A_165 = arith.constant 0 : index
    %get3A_166 = vector.load %arg66[%get3A_164, %get3A_165] : memref<1x512xf32, #tpu.memory_space<vmem>>, vector<1x512xf32>
    %get3A_167 = arith.constant 0 : index
    %get3A_168 = arith.constant 0 : index
    %get3A_169 = vector.load %arg67[%get3A_167, %get3A_168] : memref<1x512xf32, #tpu.memory_space<vmem>>, vector<1x512xf32>
    %reduce_sum3A_170 = arith.constant dense<0.000000e+00> : vector<1024xf32>
    %reduce_sum3A_171 = vector.multi_reduction <add>, %add3A_163, %reduce_sum3A_170 [1] : vector<1024x512xf32> to vector<1024xf32>
    %broadcast_in_dim3A_172 = vector.shape_cast %reduce_sum3A_171 : vector<1024xf32> to vector<1024x1xf32>
    %mul3A_173 = arith.constant 0.0023584906 : f32
    %mul3A_174 = vector.broadcast %mul3A_173 : f32 to vector<1024x1xf32>
    %mul3A_175 = arith.mulf %broadcast_in_dim3A_172, %mul3A_174 : vector<1024x1xf32>
    %mul3A_176 = arith.mulf %add3A_163, %add3A_163 : vector<1024x512xf32>
    %reduce_sum3A_177 = arith.constant dense<0.000000e+00> : vector<1024xf32>
    %reduce_sum3A_178 = vector.multi_reduction <add>, %mul3A_176, %reduce_sum3A_177 [1] : vector<1024x512xf32> to vector<1024xf32>
    %broadcast_in_dim3A_179 = vector.shape_cast %reduce_sum3A_178 : vector<1024xf32> to vector<1024x1xf32>
    %mul3A_180 = arith.constant 4.240000e+02 : f32
    %mul3A_181 = vector.broadcast %mul3A_180 : f32 to vector<1024x1xf32>
    %mul3A_182 = arith.mulf %mul3A_181, %mul3A_175 : vector<1024x1xf32>
    %mul3A_183 = arith.mulf %mul3A_182, %mul3A_175 : vector<1024x1xf32>
    %sub3A = arith.subf %broadcast_in_dim3A_179, %mul3A_183 : vector<1024x1xf32>
    %mul3A_184 = arith.constant 0.0023640662 : f32
    %mul3A_185 = vector.broadcast %mul3A_184 : f32 to vector<1024x1xf32>
    %mul3A_186 = arith.mulf %sub3A, %mul3A_185 : vector<1024x1xf32>
    %sub3A_187 = vector.broadcast %mul3A_175 : vector<1024x1xf32> to vector<1024x512xf32>
    %sub3A_188 = arith.subf %add3A_163, %sub3A_187 : vector<1024x512xf32>
    %sqrt3A = math.sqrt %mul3A_186 : vector<1024x1xf32>
    %add3A_189 = arith.constant 9.99999997E-7 : f32
    %add3A_190 = vector.broadcast %add3A_189 : f32 to vector<1024x1xf32>
    %add3A_191 = arith.addf %sqrt3A, %add3A_190 : vector<1024x1xf32>
    %div3A_192 = vector.broadcast %add3A_191 : vector<1024x1xf32> to vector<1024x512xf32>
    %div3A_193 = arith.divf %sub3A_188, %div3A_192 : vector<1024x512xf32>
    %mul3A_194 = vector.broadcast %get3A_166 : vector<1x512xf32> to vector<1024x512xf32>
    %mul3A_195 = arith.mulf %mul3A_194, %div3A_193 : vector<1024x512xf32>
    %add3A_196 = vector.broadcast %get3A_169 : vector<1x512xf32> to vector<1024x512xf32>
    %add3A_197 = arith.addf %mul3A_195, %add3A_196 : vector<1024x512xf32>
    %convert_element_type3A_198 = arith.truncf %add3A_197 : vector<1024x512xf32> to vector<1024x512xbf16>
    %get3A_199 = arith.constant 0 : index
    %get3A_200 = arith.constant 0 : index
    %get3A_201 = vector.load %arg62[%get3A_199, %get3A_200] : memref<512x1792xbf16, #tpu.memory_space<vmem>>, vector<512x1792xbf16>
    %dot_general3A_202 = arith.constant dense<0.000000e+00> : vector<1024x1792xf32>
    %dot_general3A_203 = tpu.matmul %convert_element_type3A_198, %get3A_201, %dot_general3A_202 {dimension_numbers = #tpu.dot_dimension_numbers<[1], [0], [0], [1], [0, 0, 1, 1], [], []>, transpose_lhs_hint = false} : vector<1024x512xbf16>, vector<512x1792xbf16>, vector<1024x1792xf32> -> vector<1024x1792xf32>
    %get3A_204 = arith.constant 0 : index
    %get3A_205 = arith.constant 0 : index
    %get3A_206 = vector.load %arg63[%get3A_204, %get3A_205] : memref<1x1792xf32, #tpu.memory_space<vmem>>, vector<1x1792xf32>
    %add3A_207 = vector.broadcast %get3A_206 : vector<1x1792xf32> to vector<1024x1792xf32>
    %add3A_208 = arith.addf %dot_general3A_203, %add3A_207 : vector<1024x1792xf32>
    %max3A = arith.constant 0.000000e+00 : f32
    %max3A_209 = vector.broadcast %max3A : f32 to vector<1024x1792xf32>
    %max3A_210 = arith.maximumf %add3A_208, %max3A_209 : vector<1024x1792xf32>
    %convert_element_type3A_211 = arith.truncf %max3A_210 : vector<1024x1792xf32> to vector<1024x1792xbf16>
    %get3A_212 = arith.constant 0 : index
    %get3A_213 = arith.constant 0 : index
    %get3A_214 = vector.load %arg64[%get3A_212, %get3A_213] : memref<1792x512xbf16, #tpu.memory_space<vmem>>, vector<1792x512xbf16>
    %dot_general3A_215 = arith.constant dense<0.000000e+00> : vector<1024x512xf32>
    %dot_general3A_216 = tpu.matmul %convert_element_type3A_211, %get3A_214, %dot_general3A_215 {dimension_numbers = #tpu.dot_dimension_numbers<[1], [0], [0], [1], [0, 0, 1, 1], [], []>, transpose_lhs_hint = false} : vector<1024x1792xbf16>, vector<1792x512xbf16>, vector<1024x512xf32> -> vector<1024x512xf32>
    %get3A_217 = arith.constant 0 : index
    %get3A_218 = arith.constant 0 : index
    %get3A_219 = vector.load %arg65[%get3A_217, %get3A_218] : memref<1x512xf32, #tpu.memory_space<vmem>>, vector<1x512xf32>
    %add3A_220 = vector.broadcast %get3A_219 : vector<1x512xf32> to vector<1024x512xf32>
    %add3A_221 = arith.addf %dot_general3A_216, %add3A_220 : vector<1024x512xf32>
    %add3A_222 = arith.addf %add3A_197, %add3A_221 : vector<1024x512xf32>
    %get3A_223 = arith.constant 0 : index
    %get3A_224 = arith.constant 0 : index
    %get3A_225 = vector.load %arg68[%get3A_223, %get3A_224] : memref<1x512xf32, #tpu.memory_space<vmem>>, vector<1x512xf32>
    %get3A_226 = arith.constant 0 : index
    %get3A_227 = arith.constant 0 : index
    %get3A_228 = vector.load %arg69[%get3A_226, %get3A_227] : memref<1x512xf32, #tpu.memory_space<vmem>>, vector<1x512xf32>
    %reduce_sum3A_229 = arith.constant dense<0.000000e+00> : vector<1024xf32>
    %reduce_sum3A_230 = vector.multi_reduction <add>, %add3A_222, %reduce_sum3A_229 [1] : vector<1024x512xf32> to vector<1024xf32>
    %broadcast_in_dim3A_231 = vector.shape_cast %reduce_sum3A_230 : vector<1024xf32> to vector<1024x1xf32>
    %mul3A_232 = arith.constant 0.0023584906 : f32
    %mul3A_233 = vector.broadcast %mul3A_232 : f32 to vector<1024x1xf32>
    %mul3A_234 = arith.mulf %broadcast_in_dim3A_231, %mul3A_233 : vector<1024x1xf32>
    %mul3A_235 = arith.mulf %add3A_222, %add3A_222 : vector<1024x512xf32>
    %reduce_sum3A_236 = arith.constant dense<0.000000e+00> : vector<1024xf32>
    %reduce_sum3A_237 = vector.multi_reduction <add>, %mul3A_235, %reduce_sum3A_236 [1] : vector<1024x512xf32> to vector<1024xf32>
    %broadcast_in_dim3A_238 = vector.shape_cast %reduce_sum3A_237 : vector<1024xf32> to vector<1024x1xf32>
    %mul3A_239 = arith.constant 4.240000e+02 : f32
    %mul3A_240 = vector.broadcast %mul3A_239 : f32 to vector<1024x1xf32>
    %mul3A_241 = arith.mulf %mul3A_240, %mul3A_234 : vector<1024x1xf32>
    %mul3A_242 = arith.mulf %mul3A_241, %mul3A_234 : vector<1024x1xf32>
    %sub3A_243 = arith.subf %broadcast_in_dim3A_238, %mul3A_242 : vector<1024x1xf32>
    %mul3A_244 = arith.constant 0.0023640662 : f32
    %mul3A_245 = vector.broadcast %mul3A_244 : f32 to vector<1024x1xf32>
    %mul3A_246 = arith.mulf %sub3A_243, %mul3A_245 : vector<1024x1xf32>
    %sub3A_247 = vector.broadcast %mul3A_234 : vector<1024x1xf32> to vector<1024x512xf32>
    %sub3A_248 = arith.subf %add3A_222, %sub3A_247 : vector<1024x512xf32>
    %sqrt3A_249 = math.sqrt %mul3A_246 : vector<1024x1xf32>
    %add3A_250 = arith.constant 9.99999997E-7 : f32
    %add3A_251 = vector.broadcast %add3A_250 : f32 to vector<1024x1xf32>
    %add3A_252 = arith.addf %sqrt3A_249, %add3A_251 : vector<1024x1xf32>
    %div3A_253 = vector.broadcast %add3A_252 : vector<1024x1xf32> to vector<1024x512xf32>
    %div3A_254 = arith.divf %sub3A_248, %div3A_253 : vector<1024x512xf32>
    %mul3A_255 = vector.broadcast %get3A_225 : vector<1x512xf32> to vector<1024x512xf32>
    %mul3A_256 = arith.mulf %mul3A_255, %div3A_254 : vector<1024x512xf32>
    %add3A_257 = vector.broadcast %get3A_228 : vector<1x512xf32> to vector<1024x512xf32>
    %add3A_258 = arith.addf %mul3A_256, %add3A_257 : vector<1024x512xf32>
    %convert_element_type3A_259 = arith.truncf %add3A_258 : vector<1024x512xf32> to vector<1024x512xbf16>
    %get3A_260 = arith.constant 0 : index
    %get3A_261 = arith.constant 0 : index
    %get3A_262 = vector.load %arg70[%get3A_260, %get3A_261] : memref<512x8xbf16, #tpu.memory_space<vmem>>, vector<512x8xbf16>
    %dot_general3A_263 = arith.constant dense<0.000000e+00> : vector<1024x8xf32>
    %dot_general3A_264 = tpu.matmul %convert_element_type3A_259, %get3A_262, %dot_general3A_263 {dimension_numbers = #tpu.dot_dimension_numbers<[1], [0], [0], [1], [0, 0, 1, 1], [], []>, transpose_lhs_hint = false} : vector<1024x512xbf16>, vector<512x8xbf16>, vector<1024x8xf32> -> vector<1024x8xf32>
    %convert_element_type3A_265 = arith.truncf %reshape3A_9 : vector<1024x8xf32> to vector<1024x8xbf16>
    %get3A_266 = arith.constant 0 : index
    %get3A_267 = arith.constant 0 : index
    %get3A_268 = vector.load %arg71[%get3A_266, %get3A_267] : memref<8x8xbf16, #tpu.memory_space<vmem>>, vector<8x8xbf16>
    %dot_general3A_269 = arith.constant dense<0.000000e+00> : vector<1024x8xf32>
    %dot_general3A_270 = tpu.matmul %convert_element_type3A_265, %get3A_268, %dot_general3A_269 {dimension_numbers = #tpu.dot_dimension_numbers<[1], [0], [0], [1], [0, 0, 1, 1], [], []>, transpose_lhs_hint = false} : vector<1024x8xbf16>, vector<8x8xbf16>, vector<1024x8xf32> -> vector<1024x8xf32>
    %add3A_271 = arith.addf %dot_general3A_264, %dot_general3A_270 : vector<1024x8xf32>
    %get3A_272 = arith.constant 0 : index
    %get3A_273 = vector.load %arg22[%get3A_272] : memref<8xf32, #tpu.memory_space<vmem>>, vector<8xf32>
    %reshape3A_274 = vector.shape_cast %get3A_273 : vector<8xf32> to vector<1x8xf32>
    %add3A_275 = vector.broadcast %reshape3A_274 : vector<1x8xf32> to vector<1024x8xf32>
    %add3A_276 = arith.addf %add3A_271, %add3A_275 : vector<1024x8xf32>
    %get3A_277 = arith.constant 0 : index
    %get3A_278 = arith.constant 0 : index
    %get3A_279 = vector.load %arg72[%get3A_277, %get3A_278] : memref<512x512xbf16, #tpu.memory_space<vmem>>, vector<512x512xbf16>
    %dot_general3A_280 = arith.constant dense<0.000000e+00> : vector<1024x512xf32>
    %dot_general3A_281 = tpu.matmul %convert_element_type3A_259, %get3A_279, %dot_general3A_280 {dimension_numbers = #tpu.dot_dimension_numbers<[1], [0], [0], [1], [0, 0, 1, 1], [], []>, transpose_lhs_hint = false} : vector<1024x512xbf16>, vector<512x512xbf16>, vector<1024x512xf32> -> vector<1024x512xf32>
    %get3A_282 = arith.constant 0 : index
    %get3A_283 = arith.constant 0 : index
    %get3A_284 = vector.load %arg73[%get3A_282, %get3A_283] : memref<1x512xf32, #tpu.memory_space<vmem>>, vector<1x512xf32>
    %add3A_285 = vector.broadcast %get3A_284 : vector<1x512xf32> to vector<1024x512xf32>
    %add3A_286 = arith.addf %dot_general3A_281, %add3A_285 : vector<1024x512xf32>
    %max3A_287 = arith.constant 0.000000e+00 : f32
    %max3A_288 = vector.broadcast %max3A_287 : f32 to vector<1024x512xf32>
    %max3A_289 = arith.maximumf %add3A_286, %max3A_288 : vector<1024x512xf32>
    %get3A_290 = arith.constant 0 : index
    %get3A_291 = arith.constant 0 : index
    %get3A_292 = vector.load %arg74[%get3A_290, %get3A_291] : memref<1x512xf32, #tpu.memory_space<vmem>>, vector<1x512xf32>
    %mul3A_293 = vector.broadcast %get3A_292 : vector<1x512xf32> to vector<1024x512xf32>
    %mul3A_294 = arith.mulf %max3A_289, %mul3A_293 : vector<1024x512xf32>
    %slice3A_295 = vector.extract_strided_slice %mul3A_294 {offsets = [0, 0], sizes = [1024, 256], strides = [1, 1]} : vector<1024x512xf32> to vector<1024x256xf32>
    %reduce_sum3A_296 = arith.constant dense<0.000000e+00> : vector<1024xf32>
    %reduce_sum3A_297 = vector.multi_reduction <add>, %slice3A_295, %reduce_sum3A_296 [1] : vector<1024x256xf32> to vector<1024xf32>
    %broadcast_in_dim3A_298 = vector.shape_cast %reduce_sum3A_297 : vector<1024xf32> to vector<1024x1xf32>
    %get3A_299 = arith.constant 0 : index
    %get3A_300 = vector.load %arg26[%get3A_299] : memref<1xf32, #tpu.memory_space<vmem>>, vector<1xf32>
    %reshape3A_301 = vector.shape_cast %get3A_300 : vector<1xf32> to vector<1x1xf32>
    %add3A_302 = vector.broadcast %reshape3A_301 : vector<1x1xf32> to vector<1024x1xf32>
    %add3A_303 = arith.addf %broadcast_in_dim3A_298, %add3A_302 : vector<1024x1xf32>
    %slice3A_304 = vector.extract_strided_slice %mul3A_294 {offsets = [0, 256], sizes = [1024, 256], strides = [1, 1]} : vector<1024x512xf32> to vector<1024x256xf32>
    %reduce_sum3A_305 = arith.constant dense<0.000000e+00> : vector<1024xf32>
    %reduce_sum3A_306 = vector.multi_reduction <add>, %slice3A_304, %reduce_sum3A_305 [1] : vector<1024x256xf32> to vector<1024xf32>
    %broadcast_in_dim3A_307 = vector.shape_cast %reduce_sum3A_306 : vector<1024xf32> to vector<1024x1xf32>
    %get3A_308 = arith.constant 0 : index
    %get3A_309 = vector.load %arg30[%get3A_308] : memref<1xf32, #tpu.memory_space<vmem>>, vector<1xf32>
    %reshape3A_310 = vector.shape_cast %get3A_309 : vector<1xf32> to vector<1x1xf32>
    %add3A_311 = vector.broadcast %reshape3A_310 : vector<1x1xf32> to vector<1024x1xf32>
    %add3A_312 = arith.addf %broadcast_in_dim3A_307, %add3A_311 : vector<1024x1xf32>
    %logistic3A = arith.negf %add3A_312 : vector<1024x1xf32>
    %logistic3A_313 = math.exp %logistic3A : vector<1024x1xf32>
    %logistic3A_314 = arith.constant 1.000000e+00 : f32
    %logistic3A_315 = vector.broadcast %logistic3A_314 : f32 to vector<1024x1xf32>
    %logistic3A_316 = arith.addf %logistic3A_315, %logistic3A_313 : vector<1024x1xf32>
    %logistic3A_317 = arith.divf %logistic3A_315, %logistic3A_316 : vector<1024x1xf32>
    %get3A_318 = arith.constant 0 : index
    %get3A_319 = arith.constant 0 : index
    %get3A_320 = arith.constant 0 : index
    %get3A_321 = vector.load %arg3[%get3A_318, %get3A_319, %get3A_320] : memref<2x1x512xi32, #tpu.memory_space<vmem>>, vector<1x1x512xi32>
    %get3A_322 = vector.shape_cast %get3A_321 : vector<1x1x512xi32> to vector<1x512xi32>
    %get3A_323 = arith.constant 0 : index
    %get3A_324 = arith.constant 0 : index
    %get3A_325 = arith.constant 0 : index
    %get3A_326 = vector.load %arg4[%get3A_323, %get3A_324, %get3A_325] : memref<2x512x1xi32, #tpu.memory_space<vmem>>, vector<1x512x1xi32>
    %get3A_327 = vector.shape_cast %get3A_326 : vector<1x512x1xi32> to vector<512x1xi32>
    %eq3A_328 = vector.broadcast %get3A_327 : vector<512x1xi32> to vector<512x512xi32>
    %eq3A_329 = vector.broadcast %get3A_322 : vector<1x512xi32> to vector<512x512xi32>
    %eq3A_330 = arith.cmpi eq, %eq3A_328, %eq3A_329 : vector<512x512xi32>
    %slice3A_331 = vector.extract_strided_slice %add3A_303 {offsets = [0, 0], sizes = [512, 1], strides = [1, 1]} : vector<1024x1xf32> to vector<512x1xf32>
    %exp3A_332 = math.exp %slice3A_331 : vector<512x1xf32>
    %jit3A = arith.constant 1.000000e+00 : f32
    %broadcast_in_dim3A_333 = vector.shape_cast %exp3A_332 : vector<512x1xf32> to vector<512x1xf32>
    %broadcast_in_dim3A_334 = vector.broadcast %broadcast_in_dim3A_333 : vector<512x1xf32> to vector<512x512xf32>
    %broadcast_in_dim3A_335 = vector.broadcast %jit3A : f32 to vector<512x512xf32>
    %select_n3A = arith.select %eq3A_330, %broadcast_in_dim3A_334, %broadcast_in_dim3A_335 : vector<512x512xi1>, vector<512x512xf32>
    %slice3A_336 = vector.extract_strided_slice %add3A_276 {offsets = [0, 0], sizes = [512, 8], strides = [1, 1]} : vector<1024x8xf32> to vector<512x8xf32>
    %broadcast_in_dim3A_337 = arith.constant 1.000000e+00 : f32
    %broadcast_in_dim3A_338 = vector.broadcast %broadcast_in_dim3A_337 : f32 to vector<512x1xf32>
    %concatenate3A_339 = tpu.concatenate %slice3A_336, %broadcast_in_dim3A_338 in 1 : vector<512x8xf32>, vector<512x1xf32> -> vector<512x9xf32>
    %convert_element_type3A_340 = arith.truncf %select_n3A : vector<512x512xf32> to vector<512x512xbf16>
    %convert_element_type3A_341 = arith.truncf %concatenate3A_339 : vector<512x9xf32> to vector<512x9xbf16>
    %dot_general3A_342 = arith.constant dense<0.000000e+00> : vector<512x9xf32>
    %dot_general3A_343 = tpu.matmul %convert_element_type3A_340, %convert_element_type3A_341, %dot_general3A_342 {dimension_numbers = #tpu.dot_dimension_numbers<[0], [0], [1], [1], [0, 1, 1, 1], [], []>, transpose_lhs_hint = false} : vector<512x512xbf16>, vector<512x9xbf16>, vector<512x9xf32> -> vector<512x9xf32>
    %slice3A_344 = vector.extract_strided_slice %dot_general3A_343 {offsets = [0, 0], sizes = [512, 8], strides = [1, 1]} : vector<512x9xf32> to vector<512x8xf32>
    %slice3A_345 = vector.extract_strided_slice %dot_general3A_343 {offsets = [0, 8], sizes = [512, 1], strides = [1, 1]} : vector<512x9xf32> to vector<512x1xf32>
    %div3A_346 = vector.broadcast %slice3A_345 : vector<512x1xf32> to vector<512x8xf32>
    %div3A_347 = arith.divf %slice3A_344, %div3A_346 : vector<512x8xf32>
    %get3A_348 = arith.constant 1 : index
    %get3A_349 = arith.constant 0 : index
    %get3A_350 = arith.constant 0 : index
    %get3A_351 = vector.load %arg3[%get3A_348, %get3A_349, %get3A_350] : memref<2x1x512xi32, #tpu.memory_space<vmem>>, vector<1x1x512xi32>
    %get3A_352 = vector.shape_cast %get3A_351 : vector<1x1x512xi32> to vector<1x512xi32>
    %get3A_353 = arith.constant 1 : index
    %get3A_354 = arith.constant 0 : index
    %get3A_355 = arith.constant 0 : index
    %get3A_356 = vector.load %arg4[%get3A_353, %get3A_354, %get3A_355] : memref<2x512x1xi32, #tpu.memory_space<vmem>>, vector<1x512x1xi32>
    %get3A_357 = vector.shape_cast %get3A_356 : vector<1x512x1xi32> to vector<512x1xi32>
    %eq3A_358 = vector.broadcast %get3A_357 : vector<512x1xi32> to vector<512x512xi32>
    %eq3A_359 = vector.broadcast %get3A_352 : vector<1x512xi32> to vector<512x512xi32>
    %eq3A_360 = arith.cmpi eq, %eq3A_358, %eq3A_359 : vector<512x512xi32>
    %slice3A_361 = vector.extract_strided_slice %add3A_303 {offsets = [512, 0], sizes = [512, 1], strides = [1, 1]} : vector<1024x1xf32> to vector<512x1xf32>
    %exp3A_362 = math.exp %slice3A_361 : vector<512x1xf32>
    %jit3A_363 = arith.constant 1.000000e+00 : f32
    %broadcast_in_dim3A_364 = vector.shape_cast %exp3A_362 : vector<512x1xf32> to vector<512x1xf32>
    %broadcast_in_dim3A_365 = vector.broadcast %broadcast_in_dim3A_364 : vector<512x1xf32> to vector<512x512xf32>
    %broadcast_in_dim3A_366 = vector.broadcast %jit3A_363 : f32 to vector<512x512xf32>
    %select_n3A_367 = arith.select %eq3A_360, %broadcast_in_dim3A_365, %broadcast_in_dim3A_366 : vector<512x512xi1>, vector<512x512xf32>
    %slice3A_368 = vector.extract_strided_slice %add3A_276 {offsets = [512, 0], sizes = [512, 8], strides = [1, 1]} : vector<1024x8xf32> to vector<512x8xf32>
    %broadcast_in_dim3A_369 = arith.constant 1.000000e+00 : f32
    %broadcast_in_dim3A_370 = vector.broadcast %broadcast_in_dim3A_369 : f32 to vector<512x1xf32>
    %concatenate3A_371 = tpu.concatenate %slice3A_368, %broadcast_in_dim3A_370 in 1 : vector<512x8xf32>, vector<512x1xf32> -> vector<512x9xf32>
    %convert_element_type3A_372 = arith.truncf %select_n3A_367 : vector<512x512xf32> to vector<512x512xbf16>
    %convert_element_type3A_373 = arith.truncf %concatenate3A_371 : vector<512x9xf32> to vector<512x9xbf16>
    %dot_general3A_374 = arith.constant dense<0.000000e+00> : vector<512x9xf32>
    %dot_general3A_375 = tpu.matmul %convert_element_type3A_372, %convert_element_type3A_373, %dot_general3A_374 {dimension_numbers = #tpu.dot_dimension_numbers<[0], [0], [1], [1], [0, 1, 1, 1], [], []>, transpose_lhs_hint = false} : vector<512x512xbf16>, vector<512x9xbf16>, vector<512x9xf32> -> vector<512x9xf32>
    %slice3A_376 = vector.extract_strided_slice %dot_general3A_375 {offsets = [0, 0], sizes = [512, 8], strides = [1, 1]} : vector<512x9xf32> to vector<512x8xf32>
    %slice3A_377 = vector.extract_strided_slice %dot_general3A_375 {offsets = [0, 8], sizes = [512, 1], strides = [1, 1]} : vector<512x9xf32> to vector<512x1xf32>
    %div3A_378 = vector.broadcast %slice3A_377 : vector<512x1xf32> to vector<512x8xf32>
    %div3A_379 = arith.divf %slice3A_376, %div3A_378 : vector<512x8xf32>
    %concatenate3A_380 = tpu.concatenate %div3A_347, %div3A_379 in 0 : vector<512x8xf32>, vector<512x8xf32> -> vector<1024x8xf32>
    %mul3A_381 = vector.broadcast %logistic3A_317 : vector<1024x1xf32> to vector<1024x8xf32>
    %mul3A_382 = arith.mulf %mul3A_381, %add3A_276 : vector<1024x8xf32>
    %sub3A_383 = arith.constant 1.000000e+00 : f32
    %sub3A_384 = vector.broadcast %sub3A_383 : f32 to vector<1024x1xf32>
    %sub3A_385 = arith.subf %sub3A_384, %logistic3A_317 : vector<1024x1xf32>
    %mul3A_386 = vector.broadcast %sub3A_385 : vector<1024x1xf32> to vector<1024x8xf32>
    %mul3A_387 = arith.mulf %mul3A_386, %concatenate3A_380 : vector<1024x8xf32>
    %add3A_388 = arith.addf %mul3A_382, %mul3A_387 : vector<1024x8xf32>
    %convert_element_type3A_389 = arith.truncf %add3A_258 : vector<1024x512xf32> to vector<1024x512xbf16>
    %get3A_390 = arith.constant 0 : index
    %get3A_391 = arith.constant 0 : index
    %get3A_392 = vector.load %arg75[%get3A_390, %get3A_391] : memref<512x1536xbf16, #tpu.memory_space<vmem>>, vector<512x1536xbf16>
    %dot_general3A_393 = arith.constant dense<0.000000e+00> : vector<1024x1536xf32>
    %dot_general3A_394 = tpu.matmul %convert_element_type3A_389, %get3A_392, %dot_general3A_393 {dimension_numbers = #tpu.dot_dimension_numbers<[1], [0], [0], [1], [0, 0, 1, 1], [], []>, transpose_lhs_hint = false} : vector<1024x512xbf16>, vector<512x1536xbf16>, vector<1024x1536xf32> -> vector<1024x1536xf32>
    %get3A_395 = arith.constant 0 : index
    %get3A_396 = arith.constant 0 : index
    %get3A_397 = vector.load %arg76[%get3A_395, %get3A_396] : memref<1x1536xf32, #tpu.memory_space<vmem>>, vector<1x1536xf32>
    %add3A_398 = vector.broadcast %get3A_397 : vector<1x1536xf32> to vector<1024x1536xf32>
    %add3A_399 = arith.addf %dot_general3A_394, %add3A_398 : vector<1024x1536xf32>
    %convert_element_type3A_400 = arith.truncf %add3A_399 : vector<1024x1536xf32> to vector<1024x1536xbf16>
    %slice3A_401 = vector.extract_strided_slice %convert_element_type3A_400 {offsets = [0, 0], sizes = [512, 128], strides = [1, 1]} : vector<1024x1536xbf16> to vector<512x128xbf16>
    %slice3A_402 = vector.extract_strided_slice %convert_element_type3A_400 {offsets = [0, 512], sizes = [512, 128], strides = [1, 1]} : vector<1024x1536xbf16> to vector<512x128xbf16>
    %dot_general3A_403 = arith.constant dense<0.000000e+00> : vector<512x512xf32>
    %dot_general3A_404 = tpu.matmul %slice3A_401, %slice3A_402, %dot_general3A_403 {dimension_numbers = #tpu.dot_dimension_numbers<[1], [1], [0], [0], [0, 0, 1, 0], [], []>, transpose_lhs_hint = false} : vector<512x128xbf16>, vector<512x128xbf16>, vector<512x512xf32> -> vector<512x512xf32>
    %exp3A_405 = math.exp %dot_general3A_404 : vector<512x512xf32>
    %reduce_sum3A_406 = arith.constant dense<0.000000e+00> : vector<512xf32>
    %reduce_sum3A_407 = vector.multi_reduction <add>, %exp3A_405, %reduce_sum3A_406 [1] : vector<512x512xf32> to vector<512xf32>
    %broadcast_in_dim3A_408 = vector.shape_cast %reduce_sum3A_407 : vector<512xf32> to vector<512x1xf32>
    %div3A_409 = arith.constant 1.000000e+00 : f32
    %div3A_410 = vector.broadcast %div3A_409 : f32 to vector<512x1xf32>
    %div3A_411 = arith.divf %div3A_410, %broadcast_in_dim3A_408 : vector<512x1xf32>
    %convert_element_type3A_412 = arith.truncf %exp3A_405 : vector<512x512xf32> to vector<512x512xbf16>
    %slice3A_413 = vector.extract_strided_slice %convert_element_type3A_400 {offsets = [0, 1024], sizes = [512, 128], strides = [1, 1]} : vector<1024x1536xbf16> to vector<512x128xbf16>
    %dot_general3A_414 = arith.constant dense<0.000000e+00> : vector<512x128xf32>
    %dot_general3A_415 = tpu.matmul %convert_element_type3A_412, %slice3A_413, %dot_general3A_414 {dimension_numbers = #tpu.dot_dimension_numbers<[1], [0], [0], [1], [0, 0, 1, 1], [], []>, transpose_lhs_hint = false} : vector<512x512xbf16>, vector<512x128xbf16>, vector<512x128xf32> -> vector<512x128xf32>
    %mul3A_416 = vector.broadcast %div3A_411 : vector<512x1xf32> to vector<512x128xf32>
    %mul3A_417 = arith.mulf %dot_general3A_415, %mul3A_416 : vector<512x128xf32>
    %slice3A_418 = vector.extract_strided_slice %convert_element_type3A_400 {offsets = [0, 128], sizes = [512, 128], strides = [1, 1]} : vector<1024x1536xbf16> to vector<512x128xbf16>
    %slice3A_419 = vector.extract_strided_slice %convert_element_type3A_400 {offsets = [0, 640], sizes = [512, 128], strides = [1, 1]} : vector<1024x1536xbf16> to vector<512x128xbf16>
    %dot_general3A_420 = arith.constant dense<0.000000e+00> : vector<512x512xf32>
    %dot_general3A_421 = tpu.matmul %slice3A_418, %slice3A_419, %dot_general3A_420 {dimension_numbers = #tpu.dot_dimension_numbers<[1], [1], [0], [0], [0, 0, 1, 0], [], []>, transpose_lhs_hint = false} : vector<512x128xbf16>, vector<512x128xbf16>, vector<512x512xf32> -> vector<512x512xf32>
    %exp3A_422 = math.exp %dot_general3A_421 : vector<512x512xf32>
    %reduce_sum3A_423 = arith.constant dense<0.000000e+00> : vector<512xf32>
    %reduce_sum3A_424 = vector.multi_reduction <add>, %exp3A_422, %reduce_sum3A_423 [1] : vector<512x512xf32> to vector<512xf32>
    %broadcast_in_dim3A_425 = vector.shape_cast %reduce_sum3A_424 : vector<512xf32> to vector<512x1xf32>
    %div3A_426 = arith.constant 1.000000e+00 : f32
    %div3A_427 = vector.broadcast %div3A_426 : f32 to vector<512x1xf32>
    %div3A_428 = arith.divf %div3A_427, %broadcast_in_dim3A_425 : vector<512x1xf32>
    %convert_element_type3A_429 = arith.truncf %exp3A_422 : vector<512x512xf32> to vector<512x512xbf16>
    %slice3A_430 = vector.extract_strided_slice %convert_element_type3A_400 {offsets = [0, 1152], sizes = [512, 128], strides = [1, 1]} : vector<1024x1536xbf16> to vector<512x128xbf16>
    %dot_general3A_431 = arith.constant dense<0.000000e+00> : vector<512x128xf32>
    %dot_general3A_432 = tpu.matmul %convert_element_type3A_429, %slice3A_430, %dot_general3A_431 {dimension_numbers = #tpu.dot_dimension_numbers<[1], [0], [0], [1], [0, 0, 1, 1], [], []>, transpose_lhs_hint = false} : vector<512x512xbf16>, vector<512x128xbf16>, vector<512x128xf32> -> vector<512x128xf32>
    %mul3A_433 = vector.broadcast %div3A_428 : vector<512x1xf32> to vector<512x128xf32>
    %mul3A_434 = arith.mulf %dot_general3A_432, %mul3A_433 : vector<512x128xf32>
    %slice3A_435 = vector.extract_strided_slice %convert_element_type3A_400 {offsets = [0, 256], sizes = [512, 128], strides = [1, 1]} : vector<1024x1536xbf16> to vector<512x128xbf16>
    %slice3A_436 = vector.extract_strided_slice %convert_element_type3A_400 {offsets = [0, 768], sizes = [512, 128], strides = [1, 1]} : vector<1024x1536xbf16> to vector<512x128xbf16>
    %dot_general3A_437 = arith.constant dense<0.000000e+00> : vector<512x512xf32>
    %dot_general3A_438 = tpu.matmul %slice3A_435, %slice3A_436, %dot_general3A_437 {dimension_numbers = #tpu.dot_dimension_numbers<[1], [1], [0], [0], [0, 0, 1, 0], [], []>, transpose_lhs_hint = false} : vector<512x128xbf16>, vector<512x128xbf16>, vector<512x512xf32> -> vector<512x512xf32>
    %exp3A_439 = math.exp %dot_general3A_438 : vector<512x512xf32>
    %reduce_sum3A_440 = arith.constant dense<0.000000e+00> : vector<512xf32>
    %reduce_sum3A_441 = vector.multi_reduction <add>, %exp3A_439, %reduce_sum3A_440 [1] : vector<512x512xf32> to vector<512xf32>
    %broadcast_in_dim3A_442 = vector.shape_cast %reduce_sum3A_441 : vector<512xf32> to vector<512x1xf32>
    %div3A_443 = arith.constant 1.000000e+00 : f32
    %div3A_444 = vector.broadcast %div3A_443 : f32 to vector<512x1xf32>
    %div3A_445 = arith.divf %div3A_444, %broadcast_in_dim3A_442 : vector<512x1xf32>
    %convert_element_type3A_446 = arith.truncf %exp3A_439 : vector<512x512xf32> to vector<512x512xbf16>
    %slice3A_447 = vector.extract_strided_slice %convert_element_type3A_400 {offsets = [0, 1280], sizes = [512, 128], strides = [1, 1]} : vector<1024x1536xbf16> to vector<512x128xbf16>
    %dot_general3A_448 = arith.constant dense<0.000000e+00> : vector<512x128xf32>
    %dot_general3A_449 = tpu.matmul %convert_element_type3A_446, %slice3A_447, %dot_general3A_448 {dimension_numbers = #tpu.dot_dimension_numbers<[1], [0], [0], [1], [0, 0, 1, 1], [], []>, transpose_lhs_hint = false} : vector<512x512xbf16>, vector<512x128xbf16>, vector<512x128xf32> -> vector<512x128xf32>
    %mul3A_450 = vector.broadcast %div3A_445 : vector<512x1xf32> to vector<512x128xf32>
    %mul3A_451 = arith.mulf %dot_general3A_449, %mul3A_450 : vector<512x128xf32>
    %slice3A_452 = vector.extract_strided_slice %convert_element_type3A_400 {offsets = [0, 384], sizes = [512, 128], strides = [1, 1]} : vector<1024x1536xbf16> to vector<512x128xbf16>
    %slice3A_453 = vector.extract_strided_slice %convert_element_type3A_400 {offsets = [0, 896], sizes = [512, 128], strides = [1, 1]} : vector<1024x1536xbf16> to vector<512x128xbf16>
    %dot_general3A_454 = arith.constant dense<0.000000e+00> : vector<512x512xf32>
    %dot_general3A_455 = tpu.matmul %slice3A_452, %slice3A_453, %dot_general3A_454 {dimension_numbers = #tpu.dot_dimension_numbers<[1], [1], [0], [0], [0, 0, 1, 0], [], []>, transpose_lhs_hint = false} : vector<512x128xbf16>, vector<512x128xbf16>, vector<512x512xf32> -> vector<512x512xf32>
    %exp3A_456 = math.exp %dot_general3A_455 : vector<512x512xf32>
    %reduce_sum3A_457 = arith.constant dense<0.000000e+00> : vector<512xf32>
    %reduce_sum3A_458 = vector.multi_reduction <add>, %exp3A_456, %reduce_sum3A_457 [1] : vector<512x512xf32> to vector<512xf32>
    %broadcast_in_dim3A_459 = vector.shape_cast %reduce_sum3A_458 : vector<512xf32> to vector<512x1xf32>
    %div3A_460 = arith.constant 1.000000e+00 : f32
    %div3A_461 = vector.broadcast %div3A_460 : f32 to vector<512x1xf32>
    %div3A_462 = arith.divf %div3A_461, %broadcast_in_dim3A_459 : vector<512x1xf32>
    %convert_element_type3A_463 = arith.truncf %exp3A_456 : vector<512x512xf32> to vector<512x512xbf16>
    %slice3A_464 = vector.extract_strided_slice %convert_element_type3A_400 {offsets = [0, 1408], sizes = [512, 128], strides = [1, 1]} : vector<1024x1536xbf16> to vector<512x128xbf16>
    %dot_general3A_465 = arith.constant dense<0.000000e+00> : vector<512x128xf32>
    %dot_general3A_466 = tpu.matmul %convert_element_type3A_463, %slice3A_464, %dot_general3A_465 {dimension_numbers = #tpu.dot_dimension_numbers<[1], [0], [0], [1], [0, 0, 1, 1], [], []>, transpose_lhs_hint = false} : vector<512x512xbf16>, vector<512x128xbf16>, vector<512x128xf32> -> vector<512x128xf32>
    %mul3A_467 = vector.broadcast %div3A_462 : vector<512x1xf32> to vector<512x128xf32>
    %mul3A_468 = arith.mulf %dot_general3A_466, %mul3A_467 : vector<512x128xf32>
    %concatenate3A_469 = tpu.concatenate %mul3A_417, %mul3A_434, %mul3A_451, %mul3A_468 in 1 : vector<512x128xf32>, vector<512x128xf32>, vector<512x128xf32>, vector<512x128xf32> -> vector<512x512xf32>
    %slice3A_470 = vector.extract_strided_slice %convert_element_type3A_400 {offsets = [512, 0], sizes = [512, 128], strides = [1, 1]} : vector<1024x1536xbf16> to vector<512x128xbf16>
    %slice3A_471 = vector.extract_strided_slice %convert_element_type3A_400 {offsets = [512, 512], sizes = [512, 128], strides = [1, 1]} : vector<1024x1536xbf16> to vector<512x128xbf16>
    %dot_general3A_472 = arith.constant dense<0.000000e+00> : vector<512x512xf32>
    %dot_general3A_473 = tpu.matmul %slice3A_470, %slice3A_471, %dot_general3A_472 {dimension_numbers = #tpu.dot_dimension_numbers<[1], [1], [0], [0], [0, 0, 1, 0], [], []>, transpose_lhs_hint = false} : vector<512x128xbf16>, vector<512x128xbf16>, vector<512x512xf32> -> vector<512x512xf32>
    %exp3A_474 = math.exp %dot_general3A_473 : vector<512x512xf32>
    %reduce_sum3A_475 = arith.constant dense<0.000000e+00> : vector<512xf32>
    %reduce_sum3A_476 = vector.multi_reduction <add>, %exp3A_474, %reduce_sum3A_475 [1] : vector<512x512xf32> to vector<512xf32>
    %broadcast_in_dim3A_477 = vector.shape_cast %reduce_sum3A_476 : vector<512xf32> to vector<512x1xf32>
    %div3A_478 = arith.constant 1.000000e+00 : f32
    %div3A_479 = vector.broadcast %div3A_478 : f32 to vector<512x1xf32>
    %div3A_480 = arith.divf %div3A_479, %broadcast_in_dim3A_477 : vector<512x1xf32>
    %convert_element_type3A_481 = arith.truncf %exp3A_474 : vector<512x512xf32> to vector<512x512xbf16>
    %slice3A_482 = vector.extract_strided_slice %convert_element_type3A_400 {offsets = [512, 1024], sizes = [512, 128], strides = [1, 1]} : vector<1024x1536xbf16> to vector<512x128xbf16>
    %dot_general3A_483 = arith.constant dense<0.000000e+00> : vector<512x128xf32>
    %dot_general3A_484 = tpu.matmul %convert_element_type3A_481, %slice3A_482, %dot_general3A_483 {dimension_numbers = #tpu.dot_dimension_numbers<[1], [0], [0], [1], [0, 0, 1, 1], [], []>, transpose_lhs_hint = false} : vector<512x512xbf16>, vector<512x128xbf16>, vector<512x128xf32> -> vector<512x128xf32>
    %mul3A_485 = vector.broadcast %div3A_480 : vector<512x1xf32> to vector<512x128xf32>
    %mul3A_486 = arith.mulf %dot_general3A_484, %mul3A_485 : vector<512x128xf32>
    %slice3A_487 = vector.extract_strided_slice %convert_element_type3A_400 {offsets = [512, 128], sizes = [512, 128], strides = [1, 1]} : vector<1024x1536xbf16> to vector<512x128xbf16>
    %slice3A_488 = vector.extract_strided_slice %convert_element_type3A_400 {offsets = [512, 640], sizes = [512, 128], strides = [1, 1]} : vector<1024x1536xbf16> to vector<512x128xbf16>
    %dot_general3A_489 = arith.constant dense<0.000000e+00> : vector<512x512xf32>
    %dot_general3A_490 = tpu.matmul %slice3A_487, %slice3A_488, %dot_general3A_489 {dimension_numbers = #tpu.dot_dimension_numbers<[1], [1], [0], [0], [0, 0, 1, 0], [], []>, transpose_lhs_hint = false} : vector<512x128xbf16>, vector<512x128xbf16>, vector<512x512xf32> -> vector<512x512xf32>
    %exp3A_491 = math.exp %dot_general3A_490 : vector<512x512xf32>
    %reduce_sum3A_492 = arith.constant dense<0.000000e+00> : vector<512xf32>
    %reduce_sum3A_493 = vector.multi_reduction <add>, %exp3A_491, %reduce_sum3A_492 [1] : vector<512x512xf32> to vector<512xf32>
    %broadcast_in_dim3A_494 = vector.shape_cast %reduce_sum3A_493 : vector<512xf32> to vector<512x1xf32>
    %div3A_495 = arith.constant 1.000000e+00 : f32
    %div3A_496 = vector.broadcast %div3A_495 : f32 to vector<512x1xf32>
    %div3A_497 = arith.divf %div3A_496, %broadcast_in_dim3A_494 : vector<512x1xf32>
    %convert_element_type3A_498 = arith.truncf %exp3A_491 : vector<512x512xf32> to vector<512x512xbf16>
    %slice3A_499 = vector.extract_strided_slice %convert_element_type3A_400 {offsets = [512, 1152], sizes = [512, 128], strides = [1, 1]} : vector<1024x1536xbf16> to vector<512x128xbf16>
    %dot_general3A_500 = arith.constant dense<0.000000e+00> : vector<512x128xf32>
    %dot_general3A_501 = tpu.matmul %convert_element_type3A_498, %slice3A_499, %dot_general3A_500 {dimension_numbers = #tpu.dot_dimension_numbers<[1], [0], [0], [1], [0, 0, 1, 1], [], []>, transpose_lhs_hint = false} : vector<512x512xbf16>, vector<512x128xbf16>, vector<512x128xf32> -> vector<512x128xf32>
    %mul3A_502 = vector.broadcast %div3A_497 : vector<512x1xf32> to vector<512x128xf32>
    %mul3A_503 = arith.mulf %dot_general3A_501, %mul3A_502 : vector<512x128xf32>
    %slice3A_504 = vector.extract_strided_slice %convert_element_type3A_400 {offsets = [512, 256], sizes = [512, 128], strides = [1, 1]} : vector<1024x1536xbf16> to vector<512x128xbf16>
    %slice3A_505 = vector.extract_strided_slice %convert_element_type3A_400 {offsets = [512, 768], sizes = [512, 128], strides = [1, 1]} : vector<1024x1536xbf16> to vector<512x128xbf16>
    %dot_general3A_506 = arith.constant dense<0.000000e+00> : vector<512x512xf32>
    %dot_general3A_507 = tpu.matmul %slice3A_504, %slice3A_505, %dot_general3A_506 {dimension_numbers = #tpu.dot_dimension_numbers<[1], [1], [0], [0], [0, 0, 1, 0], [], []>, transpose_lhs_hint = false} : vector<512x128xbf16>, vector<512x128xbf16>, vector<512x512xf32> -> vector<512x512xf32>
    %exp3A_508 = math.exp %dot_general3A_507 : vector<512x512xf32>
    %reduce_sum3A_509 = arith.constant dense<0.000000e+00> : vector<512xf32>
    %reduce_sum3A_510 = vector.multi_reduction <add>, %exp3A_508, %reduce_sum3A_509 [1] : vector<512x512xf32> to vector<512xf32>
    %broadcast_in_dim3A_511 = vector.shape_cast %reduce_sum3A_510 : vector<512xf32> to vector<512x1xf32>
    %div3A_512 = arith.constant 1.000000e+00 : f32
    %div3A_513 = vector.broadcast %div3A_512 : f32 to vector<512x1xf32>
    %div3A_514 = arith.divf %div3A_513, %broadcast_in_dim3A_511 : vector<512x1xf32>
    %convert_element_type3A_515 = arith.truncf %exp3A_508 : vector<512x512xf32> to vector<512x512xbf16>
    %slice3A_516 = vector.extract_strided_slice %convert_element_type3A_400 {offsets = [512, 1280], sizes = [512, 128], strides = [1, 1]} : vector<1024x1536xbf16> to vector<512x128xbf16>
    %dot_general3A_517 = arith.constant dense<0.000000e+00> : vector<512x128xf32>
    %dot_general3A_518 = tpu.matmul %convert_element_type3A_515, %slice3A_516, %dot_general3A_517 {dimension_numbers = #tpu.dot_dimension_numbers<[1], [0], [0], [1], [0, 0, 1, 1], [], []>, transpose_lhs_hint = false} : vector<512x512xbf16>, vector<512x128xbf16>, vector<512x128xf32> -> vector<512x128xf32>
    %mul3A_519 = vector.broadcast %div3A_514 : vector<512x1xf32> to vector<512x128xf32>
    %mul3A_520 = arith.mulf %dot_general3A_518, %mul3A_519 : vector<512x128xf32>
    %slice3A_521 = vector.extract_strided_slice %convert_element_type3A_400 {offsets = [512, 384], sizes = [512, 128], strides = [1, 1]} : vector<1024x1536xbf16> to vector<512x128xbf16>
    %slice3A_522 = vector.extract_strided_slice %convert_element_type3A_400 {offsets = [512, 896], sizes = [512, 128], strides = [1, 1]} : vector<1024x1536xbf16> to vector<512x128xbf16>
    %dot_general3A_523 = arith.constant dense<0.000000e+00> : vector<512x512xf32>
    %dot_general3A_524 = tpu.matmul %slice3A_521, %slice3A_522, %dot_general3A_523 {dimension_numbers = #tpu.dot_dimension_numbers<[1], [1], [0], [0], [0, 0, 1, 0], [], []>, transpose_lhs_hint = false} : vector<512x128xbf16>, vector<512x128xbf16>, vector<512x512xf32> -> vector<512x512xf32>
    %exp3A_525 = math.exp %dot_general3A_524 : vector<512x512xf32>
    %reduce_sum3A_526 = arith.constant dense<0.000000e+00> : vector<512xf32>
    %reduce_sum3A_527 = vector.multi_reduction <add>, %exp3A_525, %reduce_sum3A_526 [1] : vector<512x512xf32> to vector<512xf32>
    %broadcast_in_dim3A_528 = vector.shape_cast %reduce_sum3A_527 : vector<512xf32> to vector<512x1xf32>
    %div3A_529 = arith.constant 1.000000e+00 : f32
    %div3A_530 = vector.broadcast %div3A_529 : f32 to vector<512x1xf32>
    %div3A_531 = arith.divf %div3A_530, %broadcast_in_dim3A_528 : vector<512x1xf32>
    %convert_element_type3A_532 = arith.truncf %exp3A_525 : vector<512x512xf32> to vector<512x512xbf16>
    %slice3A_533 = vector.extract_strided_slice %convert_element_type3A_400 {offsets = [512, 1408], sizes = [512, 128], strides = [1, 1]} : vector<1024x1536xbf16> to vector<512x128xbf16>
    %dot_general3A_534 = arith.constant dense<0.000000e+00> : vector<512x128xf32>
    %dot_general3A_535 = tpu.matmul %convert_element_type3A_532, %slice3A_533, %dot_general3A_534 {dimension_numbers = #tpu.dot_dimension_numbers<[1], [0], [0], [1], [0, 0, 1, 1], [], []>, transpose_lhs_hint = false} : vector<512x512xbf16>, vector<512x128xbf16>, vector<512x128xf32> -> vector<512x128xf32>
    %mul3A_536 = vector.broadcast %div3A_531 : vector<512x1xf32> to vector<512x128xf32>
    %mul3A_537 = arith.mulf %dot_general3A_535, %mul3A_536 : vector<512x128xf32>
    %concatenate3A_538 = tpu.concatenate %mul3A_486, %mul3A_503, %mul3A_520, %mul3A_537 in 1 : vector<512x128xf32>, vector<512x128xf32>, vector<512x128xf32>, vector<512x128xf32> -> vector<512x512xf32>
    %concatenate3A_539 = tpu.concatenate %concatenate3A_469, %concatenate3A_538 in 0 : vector<512x512xf32>, vector<512x512xf32> -> vector<1024x512xf32>
    %convert_element_type3A_540 = arith.truncf %concatenate3A_539 : vector<1024x512xf32> to vector<1024x512xbf16>
    %get3A_541 = arith.constant 0 : index
    %get3A_542 = arith.constant 0 : index
    %get3A_543 = vector.load %arg77[%get3A_541, %get3A_542] : memref<512x512xbf16, #tpu.memory_space<vmem>>, vector<512x512xbf16>
    %dot_general3A_544 = arith.constant dense<0.000000e+00> : vector<1024x512xf32>
    %dot_general3A_545 = tpu.matmul %convert_element_type3A_540, %get3A_543, %dot_general3A_544 {dimension_numbers = #tpu.dot_dimension_numbers<[1], [0], [0], [1], [0, 0, 1, 1], [], []>, transpose_lhs_hint = false} : vector<1024x512xbf16>, vector<512x512xbf16>, vector<1024x512xf32> -> vector<1024x512xf32>
    %get3A_546 = arith.constant 0 : index
    %get3A_547 = arith.constant 0 : index
    %get3A_548 = vector.load %arg78[%get3A_546, %get3A_547] : memref<1x512xf32, #tpu.memory_space<vmem>>, vector<1x512xf32>
    %add3A_549 = vector.broadcast %get3A_548 : vector<1x512xf32> to vector<1024x512xf32>
    %add3A_550 = arith.addf %dot_general3A_545, %add3A_549 : vector<1024x512xf32>
    %add3A_551 = arith.addf %add3A_258, %add3A_550 : vector<1024x512xf32>
    %get3A_552 = arith.constant 0 : index
    %get3A_553 = arith.constant 0 : index
    %get3A_554 = vector.load %arg83[%get3A_552, %get3A_553] : memref<1x512xf32, #tpu.memory_space<vmem>>, vector<1x512xf32>
    %get3A_555 = arith.constant 0 : index
    %get3A_556 = arith.constant 0 : index
    %get3A_557 = vector.load %arg84[%get3A_555, %get3A_556] : memref<1x512xf32, #tpu.memory_space<vmem>>, vector<1x512xf32>
    %reduce_sum3A_558 = arith.constant dense<0.000000e+00> : vector<1024xf32>
    %reduce_sum3A_559 = vector.multi_reduction <add>, %add3A_551, %reduce_sum3A_558 [1] : vector<1024x512xf32> to vector<1024xf32>
    %broadcast_in_dim3A_560 = vector.shape_cast %reduce_sum3A_559 : vector<1024xf32> to vector<1024x1xf32>
    %mul3A_561 = arith.constant 0.0023584906 : f32
    %mul3A_562 = vector.broadcast %mul3A_561 : f32 to vector<1024x1xf32>
    %mul3A_563 = arith.mulf %broadcast_in_dim3A_560, %mul3A_562 : vector<1024x1xf32>
    %mul3A_564 = arith.mulf %add3A_551, %add3A_551 : vector<1024x512xf32>
    %reduce_sum3A_565 = arith.constant dense<0.000000e+00> : vector<1024xf32>
    %reduce_sum3A_566 = vector.multi_reduction <add>, %mul3A_564, %reduce_sum3A_565 [1] : vector<1024x512xf32> to vector<1024xf32>
    %broadcast_in_dim3A_567 = vector.shape_cast %reduce_sum3A_566 : vector<1024xf32> to vector<1024x1xf32>
    %mul3A_568 = arith.constant 4.240000e+02 : f32
    %mul3A_569 = vector.broadcast %mul3A_568 : f32 to vector<1024x1xf32>
    %mul3A_570 = arith.mulf %mul3A_569, %mul3A_563 : vector<1024x1xf32>
    %mul3A_571 = arith.mulf %mul3A_570, %mul3A_563 : vector<1024x1xf32>
    %sub3A_572 = arith.subf %broadcast_in_dim3A_567, %mul3A_571 : vector<1024x1xf32>
    %mul3A_573 = arith.constant 0.0023640662 : f32
    %mul3A_574 = vector.broadcast %mul3A_573 : f32 to vector<1024x1xf32>
    %mul3A_575 = arith.mulf %sub3A_572, %mul3A_574 : vector<1024x1xf32>
    %sub3A_576 = vector.broadcast %mul3A_563 : vector<1024x1xf32> to vector<1024x512xf32>
    %sub3A_577 = arith.subf %add3A_551, %sub3A_576 : vector<1024x512xf32>
    %sqrt3A_578 = math.sqrt %mul3A_575 : vector<1024x1xf32>
    %add3A_579 = arith.constant 9.99999997E-7 : f32
    %add3A_580 = vector.broadcast %add3A_579 : f32 to vector<1024x1xf32>
    %add3A_581 = arith.addf %sqrt3A_578, %add3A_580 : vector<1024x1xf32>
    %div3A_582 = vector.broadcast %add3A_581 : vector<1024x1xf32> to vector<1024x512xf32>
    %div3A_583 = arith.divf %sub3A_577, %div3A_582 : vector<1024x512xf32>
    %mul3A_584 = vector.broadcast %get3A_554 : vector<1x512xf32> to vector<1024x512xf32>
    %mul3A_585 = arith.mulf %mul3A_584, %div3A_583 : vector<1024x512xf32>
    %add3A_586 = vector.broadcast %get3A_557 : vector<1x512xf32> to vector<1024x512xf32>
    %add3A_587 = arith.addf %mul3A_585, %add3A_586 : vector<1024x512xf32>
    %convert_element_type3A_588 = arith.truncf %add3A_587 : vector<1024x512xf32> to vector<1024x512xbf16>
    %get3A_589 = arith.constant 0 : index
    %get3A_590 = arith.constant 0 : index
    %get3A_591 = vector.load %arg79[%get3A_589, %get3A_590] : memref<512x1792xbf16, #tpu.memory_space<vmem>>, vector<512x1792xbf16>
    %dot_general3A_592 = arith.constant dense<0.000000e+00> : vector<1024x1792xf32>
    %dot_general3A_593 = tpu.matmul %convert_element_type3A_588, %get3A_591, %dot_general3A_592 {dimension_numbers = #tpu.dot_dimension_numbers<[1], [0], [0], [1], [0, 0, 1, 1], [], []>, transpose_lhs_hint = false} : vector<1024x512xbf16>, vector<512x1792xbf16>, vector<1024x1792xf32> -> vector<1024x1792xf32>
    %get3A_594 = arith.constant 0 : index
    %get3A_595 = arith.constant 0 : index
    %get3A_596 = vector.load %arg80[%get3A_594, %get3A_595] : memref<1x1792xf32, #tpu.memory_space<vmem>>, vector<1x1792xf32>
    %add3A_597 = vector.broadcast %get3A_596 : vector<1x1792xf32> to vector<1024x1792xf32>
    %add3A_598 = arith.addf %dot_general3A_593, %add3A_597 : vector<1024x1792xf32>
    %max3A_599 = arith.constant 0.000000e+00 : f32
    %max3A_600 = vector.broadcast %max3A_599 : f32 to vector<1024x1792xf32>
    %max3A_601 = arith.maximumf %add3A_598, %max3A_600 : vector<1024x1792xf32>
    %convert_element_type3A_602 = arith.truncf %max3A_601 : vector<1024x1792xf32> to vector<1024x1792xbf16>
    %get3A_603 = arith.constant 0 : index
    %get3A_604 = arith.constant 0 : index
    %get3A_605 = vector.load %arg81[%get3A_603, %get3A_604] : memref<1792x512xbf16, #tpu.memory_space<vmem>>, vector<1792x512xbf16>
    %dot_general3A_606 = arith.constant dense<0.000000e+00> : vector<1024x512xf32>
    %dot_general3A_607 = tpu.matmul %convert_element_type3A_602, %get3A_605, %dot_general3A_606 {dimension_numbers = #tpu.dot_dimension_numbers<[1], [0], [0], [1], [0, 0, 1, 1], [], []>, transpose_lhs_hint = false} : vector<1024x1792xbf16>, vector<1792x512xbf16>, vector<1024x512xf32> -> vector<1024x512xf32>
    %get3A_608 = arith.constant 0 : index
    %get3A_609 = arith.constant 0 : index
    %get3A_610 = vector.load %arg82[%get3A_608, %get3A_609] : memref<1x512xf32, #tpu.memory_space<vmem>>, vector<1x512xf32>
    %add3A_611 = vector.broadcast %get3A_610 : vector<1x512xf32> to vector<1024x512xf32>
    %add3A_612 = arith.addf %dot_general3A_607, %add3A_611 : vector<1024x512xf32>
    %add3A_613 = arith.addf %add3A_587, %add3A_612 : vector<1024x512xf32>
    %get3A_614 = arith.constant 0 : index
    %get3A_615 = arith.constant 0 : index
    %get3A_616 = vector.load %arg85[%get3A_614, %get3A_615] : memref<1x512xf32, #tpu.memory_space<vmem>>, vector<1x512xf32>
    %get3A_617 = arith.constant 0 : index
    %get3A_618 = arith.constant 0 : index
    %get3A_619 = vector.load %arg86[%get3A_617, %get3A_618] : memref<1x512xf32, #tpu.memory_space<vmem>>, vector<1x512xf32>
    %reduce_sum3A_620 = arith.constant dense<0.000000e+00> : vector<1024xf32>
    %reduce_sum3A_621 = vector.multi_reduction <add>, %add3A_613, %reduce_sum3A_620 [1] : vector<1024x512xf32> to vector<1024xf32>
    %broadcast_in_dim3A_622 = vector.shape_cast %reduce_sum3A_621 : vector<1024xf32> to vector<1024x1xf32>
    %mul3A_623 = arith.constant 0.0023584906 : f32
    %mul3A_624 = vector.broadcast %mul3A_623 : f32 to vector<1024x1xf32>
    %mul3A_625 = arith.mulf %broadcast_in_dim3A_622, %mul3A_624 : vector<1024x1xf32>
    %mul3A_626 = arith.mulf %add3A_613, %add3A_613 : vector<1024x512xf32>
    %reduce_sum3A_627 = arith.constant dense<0.000000e+00> : vector<1024xf32>
    %reduce_sum3A_628 = vector.multi_reduction <add>, %mul3A_626, %reduce_sum3A_627 [1] : vector<1024x512xf32> to vector<1024xf32>
    %broadcast_in_dim3A_629 = vector.shape_cast %reduce_sum3A_628 : vector<1024xf32> to vector<1024x1xf32>
    %mul3A_630 = arith.constant 4.240000e+02 : f32
    %mul3A_631 = vector.broadcast %mul3A_630 : f32 to vector<1024x1xf32>
    %mul3A_632 = arith.mulf %mul3A_631, %mul3A_625 : vector<1024x1xf32>
    %mul3A_633 = arith.mulf %mul3A_632, %mul3A_625 : vector<1024x1xf32>
    %sub3A_634 = arith.subf %broadcast_in_dim3A_629, %mul3A_633 : vector<1024x1xf32>
    %mul3A_635 = arith.constant 0.0023640662 : f32
    %mul3A_636 = vector.broadcast %mul3A_635 : f32 to vector<1024x1xf32>
    %mul3A_637 = arith.mulf %sub3A_634, %mul3A_636 : vector<1024x1xf32>
    %sub3A_638 = vector.broadcast %mul3A_625 : vector<1024x1xf32> to vector<1024x512xf32>
    %sub3A_639 = arith.subf %add3A_613, %sub3A_638 : vector<1024x512xf32>
    %sqrt3A_640 = math.sqrt %mul3A_637 : vector<1024x1xf32>
    %add3A_641 = arith.constant 9.99999997E-7 : f32
    %add3A_642 = vector.broadcast %add3A_641 : f32 to vector<1024x1xf32>
    %add3A_643 = arith.addf %sqrt3A_640, %add3A_642 : vector<1024x1xf32>
    %div3A_644 = vector.broadcast %add3A_643 : vector<1024x1xf32> to vector<1024x512xf32>
    %div3A_645 = arith.divf %sub3A_639, %div3A_644 : vector<1024x512xf32>
    %mul3A_646 = vector.broadcast %get3A_616 : vector<1x512xf32> to vector<1024x512xf32>
    %mul3A_647 = arith.mulf %mul3A_646, %div3A_645 : vector<1024x512xf32>
    %add3A_648 = vector.broadcast %get3A_619 : vector<1x512xf32> to vector<1024x512xf32>
    %add3A_649 = arith.addf %mul3A_647, %add3A_648 : vector<1024x512xf32>
    %convert_element_type3A_650 = arith.truncf %add3A_649 : vector<1024x512xf32> to vector<1024x512xbf16>
    %get3A_651 = arith.constant 0 : index
    %get3A_652 = arith.constant 0 : index
    %get3A_653 = vector.load %arg87[%get3A_651, %get3A_652] : memref<512x8xbf16, #tpu.memory_space<vmem>>, vector<512x8xbf16>
    %dot_general3A_654 = arith.constant dense<0.000000e+00> : vector<1024x8xf32>
    %dot_general3A_655 = tpu.matmul %convert_element_type3A_650, %get3A_653, %dot_general3A_654 {dimension_numbers = #tpu.dot_dimension_numbers<[1], [0], [0], [1], [0, 0, 1, 1], [], []>, transpose_lhs_hint = false} : vector<1024x512xbf16>, vector<512x8xbf16>, vector<1024x8xf32> -> vector<1024x8xf32>
    %convert_element_type3A_656 = arith.truncf %add3A_388 : vector<1024x8xf32> to vector<1024x8xbf16>
    %get3A_657 = arith.constant 0 : index
    %get3A_658 = arith.constant 0 : index
    %get3A_659 = vector.load %arg88[%get3A_657, %get3A_658] : memref<8x8xbf16, #tpu.memory_space<vmem>>, vector<8x8xbf16>
    %dot_general3A_660 = arith.constant dense<0.000000e+00> : vector<1024x8xf32>
    %dot_general3A_661 = tpu.matmul %convert_element_type3A_656, %get3A_659, %dot_general3A_660 {dimension_numbers = #tpu.dot_dimension_numbers<[1], [0], [0], [1], [0, 0, 1, 1], [], []>, transpose_lhs_hint = false} : vector<1024x8xbf16>, vector<8x8xbf16>, vector<1024x8xf32> -> vector<1024x8xf32>
    %add3A_662 = arith.addf %dot_general3A_655, %dot_general3A_661 : vector<1024x8xf32>
    %get3A_663 = arith.constant 0 : index
    %get3A_664 = vector.load %arg48[%get3A_663] : memref<8xf32, #tpu.memory_space<vmem>>, vector<8xf32>
    %reshape3A_665 = vector.shape_cast %get3A_664 : vector<8xf32> to vector<1x8xf32>
    %add3A_666 = vector.broadcast %reshape3A_665 : vector<1x8xf32> to vector<1024x8xf32>
    %add3A_667 = arith.addf %add3A_662, %add3A_666 : vector<1024x8xf32>
    %get3A_668 = arith.constant 0 : index
    %get3A_669 = arith.constant 0 : index
    %get3A_670 = vector.load %arg89[%get3A_668, %get3A_669] : memref<512x512xbf16, #tpu.memory_space<vmem>>, vector<512x512xbf16>
    %dot_general3A_671 = arith.constant dense<0.000000e+00> : vector<1024x512xf32>
    %dot_general3A_672 = tpu.matmul %convert_element_type3A_650, %get3A_670, %dot_general3A_671 {dimension_numbers = #tpu.dot_dimension_numbers<[1], [0], [0], [1], [0, 0, 1, 1], [], []>, transpose_lhs_hint = false} : vector<1024x512xbf16>, vector<512x512xbf16>, vector<1024x512xf32> -> vector<1024x512xf32>
    %get3A_673 = arith.constant 0 : index
    %get3A_674 = arith.constant 0 : index
    %get3A_675 = vector.load %arg90[%get3A_673, %get3A_674] : memref<1x512xf32, #tpu.memory_space<vmem>>, vector<1x512xf32>
    %add3A_676 = vector.broadcast %get3A_675 : vector<1x512xf32> to vector<1024x512xf32>
    %add3A_677 = arith.addf %dot_general3A_672, %add3A_676 : vector<1024x512xf32>
    %max3A_678 = arith.constant 0.000000e+00 : f32
    %max3A_679 = vector.broadcast %max3A_678 : f32 to vector<1024x512xf32>
    %max3A_680 = arith.maximumf %add3A_677, %max3A_679 : vector<1024x512xf32>
    %get3A_681 = arith.constant 0 : index
    %get3A_682 = arith.constant 0 : index
    %get3A_683 = vector.load %arg91[%get3A_681, %get3A_682] : memref<1x512xf32, #tpu.memory_space<vmem>>, vector<1x512xf32>
    %mul3A_684 = vector.broadcast %get3A_683 : vector<1x512xf32> to vector<1024x512xf32>
    %mul3A_685 = arith.mulf %max3A_680, %mul3A_684 : vector<1024x512xf32>
    %slice3A_686 = vector.extract_strided_slice %mul3A_685 {offsets = [0, 0], sizes = [1024, 256], strides = [1, 1]} : vector<1024x512xf32> to vector<1024x256xf32>
    %reduce_sum3A_687 = arith.constant dense<0.000000e+00> : vector<1024xf32>
    %reduce_sum3A_688 = vector.multi_reduction <add>, %slice3A_686, %reduce_sum3A_687 [1] : vector<1024x256xf32> to vector<1024xf32>
    %broadcast_in_dim3A_689 = vector.shape_cast %reduce_sum3A_688 : vector<1024xf32> to vector<1024x1xf32>
    %get3A_690 = arith.constant 0 : index
    %get3A_691 = vector.load %arg52[%get3A_690] : memref<1xf32, #tpu.memory_space<vmem>>, vector<1xf32>
    %reshape3A_692 = vector.shape_cast %get3A_691 : vector<1xf32> to vector<1x1xf32>
    %add3A_693 = vector.broadcast %reshape3A_692 : vector<1x1xf32> to vector<1024x1xf32>
    %add3A_694 = arith.addf %broadcast_in_dim3A_689, %add3A_693 : vector<1024x1xf32>
    %slice3A_695 = vector.extract_strided_slice %mul3A_685 {offsets = [0, 256], sizes = [1024, 256], strides = [1, 1]} : vector<1024x512xf32> to vector<1024x256xf32>
    %reduce_sum3A_696 = arith.constant dense<0.000000e+00> : vector<1024xf32>
    %reduce_sum3A_697 = vector.multi_reduction <add>, %slice3A_695, %reduce_sum3A_696 [1] : vector<1024x256xf32> to vector<1024xf32>
    %broadcast_in_dim3A_698 = vector.shape_cast %reduce_sum3A_697 : vector<1024xf32> to vector<1024x1xf32>
    %get3A_699 = arith.constant 0 : index
    %get3A_700 = vector.load %arg56[%get3A_699] : memref<1xf32, #tpu.memory_space<vmem>>, vector<1xf32>
    %reshape3A_701 = vector.shape_cast %get3A_700 : vector<1xf32> to vector<1x1xf32>
    %add3A_702 = vector.broadcast %reshape3A_701 : vector<1x1xf32> to vector<1024x1xf32>
    %add3A_703 = arith.addf %broadcast_in_dim3A_698, %add3A_702 : vector<1024x1xf32>
    %logistic3A_704 = arith.negf %add3A_703 : vector<1024x1xf32>
    %logistic3A_705 = math.exp %logistic3A_704 : vector<1024x1xf32>
    %logistic3A_706 = arith.constant 1.000000e+00 : f32
    %logistic3A_707 = vector.broadcast %logistic3A_706 : f32 to vector<1024x1xf32>
    %logistic3A_708 = arith.addf %logistic3A_707, %logistic3A_705 : vector<1024x1xf32>
    %logistic3A_709 = arith.divf %logistic3A_707, %logistic3A_708 : vector<1024x1xf32>
    %get3A_710 = arith.constant 0 : index
    %get3A_711 = arith.constant 0 : index
    %get3A_712 = arith.constant 0 : index
    %get3A_713 = vector.load %arg3[%get3A_710, %get3A_711, %get3A_712] : memref<2x1x512xi32, #tpu.memory_space<vmem>>, vector<1x1x512xi32>
    %get3A_714 = vector.shape_cast %get3A_713 : vector<1x1x512xi32> to vector<1x512xi32>
    %get3A_715 = arith.constant 0 : index
    %get3A_716 = arith.constant 0 : index
    %get3A_717 = arith.constant 0 : index
    %get3A_718 = vector.load %arg4[%get3A_715, %get3A_716, %get3A_717] : memref<2x512x1xi32, #tpu.memory_space<vmem>>, vector<1x512x1xi32>
    %get3A_719 = vector.shape_cast %get3A_718 : vector<1x512x1xi32> to vector<512x1xi32>
    %eq3A_720 = vector.broadcast %get3A_719 : vector<512x1xi32> to vector<512x512xi32>
    %eq3A_721 = vector.broadcast %get3A_714 : vector<1x512xi32> to vector<512x512xi32>
    %eq3A_722 = arith.cmpi eq, %eq3A_720, %eq3A_721 : vector<512x512xi32>
    %slice3A_723 = vector.extract_strided_slice %add3A_694 {offsets = [0, 0], sizes = [512, 1], strides = [1, 1]} : vector<1024x1xf32> to vector<512x1xf32>
    %exp3A_724 = math.exp %slice3A_723 : vector<512x1xf32>
    %jit3A_725 = arith.constant 1.000000e+00 : f32
    %broadcast_in_dim3A_726 = vector.shape_cast %exp3A_724 : vector<512x1xf32> to vector<512x1xf32>
    %broadcast_in_dim3A_727 = vector.broadcast %broadcast_in_dim3A_726 : vector<512x1xf32> to vector<512x512xf32>
    %broadcast_in_dim3A_728 = vector.broadcast %jit3A_725 : f32 to vector<512x512xf32>
    %select_n3A_729 = arith.select %eq3A_722, %broadcast_in_dim3A_727, %broadcast_in_dim3A_728 : vector<512x512xi1>, vector<512x512xf32>
    %slice3A_730 = vector.extract_strided_slice %add3A_667 {offsets = [0, 0], sizes = [512, 8], strides = [1, 1]} : vector<1024x8xf32> to vector<512x8xf32>
    %broadcast_in_dim3A_731 = arith.constant 1.000000e+00 : f32
    %broadcast_in_dim3A_732 = vector.broadcast %broadcast_in_dim3A_731 : f32 to vector<512x1xf32>
    %concatenate3A_733 = tpu.concatenate %slice3A_730, %broadcast_in_dim3A_732 in 1 : vector<512x8xf32>, vector<512x1xf32> -> vector<512x9xf32>
    %convert_element_type3A_734 = arith.truncf %select_n3A_729 : vector<512x512xf32> to vector<512x512xbf16>
    %convert_element_type3A_735 = arith.truncf %concatenate3A_733 : vector<512x9xf32> to vector<512x9xbf16>
    %dot_general3A_736 = arith.constant dense<0.000000e+00> : vector<512x9xf32>
    %dot_general3A_737 = tpu.matmul %convert_element_type3A_734, %convert_element_type3A_735, %dot_general3A_736 {dimension_numbers = #tpu.dot_dimension_numbers<[0], [0], [1], [1], [0, 1, 1, 1], [], []>, transpose_lhs_hint = false} : vector<512x512xbf16>, vector<512x9xbf16>, vector<512x9xf32> -> vector<512x9xf32>
    %slice3A_738 = vector.extract_strided_slice %dot_general3A_737 {offsets = [0, 0], sizes = [512, 8], strides = [1, 1]} : vector<512x9xf32> to vector<512x8xf32>
    %slice3A_739 = vector.extract_strided_slice %dot_general3A_737 {offsets = [0, 8], sizes = [512, 1], strides = [1, 1]} : vector<512x9xf32> to vector<512x1xf32>
    %div3A_740 = vector.broadcast %slice3A_739 : vector<512x1xf32> to vector<512x8xf32>
    %div3A_741 = arith.divf %slice3A_738, %div3A_740 : vector<512x8xf32>
    %get3A_742 = arith.constant 1 : index
    %get3A_743 = arith.constant 0 : index
    %get3A_744 = arith.constant 0 : index
    %get3A_745 = vector.load %arg3[%get3A_742, %get3A_743, %get3A_744] : memref<2x1x512xi32, #tpu.memory_space<vmem>>, vector<1x1x512xi32>
    %get3A_746 = vector.shape_cast %get3A_745 : vector<1x1x512xi32> to vector<1x512xi32>
    %get3A_747 = arith.constant 1 : index
    %get3A_748 = arith.constant 0 : index
    %get3A_749 = arith.constant 0 : index
    %get3A_750 = vector.load %arg4[%get3A_747, %get3A_748, %get3A_749] : memref<2x512x1xi32, #tpu.memory_space<vmem>>, vector<1x512x1xi32>
    %get3A_751 = vector.shape_cast %get3A_750 : vector<1x512x1xi32> to vector<512x1xi32>
    %eq3A_752 = vector.broadcast %get3A_751 : vector<512x1xi32> to vector<512x512xi32>
    %eq3A_753 = vector.broadcast %get3A_746 : vector<1x512xi32> to vector<512x512xi32>
    %eq3A_754 = arith.cmpi eq, %eq3A_752, %eq3A_753 : vector<512x512xi32>
    %slice3A_755 = vector.extract_strided_slice %add3A_694 {offsets = [512, 0], sizes = [512, 1], strides = [1, 1]} : vector<1024x1xf32> to vector<512x1xf32>
    %exp3A_756 = math.exp %slice3A_755 : vector<512x1xf32>
    %jit3A_757 = arith.constant 1.000000e+00 : f32
    %broadcast_in_dim3A_758 = vector.shape_cast %exp3A_756 : vector<512x1xf32> to vector<512x1xf32>
    %broadcast_in_dim3A_759 = vector.broadcast %broadcast_in_dim3A_758 : vector<512x1xf32> to vector<512x512xf32>
    %broadcast_in_dim3A_760 = vector.broadcast %jit3A_757 : f32 to vector<512x512xf32>
    %select_n3A_761 = arith.select %eq3A_754, %broadcast_in_dim3A_759, %broadcast_in_dim3A_760 : vector<512x512xi1>, vector<512x512xf32>
    %slice3A_762 = vector.extract_strided_slice %add3A_667 {offsets = [512, 0], sizes = [512, 8], strides = [1, 1]} : vector<1024x8xf32> to vector<512x8xf32>
    %broadcast_in_dim3A_763 = arith.constant 1.000000e+00 : f32
    %broadcast_in_dim3A_764 = vector.broadcast %broadcast_in_dim3A_763 : f32 to vector<512x1xf32>
    %concatenate3A_765 = tpu.concatenate %slice3A_762, %broadcast_in_dim3A_764 in 1 : vector<512x8xf32>, vector<512x1xf32> -> vector<512x9xf32>
    %convert_element_type3A_766 = arith.truncf %select_n3A_761 : vector<512x512xf32> to vector<512x512xbf16>
    %convert_element_type3A_767 = arith.truncf %concatenate3A_765 : vector<512x9xf32> to vector<512x9xbf16>
    %dot_general3A_768 = arith.constant dense<0.000000e+00> : vector<512x9xf32>
    %dot_general3A_769 = tpu.matmul %convert_element_type3A_766, %convert_element_type3A_767, %dot_general3A_768 {dimension_numbers = #tpu.dot_dimension_numbers<[0], [0], [1], [1], [0, 1, 1, 1], [], []>, transpose_lhs_hint = false} : vector<512x512xbf16>, vector<512x9xbf16>, vector<512x9xf32> -> vector<512x9xf32>
    %slice3A_770 = vector.extract_strided_slice %dot_general3A_769 {offsets = [0, 0], sizes = [512, 8], strides = [1, 1]} : vector<512x9xf32> to vector<512x8xf32>
    %slice3A_771 = vector.extract_strided_slice %dot_general3A_769 {offsets = [0, 8], sizes = [512, 1], strides = [1, 1]} : vector<512x9xf32> to vector<512x1xf32>
    %div3A_772 = vector.broadcast %slice3A_771 : vector<512x1xf32> to vector<512x8xf32>
    %div3A_773 = arith.divf %slice3A_770, %div3A_772 : vector<512x8xf32>
    %concatenate3A_774 = tpu.concatenate %div3A_741, %div3A_773 in 0 : vector<512x8xf32>, vector<512x8xf32> -> vector<1024x8xf32>
    %mul3A_775 = vector.broadcast %logistic3A_709 : vector<1024x1xf32> to vector<1024x8xf32>
    %mul3A_776 = arith.mulf %mul3A_775, %add3A_667 : vector<1024x8xf32>
    %sub3A_777 = arith.constant 1.000000e+00 : f32
    %sub3A_778 = vector.broadcast %sub3A_777 : f32 to vector<1024x1xf32>
    %sub3A_779 = arith.subf %sub3A_778, %logistic3A_709 : vector<1024x1xf32>
    %mul3A_780 = vector.broadcast %sub3A_779 : vector<1024x1xf32> to vector<1024x8xf32>
    %mul3A_781 = arith.mulf %mul3A_780, %concatenate3A_774 : vector<1024x8xf32>
    %add3A_782 = arith.addf %mul3A_776, %mul3A_781 : vector<1024x8xf32>
    %reshape3A_783 = vector.shape_cast %add3A_782 : vector<1024x8xf32> to vector<2x512x8xf32>
    %swap3A = arith.constant 0 : index
    %swap3A_784 = arith.constant 0 : index
    %swap3A_785 = arith.constant 0 : index
    %swap3A_786 = vector.load %arg57[%swap3A, %swap3A_784, %swap3A_785] : memref<2x512x8xf32, #tpu.memory_space<vmem>>, vector<2x512x8xf32>
    tpu.vector_store %arg57[%swap3A, %swap3A_784, %swap3A_785], %reshape3A_783 {strides = array<i32>} : memref<2x512x8xf32, #tpu.memory_space<vmem>>, vector<2x512x8xf32>,
    return
  }
  func.func @transform_0(%arg0: i32) -> (i32, i32, i32) {
    %c0_i32 = arith.constant 0 : i32
    %c0_i32_0 = arith.constant 0 : i32
    %c0_i32_1 = arith.constant 0 : i32
    return %arg0, %c0_i32, %c0_i32_0 : i32, i32, i32
  }
  func.func @transform_1(%arg0: i32) -> (i32, i32, i32) {
    %c0_i32 = arith.constant 0 : i32
    %c0_i32_0 = arith.constant 0 : i32
    %c0_i32_1 = arith.constant 0 : i32
    return %arg0, %c0_i32, %c0_i32_0 : i32, i32, i32
  }
  func.func @transform_2(%arg0: i32) -> (i32, i32, i32) {
    %c0_i32 = arith.constant 0 : i32
    %c0_i32_0 = arith.constant 0 : i32
    %c0_i32_1 = arith.constant 0 : i32
    return %arg0, %c0_i32, %c0_i32_0 : i32, i32, i32
  }
  func.func @transform_3(%arg0: i32) -> (i32, i32, i32) {
    %c0_i32 = arith.constant 0 : i32
    %c0_i32_0 = arith.constant 0 : i32
    %c0_i32_1 = arith.constant 0 : i32
    return %arg0, %c0_i32, %c0_i32_0 : i32, i32, i32
  }
  func.func @transform_4(%arg0: i32) -> (i32, i32) {
    %c0_i32 = arith.constant 0 : i32
    %c0_i32_0 = arith.constant 0 : i32
    %c0_i32_1 = arith.constant 0 : i32
    return %c0_i32, %c0_i32_0 : i32, i32
  }
  func.func @transform_5(%arg0: i32) -> i32 {
    %c0_i32 = arith.constant 0 : i32
    %c0_i32_0 = arith.constant 0 : i32
    return %c0_i32 : i32
  }
  func.func @transform_6(%arg0: i32) -> (i32, i32) {
    %c0_i32 = arith.constant 0 : i32
    %c0_i32_0 = arith.constant 0 : i32
    %c0_i32_1 = arith.constant 0 : i32
    return %c0_i32, %c0_i32_0 : i32, i32
  }
  func.func @transform_7(%arg0: i32) -> i32 {
    %c0_i32 = arith.constant 0 : i32
    %c0_i32_0 = arith.constant 0 : i32
    return %c0_i32 : i32
  }
  func.func @transform_8(%arg0: i32) -> (i32, i32) {
    %c0_i32 = arith.constant 0 : i32
    %c0_i32_0 = arith.constant 0 : i32
    %c0_i32_1 = arith.constant 0 : i32
    return %c0_i32, %c0_i32_0 : i32, i32
  }
  func.func @transform_9(%arg0: i32) -> i32 {
    %c0_i32 = arith.constant 0 : i32
    %c0_i32_0 = arith.constant 0 : i32
    return %c0_i32 : i32
  }
  func.func @transform_10(%arg0: i32) -> (i32, i32) {
    %c0_i32 = arith.constant 0 : i32
    %c0_i32_0 = arith.constant 0 : i32
    %c0_i32_1 = arith.constant 0 : i32
    return %c0_i32, %c0_i32_0 : i32, i32
  }
  func.func @transform_11(%arg0: i32) -> i32 {
    %c0_i32 = arith.constant 0 : i32
    %c0_i32_0 = arith.constant 0 : i32
    return %c0_i32 : i32
  }
  func.func @transform_12(%arg0: i32) -> (i32, i32) {
    %c0_i32 = arith.constant 0 : i32
    %c0_i32_0 = arith.constant 0 : i32
    %c0_i32_1 = arith.constant 0 : i32
    return %c0_i32, %c0_i32_0 : i32, i32
  }
  func.func @transform_13(%arg0: i32) -> i32 {
    %c0_i32 = arith.constant 0 : i32
    %c0_i32_0 = arith.constant 0 : i32
    return %c0_i32 : i32
  }
  func.func @transform_14(%arg0: i32) -> (i32, i32) {
    %c0_i32 = arith.constant 0 : i32
    %c0_i32_0 = arith.constant 0 : i32
    %c0_i32_1 = arith.constant 0 : i32
    return %c0_i32, %c0_i32_0 : i32, i32
  }
  func.func @transform_15(%arg0: i32) -> i32 {
    %c0_i32 = arith.constant 0 : i32
    %c0_i32_0 = arith.constant 0 : i32
    return %c0_i32 : i32
  }
  func.func @transform_16(%arg0: i32) -> i32 {
    %c0_i32 = arith.constant 0 : i32
    %c0_i32_0 = arith.constant 0 : i32
    return %c0_i32 : i32
  }
  func.func @transform_17(%arg0: i32) -> i32 {
    %c0_i32 = arith.constant 0 : i32
    %c0_i32_0 = arith.constant 0 : i32
    return %c0_i32 : i32
  }
  func.func @transform_18(%arg0: i32) -> i32 {
    %c0_i32 = arith.constant 0 : i32
    %c0_i32_0 = arith.constant 0 : i32
    return %c0_i32 : i32
  }
  func.func @transform_19(%arg0: i32) -> i32 {
    %c0_i32 = arith.constant 0 : i32
    %c0_i32_0 = arith.constant 0 : i32
    return %c0_i32 : i32
  }
  func.func @transform_20(%arg0: i32) -> (i32, i32) {
    %c0_i32 = arith.constant 0 : i32
    %c0_i32_0 = arith.constant 0 : i32
    %c0_i32_1 = arith.constant 0 : i32
    return %c0_i32, %c0_i32_0 : i32, i32
  }
  func.func @transform_21(%arg0: i32) -> i32 {
    %c0_i32 = arith.constant 0 : i32
    %c0_i32_0 = arith.constant 0 : i32
    return %c0_i32 : i32
  }
  func.func @transform_22(%arg0: i32) -> (i32, i32) {
    %c0_i32 = arith.constant 0 : i32
    %c0_i32_0 = arith.constant 0 : i32
    %c0_i32_1 = arith.constant 0 : i32
    return %c0_i32, %c0_i32_0 : i32, i32
  }
  func.func @transform_23(%arg0: i32) -> i32 {
    %c0_i32 = arith.constant 0 : i32
    %c0_i32_0 = arith.constant 0 : i32
    return %c0_i32 : i32
  }
  func.func @transform_24(%arg0: i32) -> i32 {
    %c0_i32 = arith.constant 0 : i32
    %c0_i32_0 = arith.constant 0 : i32
    return %c0_i32 : i32
  }
  func.func @transform_25(%arg0: i32) -> i32 {
    %c0_i32 = arith.constant 0 : i32
    %c0_i32_0 = arith.constant 0 : i32
    return %c0_i32 : i32
  }
  func.func @transform_26(%arg0: i32) -> (i32, i32) {
    %c0_i32 = arith.constant 0 : i32
    %c0_i32_0 = arith.constant 0 : i32
    %c0_i32_1 = arith.constant 0 : i32
    return %c0_i32, %c0_i32_0 : i32, i32
  }
  func.func @transform_27(%arg0: i32) -> i32 {
    %c0_i32 = arith.constant 0 : i32
    %c0_i32_0 = arith.constant 0 : i32
    return %c0_i32 : i32
  }
  func.func @transform_28(%arg0: i32) -> i32 {
    %c0_i32 = arith.constant 0 : i32
    %c0_i32_0 = arith.constant 0 : i32
    return %c0_i32 : i32
  }
  func.func @transform_29(%arg0: i32) -> i32 {
    %c0_i32 = arith.constant 0 : i32
    %c0_i32_0 = arith.constant 0 : i32
    return %c0_i32 : i32
  }
  func.func @transform_30(%arg0: i32) -> (i32, i32) {
    %c0_i32 = arith.constant 0 : i32
    %c0_i32_0 = arith.constant 0 : i32
    %c0_i32_1 = arith.constant 0 : i32
    return %c0_i32, %c0_i32_0 : i32, i32
  }
  func.func @transform_31(%arg0: i32) -> i32 {
    %c0_i32 = arith.constant 0 : i32
    %c0_i32_0 = arith.constant 0 : i32
    return %c0_i32 : i32
  }
  func.func @transform_32(%arg0: i32) -> (i32, i32) {
    %c0_i32 = arith.constant 0 : i32
    %c0_i32_0 = arith.constant 0 : i32
    %c0_i32_1 = arith.constant 0 : i32
    return %c0_i32, %c0_i32_0 : i32, i32
  }
  func.func @transform_33(%arg0: i32) -> i32 {
    %c0_i32 = arith.constant 0 : i32
    %c0_i32_0 = arith.constant 0 : i32
    return %c0_i32 : i32
  }
  func.func @transform_34(%arg0: i32) -> (i32, i32) {
    %c0_i32 = arith.constant 0 : i32
    %c0_i32_0 = arith.constant 0 : i32
    %c0_i32_1 = arith.constant 0 : i32
    return %c0_i32, %c0_i32_0 : i32, i32
  }
  func.func @transform_35(%arg0: i32) -> i32 {
    %c0_i32 = arith.constant 0 : i32
    %c0_i32_0 = arith.constant 0 : i32
    return %c0_i32 : i32
  }
  func.func @transform_36(%arg0: i32) -> (i32, i32) {
    %c0_i32 = arith.constant 0 : i32
    %c0_i32_0 = arith.constant 0 : i32
    %c0_i32_1 = arith.constant 0 : i32
    return %c0_i32, %c0_i32_0 : i32, i32
  }
  func.func @transform_37(%arg0: i32) -> i32 {
    %c0_i32 = arith.constant 0 : i32
    %c0_i32_0 = arith.constant 0 : i32
    return %c0_i32 : i32
  }
  func.func @transform_38(%arg0: i32) -> (i32, i32) {
    %c0_i32 = arith.constant 0 : i32
    %c0_i32_0 = arith.constant 0 : i32
    %c0_i32_1 = arith.constant 0 : i32
    return %c0_i32, %c0_i32_0 : i32, i32
  }
  func.func @transform_39(%arg0: i32) -> i32 {
    %c0_i32 = arith.constant 0 : i32
    %c0_i32_0 = arith.constant 0 : i32
    return %c0_i32 : i32
  }
  func.func @transform_40(%arg0: i32) -> (i32, i32) {
    %c0_i32 = arith.constant 0 : i32
    %c0_i32_0 = arith.constant 0 : i32
    %c0_i32_1 = arith.constant 0 : i32
    return %c0_i32, %c0_i32_0 : i32, i32
  }
  func.func @transform_41(%arg0: i32) -> i32 {
    %c0_i32 = arith.constant 0 : i32
    %c0_i32_0 = arith.constant 0 : i32
    return %c0_i32 : i32
  }
  func.func @transform_42(%arg0: i32) -> i32 {
    %c0_i32 = arith.constant 0 : i32
    %c0_i32_0 = arith.constant 0 : i32
    return %c0_i32 : i32
  }
  func.func @transform_43(%arg0: i32) -> i32 {
    %c0_i32 = arith.constant 0 : i32
    %c0_i32_0 = arith.constant 0 : i32
    return %c0_i32 : i32
  }
  func.func @transform_44(%arg0: i32) -> i32 {
    %c0_i32 = arith.constant 0 : i32
    %c0_i32_0 = arith.constant 0 : i32
    return %c0_i32 : i32
  }
  func.func @transform_45(%arg0: i32) -> i32 {
    %c0_i32 = arith.constant 0 : i32
    %c0_i32_0 = arith.constant 0 : i32
    return %c0_i32 : i32
  }
  func.func @transform_46(%arg0: i32) -> (i32, i32) {
    %c0_i32 = arith.constant 0 : i32
    %c0_i32_0 = arith.constant 0 : i32
    %c0_i32_1 = arith.constant 0 : i32
    return %c0_i32, %c0_i32_0 : i32, i32
  }
  func.func @transform_47(%arg0: i32) -> i32 {
    %c0_i32 = arith.constant 0 : i32
    %c0_i32_0 = arith.constant 0 : i32
    return %c0_i32 : i32
  }
  func.func @transform_48(%arg0: i32) -> (i32, i32) {
    %c0_i32 = arith.constant 0 : i32
    %c0_i32_0 = arith.constant 0 : i32
    %c0_i32_1 = arith.constant 0 : i32
    return %c0_i32, %c0_i32_0 : i32, i32
  }
  func.func @transform_49(%arg0: i32) -> i32 {
    %c0_i32 = arith.constant 0 : i32
    %c0_i32_0 = arith.constant 0 : i32
    return %c0_i32 : i32
  }
  func.func @transform_50(%arg0: i32) -> i32 {
    %c0_i32 = arith.constant 0 : i32
    %c0_i32_0 = arith.constant 0 : i32
    return %c0_i32 : i32
  }
  func.func @transform_51(%arg0: i32) -> i32 {
    %c0_i32 = arith.constant 0 : i32
    %c0_i32_0 = arith.constant 0 : i32
    return %c0_i32 : i32
  }
  func.func @transform_52(%arg0: i32) -> (i32, i32) {
    %c0_i32 = arith.constant 0 : i32
    %c0_i32_0 = arith.constant 0 : i32
    %c0_i32_1 = arith.constant 0 : i32
    return %c0_i32, %c0_i32_0 : i32, i32
  }
  func.func @transform_53(%arg0: i32) -> i32 {
    %c0_i32 = arith.constant 0 : i32
    %c0_i32_0 = arith.constant 0 : i32
    return %c0_i32 : i32
  }
  func.func @transform_54(%arg0: i32) -> i32 {
    %c0_i32 = arith.constant 0 : i32
    %c0_i32_0 = arith.constant 0 : i32
    return %c0_i32 : i32
  }
  func.func @transform_55(%arg0: i32) -> i32 {
    %c0_i32 = arith.constant 0 : i32
    %c0_i32_0 = arith.constant 0 : i32
    return %c0_i32 : i32
  }
  func.func @transform_56(%arg0: i32) -> (i32, i32, i32) {
    %c0_i32 = arith.constant 0 : i32
    %c0_i32_0 = arith.constant 0 : i32
    %c0_i32_1 = arith.constant 0 : i32
    return %arg0, %c0_i32, %c0_i32_0 : i32, i32, i32
  }
}

</mosaic_0001>

<sc_bundles>
// kernel: kernel.5.cloned.1.call-start
scs
__scs_entry_jumppad:
0x0: {  	(pc) =	sbr.rel $0x88, $3  }
0x1: {  	(tag) =	ssettag $0x0;
	lr =	simm.s32 $0x1  }
0x2: {  	[smem:$0x3F33] =	sst lr;
	_ =	strace $0xD0000000  }
0x3: {  	_ = 	snop  }
0x4: {  	_ = 	snop  }
0x5: {  	_ = 	snop  }
0x6: {  	_ = 	snop  }
0x7: {  	_ = 	snop  }
__scs_overlays_trampoline_lowered:
0x8: {  	[smem:$0x3F42] =	sst s0  }
0x9: {  	[smem:$0x3F43] =	sst s1  }
0xa: {  	[smem:$0x3F44] =	sst s2  }
0xb: {  	[smem:$0x3F45] =	sst s3  }
0xc: {  	[smem:$0x3F46] =	sst s4  }
0xd: {  	[smem:$0x3F47] =	sst s5  }
0xe: {  	[smem:$0x3F48] =	sst s6  }
0xf: {  	[smem:$0x3F49] =	sst s7  }
0x10: {  	[smem:$0x3F4A] =	sst s8  }
0x11: {  	[smem:$0x3F4B] =	sst s9;
	s0 =	simm.s32 @!p0 $0x0  }
0x12: {  	s1 =	sld [smem:$0x3F31];
	s0 =	simm.s32 @p0 $0x1  }
0x13: {  	[smem:$0x3F4C] =	sst s0;
	s0 =	simm.s32 @!p1 $0x0  }
0x14: {  	s2 =	sld [smem:$0x3F30];
	s0 =	simm.s32 @p1 $0x1  }
0x15: {  	[smem:$0x3F4D] =	sst s0;
	s0 =	simm.s32 @!p2 $0x0  }
0x16: {  	s3 =	sld [smem:$0x3FDB];
	s0 =	simm.s32 @p2 $0x1  }
0x17: {  	s4 =	simm.s32 $0x1BF5;
	[smem:$0x3F4F] =	sst s0  }
0x18: {  	s0 =	sld [smem:$0x3F32];
	_ =	swait.ge [sflag:s4], $0x0  }
0x19: {  	s7 =	sld [smem:$0x3F33]  }
0x1a: {  	s8 =	sadd.s32 $0xFFFFE003, lr  }
0x1b: {  	s9 =	sadd.s32 $0xFFFFFEF7, lr;
	s5 =	simm.s32 $0xFFFFFFFF;
	p2 =	slt.u32 s8, $0xFFFFF086  }
0x1c: {  	p1 =	slt.u32 s9, $0xF7A;
	s5 =	simm.s32 @!p2 $0x0  }
0x1d: {  	s5 =	simm.s32 @p1 $0x1;
	p0 =	seq.s32 s7, s2  }
0x1e: {  	s7 =	smul.u32 @!p0 $0xF7A, s2;
	p2 =	seq.s32 @!p0 s5, $0x0  }
0x1f: {  	s9 =	smul.u32 $0xF7A, s1;
	s8 =	simm.s32 @!p0 $0x1BF5;
	p2 =	por !p2, p0  }
0x20: {  	[sflag:s8] =	ssyncset.s32 @!p0 $0xFFFFF086;
	s6 =	sadd.s32 @!p0 s3, s7;
	s7 =	simm.s32 @!p0 $0x108  }
0x21: {  	s3 =	sadd.s32 s3, s9;
	s6 =	sadd.s32 @!p0 $0x88, s6;
	s7 =	simm.s32 @p2 $0x1082  }
0x22: {  	[simem:s7], [sflag:s8] =	dma.local @!p0 [hbm:s6], $0xF7A  }
0x23: {  	s9 =	sor.u32 $0xD0000000, s2;
	s6 =	simm.s32 $0x108;
	_ =	swait.ge @!p0 [sflag:s8], $0x0  }
0x24: {  	s3 =	sadd.s32 $0x88, s3;
	s6 =	simm.s32 @!p1 $0x1082;
	[sflag:s4] =	ssyncset.s32 $0xFFFFF086  }
0x25: {  	[simem:s6], [sflag:s4] =	dma.local [hbm:s3], $0xF7A  }
0x26: {  	[smem:$0x3F33] =	sst s1;
	(tag) =	ssettag s2;
	_ =	strace s9  }
0x27: {  	s1 =	sld [smem:$0x3F43]  }
0x28: {  	s2 =	sld [smem:$0x3F44]  }
0x29: {  	s4 =	sld [smem:$0x3F46]  }
0x2a: {  	p0 =	seq.s32 s5, $0x0;
	s5 =	sld [smem:$0x3F47]  }
0x2b: {  	s6 =	sld [smem:$0x3F48]  }
0x2c: {  	s7 =	sld [smem:$0x3F49]  }
0x2d: {  	s3 =	simm.s32 $0x108;
	s8 =	sld [smem:$0x3F4A]  }
0x2e: {  	s3 =	simm.s32 @!p0 $0x1082;
	s9 =	sld [smem:$0x3F4B]  }
0x2f: {  	lr =	sadd.s32 s0, s3;
	s0 =	sld [smem:$0x3F42]  }
0x30: {  	s3 =	sld [smem:$0x3F45]  }
0x31: {  	[smem:$0x3F4E] =	sst s10  }
0x32: {  	s10 =	sld [smem:$0x3F4C];
	_ =	sdelay $0x3  }
0x33: {  	p0 =	seq.s32 s10, $0x1;
	s10 =	sld [smem:$0x3F4E];
	_ =	sdelay $0x3  }
0x34: {  	[smem:$0x3F4E] =	sst s10  }
0x35: {  	s10 =	sld [smem:$0x3F4D];
	_ =	sdelay $0x3  }
0x36: {  	p1 =	seq.s32 s10, $0x1;
	s10 =	sld [smem:$0x3F4E];
	_ =	sdelay $0x3  }
0x37: {  	[smem:$0x3F4E] =	sst s10  }
0x38: {  	s10 =	sld [smem:$0x3F4F]  }
0x39: {  	_ = 	snop;
	(pc) =	sbr.ind lr, $3  }
0x3a: {  	_ = 	snop  }
0x3b: {  	_ = 	snop  }
0x3c: {  	p2 =	seq.s32 s10, $0x1;
	s10 =	sld [smem:$0x3F4E]  }
0x3d: {  	_ =	shalt  }
0x3e: {  	_ =	shalt  }
0x3f: {  	_ =	shalt  }
0x40: {  	_ =	shalt  }
0x41: {  	_ =	shalt  }
0x42: {  	_ =	shalt  }
0x43: {  	_ =	shalt  }
0x44: {  	_ =	shalt  }
0x45: {  	_ =	shalt  }
0x46: {  	_ =	shalt  }
0x47: {  	_ =	shalt  }
0x48: {  	_ =	shalt  }
0x49: {  	_ =	shalt  }
0x4a: {  	_ =	shalt  }
0x4b: {  	_ =	shalt  }
0x4c: {  	_ =	shalt  }
0x4d: {  	_ =	shalt  }
0x4e: {  	_ =	shalt  }
0x4f: {  	_ =	shalt  }
0x50: {  	_ =	shalt  }
0x51: {  	_ =	shalt  }
0x52: {  	_ =	shalt  }
0x53: {  	_ =	shalt  }
0x54: {  	_ =	shalt  }
0x55: {  	_ =	shalt  }
0x56: {  	_ =	shalt  }
0x57: {  	_ =	shalt  }
0x58: {  	_ =	shalt  }
0x59: {  	_ =	shalt  }
0x5a: {  	_ =	shalt  }
0x5b: {  	_ =	shalt  }
0x5c: {  	_ =	shalt  }
0x5d: {  	_ =	shalt  }
0x5e: {  	_ =	shalt  }
0x5f: {  	_ =	shalt  }
0x60: {  	_ =	shalt  }
0x61: {  	_ =	shalt  }
0x62: {  	_ =	shalt  }
0x63: {  	_ =	shalt  }
0x64: {  	_ =	shalt  }
0x65: {  	_ =	shalt  }
0x66: {  	_ =	shalt  }
0x67: {  	_ =	shalt  }
0x68: {  	_ =	shalt  }
0x69: {  	_ =	shalt  }
0x6a: {  	_ =	shalt  }
0x6b: {  	_ =	shalt  }
0x6c: {  	_ =	shalt  }
0x6d: {  	_ =	shalt  }
0x6e: {  	_ =	shalt  }
0x6f: {  	_ =	shalt  }
0x70: {  	_ =	shalt  }
0x71: {  	_ =	shalt  }
0x72: {  	_ =	shalt  }
0x73: {  	_ =	shalt  }
0x74: {  	_ =	shalt  }
0x75: {  	_ =	shalt  }
0x76: {  	_ =	shalt  }
0x77: {  	_ =	shalt  }
0x78: {  	_ =	shalt  }
0x79: {  	_ =	shalt  }
0x7a: {  	_ =	shalt  }
0x7b: {  	_ =	shalt  }
0x7c: {  	_ =	shalt  }
0x7d: {  	_ =	shalt  }
0x7e: {  	_ =	shalt  }
0x7f: {  	_ =	shalt  }
0x80: {  	_ =	shalt  }
0x81: {  	_ =	shalt  }
0x82: {  	_ =	shalt  }
0x83: {  	_ =	shalt  }
0x84: {  	_ =	shalt  }
0x85: {  	_ =	shalt  }
0x86: {  	_ =	shalt  }
0x87: {  	_ =	shalt  }
.Lfunc_end0:
.L_simem_size_0:
called_computation_lowered:
.L_overlay_start_0:
0x88: {  	s2 =	sld [smem:$0x3FD9]  }
0x89: {  	s3 =	sld [smem:$0x3FFE];
	_ =	sdelay $0x1  }
0x8a: {  	s1 =	srdreg.scid  }
0x8b: {  	s0 =	sand.u32 $0x1, s1  }
0x8c: {  	s16 =	sshll.u32 s0, $0xA;
	s2 =	sadd.s32 s3, s2  }
0x8d: {  	s2 =	sadd.s32 s2, s16  }
0x8e: {  	[smem:$0x3F5A] =	sst s2  }
0x8f: {  	_ = 	snop  }
0x90: {  	(tm) =	ssettm $0x1  }
0x91: {  	s17 =	sld [smem:$0x3FFB];
	_ =	sdelay $0x3  }
0x92: {  	_ =	strace s17  }
0x93: {  	s2 =	sld [smem:$0x3FFC];
	_ =	sdelay $0x3  }
0x94: {  	_ =	strace s2  }
0x95: {  	s2 =	sld [smem:$0x3FFD];
	_ =	sdelay $0x3  }
0x96: {  	_ =	strace s2  }
0x97: {  	_ =	strace $0x8FFFFFFF  }
0x98: {  	s18 =	sld [smem:$0x3FDB];
	_ =	sdelay $0x1  }
0x99: {  	s19 =	simm.s32 $_scs_section_size  }
0x9a: {  	s4 =	simm.s32 $_size__tile_overlayer_lowered;
	s5 =	simm.s32 $_tile_overlayer_lowered  }
0x9b: {  	s22 =	simm.s32 $0x1BFF;
	s21 =	sshll.u32 s5, $0x1;
	s2 =	sadd.s32 s19, s18  }
0x9c: {  	s6 =	simm.s32 $0x0;
	s20 =	sshll.u32 s4, $0x1;
	s4 =	sadd.s32 s21, s2  }
0x9d: {  	[timem:s6], [sflag:s22] =	dma.local [hbm:s4], s20  }
0x9e: {  	_ =	swait.ge [sflag:s22], s20  }
0x9f: {  	s3 =	ssub.s32 $0x0, s20;
	[sflag:s22] =	ssyncset.done $0x0  }
0xa0: {  	[sflag:s22] =	ssyncadd.s32 s3;
	_ =	sdelay $0x1  }
0xa1: {  	s23 =	simm.s32 $0x1B8B  }
0xa2: {  	_ =	swait.ge [sflag:s23], $0x1  }
0xa3: {  	[sflag:s23] =	ssyncset.done $0x0  }
0xa4: {  	s25 =	simm.s32 $0x1B8E;
	s24 =	sld [smem:$0x3FFE];
	[sflag:s23] =	ssyncadd.s32 $0xFFFFFFFF  }
0xa5: {  	s26 =	simm.s32 $execute0_lowered;
	[smem:$0x3FD2] =	sst s25  }
0xa6: {  	s4 =	sshll.u32 s26, $0x1;
	_ =	strace $0x80000046;
	[dreg:$0x1] =	wrdreg $0xFFFFFFFF  }
0xa7: {  	s28 =	simm.s32 $_size_execute0_lowered;
	s2 =	sadd.s32 s2, s4;
	[dreg:$0x0] =	wrdreg $0x0  }
0xa8: {  	s4 =	sshll.u32 s28, $0x1;
	[dreg:$0x2] =	wrdreg s2  }
0xa9: {  	[dreg:$0x3] =	wrdreg s4  }
0xaa: {  	[dreg:$0x4] =	wrdreg $0xC0  }
0xab: {  	_ =	task [dreg:s6], $0x5FFFF  }
0xac: {  	[dreg:$0x1] =	wrdreg $0xFFFFFFFF  }
0xad: {  	[dreg:$0x0] =	wrdreg $0x60  }
0xae: {  	[dreg:$0x2] =	wrdreg s24  }
0xaf: {  	[dreg:$0x3] =	wrdreg $0x9  }
0xb0: {  	_ =	task.clear_ibuf [dreg:s6], $0x4FFFF;
	_ =	strace $0x90000046  }
0xb1: {  	s29 =	simm.s32 $0x9;
	_ =	strace $0x80000048  }
0xb2: {  	_ =	swait.ge [sflag:s29], $0x1  }
0xb3: {  	[sflag:s29] =	ssyncadd.s32 $0xFFFFFFFF  }
0xb4: {  	_ =	strace $0x90000048  }
0xb5: {  	_ =	sfence  }
0xb6: {  	s30 =	sld [smem:$0x0];
	_ =	sdelay $0x2  }
0xb7: {  	s31 =	sshll.u32 s1, $0xD;
	s1 =	sshrl.u32 s1, $0x2  }
0xb8: {  	s3 =	sand.u32 $0x4000, s31;
	s1 =	sadd.s32 s1, s30  }
0xb9: {  	s0 =	sor.u32 s3, s0;
	s1 =	sshll.u32 s1, $0x11  }
0xba: {  	s0 =	sor.u32 s1, s0  }
0xbb: {  	s0 =	sadd.s32 $0x8F2B, s0  }
0xbc: {  	[sflag:s0] =	ssyncadd.remote.s32 $0x1  }
0xbd: {  	_ =	sfence.sel $0xFFFF  }
0xbe: {  	[dreg:$0x0] =	wrdreg $0xFFFFFFFF;
	(pc) =	sbr.abs _section_cstart, $3  }
0xbf: {  	[dreg:$0x1] =	wrdreg $0xFFFFFFFF  }
0xc0: {  	_ =	task.clear_ibuf [dreg:s6], $0x2FFFF;
	_ =	strace $0x9FFFFFFF  }
0xc1: {  	(tm) =	ssettm $0x7FFFFFFF  }
tec
execute0_lowered:
.L_overlay_start_1:
0x0: {  	(tag) =	ssettag $0x1  }
0x1: {  	s1 =	srdreg.scid  }
0x2: {  	s0 =	stileid.u32;
	s6 =	sand.u32 $0x1, s1  }
0x3: {  	s8 =	rddreg [dreg:$0x0];
	s30 =	sshll.u32 s0, $0x9;
	s2 =	sshll.u32 s6, $0x8  }
0x4: {  	s7 =	simm.s32 $0x1;
	s1 =	rddreg [dreg:$0x1];
	s9 =	sor.u32 s2, s30  }
0x5: {  	s5 =	sadd.s32 $0x1E00, s8;
	s2 =	simm.s32 $0x0;
	s3 =	sshrl.u32 s9, $0x3  }
0x6: {  	s10 =	ssub.s32 $0x2, s6;
	[smem:$0x7FF] =	sst s2;
	s3 =	sadd.s32 s3, s8  }
0x7: {  	_ =	strace $0x80000047;
	s4 =	sadd.s32 $0x1A00, s3;
	s3 =	simm.s32 $0x2  }
0x8: {  	[tilespmem:s2], [sflag:$0x2] =	stream.linear.gather [hbm4b:s4+s2], $0x100, $0x38;
	[tilespmem:$0x8100] =	vst v63  }
0x9: {  	s6 =	simm.s32 $0x100;
	s11 =	sshrl.u32 s10, $0x1;
	_ =	swait.ge [sflag:s3], $0x100  }
0xa: {  	s9 =	sshll.u32 s9, $0x4;
	s31 =	ssub.s32 s10, s11;
	[sflag:s3] =	ssyncset.done $0x0  }
0xb: {  	s8 =	sadd.s32 s9, s8;
	s9 =	smax.u32 s31, $0x1;
	[sflag:s3] =	ssyncadd.s32 $0xFFFFFF00  }
0xc: {  	[tilespmem:s6], [sflag:$0x1] =	stream.indirect.gather [hbm4b:s5+s6], $0x80, s2, s6, $0xb8;
	[tilespmem:$0x8100] =	vst v63  }
0xd: {  	p0 =	sne.s32 s9, $0x1;
	_ =	swait.ge [sflag:s7], $0x8000  }
.Ltmp0:
0xe: {  	[sflag:s7] =	ssyncset.done $0x0;
	(pc) =	sbr.rel @!p0 .LBB2_2-.Ltmp0, $4  }
0xf: {  	s8 =	sadd.s32 $0x5E00, s8;
	[sflag:s7] =	ssyncadd.s32 $0xFFFF8000  }
0x10: {  	[hbm4b:s8+s2] =	stream.linear.scatter [tilespmem:s6], [sflag:$0x2], $0x8000, $0x38;
	[tilespmem:$0x8100] =	vst v63  }
0x11: {  	_ =	swait.ge [sflag:s3], $0x8000  }
0x12: {  	s9 =	sadd.s32 $0xFFFFFFFF, s9;
	[sflag:s3] =	ssyncset.done $0x0  }
.LBB2_1:
0x13: {  	p0 =	sne.s32 s9, $0x1;
	s9 =	sadd.s32 $0xFFFFFFFF, s9;
	[sflag:s3] =	ssyncadd.s32 $0xFFFF8000  }
0x14: {  	[tilespmem:s2], [sflag:$0x2] =	stream.linear.gather [hbm4b:s4+s2], $0x100, $0x38;
	[tilespmem:$0x8100] =	vst v63  }
0x15: {  	_ =	swait.ge [sflag:s3], $0x100  }
0x16: {  	[sflag:s3] =	ssyncset.done $0x0  }
0x17: {  	[sflag:s3] =	ssyncadd.s32 $0xFFFFFF00  }
0x18: {  	[tilespmem:s6], [sflag:$0x1] =	stream.indirect.gather [hbm4b:s5+s6], $0x80, s2, s6, $0xb8;
	[tilespmem:$0x8100] =	vst v63  }
0x19: {  	_ =	swait.ge [sflag:s7], $0x8000  }
.Ltmp1:
0x1a: {  	[sflag:s7] =	ssyncset.done $0x0;
	(pc) =	sbr.rel @p0 .LBB2_1-.Ltmp1, $4  }
0x1b: {  	[sflag:s7] =	ssyncadd.s32 $0xFFFF8000  }
0x1c: {  	[hbm4b:s8+s2] =	stream.linear.scatter [tilespmem:s6], [sflag:$0x2], $0x8000, $0x38;
	[tilespmem:$0x8100] =	vst v63  }
0x1d: {  	_ =	swait.ge [sflag:s3], $0x8000  }
0x1e: {  	[sflag:s3] =	ssyncset.done $0x0  }
.LBB2_2:
0x1f: {  	[sflag:s3] =	ssyncadd.s32 $0xFFFF8000  }
0x20: {  	_ =	sfence.sel $0x180000  }
0x21: {  	[bflag:$0x0] =	sbarrier.arrive $0xFFFF  }
0x22: {  	p0 =	sne.s32 s0, $0x0;
	_ =	strace $0x90000047  }
0x23: {  	s0 =	sadd.s32 @!p0 $0x100000, s1;
	[bflag:$0x2] =	sbarrier.arrive $0xFFFF  }
0x24: {  	[sflag:s0] =	ssyncadd.tile.s32 @!p0 $0x1;
	_ =	shalt  }
.Lfunc_end2:
_tile_overlayer_lowered:
.L_overlay_start_2:
0x25: {  	(tag) =	ssettag $0x2  }
0x26: {  	s0 =	rddreg [dreg:$0x0];
	s2 =	stileid.u32  }
0x27: {  	s1 =	rddreg [dreg:$0x1];
	p0 =	sne.s32 s2, $0x0  }
0x28: {  	s3 =	rddreg [dreg:$0x2];
	[bflag:$0x3] =	sbarrier.arrive $0xFFFF;
	s2 =	simm.s32 @!p0 $0x1C02  }
0x29: {  	[timem:s3], [sflag:s2] =	dma.local @!p0 [hbm:s0], s1  }
0x2a: {  	s0 =	simm.s32 @!p0 $0x2  }
0x2b: {  	_ =	swait.ge @!p0 [sflag:s0], s1  }
0x2c: {  	s1 =	ssub.s32 @!p0 $0x0, s1;
	[sflag:s0] =	ssyncset.done @!p0 $0x0  }
0x2d: {  	[sflag:s0] =	ssyncadd.s32 @!p0 s1  }
0x2e: {  	[bflag:$0x3] =	sbarrier.arrive $0xFFFF  }
0x2f: {  	_ =	shalt  }

</sc_bundles>
